<compile_context>
chip_gen: v7x
topology: tpu7x:2x2x1
jax: 0.10.2.dev20260603
libtpu: 0.0.44.dev20260713+nightly
codegen_flags: <defaults>
</compile_context>

<pallas_src>
import functools

import jax
import jax.numpy as jnp
from jax import lax
from jax.experimental import pallas as pl
from jax.experimental.pallas import tpu as pltpu
from jax.experimental.pallas import tpu_sc as plsc

VOCAB = 128000
HIDDEN = 2048
SCALE = float(HIDDEN) ** 0.5

NC = 2
NS = 16
NW = NC * NS
LANES = 16
NBUF = 3
LOOKAHEAD = 2
CHUNK = 16


@functools.lru_cache(maxsize=None)
def _build(B, D):
    b_per_w = B // NW
    n_chunks = b_per_w // CHUNK

    mesh = plsc.VectorSubcoreMesh(
        core_axis_name="c", subcore_axis_name="s",
        num_cores=NC, num_subcores=NS)

    @functools.partial(
        pl.kernel,
        mesh=mesh,
        out_type=jax.ShapeDtypeStruct((B, D), jnp.float32),
        scratch_types=[
            pltpu.VMEM((b_per_w,), jnp.int32),
            pltpu.VMEM((NBUF, CHUNK, D), jnp.float32),
        ] + [pltpu.SemaphoreType.DMA] * (2 * NBUF),
    )
    def emb(idx_hbm, table_hbm, out_hbm, idx_v, bufs, *sems):
        gsem = sems[:NBUF]
        osem = sems[NBUF:]
        wid = lax.axis_index("s") * NC + lax.axis_index("c")
        base = wid * b_per_w
        pltpu.sync_copy(idx_hbm.at[pl.ds(base, b_per_w)], idx_v)

        def gather(c, issue):
            b = c % NBUF
            cp = pltpu.make_async_copy(
                table_hbm.at[idx_v.at[pl.ds(c * CHUNK, CHUNK)]],
                bufs.at[b], gsem[b])
            cp.start() if issue else cp.wait()

        def scatter(c, issue):
            b = c % NBUF
            cp = pltpu.make_async_copy(
                bufs.at[b], out_hbm.at[pl.ds(base + c * CHUNK, CHUNK)],
                osem[b])
            cp.start() if issue else cp.wait()

        for c in range(min(LOOKAHEAD, n_chunks)):
            gather(c, True)

        for c in range(n_chunks):
            b = c % NBUF
            g = c + LOOKAHEAD
            if g < n_chunks:
                if g - NBUF >= 0:
                    scatter(g - NBUF, False)
                gather(g, True)
            gather(c, False)

            @plsc.parallel_loop(0, CHUNK)
            def _rows(r):
                @plsc.parallel_loop(0, D // LANES, unroll=16)
                def _cols(k):
                    sl = pl.ds(k * LANES, LANES)
                    bufs[b, r, sl] = bufs[b, r, sl] * SCALE

            scatter(c, True)

        for c in range(max(0, n_chunks - NBUF), n_chunks):
            scatter(c, False)

    return emb


def kernel(x, table):
    B = x.size
    D = table.shape[1]
    xf = x.reshape(B).astype(jnp.int32)
    out = _build(B, D)(xf, table)
    return out.reshape(x.shape + (D,))

# --- scband reference (transcript-rebuilt; emitter-appended) ---
"""Pipeline reference for scband-text-embedder-87162066305040 (READ-ONLY COPY).

The authoritative reference and input builder live on the scoring server;
editing this copy changes nothing except your own understanding.
"""

import jax, jax.numpy as jnp
import numpy as np

VOCAB = 128000
HIDDEN = 2048

def setup_inputs(seed: int = 0) -> dict:
    key = jax.random.key(seed)
    k1, k2 = jax.random.split(key)
    x = jax.random.randint(k1, (4, 2048), 0, VOCAB)
    table = jax.random.normal(k2, (VOCAB, HIDDEN), dtype=jnp.float32) * 0.02
    return {"x": x, "table": table}

def reference(x, table):
    # nn.Embedding lookup -> gather rows of the table
    emb = jnp.take(table, x, axis=0)
    normalizer = jnp.asarray(float(HIDDEN) ** 0.5, dtype=emb.dtype)
    return (emb * normalizer).astype(emb.dtype)

if __name__ == "__main__":
    import jax
    _d = setup_inputs()
    print(jax.jit(kernel)(*tuple(_d.values())))

</pallas_src>

<mosaic_0001>
#map = affine_map<(d0, d1) -> (0)>
#map1 = affine_map<(d0, d1) -> (0, 0)>
module attributes {stable_mosaic.version = 14 : i64} {
  func.func @emb(%arg0: i32, %arg1: i32, %arg2: memref<8192xi32, #tpu.memory_space<hbm>>, %arg3: memref<128000x2048xf32, #tpu.memory_space<hbm>>, %arg4: memref<8192x2048xf32, #tpu.memory_space<hbm>>, %arg5: memref<256xi32, #tpu.memory_space<vmem>>, %arg6: memref<3x16x2048xf32, #tpu.memory_space<vmem>>, %arg7: memref<!tpu.dma_semaphore, #tpu.memory_space<semaphore_mem>>, %arg8: memref<!tpu.dma_semaphore, #tpu.memory_space<semaphore_mem>>, %arg9: memref<!tpu.dma_semaphore, #tpu.memory_space<semaphore_mem>>, %arg10: memref<!tpu.dma_semaphore, #tpu.memory_space<semaphore_mem>>, %arg11: memref<!tpu.dma_semaphore, #tpu.memory_space<semaphore_mem>>, %arg12: memref<!tpu.dma_semaphore, #tpu.memory_space<semaphore_mem>>) attributes {dimension_semantics = [#tpu.dimension_semantics<core_parallel>, #tpu.dimension_semantics<subcore_parallel>], iteration_bounds = array<i64: 2, 16>, scalar_prefetch = 0 : i64, scratch_operands = 8 : i64, tpu.core_type = #tpu.core_type<sc_vector_subcore>, window_params = [{transform_indices = #map}, {transform_indices = #map1}, {transform_indices = #map1}]} {
    %mul3A = arith.constant 2 : i32
    %mul3A_0 = arith.muli %arg1, %mul3A : i32
    %add3A = arith.addi %mul3A_0, %arg0 : i32
    %mul3A_1 = arith.constant 256 : i32
    %mul3A_2 = arith.muli %add3A, %mul3A_1 : i32
    "tpu.region"() ({
      %run_scoped3A = tpu.sem_alloc : memref<!tpu.dma_semaphore, #tpu.memory_space<semaphore_mem>>
      %dma_start3A_848 = tpu.memref_slice %arg2[%mul3A_2] : memref<8192xi32, #tpu.memory_space<hbm>> -> memref<256xi32, #tpu.memory_space<hbm>>
      %dma_start3A_849 = tpu.memref_slice %arg2[%mul3A_2] : memref<8192xi32, #tpu.memory_space<hbm>> -> memref<256xi32, #tpu.memory_space<hbm>>
      tpu.enqueue_dma source(%dma_start3A_849 : memref<256xi32, #tpu.memory_space<hbm>>) target(%arg5 : memref<256xi32, #tpu.memory_space<vmem>>) target_semaphore(%run_scoped3A : memref<!tpu.dma_semaphore, #tpu.memory_space<semaphore_mem>>)
      %dma_wait3A_850 = tpu.memref_slice %arg2[%mul3A_2] : memref<8192xi32, #tpu.memory_space<hbm>> -> memref<256xi32, #tpu.memory_space<hbm>>
      %dma_wait3A_851 = tpu.memref_slice %arg2[%mul3A_2] : memref<8192xi32, #tpu.memory_space<hbm>> -> memref<256xi32, #tpu.memory_space<hbm>>
      tpu.wait_dma2 semaphore(%run_scoped3A : memref<!tpu.dma_semaphore, #tpu.memory_space<semaphore_mem>>) src(%dma_wait3A_851 : memref<256xi32, #tpu.memory_space<hbm>>) dst(%arg5 : memref<256xi32, #tpu.memory_space<vmem>>)
      tpu.yield
    }) : () -> ()
    %dma_start3A = arith.constant 0 : i32
    %dma_start3A_3 = arith.constant 0 : i32
    %dma_start3A_4 = arith.constant 0 : i32
    %dma_start3A_5 = tpu.memref_slice %arg6[%dma_start3A, %dma_start3A_3, %dma_start3A_4] : memref<3x16x2048xf32, #tpu.memory_space<vmem>> -> memref<1x16x2048xf32, #tpu.memory_space<vmem>>
    %dma_start3A_6 = tpu.memref_squeeze %dma_start3A_5 : memref<1x16x2048xf32, #tpu.memory_space<vmem>> -> memref<16x2048xf32, #tpu.memory_space<vmem>>
    %dma_start3A_7 = arith.constant 0 : i32
    %dma_start3A_8 = tpu.memref_slice %arg5[%dma_start3A_7] : memref<256xi32, #tpu.memory_space<vmem>> -> memref<16xi32, #tpu.memory_space<vmem>>
    %dma_start3A_9 = arith.constant 0 : i32
    %dma_start3A_10 = arith.constant 0 : i32
    %dma_start3A_11 = tpu.memref_slice %arg3[%dma_start3A_9, %dma_start3A_10] : memref<128000x2048xf32, #tpu.memory_space<hbm>> -> memref<128000x2048xf32, #tpu.memory_space<hbm>>
    tpu.enqueue_indirect_dma source(%dma_start3A_11 : memref<128000x2048xf32, #tpu.memory_space<hbm>>) target(%dma_start3A_6 : memref<16x2048xf32, #tpu.memory_space<vmem>>) offsets(%dma_start3A_8 : memref<16xi32, #tpu.memory_space<vmem>>) semaphore(%arg7 : memref<!tpu.dma_semaphore, #tpu.memory_space<semaphore_mem>>)
    %dma_start3A_12 = arith.constant 1 : i32
    %dma_start3A_13 = arith.constant 0 : i32
    %dma_start3A_14 = arith.constant 0 : i32
    %dma_start3A_15 = tpu.memref_slice %arg6[%dma_start3A_12, %dma_start3A_13, %dma_start3A_14] : memref<3x16x2048xf32, #tpu.memory_space<vmem>> -> memref<1x16x2048xf32, #tpu.memory_space<vmem>>
    %dma_start3A_16 = tpu.memref_squeeze %dma_start3A_15 : memref<1x16x2048xf32, #tpu.memory_space<vmem>> -> memref<16x2048xf32, #tpu.memory_space<vmem>>
    %dma_start3A_17 = arith.constant 16 : i32
    %dma_start3A_18 = tpu.memref_slice %arg5[%dma_start3A_17] : memref<256xi32, #tpu.memory_space<vmem>> -> memref<16xi32, #tpu.memory_space<vmem>>
    %dma_start3A_19 = arith.constant 0 : i32
    %dma_start3A_20 = arith.constant 0 : i32
    %dma_start3A_21 = tpu.memref_slice %arg3[%dma_start3A_19, %dma_start3A_20] : memref<128000x2048xf32, #tpu.memory_space<hbm>> -> memref<128000x2048xf32, #tpu.memory_space<hbm>>
    tpu.enqueue_indirect_dma source(%dma_start3A_21 : memref<128000x2048xf32, #tpu.memory_space<hbm>>) target(%dma_start3A_16 : memref<16x2048xf32, #tpu.memory_space<vmem>>) offsets(%dma_start3A_18 : memref<16xi32, #tpu.memory_space<vmem>>) semaphore(%arg8 : memref<!tpu.dma_semaphore, #tpu.memory_space<semaphore_mem>>)
    %dma_start3A_22 = arith.constant 2 : i32
    %dma_start3A_23 = arith.constant 0 : i32
    %dma_start3A_24 = arith.constant 0 : i32
    %dma_start3A_25 = tpu.memref_slice %arg6[%dma_start3A_22, %dma_start3A_23, %dma_start3A_24] : memref<3x16x2048xf32, #tpu.memory_space<vmem>> -> memref<1x16x2048xf32, #tpu.memory_space<vmem>>
    %dma_start3A_26 = tpu.memref_squeeze %dma_start3A_25 : memref<1x16x2048xf32, #tpu.memory_space<vmem>> -> memref<16x2048xf32, #tpu.memory_space<vmem>>
    %dma_start3A_27 = arith.constant 32 : i32
    %dma_start3A_28 = tpu.memref_slice %arg5[%dma_start3A_27] : memref<256xi32, #tpu.memory_space<vmem>> -> memref<16xi32, #tpu.memory_space<vmem>>
    %dma_start3A_29 = arith.constant 0 : i32
    %dma_start3A_30 = arith.constant 0 : i32
    %dma_start3A_31 = tpu.memref_slice %arg3[%dma_start3A_29, %dma_start3A_30] : memref<128000x2048xf32, #tpu.memory_space<hbm>> -> memref<128000x2048xf32, #tpu.memory_space<hbm>>
    tpu.enqueue_indirect_dma source(%dma_start3A_31 : memref<128000x2048xf32, #tpu.memory_space<hbm>>) target(%dma_start3A_26 : memref<16x2048xf32, #tpu.memory_space<vmem>>) offsets(%dma_start3A_28 : memref<16xi32, #tpu.memory_space<vmem>>) semaphore(%arg9 : memref<!tpu.dma_semaphore, #tpu.memory_space<semaphore_mem>>)
    %dma_wait3A = arith.constant 0 : i32
    %dma_wait3A_32 = arith.constant 0 : i32
    %dma_wait3A_33 = arith.constant 0 : i32
    %dma_wait3A_34 = tpu.memref_slice %arg6[%dma_wait3A, %dma_wait3A_32, %dma_wait3A_33] : memref<3x16x2048xf32, #tpu.memory_space<vmem>> -> memref<1x16x2048xf32, #tpu.memory_space<vmem>>
    %dma_wait3A_35 = tpu.memref_squeeze %dma_wait3A_34 : memref<1x16x2048xf32, #tpu.memory_space<vmem>> -> memref<16x2048xf32, #tpu.memory_space<vmem>>
    %dma_wait3A_36 = arith.constant 0 : i32
    %dma_wait3A_37 = tpu.memref_slice %arg5[%dma_wait3A_36] : memref<256xi32, #tpu.memory_space<vmem>> -> memref<16xi32, #tpu.memory_space<vmem>>
    %dma_wait3A_38 = arith.constant 0 : i32
    %dma_wait3A_39 = arith.constant 0 : i32
    %dma_wait3A_40 = tpu.memref_slice %arg3[%dma_wait3A_38, %dma_wait3A_39] : memref<128000x2048xf32, #tpu.memory_space<hbm>> -> memref<128000x2048xf32, #tpu.memory_space<hbm>>
    tpu.wait_indirect_dma semaphore(%arg7 : memref<!tpu.dma_semaphore, #tpu.memory_space<semaphore_mem>>) src(%dma_wait3A_40 : memref<128000x2048xf32, #tpu.memory_space<hbm>>) dst(%dma_wait3A_35 : memref<16x2048xf32, #tpu.memory_space<vmem>>)
    %parallel_loop3A = arith.constant 0 : i32
    %parallel_loop3A_41 = arith.constant 16 : i32
    %parallel_loop3A_42 = arith.constant 1 : i32
    scf.for %parallel_loop3A_848 = %parallel_loop3A to %parallel_loop3A_41 step %parallel_loop3A_42  : i32 {
      %parallel_loop3A_849 = arith.constant 0 : i32
      %parallel_loop3A_850 = arith.constant 128 : i32
      %parallel_loop3A_851 = arith.constant 1 : i32
      scf.for %parallel_loop3A_852 = %parallel_loop3A_849 to %parallel_loop3A_850 step %parallel_loop3A_851  : i32 {
        %parallel_loop3A_853 = arith.constant 16 : i32
        %parallel_loop3A_854 = arith.muli %parallel_loop3A_852, %parallel_loop3A_853 : i32
        %parallel_loop3A_855 = arith.constant 0 : i32
        %parallel_loop3A_856 = arith.index_cast %parallel_loop3A_855 : i32 to index
        %parallel_loop3A_857 = arith.index_cast %parallel_loop3A_848 : i32 to index
        %parallel_loop3A_858 = arith.index_cast %parallel_loop3A_854 : i32 to index
        %parallel_loop3A_859 = tpu.vector_load %arg6[%parallel_loop3A_856, %parallel_loop3A_857, %parallel_loop3A_858] {strides = array<i32>} : memref<3x16x2048xf32, #tpu.memory_space<vmem>>, vector<1x1x16xf32>,
        %parallel_loop3A_860 = vector.shape_cast %parallel_loop3A_859 : vector<1x1x16xf32> to vector<16xf32>
        %parallel_loop3A_861 = arith.constant 45.2548332 : f32
        %parallel_loop3A_862 = vector.broadcast %parallel_loop3A_861 : f32 to vector<16xf32>
        %parallel_loop3A_863 = arith.mulf %parallel_loop3A_860, %parallel_loop3A_862 : vector<16xf32>
        %parallel_loop3A_864 = arith.constant 0 : i32
        %parallel_loop3A_865 = arith.index_cast %parallel_loop3A_864 : i32 to index
        %parallel_loop3A_866 = arith.index_cast %parallel_loop3A_848 : i32 to index
        %parallel_loop3A_867 = arith.index_cast %parallel_loop3A_854 : i32 to index
        %parallel_loop3A_868 = tpu.vector_load %arg6[%parallel_loop3A_865, %parallel_loop3A_866, %parallel_loop3A_867] {strides = array<i32>} : memref<3x16x2048xf32, #tpu.memory_space<vmem>>, vector<1x1x16xf32>,
        %parallel_loop3A_869 = vector.shape_cast %parallel_loop3A_868 : vector<1x1x16xf32> to vector<16xf32>
        %parallel_loop3A_870 = vector.shape_cast %parallel_loop3A_863 : vector<16xf32> to vector<1x1x16xf32>
        tpu.vector_store %arg6[%parallel_loop3A_865, %parallel_loop3A_866, %parallel_loop3A_867], %parallel_loop3A_870 {strides = array<i32>} : memref<3x16x2048xf32, #tpu.memory_space<vmem>>, vector<1x1x16xf32>,
      } {sc.loop_unroll_factor = 16 : i64, sc.parallel_access}
    } {sc.loop_unroll_factor = 1 : i64, sc.parallel_access}
    %add3A_43 = arith.constant 0 : i32
    %add3A_44 = arith.addi %mul3A_2, %add3A_43 : i32
    %dma_start3A_45 = arith.constant 0 : i32
    %dma_start3A_46 = arith.constant 0 : i32
    %dma_start3A_47 = arith.constant 0 : i32
    %dma_start3A_48 = tpu.memref_slice %arg6[%dma_start3A_45, %dma_start3A_46, %dma_start3A_47] : memref<3x16x2048xf32, #tpu.memory_space<vmem>> -> memref<1x16x2048xf32, #tpu.memory_space<vmem>>
    %dma_start3A_49 = tpu.memref_squeeze %dma_start3A_48 : memref<1x16x2048xf32, #tpu.memory_space<vmem>> -> memref<16x2048xf32, #tpu.memory_space<vmem>>
    %dma_start3A_50 = arith.constant 0 : i32
    %dma_start3A_51 = tpu.memref_slice %arg4[%add3A_44, %dma_start3A_50] : memref<8192x2048xf32, #tpu.memory_space<hbm>> -> memref<16x2048xf32, #tpu.memory_space<hbm>>
    %dma_start3A_52 = arith.constant 0 : i32
    %dma_start3A_53 = tpu.memref_slice %arg4[%add3A_44, %dma_start3A_52] : memref<8192x2048xf32, #tpu.memory_space<hbm>> -> memref<16x2048xf32, #tpu.memory_space<hbm>>
    %dma_start3A_54 = arith.constant 0 : i32
    %dma_start3A_55 = arith.constant 0 : i32
    %dma_start3A_56 = tpu.memref_slice %arg6[%dma_start3A_45, %dma_start3A_54, %dma_start3A_55] : memref<3x16x2048xf32, #tpu.memory_space<vmem>> -> memref<1x16x2048xf32, #tpu.memory_space<vmem>>
    %dma_start3A_57 = tpu.memref_squeeze %dma_start3A_56 : memref<1x16x2048xf32, #tpu.memory_space<vmem>> -> memref<16x2048xf32, #tpu.memory_space<vmem>>
    tpu.enqueue_dma source(%dma_start3A_57 : memref<16x2048xf32, #tpu.memory_space<vmem>>) target(%dma_start3A_53 : memref<16x2048xf32, #tpu.memory_space<hbm>>) target_semaphore(%arg10 : memref<!tpu.dma_semaphore, #tpu.memory_space<semaphore_mem>>)
    %add3A_58 = arith.constant 0 : i32
    %add3A_59 = arith.addi %mul3A_2, %add3A_58 : i32
    %dma_wait3A_60 = arith.constant 0 : i32
    %dma_wait3A_61 = arith.constant 0 : i32
    %dma_wait3A_62 = arith.constant 0 : i32
    %dma_wait3A_63 = tpu.memref_slice %arg6[%dma_wait3A_60, %dma_wait3A_61, %dma_wait3A_62] : memref<3x16x2048xf32, #tpu.memory_space<vmem>> -> memref<1x16x2048xf32, #tpu.memory_space<vmem>>
    %dma_wait3A_64 = tpu.memref_squeeze %dma_wait3A_63 : memref<1x16x2048xf32, #tpu.memory_space<vmem>> -> memref<16x2048xf32, #tpu.memory_space<vmem>>
    %dma_wait3A_65 = arith.constant 0 : i32
    %dma_wait3A_66 = tpu.memref_slice %arg4[%add3A_59, %dma_wait3A_65] : memref<8192x2048xf32, #tpu.memory_space<hbm>> -> memref<16x2048xf32, #tpu.memory_space<hbm>>
    %dma_wait3A_67 = arith.constant 0 : i32
    %dma_wait3A_68 = tpu.memref_slice %arg4[%add3A_59, %dma_wait3A_67] : memref<8192x2048xf32, #tpu.memory_space<hbm>> -> memref<16x2048xf32, #tpu.memory_space<hbm>>
    %dma_wait3A_69 = arith.constant 0 : i32
    %dma_wait3A_70 = arith.constant 0 : i32
    %dma_wait3A_71 = tpu.memref_slice %arg6[%dma_wait3A_60, %dma_wait3A_69, %dma_wait3A_70] : memref<3x16x2048xf32, #tpu.memory_space<vmem>> -> memref<1x16x2048xf32, #tpu.memory_space<vmem>>
    %dma_wait3A_72 = tpu.memref_squeeze %dma_wait3A_71 : memref<1x16x2048xf32, #tpu.memory_space<vmem>> -> memref<16x2048xf32, #tpu.memory_space<vmem>>
    tpu.wait_dma2 semaphore(%arg10 : memref<!tpu.dma_semaphore, #tpu.memory_space<semaphore_mem>>) src(%dma_wait3A_72 : memref<16x2048xf32, #tpu.memory_space<vmem>>) dst(%dma_wait3A_68 : memref<16x2048xf32, #tpu.memory_space<hbm>>)
    %dma_start3A_73 = arith.constant 0 : i32
    %dma_start3A_74 = arith.constant 0 : i32
    %dma_start3A_75 = arith.constant 0 : i32
    %dma_start3A_76 = tpu.memref_slice %arg6[%dma_start3A_73, %dma_start3A_74, %dma_start3A_75] : memref<3x16x2048xf32, #tpu.memory_space<vmem>> -> memref<1x16x2048xf32, #tpu.memory_space<vmem>>
    %dma_start3A_77 = tpu.memref_squeeze %dma_start3A_76 : memref<1x16x2048xf32, #tpu.memory_space<vmem>> -> memref<16x2048xf32, #tpu.memory_space<vmem>>
    %dma_start3A_78 = arith.constant 48 : i32
    %dma_start3A_79 = tpu.memref_slice %arg5[%dma_start3A_78] : memref<256xi32, #tpu.memory_space<vmem>> -> memref<16xi32, #tpu.memory_space<vmem>>
    %dma_start3A_80 = arith.constant 0 : i32
    %dma_start3A_81 = arith.constant 0 : i32
    %dma_start3A_82 = tpu.memref_slice %arg3[%dma_start3A_80, %dma_start3A_81] : memref<128000x2048xf32, #tpu.memory_space<hbm>> -> memref<128000x2048xf32, #tpu.memory_space<hbm>>
    tpu.enqueue_indirect_dma source(%dma_start3A_82 : memref<128000x2048xf32, #tpu.memory_space<hbm>>) target(%dma_start3A_77 : memref<16x2048xf32, #tpu.memory_space<vmem>>) offsets(%dma_start3A_79 : memref<16xi32, #tpu.memory_space<vmem>>) semaphore(%arg7 : memref<!tpu.dma_semaphore, #tpu.memory_space<semaphore_mem>>)
    %dma_wait3A_83 = arith.constant 1 : i32
    %dma_wait3A_84 = arith.constant 0 : i32
    %dma_wait3A_85 = arith.constant 0 : i32
    %dma_wait3A_86 = tpu.memref_slice %arg6[%dma_wait3A_83, %dma_wait3A_84, %dma_wait3A_85] : memref<3x16x2048xf32, #tpu.memory_space<vmem>> -> memref<1x16x2048xf32, #tpu.memory_space<vmem>>
    %dma_wait3A_87 = tpu.memref_squeeze %dma_wait3A_86 : memref<1x16x2048xf32, #tpu.memory_space<vmem>> -> memref<16x2048xf32, #tpu.memory_space<vmem>>
    %dma_wait3A_88 = arith.constant 16 : i32
    %dma_wait3A_89 = tpu.memref_slice %arg5[%dma_wait3A_88] : memref<256xi32, #tpu.memory_space<vmem>> -> memref<16xi32, #tpu.memory_space<vmem>>
    %dma_wait3A_90 = arith.constant 0 : i32
    %dma_wait3A_91 = arith.constant 0 : i32
    %dma_wait3A_92 = tpu.memref_slice %arg3[%dma_wait3A_90, %dma_wait3A_91] : memref<128000x2048xf32, #tpu.memory_space<hbm>> -> memref<128000x2048xf32, #tpu.memory_space<hbm>>
    tpu.wait_indirect_dma semaphore(%arg8 : memref<!tpu.dma_semaphore, #tpu.memory_space<semaphore_mem>>) src(%dma_wait3A_92 : memref<128000x2048xf32, #tpu.memory_space<hbm>>) dst(%dma_wait3A_87 : memref<16x2048xf32, #tpu.memory_space<vmem>>)
    %parallel_loop3A_93 = arith.constant 0 : i32
    %parallel_loop3A_94 = arith.constant 16 : i32
    %parallel_loop3A_95 = arith.constant 1 : i32
    scf.for %parallel_loop3A_848 = %parallel_loop3A_93 to %parallel_loop3A_94 step %parallel_loop3A_95  : i32 {
      %parallel_loop3A_849 = arith.constant 0 : i32
      %parallel_loop3A_850 = arith.constant 128 : i32
      %parallel_loop3A_851 = arith.constant 1 : i32
      scf.for %parallel_loop3A_852 = %parallel_loop3A_849 to %parallel_loop3A_850 step %parallel_loop3A_851  : i32 {
        %parallel_loop3A_853 = arith.constant 16 : i32
        %parallel_loop3A_854 = arith.muli %parallel_loop3A_852, %parallel_loop3A_853 : i32
        %parallel_loop3A_855 = arith.constant 1 : i32
        %parallel_loop3A_856 = arith.index_cast %parallel_loop3A_855 : i32 to index
        %parallel_loop3A_857 = arith.index_cast %parallel_loop3A_848 : i32 to index
        %parallel_loop3A_858 = arith.index_cast %parallel_loop3A_854 : i32 to index
        %parallel_loop3A_859 = tpu.vector_load %arg6[%parallel_loop3A_856, %parallel_loop3A_857, %parallel_loop3A_858] {strides = array<i32>} : memref<3x16x2048xf32, #tpu.memory_space<vmem>>, vector<1x1x16xf32>,
        %parallel_loop3A_860 = vector.shape_cast %parallel_loop3A_859 : vector<1x1x16xf32> to vector<16xf32>
        %parallel_loop3A_861 = arith.constant 45.2548332 : f32
        %parallel_loop3A_862 = vector.broadcast %parallel_loop3A_861 : f32 to vector<16xf32>
        %parallel_loop3A_863 = arith.mulf %parallel_loop3A_860, %parallel_loop3A_862 : vector<16xf32>
        %parallel_loop3A_864 = arith.constant 1 : i32
        %parallel_loop3A_865 = arith.index_cast %parallel_loop3A_864 : i32 to index
        %parallel_loop3A_866 = arith.index_cast %parallel_loop3A_848 : i32 to index
        %parallel_loop3A_867 = arith.index_cast %parallel_loop3A_854 : i32 to index
        %parallel_loop3A_868 = tpu.vector_load %arg6[%parallel_loop3A_865, %parallel_loop3A_866, %parallel_loop3A_867] {strides = array<i32>} : memref<3x16x2048xf32, #tpu.memory_space<vmem>>, vector<1x1x16xf32>,
        %parallel_loop3A_869 = vector.shape_cast %parallel_loop3A_868 : vector<1x1x16xf32> to vector<16xf32>
        %parallel_loop3A_870 = vector.shape_cast %parallel_loop3A_863 : vector<16xf32> to vector<1x1x16xf32>
        tpu.vector_store %arg6[%parallel_loop3A_865, %parallel_loop3A_866, %parallel_loop3A_867], %parallel_loop3A_870 {strides = array<i32>} : memref<3x16x2048xf32, #tpu.memory_space<vmem>>, vector<1x1x16xf32>,
      } {sc.loop_unroll_factor = 16 : i64, sc.parallel_access}
    } {sc.loop_unroll_factor = 1 : i64, sc.parallel_access}
    %add3A_96 = arith.constant 16 : i32
    %add3A_97 = arith.addi %mul3A_2, %add3A_96 : i32
    %dma_start3A_98 = arith.constant 1 : i32
    %dma_start3A_99 = arith.constant 0 : i32
    %dma_start3A_100 = arith.constant 0 : i32
    %dma_start3A_101 = tpu.memref_slice %arg6[%dma_start3A_98, %dma_start3A_99, %dma_start3A_100] : memref<3x16x2048xf32, #tpu.memory_space<vmem>> -> memref<1x16x2048xf32, #tpu.memory_space<vmem>>
    %dma_start3A_102 = tpu.memref_squeeze %dma_start3A_101 : memref<1x16x2048xf32, #tpu.memory_space<vmem>> -> memref<16x2048xf32, #tpu.memory_space<vmem>>
    %dma_start3A_103 = arith.constant 0 : i32
    %dma_start3A_104 = tpu.memref_slice %arg4[%add3A_97, %dma_start3A_103] : memref<8192x2048xf32, #tpu.memory_space<hbm>> -> memref<16x2048xf32, #tpu.memory_space<hbm>>
    %dma_start3A_105 = arith.constant 0 : i32
    %dma_start3A_106 = tpu.memref_slice %arg4[%add3A_97, %dma_start3A_105] : memref<8192x2048xf32, #tpu.memory_space<hbm>> -> memref<16x2048xf32, #tpu.memory_space<hbm>>
    %dma_start3A_107 = arith.constant 0 : i32
    %dma_start3A_108 = arith.constant 0 : i32
    %dma_start3A_109 = tpu.memref_slice %arg6[%dma_start3A_98, %dma_start3A_107, %dma_start3A_108] : memref<3x16x2048xf32, #tpu.memory_space<vmem>> -> memref<1x16x2048xf32, #tpu.memory_space<vmem>>
    %dma_start3A_110 = tpu.memref_squeeze %dma_start3A_109 : memref<1x16x2048xf32, #tpu.memory_space<vmem>> -> memref<16x2048xf32, #tpu.memory_space<vmem>>
    tpu.enqueue_dma source(%dma_start3A_110 : memref<16x2048xf32, #tpu.memory_space<vmem>>) target(%dma_start3A_106 : memref<16x2048xf32, #tpu.memory_space<hbm>>) target_semaphore(%arg11 : memref<!tpu.dma_semaphore, #tpu.memory_space<semaphore_mem>>)
    %add3A_111 = arith.constant 16 : i32
    %add3A_112 = arith.addi %mul3A_2, %add3A_111 : i32
    %dma_wait3A_113 = arith.constant 1 : i32
    %dma_wait3A_114 = arith.constant 0 : i32
    %dma_wait3A_115 = arith.constant 0 : i32
    %dma_wait3A_116 = tpu.memref_slice %arg6[%dma_wait3A_113, %dma_wait3A_114, %dma_wait3A_115] : memref<3x16x2048xf32, #tpu.memory_space<vmem>> -> memref<1x16x2048xf32, #tpu.memory_space<vmem>>
    %dma_wait3A_117 = tpu.memref_squeeze %dma_wait3A_116 : memref<1x16x2048xf32, #tpu.memory_space<vmem>> -> memref<16x2048xf32, #tpu.memory_space<vmem>>
    %dma_wait3A_118 = arith.constant 0 : i32
    %dma_wait3A_119 = tpu.memref_slice %arg4[%add3A_112, %dma_wait3A_118] : memref<8192x2048xf32, #tpu.memory_space<hbm>> -> memref<16x2048xf32, #tpu.memory_space<hbm>>
    %dma_wait3A_120 = arith.constant 0 : i32
    %dma_wait3A_121 = tpu.memref_slice %arg4[%add3A_112, %dma_wait3A_120] : memref<8192x2048xf32, #tpu.memory_space<hbm>> -> memref<16x2048xf32, #tpu.memory_space<hbm>>
    %dma_wait3A_122 = arith.constant 0 : i32
    %dma_wait3A_123 = arith.constant 0 : i32
    %dma_wait3A_124 = tpu.memref_slice %arg6[%dma_wait3A_113, %dma_wait3A_122, %dma_wait3A_123] : memref<3x16x2048xf32, #tpu.memory_space<vmem>> -> memref<1x16x2048xf32, #tpu.memory_space<vmem>>
    %dma_wait3A_125 = tpu.memref_squeeze %dma_wait3A_124 : memref<1x16x2048xf32, #tpu.memory_space<vmem>> -> memref<16x2048xf32, #tpu.memory_space<vmem>>
    tpu.wait_dma2 semaphore(%arg11 : memref<!tpu.dma_semaphore, #tpu.memory_space<semaphore_mem>>) src(%dma_wait3A_125 : memref<16x2048xf32, #tpu.memory_space<vmem>>) dst(%dma_wait3A_121 : memref<16x2048xf32, #tpu.memory_space<hbm>>)
    %dma_start3A_126 = arith.constant 1 : i32
    %dma_start3A_127 = arith.constant 0 : i32
    %dma_start3A_128 = arith.constant 0 : i32
    %dma_start3A_129 = tpu.memref_slice %arg6[%dma_start3A_126, %dma_start3A_127, %dma_start3A_128] : memref<3x16x2048xf32, #tpu.memory_space<vmem>> -> memref<1x16x2048xf32, #tpu.memory_space<vmem>>
    %dma_start3A_130 = tpu.memref_squeeze %dma_start3A_129 : memref<1x16x2048xf32, #tpu.memory_space<vmem>> -> memref<16x2048xf32, #tpu.memory_space<vmem>>
    %dma_start3A_131 = arith.constant 64 : i32
    %dma_start3A_132 = tpu.memref_slice %arg5[%dma_start3A_131] : memref<256xi32, #tpu.memory_space<vmem>> -> memref<16xi32, #tpu.memory_space<vmem>>
    %dma_start3A_133 = arith.constant 0 : i32
    %dma_start3A_134 = arith.constant 0 : i32
    %dma_start3A_135 = tpu.memref_slice %arg3[%dma_start3A_133, %dma_start3A_134] : memref<128000x2048xf32, #tpu.memory_space<hbm>> -> memref<128000x2048xf32, #tpu.memory_space<hbm>>
    tpu.enqueue_indirect_dma source(%dma_start3A_135 : memref<128000x2048xf32, #tpu.memory_space<hbm>>) target(%dma_start3A_130 : memref<16x2048xf32, #tpu.memory_space<vmem>>) offsets(%dma_start3A_132 : memref<16xi32, #tpu.memory_space<vmem>>) semaphore(%arg8 : memref<!tpu.dma_semaphore, #tpu.memory_space<semaphore_mem>>)
    %dma_wait3A_136 = arith.constant 2 : i32
    %dma_wait3A_137 = arith.constant 0 : i32
    %dma_wait3A_138 = arith.constant 0 : i32
    %dma_wait3A_139 = tpu.memref_slice %arg6[%dma_wait3A_136, %dma_wait3A_137, %dma_wait3A_138] : memref<3x16x2048xf32, #tpu.memory_space<vmem>> -> memref<1x16x2048xf32, #tpu.memory_space<vmem>>
    %dma_wait3A_140 = tpu.memref_squeeze %dma_wait3A_139 : memref<1x16x2048xf32, #tpu.memory_space<vmem>> -> memref<16x2048xf32, #tpu.memory_space<vmem>>
    %dma_wait3A_141 = arith.constant 32 : i32
    %dma_wait3A_142 = tpu.memref_slice %arg5[%dma_wait3A_141] : memref<256xi32, #tpu.memory_space<vmem>> -> memref<16xi32, #tpu.memory_space<vmem>>
    %dma_wait3A_143 = arith.constant 0 : i32
    %dma_wait3A_144 = arith.constant 0 : i32
    %dma_wait3A_145 = tpu.memref_slice %arg3[%dma_wait3A_143, %dma_wait3A_144] : memref<128000x2048xf32, #tpu.memory_space<hbm>> -> memref<128000x2048xf32, #tpu.memory_space<hbm>>
    tpu.wait_indirect_dma semaphore(%arg9 : memref<!tpu.dma_semaphore, #tpu.memory_space<semaphore_mem>>) src(%dma_wait3A_145 : memref<128000x2048xf32, #tpu.memory_space<hbm>>) dst(%dma_wait3A_140 : memref<16x2048xf32, #tpu.memory_space<vmem>>)
    %parallel_loop3A_146 = arith.constant 0 : i32
    %parallel_loop3A_147 = arith.constant 16 : i32
    %parallel_loop3A_148 = arith.constant 1 : i32
    scf.for %parallel_loop3A_848 = %parallel_loop3A_146 to %parallel_loop3A_147 step %parallel_loop3A_148  : i32 {
      %parallel_loop3A_849 = arith.constant 0 : i32
      %parallel_loop3A_850 = arith.constant 128 : i32
      %parallel_loop3A_851 = arith.constant 1 : i32
      scf.for %parallel_loop3A_852 = %parallel_loop3A_849 to %parallel_loop3A_850 step %parallel_loop3A_851  : i32 {
        %parallel_loop3A_853 = arith.constant 16 : i32
        %parallel_loop3A_854 = arith.muli %parallel_loop3A_852, %parallel_loop3A_853 : i32
        %parallel_loop3A_855 = arith.constant 2 : i32
        %parallel_loop3A_856 = arith.index_cast %parallel_loop3A_855 : i32 to index
        %parallel_loop3A_857 = arith.index_cast %parallel_loop3A_848 : i32 to index
        %parallel_loop3A_858 = arith.index_cast %parallel_loop3A_854 : i32 to index
        %parallel_loop3A_859 = tpu.vector_load %arg6[%parallel_loop3A_856, %parallel_loop3A_857, %parallel_loop3A_858] {strides = array<i32>} : memref<3x16x2048xf32, #tpu.memory_space<vmem>>, vector<1x1x16xf32>,
        %parallel_loop3A_860 = vector.shape_cast %parallel_loop3A_859 : vector<1x1x16xf32> to vector<16xf32>
        %parallel_loop3A_861 = arith.constant 45.2548332 : f32
        %parallel_loop3A_862 = vector.broadcast %parallel_loop3A_861 : f32 to vector<16xf32>
        %parallel_loop3A_863 = arith.mulf %parallel_loop3A_860, %parallel_loop3A_862 : vector<16xf32>
        %parallel_loop3A_864 = arith.constant 2 : i32
        %parallel_loop3A_865 = arith.index_cast %parallel_loop3A_864 : i32 to index
        %parallel_loop3A_866 = arith.index_cast %parallel_loop3A_848 : i32 to index
        %parallel_loop3A_867 = arith.index_cast %parallel_loop3A_854 : i32 to index
        %parallel_loop3A_868 = tpu.vector_load %arg6[%parallel_loop3A_865, %parallel_loop3A_866, %parallel_loop3A_867] {strides = array<i32>} : memref<3x16x2048xf32, #tpu.memory_space<vmem>>, vector<1x1x16xf32>,
        %parallel_loop3A_869 = vector.shape_cast %parallel_loop3A_868 : vector<1x1x16xf32> to vector<16xf32>
        %parallel_loop3A_870 = vector.shape_cast %parallel_loop3A_863 : vector<16xf32> to vector<1x1x16xf32>
        tpu.vector_store %arg6[%parallel_loop3A_865, %parallel_loop3A_866, %parallel_loop3A_867], %parallel_loop3A_870 {strides = array<i32>} : memref<3x16x2048xf32, #tpu.memory_space<vmem>>, vector<1x1x16xf32>,
      } {sc.loop_unroll_factor = 16 : i64, sc.parallel_access}
    } {sc.loop_unroll_factor = 1 : i64, sc.parallel_access}
    %add3A_149 = arith.constant 32 : i32
    %add3A_150 = arith.addi %mul3A_2, %add3A_149 : i32
    %dma_start3A_151 = arith.constant 2 : i32
    %dma_start3A_152 = arith.constant 0 : i32
    %dma_start3A_153 = arith.constant 0 : i32
    %dma_start3A_154 = tpu.memref_slice %arg6[%dma_start3A_151, %dma_start3A_152, %dma_start3A_153] : memref<3x16x2048xf32, #tpu.memory_space<vmem>> -> memref<1x16x2048xf32, #tpu.memory_space<vmem>>
    %dma_start3A_155 = tpu.memref_squeeze %dma_start3A_154 : memref<1x16x2048xf32, #tpu.memory_space<vmem>> -> memref<16x2048xf32, #tpu.memory_space<vmem>>
    %dma_start3A_156 = arith.constant 0 : i32
    %dma_start3A_157 = tpu.memref_slice %arg4[%add3A_150, %dma_start3A_156] : memref<8192x2048xf32, #tpu.memory_space<hbm>> -> memref<16x2048xf32, #tpu.memory_space<hbm>>
    %dma_start3A_158 = arith.constant 0 : i32
    %dma_start3A_159 = tpu.memref_slice %arg4[%add3A_150, %dma_start3A_158] : memref<8192x2048xf32, #tpu.memory_space<hbm>> -> memref<16x2048xf32, #tpu.memory_space<hbm>>
    %dma_start3A_160 = arith.constant 0 : i32
    %dma_start3A_161 = arith.constant 0 : i32
    %dma_start3A_162 = tpu.memref_slice %arg6[%dma_start3A_151, %dma_start3A_160, %dma_start3A_161] : memref<3x16x2048xf32, #tpu.memory_space<vmem>> -> memref<1x16x2048xf32, #tpu.memory_space<vmem>>
    %dma_start3A_163 = tpu.memref_squeeze %dma_start3A_162 : memref<1x16x2048xf32, #tpu.memory_space<vmem>> -> memref<16x2048xf32, #tpu.memory_space<vmem>>
    tpu.enqueue_dma source(%dma_start3A_163 : memref<16x2048xf32, #tpu.memory_space<vmem>>) target(%dma_start3A_159 : memref<16x2048xf32, #tpu.memory_space<hbm>>) target_semaphore(%arg12 : memref<!tpu.dma_semaphore, #tpu.memory_space<semaphore_mem>>)
    %add3A_164 = arith.constant 32 : i32
    %add3A_165 = arith.addi %mul3A_2, %add3A_164 : i32
    %dma_wait3A_166 = arith.constant 2 : i32
    %dma_wait3A_167 = arith.constant 0 : i32
    %dma_wait3A_168 = arith.constant 0 : i32
    %dma_wait3A_169 = tpu.memref_slice %arg6[%dma_wait3A_166, %dma_wait3A_167, %dma_wait3A_168] : memref<3x16x2048xf32, #tpu.memory_space<vmem>> -> memref<1x16x2048xf32, #tpu.memory_space<vmem>>
    %dma_wait3A_170 = tpu.memref_squeeze %dma_wait3A_169 : memref<1x16x2048xf32, #tpu.memory_space<vmem>> -> memref<16x2048xf32, #tpu.memory_space<vmem>>
    %dma_wait3A_171 = arith.constant 0 : i32
    %dma_wait3A_172 = tpu.memref_slice %arg4[%add3A_165, %dma_wait3A_171] : memref<8192x2048xf32, #tpu.memory_space<hbm>> -> memref<16x2048xf32, #tpu.memory_space<hbm>>
    %dma_wait3A_173 = arith.constant 0 : i32
    %dma_wait3A_174 = tpu.memref_slice %arg4[%add3A_165, %dma_wait3A_173] : memref<8192x2048xf32, #tpu.memory_space<hbm>> -> memref<16x2048xf32, #tpu.memory_space<hbm>>
    %dma_wait3A_175 = arith.constant 0 : i32
    %dma_wait3A_176 = arith.constant 0 : i32
    %dma_wait3A_177 = tpu.memref_slice %arg6[%dma_wait3A_166, %dma_wait3A_175, %dma_wait3A_176] : memref<3x16x2048xf32, #tpu.memory_space<vmem>> -> memref<1x16x2048xf32, #tpu.memory_space<vmem>>
    %dma_wait3A_178 = tpu.memref_squeeze %dma_wait3A_177 : memref<1x16x2048xf32, #tpu.memory_space<vmem>> -> memref<16x2048xf32, #tpu.memory_space<vmem>>
    tpu.wait_dma2 semaphore(%arg12 : memref<!tpu.dma_semaphore, #tpu.memory_space<semaphore_mem>>) src(%dma_wait3A_178 : memref<16x2048xf32, #tpu.memory_space<vmem>>) dst(%dma_wait3A_174 : memref<16x2048xf32, #tpu.memory_space<hbm>>)
    %dma_start3A_179 = arith.constant 2 : i32
    %dma_start3A_180 = arith.constant 0 : i32
    %dma_start3A_181 = arith.constant 0 : i32
    %dma_start3A_182 = tpu.memref_slice %arg6[%dma_start3A_179, %dma_start3A_180, %dma_start3A_181] : memref<3x16x2048xf32, #tpu.memory_space<vmem>> -> memref<1x16x2048xf32, #tpu.memory_space<vmem>>
    %dma_start3A_183 = tpu.memref_squeeze %dma_start3A_182 : memref<1x16x2048xf32, #tpu.memory_space<vmem>> -> memref<16x2048xf32, #tpu.memory_space<vmem>>
    %dma_start3A_184 = arith.constant 80 : i32
    %dma_start3A_185 = tpu.memref_slice %arg5[%dma_start3A_184] : memref<256xi32, #tpu.memory_space<vmem>> -> memref<16xi32, #tpu.memory_space<vmem>>
    %dma_start3A_186 = arith.constant 0 : i32
    %dma_start3A_187 = arith.constant 0 : i32
    %dma_start3A_188 = tpu.memref_slice %arg3[%dma_start3A_186, %dma_start3A_187] : memref<128000x2048xf32, #tpu.memory_space<hbm>> -> memref<128000x2048xf32, #tpu.memory_space<hbm>>
    tpu.enqueue_indirect_dma source(%dma_start3A_188 : memref<128000x2048xf32, #tpu.memory_space<hbm>>) target(%dma_start3A_183 : memref<16x2048xf32, #tpu.memory_space<vmem>>) offsets(%dma_start3A_185 : memref<16xi32, #tpu.memory_space<vmem>>) semaphore(%arg9 : memref<!tpu.dma_semaphore, #tpu.memory_space<semaphore_mem>>)
    %dma_wait3A_189 = arith.constant 0 : i32
    %dma_wait3A_190 = arith.constant 0 : i32
    %dma_wait3A_191 = arith.constant 0 : i32
    %dma_wait3A_192 = tpu.memref_slice %arg6[%dma_wait3A_189, %dma_wait3A_190, %dma_wait3A_191] : memref<3x16x2048xf32, #tpu.memory_space<vmem>> -> memref<1x16x2048xf32, #tpu.memory_space<vmem>>
    %dma_wait3A_193 = tpu.memref_squeeze %dma_wait3A_192 : memref<1x16x2048xf32, #tpu.memory_space<vmem>> -> memref<16x2048xf32, #tpu.memory_space<vmem>>
    %dma_wait3A_194 = arith.constant 48 : i32
    %dma_wait3A_195 = tpu.memref_slice %arg5[%dma_wait3A_194] : memref<256xi32, #tpu.memory_space<vmem>> -> memref<16xi32, #tpu.memory_space<vmem>>
    %dma_wait3A_196 = arith.constant 0 : i32
    %dma_wait3A_197 = arith.constant 0 : i32
    %dma_wait3A_198 = tpu.memref_slice %arg3[%dma_wait3A_196, %dma_wait3A_197] : memref<128000x2048xf32, #tpu.memory_space<hbm>> -> memref<128000x2048xf32, #tpu.memory_space<hbm>>
    tpu.wait_indirect_dma semaphore(%arg7 : memref<!tpu.dma_semaphore, #tpu.memory_space<semaphore_mem>>) src(%dma_wait3A_198 : memref<128000x2048xf32, #tpu.memory_space<hbm>>) dst(%dma_wait3A_193 : memref<16x2048xf32, #tpu.memory_space<vmem>>)
    %parallel_loop3A_199 = arith.constant 0 : i32
    %parallel_loop3A_200 = arith.constant 16 : i32
    %parallel_loop3A_201 = arith.constant 1 : i32
    scf.for %parallel_loop3A_848 = %parallel_loop3A_199 to %parallel_loop3A_200 step %parallel_loop3A_201  : i32 {
      %parallel_loop3A_849 = arith.constant 0 : i32
      %parallel_loop3A_850 = arith.constant 128 : i32
      %parallel_loop3A_851 = arith.constant 1 : i32
      scf.for %parallel_loop3A_852 = %parallel_loop3A_849 to %parallel_loop3A_850 step %parallel_loop3A_851  : i32 {
        %parallel_loop3A_853 = arith.constant 16 : i32
        %parallel_loop3A_854 = arith.muli %parallel_loop3A_852, %parallel_loop3A_853 : i32
        %parallel_loop3A_855 = arith.constant 0 : i32
        %parallel_loop3A_856 = arith.index_cast %parallel_loop3A_855 : i32 to index
        %parallel_loop3A_857 = arith.index_cast %parallel_loop3A_848 : i32 to index
        %parallel_loop3A_858 = arith.index_cast %parallel_loop3A_854 : i32 to index
        %parallel_loop3A_859 = tpu.vector_load %arg6[%parallel_loop3A_856, %parallel_loop3A_857, %parallel_loop3A_858] {strides = array<i32>} : memref<3x16x2048xf32, #tpu.memory_space<vmem>>, vector<1x1x16xf32>,
        %parallel_loop3A_860 = vector.shape_cast %parallel_loop3A_859 : vector<1x1x16xf32> to vector<16xf32>
        %parallel_loop3A_861 = arith.constant 45.2548332 : f32
        %parallel_loop3A_862 = vector.broadcast %parallel_loop3A_861 : f32 to vector<16xf32>
        %parallel_loop3A_863 = arith.mulf %parallel_loop3A_860, %parallel_loop3A_862 : vector<16xf32>
        %parallel_loop3A_864 = arith.constant 0 : i32
        %parallel_loop3A_865 = arith.index_cast %parallel_loop3A_864 : i32 to index
        %parallel_loop3A_866 = arith.index_cast %parallel_loop3A_848 : i32 to index
        %parallel_loop3A_867 = arith.index_cast %parallel_loop3A_854 : i32 to index
        %parallel_loop3A_868 = tpu.vector_load %arg6[%parallel_loop3A_865, %parallel_loop3A_866, %parallel_loop3A_867] {strides = array<i32>} : memref<3x16x2048xf32, #tpu.memory_space<vmem>>, vector<1x1x16xf32>,
        %parallel_loop3A_869 = vector.shape_cast %parallel_loop3A_868 : vector<1x1x16xf32> to vector<16xf32>
        %parallel_loop3A_870 = vector.shape_cast %parallel_loop3A_863 : vector<16xf32> to vector<1x1x16xf32>
        tpu.vector_store %arg6[%parallel_loop3A_865, %parallel_loop3A_866, %parallel_loop3A_867], %parallel_loop3A_870 {strides = array<i32>} : memref<3x16x2048xf32, #tpu.memory_space<vmem>>, vector<1x1x16xf32>,
      } {sc.loop_unroll_factor = 16 : i64, sc.parallel_access}
    } {sc.loop_unroll_factor = 1 : i64, sc.parallel_access}
    %add3A_202 = arith.constant 48 : i32
    %add3A_203 = arith.addi %mul3A_2, %add3A_202 : i32
    %dma_start3A_204 = arith.constant 0 : i32
    %dma_start3A_205 = arith.constant 0 : i32
    %dma_start3A_206 = arith.constant 0 : i32
    %dma_start3A_207 = tpu.memref_slice %arg6[%dma_start3A_204, %dma_start3A_205, %dma_start3A_206] : memref<3x16x2048xf32, #tpu.memory_space<vmem>> -> memref<1x16x2048xf32, #tpu.memory_space<vmem>>
    %dma_start3A_208 = tpu.memref_squeeze %dma_start3A_207 : memref<1x16x2048xf32, #tpu.memory_space<vmem>> -> memref<16x2048xf32, #tpu.memory_space<vmem>>
    %dma_start3A_209 = arith.constant 0 : i32
    %dma_start3A_210 = tpu.memref_slice %arg4[%add3A_203, %dma_start3A_209] : memref<8192x2048xf32, #tpu.memory_space<hbm>> -> memref<16x2048xf32, #tpu.memory_space<hbm>>
    %dma_start3A_211 = arith.constant 0 : i32
    %dma_start3A_212 = tpu.memref_slice %arg4[%add3A_203, %dma_start3A_211] : memref<8192x2048xf32, #tpu.memory_space<hbm>> -> memref<16x2048xf32, #tpu.memory_space<hbm>>
    %dma_start3A_213 = arith.constant 0 : i32
    %dma_start3A_214 = arith.constant 0 : i32
    %dma_start3A_215 = tpu.memref_slice %arg6[%dma_start3A_204, %dma_start3A_213, %dma_start3A_214] : memref<3x16x2048xf32, #tpu.memory_space<vmem>> -> memref<1x16x2048xf32, #tpu.memory_space<vmem>>
    %dma_start3A_216 = tpu.memref_squeeze %dma_start3A_215 : memref<1x16x2048xf32, #tpu.memory_space<vmem>> -> memref<16x2048xf32, #tpu.memory_space<vmem>>
    tpu.enqueue_dma source(%dma_start3A_216 : memref<16x2048xf32, #tpu.memory_space<vmem>>) target(%dma_start3A_212 : memref<16x2048xf32, #tpu.memory_space<hbm>>) target_semaphore(%arg10 : memref<!tpu.dma_semaphore, #tpu.memory_space<semaphore_mem>>)
    %add3A_217 = arith.constant 48 : i32
    %add3A_218 = arith.addi %mul3A_2, %add3A_217 : i32
    %dma_wait3A_219 = arith.constant 0 : i32
    %dma_wait3A_220 = arith.constant 0 : i32
    %dma_wait3A_221 = arith.constant 0 : i32
    %dma_wait3A_222 = tpu.memref_slice %arg6[%dma_wait3A_219, %dma_wait3A_220, %dma_wait3A_221] : memref<3x16x2048xf32, #tpu.memory_space<vmem>> -> memref<1x16x2048xf32, #tpu.memory_space<vmem>>
    %dma_wait3A_223 = tpu.memref_squeeze %dma_wait3A_222 : memref<1x16x2048xf32, #tpu.memory_space<vmem>> -> memref<16x2048xf32, #tpu.memory_space<vmem>>
    %dma_wait3A_224 = arith.constant 0 : i32
    %dma_wait3A_225 = tpu.memref_slice %arg4[%add3A_218, %dma_wait3A_224] : memref<8192x2048xf32, #tpu.memory_space<hbm>> -> memref<16x2048xf32, #tpu.memory_space<hbm>>
    %dma_wait3A_226 = arith.constant 0 : i32
    %dma_wait3A_227 = tpu.memref_slice %arg4[%add3A_218, %dma_wait3A_226] : memref<8192x2048xf32, #tpu.memory_space<hbm>> -> memref<16x2048xf32, #tpu.memory_space<hbm>>
    %dma_wait3A_228 = arith.constant 0 : i32
    %dma_wait3A_229 = arith.constant 0 : i32
    %dma_wait3A_230 = tpu.memref_slice %arg6[%dma_wait3A_219, %dma_wait3A_228, %dma_wait3A_229] : memref<3x16x2048xf32, #tpu.memory_space<vmem>> -> memref<1x16x2048xf32, #tpu.memory_space<vmem>>
    %dma_wait3A_231 = tpu.memref_squeeze %dma_wait3A_230 : memref<1x16x2048xf32, #tpu.memory_space<vmem>> -> memref<16x2048xf32, #tpu.memory_space<vmem>>
    tpu.wait_dma2 semaphore(%arg10 : memref<!tpu.dma_semaphore, #tpu.memory_space<semaphore_mem>>) src(%dma_wait3A_231 : memref<16x2048xf32, #tpu.memory_space<vmem>>) dst(%dma_wait3A_227 : memref<16x2048xf32, #tpu.memory_space<hbm>>)
    %dma_start3A_232 = arith.constant 0 : i32
    %dma_start3A_233 = arith.constant 0 : i32
    %dma_start3A_234 = arith.constant 0 : i32
    %dma_start3A_235 = tpu.memref_slice %arg6[%dma_start3A_232, %dma_start3A_233, %dma_start3A_234] : memref<3x16x2048xf32, #tpu.memory_space<vmem>> -> memref<1x16x2048xf32, #tpu.memory_space<vmem>>
    %dma_start3A_236 = tpu.memref_squeeze %dma_start3A_235 : memref<1x16x2048xf32, #tpu.memory_space<vmem>> -> memref<16x2048xf32, #tpu.memory_space<vmem>>
    %dma_start3A_237 = arith.constant 96 : i32
    %dma_start3A_238 = tpu.memref_slice %arg5[%dma_start3A_237] : memref<256xi32, #tpu.memory_space<vmem>> -> memref<16xi32, #tpu.memory_space<vmem>>
    %dma_start3A_239 = arith.constant 0 : i32
    %dma_start3A_240 = arith.constant 0 : i32
    %dma_start3A_241 = tpu.memref_slice %arg3[%dma_start3A_239, %dma_start3A_240] : memref<128000x2048xf32, #tpu.memory_space<hbm>> -> memref<128000x2048xf32, #tpu.memory_space<hbm>>
    tpu.enqueue_indirect_dma source(%dma_start3A_241 : memref<128000x2048xf32, #tpu.memory_space<hbm>>) target(%dma_start3A_236 : memref<16x2048xf32, #tpu.memory_space<vmem>>) offsets(%dma_start3A_238 : memref<16xi32, #tpu.memory_space<vmem>>) semaphore(%arg7 : memref<!tpu.dma_semaphore, #tpu.memory_space<semaphore_mem>>)
    %dma_wait3A_242 = arith.constant 1 : i32
    %dma_wait3A_243 = arith.constant 0 : i32
    %dma_wait3A_244 = arith.constant 0 : i32
    %dma_wait3A_245 = tpu.memref_slice %arg6[%dma_wait3A_242, %dma_wait3A_243, %dma_wait3A_244] : memref<3x16x2048xf32, #tpu.memory_space<vmem>> -> memref<1x16x2048xf32, #tpu.memory_space<vmem>>
    %dma_wait3A_246 = tpu.memref_squeeze %dma_wait3A_245 : memref<1x16x2048xf32, #tpu.memory_space<vmem>> -> memref<16x2048xf32, #tpu.memory_space<vmem>>
    %dma_wait3A_247 = arith.constant 64 : i32
    %dma_wait3A_248 = tpu.memref_slice %arg5[%dma_wait3A_247] : memref<256xi32, #tpu.memory_space<vmem>> -> memref<16xi32, #tpu.memory_space<vmem>>
    %dma_wait3A_249 = arith.constant 0 : i32
    %dma_wait3A_250 = arith.constant 0 : i32
    %dma_wait3A_251 = tpu.memref_slice %arg3[%dma_wait3A_249, %dma_wait3A_250] : memref<128000x2048xf32, #tpu.memory_space<hbm>> -> memref<128000x2048xf32, #tpu.memory_space<hbm>>
    tpu.wait_indirect_dma semaphore(%arg8 : memref<!tpu.dma_semaphore, #tpu.memory_space<semaphore_mem>>) src(%dma_wait3A_251 : memref<128000x2048xf32, #tpu.memory_space<hbm>>) dst(%dma_wait3A_246 : memref<16x2048xf32, #tpu.memory_space<vmem>>)
    %parallel_loop3A_252 = arith.constant 0 : i32
    %parallel_loop3A_253 = arith.constant 16 : i32
    %parallel_loop3A_254 = arith.constant 1 : i32
    scf.for %parallel_loop3A_848 = %parallel_loop3A_252 to %parallel_loop3A_253 step %parallel_loop3A_254  : i32 {
      %parallel_loop3A_849 = arith.constant 0 : i32
      %parallel_loop3A_850 = arith.constant 128 : i32
      %parallel_loop3A_851 = arith.constant 1 : i32
      scf.for %parallel_loop3A_852 = %parallel_loop3A_849 to %parallel_loop3A_850 step %parallel_loop3A_851  : i32 {
        %parallel_loop3A_853 = arith.constant 16 : i32
        %parallel_loop3A_854 = arith.muli %parallel_loop3A_852, %parallel_loop3A_853 : i32
        %parallel_loop3A_855 = arith.constant 1 : i32
        %parallel_loop3A_856 = arith.index_cast %parallel_loop3A_855 : i32 to index
        %parallel_loop3A_857 = arith.index_cast %parallel_loop3A_848 : i32 to index
        %parallel_loop3A_858 = arith.index_cast %parallel_loop3A_854 : i32 to index
        %parallel_loop3A_859 = tpu.vector_load %arg6[%parallel_loop3A_856, %parallel_loop3A_857, %parallel_loop3A_858] {strides = array<i32>} : memref<3x16x2048xf32, #tpu.memory_space<vmem>>, vector<1x1x16xf32>,
        %parallel_loop3A_860 = vector.shape_cast %parallel_loop3A_859 : vector<1x1x16xf32> to vector<16xf32>
        %parallel_loop3A_861 = arith.constant 45.2548332 : f32
        %parallel_loop3A_862 = vector.broadcast %parallel_loop3A_861 : f32 to vector<16xf32>
        %parallel_loop3A_863 = arith.mulf %parallel_loop3A_860, %parallel_loop3A_862 : vector<16xf32>
        %parallel_loop3A_864 = arith.constant 1 : i32
        %parallel_loop3A_865 = arith.index_cast %parallel_loop3A_864 : i32 to index
        %parallel_loop3A_866 = arith.index_cast %parallel_loop3A_848 : i32 to index
        %parallel_loop3A_867 = arith.index_cast %parallel_loop3A_854 : i32 to index
        %parallel_loop3A_868 = tpu.vector_load %arg6[%parallel_loop3A_865, %parallel_loop3A_866, %parallel_loop3A_867] {strides = array<i32>} : memref<3x16x2048xf32, #tpu.memory_space<vmem>>, vector<1x1x16xf32>,
        %parallel_loop3A_869 = vector.shape_cast %parallel_loop3A_868 : vector<1x1x16xf32> to vector<16xf32>
        %parallel_loop3A_870 = vector.shape_cast %parallel_loop3A_863 : vector<16xf32> to vector<1x1x16xf32>
        tpu.vector_store %arg6[%parallel_loop3A_865, %parallel_loop3A_866, %parallel_loop3A_867], %parallel_loop3A_870 {strides = array<i32>} : memref<3x16x2048xf32, #tpu.memory_space<vmem>>, vector<1x1x16xf32>,
      } {sc.loop_unroll_factor = 16 : i64, sc.parallel_access}
    } {sc.loop_unroll_factor = 1 : i64, sc.parallel_access}
    %add3A_255 = arith.constant 64 : i32
    %add3A_256 = arith.addi %mul3A_2, %add3A_255 : i32
    %dma_start3A_257 = arith.constant 1 : i32
    %dma_start3A_258 = arith.constant 0 : i32
    %dma_start3A_259 = arith.constant 0 : i32
    %dma_start3A_260 = tpu.memref_slice %arg6[%dma_start3A_257, %dma_start3A_258, %dma_start3A_259] : memref<3x16x2048xf32, #tpu.memory_space<vmem>> -> memref<1x16x2048xf32, #tpu.memory_space<vmem>>
    %dma_start3A_261 = tpu.memref_squeeze %dma_start3A_260 : memref<1x16x2048xf32, #tpu.memory_space<vmem>> -> memref<16x2048xf32, #tpu.memory_space<vmem>>
    %dma_start3A_262 = arith.constant 0 : i32
    %dma_start3A_263 = tpu.memref_slice %arg4[%add3A_256, %dma_start3A_262] : memref<8192x2048xf32, #tpu.memory_space<hbm>> -> memref<16x2048xf32, #tpu.memory_space<hbm>>
    %dma_start3A_264 = arith.constant 0 : i32
    %dma_start3A_265 = tpu.memref_slice %arg4[%add3A_256, %dma_start3A_264] : memref<8192x2048xf32, #tpu.memory_space<hbm>> -> memref<16x2048xf32, #tpu.memory_space<hbm>>
    %dma_start3A_266 = arith.constant 0 : i32
    %dma_start3A_267 = arith.constant 0 : i32
    %dma_start3A_268 = tpu.memref_slice %arg6[%dma_start3A_257, %dma_start3A_266, %dma_start3A_267] : memref<3x16x2048xf32, #tpu.memory_space<vmem>> -> memref<1x16x2048xf32, #tpu.memory_space<vmem>>
    %dma_start3A_269 = tpu.memref_squeeze %dma_start3A_268 : memref<1x16x2048xf32, #tpu.memory_space<vmem>> -> memref<16x2048xf32, #tpu.memory_space<vmem>>
    tpu.enqueue_dma source(%dma_start3A_269 : memref<16x2048xf32, #tpu.memory_space<vmem>>) target(%dma_start3A_265 : memref<16x2048xf32, #tpu.memory_space<hbm>>) target_semaphore(%arg11 : memref<!tpu.dma_semaphore, #tpu.memory_space<semaphore_mem>>)
    %add3A_270 = arith.constant 64 : i32
    %add3A_271 = arith.addi %mul3A_2, %add3A_270 : i32
    %dma_wait3A_272 = arith.constant 1 : i32
    %dma_wait3A_273 = arith.constant 0 : i32
    %dma_wait3A_274 = arith.constant 0 : i32
    %dma_wait3A_275 = tpu.memref_slice %arg6[%dma_wait3A_272, %dma_wait3A_273, %dma_wait3A_274] : memref<3x16x2048xf32, #tpu.memory_space<vmem>> -> memref<1x16x2048xf32, #tpu.memory_space<vmem>>
    %dma_wait3A_276 = tpu.memref_squeeze %dma_wait3A_275 : memref<1x16x2048xf32, #tpu.memory_space<vmem>> -> memref<16x2048xf32, #tpu.memory_space<vmem>>
    %dma_wait3A_277 = arith.constant 0 : i32
    %dma_wait3A_278 = tpu.memref_slice %arg4[%add3A_271, %dma_wait3A_277] : memref<8192x2048xf32, #tpu.memory_space<hbm>> -> memref<16x2048xf32, #tpu.memory_space<hbm>>
    %dma_wait3A_279 = arith.constant 0 : i32
    %dma_wait3A_280 = tpu.memref_slice %arg4[%add3A_271, %dma_wait3A_279] : memref<8192x2048xf32, #tpu.memory_space<hbm>> -> memref<16x2048xf32, #tpu.memory_space<hbm>>
    %dma_wait3A_281 = arith.constant 0 : i32
    %dma_wait3A_282 = arith.constant 0 : i32
    %dma_wait3A_283 = tpu.memref_slice %arg6[%dma_wait3A_272, %dma_wait3A_281, %dma_wait3A_282] : memref<3x16x2048xf32, #tpu.memory_space<vmem>> -> memref<1x16x2048xf32, #tpu.memory_space<vmem>>
    %dma_wait3A_284 = tpu.memref_squeeze %dma_wait3A_283 : memref<1x16x2048xf32, #tpu.memory_space<vmem>> -> memref<16x2048xf32, #tpu.memory_space<vmem>>
    tpu.wait_dma2 semaphore(%arg11 : memref<!tpu.dma_semaphore, #tpu.memory_space<semaphore_mem>>) src(%dma_wait3A_284 : memref<16x2048xf32, #tpu.memory_space<vmem>>) dst(%dma_wait3A_280 : memref<16x2048xf32, #tpu.memory_space<hbm>>)
    %dma_start3A_285 = arith.constant 1 : i32
    %dma_start3A_286 = arith.constant 0 : i32
    %dma_start3A_287 = arith.constant 0 : i32
    %dma_start3A_288 = tpu.memref_slice %arg6[%dma_start3A_285, %dma_start3A_286, %dma_start3A_287] : memref<3x16x2048xf32, #tpu.memory_space<vmem>> -> memref<1x16x2048xf32, #tpu.memory_space<vmem>>
    %dma_start3A_289 = tpu.memref_squeeze %dma_start3A_288 : memref<1x16x2048xf32, #tpu.memory_space<vmem>> -> memref<16x2048xf32, #tpu.memory_space<vmem>>
    %dma_start3A_290 = arith.constant 112 : i32
    %dma_start3A_291 = tpu.memref_slice %arg5[%dma_start3A_290] : memref<256xi32, #tpu.memory_space<vmem>> -> memref<16xi32, #tpu.memory_space<vmem>>
    %dma_start3A_292 = arith.constant 0 : i32
    %dma_start3A_293 = arith.constant 0 : i32
    %dma_start3A_294 = tpu.memref_slice %arg3[%dma_start3A_292, %dma_start3A_293] : memref<128000x2048xf32, #tpu.memory_space<hbm>> -> memref<128000x2048xf32, #tpu.memory_space<hbm>>
    tpu.enqueue_indirect_dma source(%dma_start3A_294 : memref<128000x2048xf32, #tpu.memory_space<hbm>>) target(%dma_start3A_289 : memref<16x2048xf32, #tpu.memory_space<vmem>>) offsets(%dma_start3A_291 : memref<16xi32, #tpu.memory_space<vmem>>) semaphore(%arg8 : memref<!tpu.dma_semaphore, #tpu.memory_space<semaphore_mem>>)
    %dma_wait3A_295 = arith.constant 2 : i32
    %dma_wait3A_296 = arith.constant 0 : i32
    %dma_wait3A_297 = arith.constant 0 : i32
    %dma_wait3A_298 = tpu.memref_slice %arg6[%dma_wait3A_295, %dma_wait3A_296, %dma_wait3A_297] : memref<3x16x2048xf32, #tpu.memory_space<vmem>> -> memref<1x16x2048xf32, #tpu.memory_space<vmem>>
    %dma_wait3A_299 = tpu.memref_squeeze %dma_wait3A_298 : memref<1x16x2048xf32, #tpu.memory_space<vmem>> -> memref<16x2048xf32, #tpu.memory_space<vmem>>
    %dma_wait3A_300 = arith.constant 80 : i32
    %dma_wait3A_301 = tpu.memref_slice %arg5[%dma_wait3A_300] : memref<256xi32, #tpu.memory_space<vmem>> -> memref<16xi32, #tpu.memory_space<vmem>>
    %dma_wait3A_302 = arith.constant 0 : i32
    %dma_wait3A_303 = arith.constant 0 : i32
    %dma_wait3A_304 = tpu.memref_slice %arg3[%dma_wait3A_302, %dma_wait3A_303] : memref<128000x2048xf32, #tpu.memory_space<hbm>> -> memref<128000x2048xf32, #tpu.memory_space<hbm>>
    tpu.wait_indirect_dma semaphore(%arg9 : memref<!tpu.dma_semaphore, #tpu.memory_space<semaphore_mem>>) src(%dma_wait3A_304 : memref<128000x2048xf32, #tpu.memory_space<hbm>>) dst(%dma_wait3A_299 : memref<16x2048xf32, #tpu.memory_space<vmem>>)
    %parallel_loop3A_305 = arith.constant 0 : i32
    %parallel_loop3A_306 = arith.constant 16 : i32
    %parallel_loop3A_307 = arith.constant 1 : i32
    scf.for %parallel_loop3A_848 = %parallel_loop3A_305 to %parallel_loop3A_306 step %parallel_loop3A_307  : i32 {
      %parallel_loop3A_849 = arith.constant 0 : i32
      %parallel_loop3A_850 = arith.constant 128 : i32
      %parallel_loop3A_851 = arith.constant 1 : i32
      scf.for %parallel_loop3A_852 = %parallel_loop3A_849 to %parallel_loop3A_850 step %parallel_loop3A_851  : i32 {
        %parallel_loop3A_853 = arith.constant 16 : i32
        %parallel_loop3A_854 = arith.muli %parallel_loop3A_852, %parallel_loop3A_853 : i32
        %parallel_loop3A_855 = arith.constant 2 : i32
        %parallel_loop3A_856 = arith.index_cast %parallel_loop3A_855 : i32 to index
        %parallel_loop3A_857 = arith.index_cast %parallel_loop3A_848 : i32 to index
        %parallel_loop3A_858 = arith.index_cast %parallel_loop3A_854 : i32 to index
        %parallel_loop3A_859 = tpu.vector_load %arg6[%parallel_loop3A_856, %parallel_loop3A_857, %parallel_loop3A_858] {strides = array<i32>} : memref<3x16x2048xf32, #tpu.memory_space<vmem>>, vector<1x1x16xf32>,
        %parallel_loop3A_860 = vector.shape_cast %parallel_loop3A_859 : vector<1x1x16xf32> to vector<16xf32>
        %parallel_loop3A_861 = arith.constant 45.2548332 : f32
        %parallel_loop3A_862 = vector.broadcast %parallel_loop3A_861 : f32 to vector<16xf32>
        %parallel_loop3A_863 = arith.mulf %parallel_loop3A_860, %parallel_loop3A_862 : vector<16xf32>
        %parallel_loop3A_864 = arith.constant 2 : i32
        %parallel_loop3A_865 = arith.index_cast %parallel_loop3A_864 : i32 to index
        %parallel_loop3A_866 = arith.index_cast %parallel_loop3A_848 : i32 to index
        %parallel_loop3A_867 = arith.index_cast %parallel_loop3A_854 : i32 to index
        %parallel_loop3A_868 = tpu.vector_load %arg6[%parallel_loop3A_865, %parallel_loop3A_866, %parallel_loop3A_867] {strides = array<i32>} : memref<3x16x2048xf32, #tpu.memory_space<vmem>>, vector<1x1x16xf32>,
        %parallel_loop3A_869 = vector.shape_cast %parallel_loop3A_868 : vector<1x1x16xf32> to vector<16xf32>
        %parallel_loop3A_870 = vector.shape_cast %parallel_loop3A_863 : vector<16xf32> to vector<1x1x16xf32>
        tpu.vector_store %arg6[%parallel_loop3A_865, %parallel_loop3A_866, %parallel_loop3A_867], %parallel_loop3A_870 {strides = array<i32>} : memref<3x16x2048xf32, #tpu.memory_space<vmem>>, vector<1x1x16xf32>,
      } {sc.loop_unroll_factor = 16 : i64, sc.parallel_access}
    } {sc.loop_unroll_factor = 1 : i64, sc.parallel_access}
    %add3A_308 = arith.constant 80 : i32
    %add3A_309 = arith.addi %mul3A_2, %add3A_308 : i32
    %dma_start3A_310 = arith.constant 2 : i32
    %dma_start3A_311 = arith.constant 0 : i32
    %dma_start3A_312 = arith.constant 0 : i32
    %dma_start3A_313 = tpu.memref_slice %arg6[%dma_start3A_310, %dma_start3A_311, %dma_start3A_312] : memref<3x16x2048xf32, #tpu.memory_space<vmem>> -> memref<1x16x2048xf32, #tpu.memory_space<vmem>>
    %dma_start3A_314 = tpu.memref_squeeze %dma_start3A_313 : memref<1x16x2048xf32, #tpu.memory_space<vmem>> -> memref<16x2048xf32, #tpu.memory_space<vmem>>
    %dma_start3A_315 = arith.constant 0 : i32
    %dma_start3A_316 = tpu.memref_slice %arg4[%add3A_309, %dma_start3A_315] : memref<8192x2048xf32, #tpu.memory_space<hbm>> -> memref<16x2048xf32, #tpu.memory_space<hbm>>
    %dma_start3A_317 = arith.constant 0 : i32
    %dma_start3A_318 = tpu.memref_slice %arg4[%add3A_309, %dma_start3A_317] : memref<8192x2048xf32, #tpu.memory_space<hbm>> -> memref<16x2048xf32, #tpu.memory_space<hbm>>
    %dma_start3A_319 = arith.constant 0 : i32
    %dma_start3A_320 = arith.constant 0 : i32
    %dma_start3A_321 = tpu.memref_slice %arg6[%dma_start3A_310, %dma_start3A_319, %dma_start3A_320] : memref<3x16x2048xf32, #tpu.memory_space<vmem>> -> memref<1x16x2048xf32, #tpu.memory_space<vmem>>
    %dma_start3A_322 = tpu.memref_squeeze %dma_start3A_321 : memref<1x16x2048xf32, #tpu.memory_space<vmem>> -> memref<16x2048xf32, #tpu.memory_space<vmem>>
    tpu.enqueue_dma source(%dma_start3A_322 : memref<16x2048xf32, #tpu.memory_space<vmem>>) target(%dma_start3A_318 : memref<16x2048xf32, #tpu.memory_space<hbm>>) target_semaphore(%arg12 : memref<!tpu.dma_semaphore, #tpu.memory_space<semaphore_mem>>)
    %add3A_323 = arith.constant 80 : i32
    %add3A_324 = arith.addi %mul3A_2, %add3A_323 : i32
    %dma_wait3A_325 = arith.constant 2 : i32
    %dma_wait3A_326 = arith.constant 0 : i32
    %dma_wait3A_327 = arith.constant 0 : i32
    %dma_wait3A_328 = tpu.memref_slice %arg6[%dma_wait3A_325, %dma_wait3A_326, %dma_wait3A_327] : memref<3x16x2048xf32, #tpu.memory_space<vmem>> -> memref<1x16x2048xf32, #tpu.memory_space<vmem>>
    %dma_wait3A_329 = tpu.memref_squeeze %dma_wait3A_328 : memref<1x16x2048xf32, #tpu.memory_space<vmem>> -> memref<16x2048xf32, #tpu.memory_space<vmem>>
    %dma_wait3A_330 = arith.constant 0 : i32
    %dma_wait3A_331 = tpu.memref_slice %arg4[%add3A_324, %dma_wait3A_330] : memref<8192x2048xf32, #tpu.memory_space<hbm>> -> memref<16x2048xf32, #tpu.memory_space<hbm>>
    %dma_wait3A_332 = arith.constant 0 : i32
    %dma_wait3A_333 = tpu.memref_slice %arg4[%add3A_324, %dma_wait3A_332] : memref<8192x2048xf32, #tpu.memory_space<hbm>> -> memref<16x2048xf32, #tpu.memory_space<hbm>>
    %dma_wait3A_334 = arith.constant 0 : i32
    %dma_wait3A_335 = arith.constant 0 : i32
    %dma_wait3A_336 = tpu.memref_slice %arg6[%dma_wait3A_325, %dma_wait3A_334, %dma_wait3A_335] : memref<3x16x2048xf32, #tpu.memory_space<vmem>> -> memref<1x16x2048xf32, #tpu.memory_space<vmem>>
    %dma_wait3A_337 = tpu.memref_squeeze %dma_wait3A_336 : memref<1x16x2048xf32, #tpu.memory_space<vmem>> -> memref<16x2048xf32, #tpu.memory_space<vmem>>
    tpu.wait_dma2 semaphore(%arg12 : memref<!tpu.dma_semaphore, #tpu.memory_space<semaphore_mem>>) src(%dma_wait3A_337 : memref<16x2048xf32, #tpu.memory_space<vmem>>) dst(%dma_wait3A_333 : memref<16x2048xf32, #tpu.memory_space<hbm>>)
    %dma_start3A_338 = arith.constant 2 : i32
    %dma_start3A_339 = arith.constant 0 : i32
    %dma_start3A_340 = arith.constant 0 : i32
    %dma_start3A_341 = tpu.memref_slice %arg6[%dma_start3A_338, %dma_start3A_339, %dma_start3A_340] : memref<3x16x2048xf32, #tpu.memory_space<vmem>> -> memref<1x16x2048xf32, #tpu.memory_space<vmem>>
    %dma_start3A_342 = tpu.memref_squeeze %dma_start3A_341 : memref<1x16x2048xf32, #tpu.memory_space<vmem>> -> memref<16x2048xf32, #tpu.memory_space<vmem>>
    %dma_start3A_343 = arith.constant 128 : i32
    %dma_start3A_344 = tpu.memref_slice %arg5[%dma_start3A_343] : memref<256xi32, #tpu.memory_space<vmem>> -> memref<16xi32, #tpu.memory_space<vmem>>
    %dma_start3A_345 = arith.constant 0 : i32
    %dma_start3A_346 = arith.constant 0 : i32
    %dma_start3A_347 = tpu.memref_slice %arg3[%dma_start3A_345, %dma_start3A_346] : memref<128000x2048xf32, #tpu.memory_space<hbm>> -> memref<128000x2048xf32, #tpu.memory_space<hbm>>
    tpu.enqueue_indirect_dma source(%dma_start3A_347 : memref<128000x2048xf32, #tpu.memory_space<hbm>>) target(%dma_start3A_342 : memref<16x2048xf32, #tpu.memory_space<vmem>>) offsets(%dma_start3A_344 : memref<16xi32, #tpu.memory_space<vmem>>) semaphore(%arg9 : memref<!tpu.dma_semaphore, #tpu.memory_space<semaphore_mem>>)
    %dma_wait3A_348 = arith.constant 0 : i32
    %dma_wait3A_349 = arith.constant 0 : i32
    %dma_wait3A_350 = arith.constant 0 : i32
    %dma_wait3A_351 = tpu.memref_slice %arg6[%dma_wait3A_348, %dma_wait3A_349, %dma_wait3A_350] : memref<3x16x2048xf32, #tpu.memory_space<vmem>> -> memref<1x16x2048xf32, #tpu.memory_space<vmem>>
    %dma_wait3A_352 = tpu.memref_squeeze %dma_wait3A_351 : memref<1x16x2048xf32, #tpu.memory_space<vmem>> -> memref<16x2048xf32, #tpu.memory_space<vmem>>
    %dma_wait3A_353 = arith.constant 96 : i32
    %dma_wait3A_354 = tpu.memref_slice %arg5[%dma_wait3A_353] : memref<256xi32, #tpu.memory_space<vmem>> -> memref<16xi32, #tpu.memory_space<vmem>>
    %dma_wait3A_355 = arith.constant 0 : i32
    %dma_wait3A_356 = arith.constant 0 : i32
    %dma_wait3A_357 = tpu.memref_slice %arg3[%dma_wait3A_355, %dma_wait3A_356] : memref<128000x2048xf32, #tpu.memory_space<hbm>> -> memref<128000x2048xf32, #tpu.memory_space<hbm>>
    tpu.wait_indirect_dma semaphore(%arg7 : memref<!tpu.dma_semaphore, #tpu.memory_space<semaphore_mem>>) src(%dma_wait3A_357 : memref<128000x2048xf32, #tpu.memory_space<hbm>>) dst(%dma_wait3A_352 : memref<16x2048xf32, #tpu.memory_space<vmem>>)
    %parallel_loop3A_358 = arith.constant 0 : i32
    %parallel_loop3A_359 = arith.constant 16 : i32
    %parallel_loop3A_360 = arith.constant 1 : i32
    scf.for %parallel_loop3A_848 = %parallel_loop3A_358 to %parallel_loop3A_359 step %parallel_loop3A_360  : i32 {
      %parallel_loop3A_849 = arith.constant 0 : i32
      %parallel_loop3A_850 = arith.constant 128 : i32
      %parallel_loop3A_851 = arith.constant 1 : i32
      scf.for %parallel_loop3A_852 = %parallel_loop3A_849 to %parallel_loop3A_850 step %parallel_loop3A_851  : i32 {
        %parallel_loop3A_853 = arith.constant 16 : i32
        %parallel_loop3A_854 = arith.muli %parallel_loop3A_852, %parallel_loop3A_853 : i32
        %parallel_loop3A_855 = arith.constant 0 : i32
        %parallel_loop3A_856 = arith.index_cast %parallel_loop3A_855 : i32 to index
        %parallel_loop3A_857 = arith.index_cast %parallel_loop3A_848 : i32 to index
        %parallel_loop3A_858 = arith.index_cast %parallel_loop3A_854 : i32 to index
        %parallel_loop3A_859 = tpu.vector_load %arg6[%parallel_loop3A_856, %parallel_loop3A_857, %parallel_loop3A_858] {strides = array<i32>} : memref<3x16x2048xf32, #tpu.memory_space<vmem>>, vector<1x1x16xf32>,
        %parallel_loop3A_860 = vector.shape_cast %parallel_loop3A_859 : vector<1x1x16xf32> to vector<16xf32>
        %parallel_loop3A_861 = arith.constant 45.2548332 : f32
        %parallel_loop3A_862 = vector.broadcast %parallel_loop3A_861 : f32 to vector<16xf32>
        %parallel_loop3A_863 = arith.mulf %parallel_loop3A_860, %parallel_loop3A_862 : vector<16xf32>
        %parallel_loop3A_864 = arith.constant 0 : i32
        %parallel_loop3A_865 = arith.index_cast %parallel_loop3A_864 : i32 to index
        %parallel_loop3A_866 = arith.index_cast %parallel_loop3A_848 : i32 to index
        %parallel_loop3A_867 = arith.index_cast %parallel_loop3A_854 : i32 to index
        %parallel_loop3A_868 = tpu.vector_load %arg6[%parallel_loop3A_865, %parallel_loop3A_866, %parallel_loop3A_867] {strides = array<i32>} : memref<3x16x2048xf32, #tpu.memory_space<vmem>>, vector<1x1x16xf32>,
        %parallel_loop3A_869 = vector.shape_cast %parallel_loop3A_868 : vector<1x1x16xf32> to vector<16xf32>
        %parallel_loop3A_870 = vector.shape_cast %parallel_loop3A_863 : vector<16xf32> to vector<1x1x16xf32>
        tpu.vector_store %arg6[%parallel_loop3A_865, %parallel_loop3A_866, %parallel_loop3A_867], %parallel_loop3A_870 {strides = array<i32>} : memref<3x16x2048xf32, #tpu.memory_space<vmem>>, vector<1x1x16xf32>,
      } {sc.loop_unroll_factor = 16 : i64, sc.parallel_access}
    } {sc.loop_unroll_factor = 1 : i64, sc.parallel_access}
    %add3A_361 = arith.constant 96 : i32
    %add3A_362 = arith.addi %mul3A_2, %add3A_361 : i32
    %dma_start3A_363 = arith.constant 0 : i32
    %dma_start3A_364 = arith.constant 0 : i32
    %dma_start3A_365 = arith.constant 0 : i32
    %dma_start3A_366 = tpu.memref_slice %arg6[%dma_start3A_363, %dma_start3A_364, %dma_start3A_365] : memref<3x16x2048xf32, #tpu.memory_space<vmem>> -> memref<1x16x2048xf32, #tpu.memory_space<vmem>>
    %dma_start3A_367 = tpu.memref_squeeze %dma_start3A_366 : memref<1x16x2048xf32, #tpu.memory_space<vmem>> -> memref<16x2048xf32, #tpu.memory_space<vmem>>
    %dma_start3A_368 = arith.constant 0 : i32
    %dma_start3A_369 = tpu.memref_slice %arg4[%add3A_362, %dma_start3A_368] : memref<8192x2048xf32, #tpu.memory_space<hbm>> -> memref<16x2048xf32, #tpu.memory_space<hbm>>
    %dma_start3A_370 = arith.constant 0 : i32
    %dma_start3A_371 = tpu.memref_slice %arg4[%add3A_362, %dma_start3A_370] : memref<8192x2048xf32, #tpu.memory_space<hbm>> -> memref<16x2048xf32, #tpu.memory_space<hbm>>
    %dma_start3A_372 = arith.constant 0 : i32
    %dma_start3A_373 = arith.constant 0 : i32
    %dma_start3A_374 = tpu.memref_slice %arg6[%dma_start3A_363, %dma_start3A_372, %dma_start3A_373] : memref<3x16x2048xf32, #tpu.memory_space<vmem>> -> memref<1x16x2048xf32, #tpu.memory_space<vmem>>
    %dma_start3A_375 = tpu.memref_squeeze %dma_start3A_374 : memref<1x16x2048xf32, #tpu.memory_space<vmem>> -> memref<16x2048xf32, #tpu.memory_space<vmem>>
    tpu.enqueue_dma source(%dma_start3A_375 : memref<16x2048xf32, #tpu.memory_space<vmem>>) target(%dma_start3A_371 : memref<16x2048xf32, #tpu.memory_space<hbm>>) target_semaphore(%arg10 : memref<!tpu.dma_semaphore, #tpu.memory_space<semaphore_mem>>)
    %add3A_376 = arith.constant 96 : i32
    %add3A_377 = arith.addi %mul3A_2, %add3A_376 : i32
    %dma_wait3A_378 = arith.constant 0 : i32
    %dma_wait3A_379 = arith.constant 0 : i32
    %dma_wait3A_380 = arith.constant 0 : i32
    %dma_wait3A_381 = tpu.memref_slice %arg6[%dma_wait3A_378, %dma_wait3A_379, %dma_wait3A_380] : memref<3x16x2048xf32, #tpu.memory_space<vmem>> -> memref<1x16x2048xf32, #tpu.memory_space<vmem>>
    %dma_wait3A_382 = tpu.memref_squeeze %dma_wait3A_381 : memref<1x16x2048xf32, #tpu.memory_space<vmem>> -> memref<16x2048xf32, #tpu.memory_space<vmem>>
    %dma_wait3A_383 = arith.constant 0 : i32
    %dma_wait3A_384 = tpu.memref_slice %arg4[%add3A_377, %dma_wait3A_383] : memref<8192x2048xf32, #tpu.memory_space<hbm>> -> memref<16x2048xf32, #tpu.memory_space<hbm>>
    %dma_wait3A_385 = arith.constant 0 : i32
    %dma_wait3A_386 = tpu.memref_slice %arg4[%add3A_377, %dma_wait3A_385] : memref<8192x2048xf32, #tpu.memory_space<hbm>> -> memref<16x2048xf32, #tpu.memory_space<hbm>>
    %dma_wait3A_387 = arith.constant 0 : i32
    %dma_wait3A_388 = arith.constant 0 : i32
    %dma_wait3A_389 = tpu.memref_slice %arg6[%dma_wait3A_378, %dma_wait3A_387, %dma_wait3A_388] : memref<3x16x2048xf32, #tpu.memory_space<vmem>> -> memref<1x16x2048xf32, #tpu.memory_space<vmem>>
    %dma_wait3A_390 = tpu.memref_squeeze %dma_wait3A_389 : memref<1x16x2048xf32, #tpu.memory_space<vmem>> -> memref<16x2048xf32, #tpu.memory_space<vmem>>
    tpu.wait_dma2 semaphore(%arg10 : memref<!tpu.dma_semaphore, #tpu.memory_space<semaphore_mem>>) src(%dma_wait3A_390 : memref<16x2048xf32, #tpu.memory_space<vmem>>) dst(%dma_wait3A_386 : memref<16x2048xf32, #tpu.memory_space<hbm>>)
    %dma_start3A_391 = arith.constant 0 : i32
    %dma_start3A_392 = arith.constant 0 : i32
    %dma_start3A_393 = arith.constant 0 : i32
    %dma_start3A_394 = tpu.memref_slice %arg6[%dma_start3A_391, %dma_start3A_392, %dma_start3A_393] : memref<3x16x2048xf32, #tpu.memory_space<vmem>> -> memref<1x16x2048xf32, #tpu.memory_space<vmem>>
    %dma_start3A_395 = tpu.memref_squeeze %dma_start3A_394 : memref<1x16x2048xf32, #tpu.memory_space<vmem>> -> memref<16x2048xf32, #tpu.memory_space<vmem>>
    %dma_start3A_396 = arith.constant 144 : i32
    %dma_start3A_397 = tpu.memref_slice %arg5[%dma_start3A_396] : memref<256xi32, #tpu.memory_space<vmem>> -> memref<16xi32, #tpu.memory_space<vmem>>
    %dma_start3A_398 = arith.constant 0 : i32
    %dma_start3A_399 = arith.constant 0 : i32
    %dma_start3A_400 = tpu.memref_slice %arg3[%dma_start3A_398, %dma_start3A_399] : memref<128000x2048xf32, #tpu.memory_space<hbm>> -> memref<128000x2048xf32, #tpu.memory_space<hbm>>
    tpu.enqueue_indirect_dma source(%dma_start3A_400 : memref<128000x2048xf32, #tpu.memory_space<hbm>>) target(%dma_start3A_395 : memref<16x2048xf32, #tpu.memory_space<vmem>>) offsets(%dma_start3A_397 : memref<16xi32, #tpu.memory_space<vmem>>) semaphore(%arg7 : memref<!tpu.dma_semaphore, #tpu.memory_space<semaphore_mem>>)
    %dma_wait3A_401 = arith.constant 1 : i32
    %dma_wait3A_402 = arith.constant 0 : i32
    %dma_wait3A_403 = arith.constant 0 : i32
    %dma_wait3A_404 = tpu.memref_slice %arg6[%dma_wait3A_401, %dma_wait3A_402, %dma_wait3A_403] : memref<3x16x2048xf32, #tpu.memory_space<vmem>> -> memref<1x16x2048xf32, #tpu.memory_space<vmem>>
    %dma_wait3A_405 = tpu.memref_squeeze %dma_wait3A_404 : memref<1x16x2048xf32, #tpu.memory_space<vmem>> -> memref<16x2048xf32, #tpu.memory_space<vmem>>
    %dma_wait3A_406 = arith.constant 112 : i32
    %dma_wait3A_407 = tpu.memref_slice %arg5[%dma_wait3A_406] : memref<256xi32, #tpu.memory_space<vmem>> -> memref<16xi32, #tpu.memory_space<vmem>>
    %dma_wait3A_408 = arith.constant 0 : i32
    %dma_wait3A_409 = arith.constant 0 : i32
    %dma_wait3A_410 = tpu.memref_slice %arg3[%dma_wait3A_408, %dma_wait3A_409] : memref<128000x2048xf32, #tpu.memory_space<hbm>> -> memref<128000x2048xf32, #tpu.memory_space<hbm>>
    tpu.wait_indirect_dma semaphore(%arg8 : memref<!tpu.dma_semaphore, #tpu.memory_space<semaphore_mem>>) src(%dma_wait3A_410 : memref<128000x2048xf32, #tpu.memory_space<hbm>>) dst(%dma_wait3A_405 : memref<16x2048xf32, #tpu.memory_space<vmem>>)
    %parallel_loop3A_411 = arith.constant 0 : i32
    %parallel_loop3A_412 = arith.constant 16 : i32
    %parallel_loop3A_413 = arith.constant 1 : i32
    scf.for %parallel_loop3A_848 = %parallel_loop3A_411 to %parallel_loop3A_412 step %parallel_loop3A_413  : i32 {
      %parallel_loop3A_849 = arith.constant 0 : i32
      %parallel_loop3A_850 = arith.constant 128 : i32
      %parallel_loop3A_851 = arith.constant 1 : i32
      scf.for %parallel_loop3A_852 = %parallel_loop3A_849 to %parallel_loop3A_850 step %parallel_loop3A_851  : i32 {
        %parallel_loop3A_853 = arith.constant 16 : i32
        %parallel_loop3A_854 = arith.muli %parallel_loop3A_852, %parallel_loop3A_853 : i32
        %parallel_loop3A_855 = arith.constant 1 : i32
        %parallel_loop3A_856 = arith.index_cast %parallel_loop3A_855 : i32 to index
        %parallel_loop3A_857 = arith.index_cast %parallel_loop3A_848 : i32 to index
        %parallel_loop3A_858 = arith.index_cast %parallel_loop3A_854 : i32 to index
        %parallel_loop3A_859 = tpu.vector_load %arg6[%parallel_loop3A_856, %parallel_loop3A_857, %parallel_loop3A_858] {strides = array<i32>} : memref<3x16x2048xf32, #tpu.memory_space<vmem>>, vector<1x1x16xf32>,
        %parallel_loop3A_860 = vector.shape_cast %parallel_loop3A_859 : vector<1x1x16xf32> to vector<16xf32>
        %parallel_loop3A_861 = arith.constant 45.2548332 : f32
        %parallel_loop3A_862 = vector.broadcast %parallel_loop3A_861 : f32 to vector<16xf32>
        %parallel_loop3A_863 = arith.mulf %parallel_loop3A_860, %parallel_loop3A_862 : vector<16xf32>
        %parallel_loop3A_864 = arith.constant 1 : i32
        %parallel_loop3A_865 = arith.index_cast %parallel_loop3A_864 : i32 to index
        %parallel_loop3A_866 = arith.index_cast %parallel_loop3A_848 : i32 to index
        %parallel_loop3A_867 = arith.index_cast %parallel_loop3A_854 : i32 to index
        %parallel_loop3A_868 = tpu.vector_load %arg6[%parallel_loop3A_865, %parallel_loop3A_866, %parallel_loop3A_867] {strides = array<i32>} : memref<3x16x2048xf32, #tpu.memory_space<vmem>>, vector<1x1x16xf32>,
        %parallel_loop3A_869 = vector.shape_cast %parallel_loop3A_868 : vector<1x1x16xf32> to vector<16xf32>
        %parallel_loop3A_870 = vector.shape_cast %parallel_loop3A_863 : vector<16xf32> to vector<1x1x16xf32>
        tpu.vector_store %arg6[%parallel_loop3A_865, %parallel_loop3A_866, %parallel_loop3A_867], %parallel_loop3A_870 {strides = array<i32>} : memref<3x16x2048xf32, #tpu.memory_space<vmem>>, vector<1x1x16xf32>,
      } {sc.loop_unroll_factor = 16 : i64, sc.parallel_access}
    } {sc.loop_unroll_factor = 1 : i64, sc.parallel_access}
    %add3A_414 = arith.constant 112 : i32
    %add3A_415 = arith.addi %mul3A_2, %add3A_414 : i32
    %dma_start3A_416 = arith.constant 1 : i32
    %dma_start3A_417 = arith.constant 0 : i32
    %dma_start3A_418 = arith.constant 0 : i32
    %dma_start3A_419 = tpu.memref_slice %arg6[%dma_start3A_416, %dma_start3A_417, %dma_start3A_418] : memref<3x16x2048xf32, #tpu.memory_space<vmem>> -> memref<1x16x2048xf32, #tpu.memory_space<vmem>>
    %dma_start3A_420 = tpu.memref_squeeze %dma_start3A_419 : memref<1x16x2048xf32, #tpu.memory_space<vmem>> -> memref<16x2048xf32, #tpu.memory_space<vmem>>
    %dma_start3A_421 = arith.constant 0 : i32
    %dma_start3A_422 = tpu.memref_slice %arg4[%add3A_415, %dma_start3A_421] : memref<8192x2048xf32, #tpu.memory_space<hbm>> -> memref<16x2048xf32, #tpu.memory_space<hbm>>
    %dma_start3A_423 = arith.constant 0 : i32
    %dma_start3A_424 = tpu.memref_slice %arg4[%add3A_415, %dma_start3A_423] : memref<8192x2048xf32, #tpu.memory_space<hbm>> -> memref<16x2048xf32, #tpu.memory_space<hbm>>
    %dma_start3A_425 = arith.constant 0 : i32
    %dma_start3A_426 = arith.constant 0 : i32
    %dma_start3A_427 = tpu.memref_slice %arg6[%dma_start3A_416, %dma_start3A_425, %dma_start3A_426] : memref<3x16x2048xf32, #tpu.memory_space<vmem>> -> memref<1x16x2048xf32, #tpu.memory_space<vmem>>
    %dma_start3A_428 = tpu.memref_squeeze %dma_start3A_427 : memref<1x16x2048xf32, #tpu.memory_space<vmem>> -> memref<16x2048xf32, #tpu.memory_space<vmem>>
    tpu.enqueue_dma source(%dma_start3A_428 : memref<16x2048xf32, #tpu.memory_space<vmem>>) target(%dma_start3A_424 : memref<16x2048xf32, #tpu.memory_space<hbm>>) target_semaphore(%arg11 : memref<!tpu.dma_semaphore, #tpu.memory_space<semaphore_mem>>)
    %add3A_429 = arith.constant 112 : i32
    %add3A_430 = arith.addi %mul3A_2, %add3A_429 : i32
    %dma_wait3A_431 = arith.constant 1 : i32
    %dma_wait3A_432 = arith.constant 0 : i32
    %dma_wait3A_433 = arith.constant 0 : i32
    %dma_wait3A_434 = tpu.memref_slice %arg6[%dma_wait3A_431, %dma_wait3A_432, %dma_wait3A_433] : memref<3x16x2048xf32, #tpu.memory_space<vmem>> -> memref<1x16x2048xf32, #tpu.memory_space<vmem>>
    %dma_wait3A_435 = tpu.memref_squeeze %dma_wait3A_434 : memref<1x16x2048xf32, #tpu.memory_space<vmem>> -> memref<16x2048xf32, #tpu.memory_space<vmem>>
    %dma_wait3A_436 = arith.constant 0 : i32
    %dma_wait3A_437 = tpu.memref_slice %arg4[%add3A_430, %dma_wait3A_436] : memref<8192x2048xf32, #tpu.memory_space<hbm>> -> memref<16x2048xf32, #tpu.memory_space<hbm>>
    %dma_wait3A_438 = arith.constant 0 : i32
    %dma_wait3A_439 = tpu.memref_slice %arg4[%add3A_430, %dma_wait3A_438] : memref<8192x2048xf32, #tpu.memory_space<hbm>> -> memref<16x2048xf32, #tpu.memory_space<hbm>>
    %dma_wait3A_440 = arith.constant 0 : i32
    %dma_wait3A_441 = arith.constant 0 : i32
    %dma_wait3A_442 = tpu.memref_slice %arg6[%dma_wait3A_431, %dma_wait3A_440, %dma_wait3A_441] : memref<3x16x2048xf32, #tpu.memory_space<vmem>> -> memref<1x16x2048xf32, #tpu.memory_space<vmem>>
    %dma_wait3A_443 = tpu.memref_squeeze %dma_wait3A_442 : memref<1x16x2048xf32, #tpu.memory_space<vmem>> -> memref<16x2048xf32, #tpu.memory_space<vmem>>
    tpu.wait_dma2 semaphore(%arg11 : memref<!tpu.dma_semaphore, #tpu.memory_space<semaphore_mem>>) src(%dma_wait3A_443 : memref<16x2048xf32, #tpu.memory_space<vmem>>) dst(%dma_wait3A_439 : memref<16x2048xf32, #tpu.memory_space<hbm>>)
    %dma_start3A_444 = arith.constant 1 : i32
    %dma_start3A_445 = arith.constant 0 : i32
    %dma_start3A_446 = arith.constant 0 : i32
    %dma_start3A_447 = tpu.memref_slice %arg6[%dma_start3A_444, %dma_start3A_445, %dma_start3A_446] : memref<3x16x2048xf32, #tpu.memory_space<vmem>> -> memref<1x16x2048xf32, #tpu.memory_space<vmem>>
    %dma_start3A_448 = tpu.memref_squeeze %dma_start3A_447 : memref<1x16x2048xf32, #tpu.memory_space<vmem>> -> memref<16x2048xf32, #tpu.memory_space<vmem>>
    %dma_start3A_449 = arith.constant 160 : i32
    %dma_start3A_450 = tpu.memref_slice %arg5[%dma_start3A_449] : memref<256xi32, #tpu.memory_space<vmem>> -> memref<16xi32, #tpu.memory_space<vmem>>
    %dma_start3A_451 = arith.constant 0 : i32
    %dma_start3A_452 = arith.constant 0 : i32
    %dma_start3A_453 = tpu.memref_slice %arg3[%dma_start3A_451, %dma_start3A_452] : memref<128000x2048xf32, #tpu.memory_space<hbm>> -> memref<128000x2048xf32, #tpu.memory_space<hbm>>
    tpu.enqueue_indirect_dma source(%dma_start3A_453 : memref<128000x2048xf32, #tpu.memory_space<hbm>>) target(%dma_start3A_448 : memref<16x2048xf32, #tpu.memory_space<vmem>>) offsets(%dma_start3A_450 : memref<16xi32, #tpu.memory_space<vmem>>) semaphore(%arg8 : memref<!tpu.dma_semaphore, #tpu.memory_space<semaphore_mem>>)
    %dma_wait3A_454 = arith.constant 2 : i32
    %dma_wait3A_455 = arith.constant 0 : i32
    %dma_wait3A_456 = arith.constant 0 : i32
    %dma_wait3A_457 = tpu.memref_slice %arg6[%dma_wait3A_454, %dma_wait3A_455, %dma_wait3A_456] : memref<3x16x2048xf32, #tpu.memory_space<vmem>> -> memref<1x16x2048xf32, #tpu.memory_space<vmem>>
    %dma_wait3A_458 = tpu.memref_squeeze %dma_wait3A_457 : memref<1x16x2048xf32, #tpu.memory_space<vmem>> -> memref<16x2048xf32, #tpu.memory_space<vmem>>
    %dma_wait3A_459 = arith.constant 128 : i32
    %dma_wait3A_460 = tpu.memref_slice %arg5[%dma_wait3A_459] : memref<256xi32, #tpu.memory_space<vmem>> -> memref<16xi32, #tpu.memory_space<vmem>>
    %dma_wait3A_461 = arith.constant 0 : i32
    %dma_wait3A_462 = arith.constant 0 : i32
    %dma_wait3A_463 = tpu.memref_slice %arg3[%dma_wait3A_461, %dma_wait3A_462] : memref<128000x2048xf32, #tpu.memory_space<hbm>> -> memref<128000x2048xf32, #tpu.memory_space<hbm>>
    tpu.wait_indirect_dma semaphore(%arg9 : memref<!tpu.dma_semaphore, #tpu.memory_space<semaphore_mem>>) src(%dma_wait3A_463 : memref<128000x2048xf32, #tpu.memory_space<hbm>>) dst(%dma_wait3A_458 : memref<16x2048xf32, #tpu.memory_space<vmem>>)
    %parallel_loop3A_464 = arith.constant 0 : i32
    %parallel_loop3A_465 = arith.constant 16 : i32
    %parallel_loop3A_466 = arith.constant 1 : i32
    scf.for %parallel_loop3A_848 = %parallel_loop3A_464 to %parallel_loop3A_465 step %parallel_loop3A_466  : i32 {
      %parallel_loop3A_849 = arith.constant 0 : i32
      %parallel_loop3A_850 = arith.constant 128 : i32
      %parallel_loop3A_851 = arith.constant 1 : i32
      scf.for %parallel_loop3A_852 = %parallel_loop3A_849 to %parallel_loop3A_850 step %parallel_loop3A_851  : i32 {
        %parallel_loop3A_853 = arith.constant 16 : i32
        %parallel_loop3A_854 = arith.muli %parallel_loop3A_852, %parallel_loop3A_853 : i32
        %parallel_loop3A_855 = arith.constant 2 : i32
        %parallel_loop3A_856 = arith.index_cast %parallel_loop3A_855 : i32 to index
        %parallel_loop3A_857 = arith.index_cast %parallel_loop3A_848 : i32 to index
        %parallel_loop3A_858 = arith.index_cast %parallel_loop3A_854 : i32 to index
        %parallel_loop3A_859 = tpu.vector_load %arg6[%parallel_loop3A_856, %parallel_loop3A_857, %parallel_loop3A_858] {strides = array<i32>} : memref<3x16x2048xf32, #tpu.memory_space<vmem>>, vector<1x1x16xf32>,
        %parallel_loop3A_860 = vector.shape_cast %parallel_loop3A_859 : vector<1x1x16xf32> to vector<16xf32>
        %parallel_loop3A_861 = arith.constant 45.2548332 : f32
        %parallel_loop3A_862 = vector.broadcast %parallel_loop3A_861 : f32 to vector<16xf32>
        %parallel_loop3A_863 = arith.mulf %parallel_loop3A_860, %parallel_loop3A_862 : vector<16xf32>
        %parallel_loop3A_864 = arith.constant 2 : i32
        %parallel_loop3A_865 = arith.index_cast %parallel_loop3A_864 : i32 to index
        %parallel_loop3A_866 = arith.index_cast %parallel_loop3A_848 : i32 to index
        %parallel_loop3A_867 = arith.index_cast %parallel_loop3A_854 : i32 to index
        %parallel_loop3A_868 = tpu.vector_load %arg6[%parallel_loop3A_865, %parallel_loop3A_866, %parallel_loop3A_867] {strides = array<i32>} : memref<3x16x2048xf32, #tpu.memory_space<vmem>>, vector<1x1x16xf32>,
        %parallel_loop3A_869 = vector.shape_cast %parallel_loop3A_868 : vector<1x1x16xf32> to vector<16xf32>
        %parallel_loop3A_870 = vector.shape_cast %parallel_loop3A_863 : vector<16xf32> to vector<1x1x16xf32>
        tpu.vector_store %arg6[%parallel_loop3A_865, %parallel_loop3A_866, %parallel_loop3A_867], %parallel_loop3A_870 {strides = array<i32>} : memref<3x16x2048xf32, #tpu.memory_space<vmem>>, vector<1x1x16xf32>,
      } {sc.loop_unroll_factor = 16 : i64, sc.parallel_access}
    } {sc.loop_unroll_factor = 1 : i64, sc.parallel_access}
    %add3A_467 = arith.constant 128 : i32
    %add3A_468 = arith.addi %mul3A_2, %add3A_467 : i32
    %dma_start3A_469 = arith.constant 2 : i32
    %dma_start3A_470 = arith.constant 0 : i32
    %dma_start3A_471 = arith.constant 0 : i32
    %dma_start3A_472 = tpu.memref_slice %arg6[%dma_start3A_469, %dma_start3A_470, %dma_start3A_471] : memref<3x16x2048xf32, #tpu.memory_space<vmem>> -> memref<1x16x2048xf32, #tpu.memory_space<vmem>>
    %dma_start3A_473 = tpu.memref_squeeze %dma_start3A_472 : memref<1x16x2048xf32, #tpu.memory_space<vmem>> -> memref<16x2048xf32, #tpu.memory_space<vmem>>
    %dma_start3A_474 = arith.constant 0 : i32
    %dma_start3A_475 = tpu.memref_slice %arg4[%add3A_468, %dma_start3A_474] : memref<8192x2048xf32, #tpu.memory_space<hbm>> -> memref<16x2048xf32, #tpu.memory_space<hbm>>
    %dma_start3A_476 = arith.constant 0 : i32
    %dma_start3A_477 = tpu.memref_slice %arg4[%add3A_468, %dma_start3A_476] : memref<8192x2048xf32, #tpu.memory_space<hbm>> -> memref<16x2048xf32, #tpu.memory_space<hbm>>
    %dma_start3A_478 = arith.constant 0 : i32
    %dma_start3A_479 = arith.constant 0 : i32
    %dma_start3A_480 = tpu.memref_slice %arg6[%dma_start3A_469, %dma_start3A_478, %dma_start3A_479] : memref<3x16x2048xf32, #tpu.memory_space<vmem>> -> memref<1x16x2048xf32, #tpu.memory_space<vmem>>
    %dma_start3A_481 = tpu.memref_squeeze %dma_start3A_480 : memref<1x16x2048xf32, #tpu.memory_space<vmem>> -> memref<16x2048xf32, #tpu.memory_space<vmem>>
    tpu.enqueue_dma source(%dma_start3A_481 : memref<16x2048xf32, #tpu.memory_space<vmem>>) target(%dma_start3A_477 : memref<16x2048xf32, #tpu.memory_space<hbm>>) target_semaphore(%arg12 : memref<!tpu.dma_semaphore, #tpu.memory_space<semaphore_mem>>)
    %add3A_482 = arith.constant 128 : i32
    %add3A_483 = arith.addi %mul3A_2, %add3A_482 : i32
    %dma_wait3A_484 = arith.constant 2 : i32
    %dma_wait3A_485 = arith.constant 0 : i32
    %dma_wait3A_486 = arith.constant 0 : i32
    %dma_wait3A_487 = tpu.memref_slice %arg6[%dma_wait3A_484, %dma_wait3A_485, %dma_wait3A_486] : memref<3x16x2048xf32, #tpu.memory_space<vmem>> -> memref<1x16x2048xf32, #tpu.memory_space<vmem>>
    %dma_wait3A_488 = tpu.memref_squeeze %dma_wait3A_487 : memref<1x16x2048xf32, #tpu.memory_space<vmem>> -> memref<16x2048xf32, #tpu.memory_space<vmem>>
    %dma_wait3A_489 = arith.constant 0 : i32
    %dma_wait3A_490 = tpu.memref_slice %arg4[%add3A_483, %dma_wait3A_489] : memref<8192x2048xf32, #tpu.memory_space<hbm>> -> memref<16x2048xf32, #tpu.memory_space<hbm>>
    %dma_wait3A_491 = arith.constant 0 : i32
    %dma_wait3A_492 = tpu.memref_slice %arg4[%add3A_483, %dma_wait3A_491] : memref<8192x2048xf32, #tpu.memory_space<hbm>> -> memref<16x2048xf32, #tpu.memory_space<hbm>>
    %dma_wait3A_493 = arith.constant 0 : i32
    %dma_wait3A_494 = arith.constant 0 : i32
    %dma_wait3A_495 = tpu.memref_slice %arg6[%dma_wait3A_484, %dma_wait3A_493, %dma_wait3A_494] : memref<3x16x2048xf32, #tpu.memory_space<vmem>> -> memref<1x16x2048xf32, #tpu.memory_space<vmem>>
    %dma_wait3A_496 = tpu.memref_squeeze %dma_wait3A_495 : memref<1x16x2048xf32, #tpu.memory_space<vmem>> -> memref<16x2048xf32, #tpu.memory_space<vmem>>
    tpu.wait_dma2 semaphore(%arg12 : memref<!tpu.dma_semaphore, #tpu.memory_space<semaphore_mem>>) src(%dma_wait3A_496 : memref<16x2048xf32, #tpu.memory_space<vmem>>) dst(%dma_wait3A_492 : memref<16x2048xf32, #tpu.memory_space<hbm>>)
    %dma_start3A_497 = arith.constant 2 : i32
    %dma_start3A_498 = arith.constant 0 : i32
    %dma_start3A_499 = arith.constant 0 : i32
    %dma_start3A_500 = tpu.memref_slice %arg6[%dma_start3A_497, %dma_start3A_498, %dma_start3A_499] : memref<3x16x2048xf32, #tpu.memory_space<vmem>> -> memref<1x16x2048xf32, #tpu.memory_space<vmem>>
    %dma_start3A_501 = tpu.memref_squeeze %dma_start3A_500 : memref<1x16x2048xf32, #tpu.memory_space<vmem>> -> memref<16x2048xf32, #tpu.memory_space<vmem>>
    %dma_start3A_502 = arith.constant 176 : i32
    %dma_start3A_503 = tpu.memref_slice %arg5[%dma_start3A_502] : memref<256xi32, #tpu.memory_space<vmem>> -> memref<16xi32, #tpu.memory_space<vmem>>
    %dma_start3A_504 = arith.constant 0 : i32
    %dma_start3A_505 = arith.constant 0 : i32
    %dma_start3A_506 = tpu.memref_slice %arg3[%dma_start3A_504, %dma_start3A_505] : memref<128000x2048xf32, #tpu.memory_space<hbm>> -> memref<128000x2048xf32, #tpu.memory_space<hbm>>
    tpu.enqueue_indirect_dma source(%dma_start3A_506 : memref<128000x2048xf32, #tpu.memory_space<hbm>>) target(%dma_start3A_501 : memref<16x2048xf32, #tpu.memory_space<vmem>>) offsets(%dma_start3A_503 : memref<16xi32, #tpu.memory_space<vmem>>) semaphore(%arg9 : memref<!tpu.dma_semaphore, #tpu.memory_space<semaphore_mem>>)
    %dma_wait3A_507 = arith.constant 0 : i32
    %dma_wait3A_508 = arith.constant 0 : i32
    %dma_wait3A_509 = arith.constant 0 : i32
    %dma_wait3A_510 = tpu.memref_slice %arg6[%dma_wait3A_507, %dma_wait3A_508, %dma_wait3A_509] : memref<3x16x2048xf32, #tpu.memory_space<vmem>> -> memref<1x16x2048xf32, #tpu.memory_space<vmem>>
    %dma_wait3A_511 = tpu.memref_squeeze %dma_wait3A_510 : memref<1x16x2048xf32, #tpu.memory_space<vmem>> -> memref<16x2048xf32, #tpu.memory_space<vmem>>
    %dma_wait3A_512 = arith.constant 144 : i32
    %dma_wait3A_513 = tpu.memref_slice %arg5[%dma_wait3A_512] : memref<256xi32, #tpu.memory_space<vmem>> -> memref<16xi32, #tpu.memory_space<vmem>>
    %dma_wait3A_514 = arith.constant 0 : i32
    %dma_wait3A_515 = arith.constant 0 : i32
    %dma_wait3A_516 = tpu.memref_slice %arg3[%dma_wait3A_514, %dma_wait3A_515] : memref<128000x2048xf32, #tpu.memory_space<hbm>> -> memref<128000x2048xf32, #tpu.memory_space<hbm>>
    tpu.wait_indirect_dma semaphore(%arg7 : memref<!tpu.dma_semaphore, #tpu.memory_space<semaphore_mem>>) src(%dma_wait3A_516 : memref<128000x2048xf32, #tpu.memory_space<hbm>>) dst(%dma_wait3A_511 : memref<16x2048xf32, #tpu.memory_space<vmem>>)
    %parallel_loop3A_517 = arith.constant 0 : i32
    %parallel_loop3A_518 = arith.constant 16 : i32
    %parallel_loop3A_519 = arith.constant 1 : i32
    scf.for %parallel_loop3A_848 = %parallel_loop3A_517 to %parallel_loop3A_518 step %parallel_loop3A_519  : i32 {
      %parallel_loop3A_849 = arith.constant 0 : i32
      %parallel_loop3A_850 = arith.constant 128 : i32
      %parallel_loop3A_851 = arith.constant 1 : i32
      scf.for %parallel_loop3A_852 = %parallel_loop3A_849 to %parallel_loop3A_850 step %parallel_loop3A_851  : i32 {
        %parallel_loop3A_853 = arith.constant 16 : i32
        %parallel_loop3A_854 = arith.muli %parallel_loop3A_852, %parallel_loop3A_853 : i32
        %parallel_loop3A_855 = arith.constant 0 : i32
        %parallel_loop3A_856 = arith.index_cast %parallel_loop3A_855 : i32 to index
        %parallel_loop3A_857 = arith.index_cast %parallel_loop3A_848 : i32 to index
        %parallel_loop3A_858 = arith.index_cast %parallel_loop3A_854 : i32 to index
        %parallel_loop3A_859 = tpu.vector_load %arg6[%parallel_loop3A_856, %parallel_loop3A_857, %parallel_loop3A_858] {strides = array<i32>} : memref<3x16x2048xf32, #tpu.memory_space<vmem>>, vector<1x1x16xf32>,
        %parallel_loop3A_860 = vector.shape_cast %parallel_loop3A_859 : vector<1x1x16xf32> to vector<16xf32>
        %parallel_loop3A_861 = arith.constant 45.2548332 : f32
        %parallel_loop3A_862 = vector.broadcast %parallel_loop3A_861 : f32 to vector<16xf32>
        %parallel_loop3A_863 = arith.mulf %parallel_loop3A_860, %parallel_loop3A_862 : vector<16xf32>
        %parallel_loop3A_864 = arith.constant 0 : i32
        %parallel_loop3A_865 = arith.index_cast %parallel_loop3A_864 : i32 to index
        %parallel_loop3A_866 = arith.index_cast %parallel_loop3A_848 : i32 to index
        %parallel_loop3A_867 = arith.index_cast %parallel_loop3A_854 : i32 to index
        %parallel_loop3A_868 = tpu.vector_load %arg6[%parallel_loop3A_865, %parallel_loop3A_866, %parallel_loop3A_867] {strides = array<i32>} : memref<3x16x2048xf32, #tpu.memory_space<vmem>>, vector<1x1x16xf32>,
        %parallel_loop3A_869 = vector.shape_cast %parallel_loop3A_868 : vector<1x1x16xf32> to vector<16xf32>
        %parallel_loop3A_870 = vector.shape_cast %parallel_loop3A_863 : vector<16xf32> to vector<1x1x16xf32>
        tpu.vector_store %arg6[%parallel_loop3A_865, %parallel_loop3A_866, %parallel_loop3A_867], %parallel_loop3A_870 {strides = array<i32>} : memref<3x16x2048xf32, #tpu.memory_space<vmem>>, vector<1x1x16xf32>,
      } {sc.loop_unroll_factor = 16 : i64, sc.parallel_access}
    } {sc.loop_unroll_factor = 1 : i64, sc.parallel_access}
    %add3A_520 = arith.constant 144 : i32
    %add3A_521 = arith.addi %mul3A_2, %add3A_520 : i32
    %dma_start3A_522 = arith.constant 0 : i32
    %dma_start3A_523 = arith.constant 0 : i32
    %dma_start3A_524 = arith.constant 0 : i32
    %dma_start3A_525 = tpu.memref_slice %arg6[%dma_start3A_522, %dma_start3A_523, %dma_start3A_524] : memref<3x16x2048xf32, #tpu.memory_space<vmem>> -> memref<1x16x2048xf32, #tpu.memory_space<vmem>>
    %dma_start3A_526 = tpu.memref_squeeze %dma_start3A_525 : memref<1x16x2048xf32, #tpu.memory_space<vmem>> -> memref<16x2048xf32, #tpu.memory_space<vmem>>
    %dma_start3A_527 = arith.constant 0 : i32
    %dma_start3A_528 = tpu.memref_slice %arg4[%add3A_521, %dma_start3A_527] : memref<8192x2048xf32, #tpu.memory_space<hbm>> -> memref<16x2048xf32, #tpu.memory_space<hbm>>
    %dma_start3A_529 = arith.constant 0 : i32
    %dma_start3A_530 = tpu.memref_slice %arg4[%add3A_521, %dma_start3A_529] : memref<8192x2048xf32, #tpu.memory_space<hbm>> -> memref<16x2048xf32, #tpu.memory_space<hbm>>
    %dma_start3A_531 = arith.constant 0 : i32
    %dma_start3A_532 = arith.constant 0 : i32
    %dma_start3A_533 = tpu.memref_slice %arg6[%dma_start3A_522, %dma_start3A_531, %dma_start3A_532] : memref<3x16x2048xf32, #tpu.memory_space<vmem>> -> memref<1x16x2048xf32, #tpu.memory_space<vmem>>
    %dma_start3A_534 = tpu.memref_squeeze %dma_start3A_533 : memref<1x16x2048xf32, #tpu.memory_space<vmem>> -> memref<16x2048xf32, #tpu.memory_space<vmem>>
    tpu.enqueue_dma source(%dma_start3A_534 : memref<16x2048xf32, #tpu.memory_space<vmem>>) target(%dma_start3A_530 : memref<16x2048xf32, #tpu.memory_space<hbm>>) target_semaphore(%arg10 : memref<!tpu.dma_semaphore, #tpu.memory_space<semaphore_mem>>)
    %add3A_535 = arith.constant 144 : i32
    %add3A_536 = arith.addi %mul3A_2, %add3A_535 : i32
    %dma_wait3A_537 = arith.constant 0 : i32
    %dma_wait3A_538 = arith.constant 0 : i32
    %dma_wait3A_539 = arith.constant 0 : i32
    %dma_wait3A_540 = tpu.memref_slice %arg6[%dma_wait3A_537, %dma_wait3A_538, %dma_wait3A_539] : memref<3x16x2048xf32, #tpu.memory_space<vmem>> -> memref<1x16x2048xf32, #tpu.memory_space<vmem>>
    %dma_wait3A_541 = tpu.memref_squeeze %dma_wait3A_540 : memref<1x16x2048xf32, #tpu.memory_space<vmem>> -> memref<16x2048xf32, #tpu.memory_space<vmem>>
    %dma_wait3A_542 = arith.constant 0 : i32
    %dma_wait3A_543 = tpu.memref_slice %arg4[%add3A_536, %dma_wait3A_542] : memref<8192x2048xf32, #tpu.memory_space<hbm>> -> memref<16x2048xf32, #tpu.memory_space<hbm>>
    %dma_wait3A_544 = arith.constant 0 : i32
    %dma_wait3A_545 = tpu.memref_slice %arg4[%add3A_536, %dma_wait3A_544] : memref<8192x2048xf32, #tpu.memory_space<hbm>> -> memref<16x2048xf32, #tpu.memory_space<hbm>>
    %dma_wait3A_546 = arith.constant 0 : i32
    %dma_wait3A_547 = arith.constant 0 : i32
    %dma_wait3A_548 = tpu.memref_slice %arg6[%dma_wait3A_537, %dma_wait3A_546, %dma_wait3A_547] : memref<3x16x2048xf32, #tpu.memory_space<vmem>> -> memref<1x16x2048xf32, #tpu.memory_space<vmem>>
    %dma_wait3A_549 = tpu.memref_squeeze %dma_wait3A_548 : memref<1x16x2048xf32, #tpu.memory_space<vmem>> -> memref<16x2048xf32, #tpu.memory_space<vmem>>
    tpu.wait_dma2 semaphore(%arg10 : memref<!tpu.dma_semaphore, #tpu.memory_space<semaphore_mem>>) src(%dma_wait3A_549 : memref<16x2048xf32, #tpu.memory_space<vmem>>) dst(%dma_wait3A_545 : memref<16x2048xf32, #tpu.memory_space<hbm>>)
    %dma_start3A_550 = arith.constant 0 : i32
    %dma_start3A_551 = arith.constant 0 : i32
    %dma_start3A_552 = arith.constant 0 : i32
    %dma_start3A_553 = tpu.memref_slice %arg6[%dma_start3A_550, %dma_start3A_551, %dma_start3A_552] : memref<3x16x2048xf32, #tpu.memory_space<vmem>> -> memref<1x16x2048xf32, #tpu.memory_space<vmem>>
    %dma_start3A_554 = tpu.memref_squeeze %dma_start3A_553 : memref<1x16x2048xf32, #tpu.memory_space<vmem>> -> memref<16x2048xf32, #tpu.memory_space<vmem>>
    %dma_start3A_555 = arith.constant 192 : i32
    %dma_start3A_556 = tpu.memref_slice %arg5[%dma_start3A_555] : memref<256xi32, #tpu.memory_space<vmem>> -> memref<16xi32, #tpu.memory_space<vmem>>
    %dma_start3A_557 = arith.constant 0 : i32
    %dma_start3A_558 = arith.constant 0 : i32
    %dma_start3A_559 = tpu.memref_slice %arg3[%dma_start3A_557, %dma_start3A_558] : memref<128000x2048xf32, #tpu.memory_space<hbm>> -> memref<128000x2048xf32, #tpu.memory_space<hbm>>
    tpu.enqueue_indirect_dma source(%dma_start3A_559 : memref<128000x2048xf32, #tpu.memory_space<hbm>>) target(%dma_start3A_554 : memref<16x2048xf32, #tpu.memory_space<vmem>>) offsets(%dma_start3A_556 : memref<16xi32, #tpu.memory_space<vmem>>) semaphore(%arg7 : memref<!tpu.dma_semaphore, #tpu.memory_space<semaphore_mem>>)
    %dma_wait3A_560 = arith.constant 1 : i32
    %dma_wait3A_561 = arith.constant 0 : i32
    %dma_wait3A_562 = arith.constant 0 : i32
    %dma_wait3A_563 = tpu.memref_slice %arg6[%dma_wait3A_560, %dma_wait3A_561, %dma_wait3A_562] : memref<3x16x2048xf32, #tpu.memory_space<vmem>> -> memref<1x16x2048xf32, #tpu.memory_space<vmem>>
    %dma_wait3A_564 = tpu.memref_squeeze %dma_wait3A_563 : memref<1x16x2048xf32, #tpu.memory_space<vmem>> -> memref<16x2048xf32, #tpu.memory_space<vmem>>
    %dma_wait3A_565 = arith.constant 160 : i32
    %dma_wait3A_566 = tpu.memref_slice %arg5[%dma_wait3A_565] : memref<256xi32, #tpu.memory_space<vmem>> -> memref<16xi32, #tpu.memory_space<vmem>>
    %dma_wait3A_567 = arith.constant 0 : i32
    %dma_wait3A_568 = arith.constant 0 : i32
    %dma_wait3A_569 = tpu.memref_slice %arg3[%dma_wait3A_567, %dma_wait3A_568] : memref<128000x2048xf32, #tpu.memory_space<hbm>> -> memref<128000x2048xf32, #tpu.memory_space<hbm>>
    tpu.wait_indirect_dma semaphore(%arg8 : memref<!tpu.dma_semaphore, #tpu.memory_space<semaphore_mem>>) src(%dma_wait3A_569 : memref<128000x2048xf32, #tpu.memory_space<hbm>>) dst(%dma_wait3A_564 : memref<16x2048xf32, #tpu.memory_space<vmem>>)
    %parallel_loop3A_570 = arith.constant 0 : i32
    %parallel_loop3A_571 = arith.constant 16 : i32
    %parallel_loop3A_572 = arith.constant 1 : i32
    scf.for %parallel_loop3A_848 = %parallel_loop3A_570 to %parallel_loop3A_571 step %parallel_loop3A_572  : i32 {
      %parallel_loop3A_849 = arith.constant 0 : i32
      %parallel_loop3A_850 = arith.constant 128 : i32
      %parallel_loop3A_851 = arith.constant 1 : i32
      scf.for %parallel_loop3A_852 = %parallel_loop3A_849 to %parallel_loop3A_850 step %parallel_loop3A_851  : i32 {
        %parallel_loop3A_853 = arith.constant 16 : i32
        %parallel_loop3A_854 = arith.muli %parallel_loop3A_852, %parallel_loop3A_853 : i32
        %parallel_loop3A_855 = arith.constant 1 : i32
        %parallel_loop3A_856 = arith.index_cast %parallel_loop3A_855 : i32 to index
        %parallel_loop3A_857 = arith.index_cast %parallel_loop3A_848 : i32 to index
        %parallel_loop3A_858 = arith.index_cast %parallel_loop3A_854 : i32 to index
        %parallel_loop3A_859 = tpu.vector_load %arg6[%parallel_loop3A_856, %parallel_loop3A_857, %parallel_loop3A_858] {strides = array<i32>} : memref<3x16x2048xf32, #tpu.memory_space<vmem>>, vector<1x1x16xf32>,
        %parallel_loop3A_860 = vector.shape_cast %parallel_loop3A_859 : vector<1x1x16xf32> to vector<16xf32>
        %parallel_loop3A_861 = arith.constant 45.2548332 : f32
        %parallel_loop3A_862 = vector.broadcast %parallel_loop3A_861 : f32 to vector<16xf32>
        %parallel_loop3A_863 = arith.mulf %parallel_loop3A_860, %parallel_loop3A_862 : vector<16xf32>
        %parallel_loop3A_864 = arith.constant 1 : i32
        %parallel_loop3A_865 = arith.index_cast %parallel_loop3A_864 : i32 to index
        %parallel_loop3A_866 = arith.index_cast %parallel_loop3A_848 : i32 to index
        %parallel_loop3A_867 = arith.index_cast %parallel_loop3A_854 : i32 to index
        %parallel_loop3A_868 = tpu.vector_load %arg6[%parallel_loop3A_865, %parallel_loop3A_866, %parallel_loop3A_867] {strides = array<i32>} : memref<3x16x2048xf32, #tpu.memory_space<vmem>>, vector<1x1x16xf32>,
        %parallel_loop3A_869 = vector.shape_cast %parallel_loop3A_868 : vector<1x1x16xf32> to vector<16xf32>
        %parallel_loop3A_870 = vector.shape_cast %parallel_loop3A_863 : vector<16xf32> to vector<1x1x16xf32>
        tpu.vector_store %arg6[%parallel_loop3A_865, %parallel_loop3A_866, %parallel_loop3A_867], %parallel_loop3A_870 {strides = array<i32>} : memref<3x16x2048xf32, #tpu.memory_space<vmem>>, vector<1x1x16xf32>,
      } {sc.loop_unroll_factor = 16 : i64, sc.parallel_access}
    } {sc.loop_unroll_factor = 1 : i64, sc.parallel_access}
    %add3A_573 = arith.constant 160 : i32
    %add3A_574 = arith.addi %mul3A_2, %add3A_573 : i32
    %dma_start3A_575 = arith.constant 1 : i32
    %dma_start3A_576 = arith.constant 0 : i32
    %dma_start3A_577 = arith.constant 0 : i32
    %dma_start3A_578 = tpu.memref_slice %arg6[%dma_start3A_575, %dma_start3A_576, %dma_start3A_577] : memref<3x16x2048xf32, #tpu.memory_space<vmem>> -> memref<1x16x2048xf32, #tpu.memory_space<vmem>>
    %dma_start3A_579 = tpu.memref_squeeze %dma_start3A_578 : memref<1x16x2048xf32, #tpu.memory_space<vmem>> -> memref<16x2048xf32, #tpu.memory_space<vmem>>
    %dma_start3A_580 = arith.constant 0 : i32
    %dma_start3A_581 = tpu.memref_slice %arg4[%add3A_574, %dma_start3A_580] : memref<8192x2048xf32, #tpu.memory_space<hbm>> -> memref<16x2048xf32, #tpu.memory_space<hbm>>
    %dma_start3A_582 = arith.constant 0 : i32
    %dma_start3A_583 = tpu.memref_slice %arg4[%add3A_574, %dma_start3A_582] : memref<8192x2048xf32, #tpu.memory_space<hbm>> -> memref<16x2048xf32, #tpu.memory_space<hbm>>
    %dma_start3A_584 = arith.constant 0 : i32
    %dma_start3A_585 = arith.constant 0 : i32
    %dma_start3A_586 = tpu.memref_slice %arg6[%dma_start3A_575, %dma_start3A_584, %dma_start3A_585] : memref<3x16x2048xf32, #tpu.memory_space<vmem>> -> memref<1x16x2048xf32, #tpu.memory_space<vmem>>
    %dma_start3A_587 = tpu.memref_squeeze %dma_start3A_586 : memref<1x16x2048xf32, #tpu.memory_space<vmem>> -> memref<16x2048xf32, #tpu.memory_space<vmem>>
    tpu.enqueue_dma source(%dma_start3A_587 : memref<16x2048xf32, #tpu.memory_space<vmem>>) target(%dma_start3A_583 : memref<16x2048xf32, #tpu.memory_space<hbm>>) target_semaphore(%arg11 : memref<!tpu.dma_semaphore, #tpu.memory_space<semaphore_mem>>)
    %add3A_588 = arith.constant 160 : i32
    %add3A_589 = arith.addi %mul3A_2, %add3A_588 : i32
    %dma_wait3A_590 = arith.constant 1 : i32
    %dma_wait3A_591 = arith.constant 0 : i32
    %dma_wait3A_592 = arith.constant 0 : i32
    %dma_wait3A_593 = tpu.memref_slice %arg6[%dma_wait3A_590, %dma_wait3A_591, %dma_wait3A_592] : memref<3x16x2048xf32, #tpu.memory_space<vmem>> -> memref<1x16x2048xf32, #tpu.memory_space<vmem>>
    %dma_wait3A_594 = tpu.memref_squeeze %dma_wait3A_593 : memref<1x16x2048xf32, #tpu.memory_space<vmem>> -> memref<16x2048xf32, #tpu.memory_space<vmem>>
    %dma_wait3A_595 = arith.constant 0 : i32
    %dma_wait3A_596 = tpu.memref_slice %arg4[%add3A_589, %dma_wait3A_595] : memref<8192x2048xf32, #tpu.memory_space<hbm>> -> memref<16x2048xf32, #tpu.memory_space<hbm>>
    %dma_wait3A_597 = arith.constant 0 : i32
    %dma_wait3A_598 = tpu.memref_slice %arg4[%add3A_589, %dma_wait3A_597] : memref<8192x2048xf32, #tpu.memory_space<hbm>> -> memref<16x2048xf32, #tpu.memory_space<hbm>>
    %dma_wait3A_599 = arith.constant 0 : i32
    %dma_wait3A_600 = arith.constant 0 : i32
    %dma_wait3A_601 = tpu.memref_slice %arg6[%dma_wait3A_590, %dma_wait3A_599, %dma_wait3A_600] : memref<3x16x2048xf32, #tpu.memory_space<vmem>> -> memref<1x16x2048xf32, #tpu.memory_space<vmem>>
    %dma_wait3A_602 = tpu.memref_squeeze %dma_wait3A_601 : memref<1x16x2048xf32, #tpu.memory_space<vmem>> -> memref<16x2048xf32, #tpu.memory_space<vmem>>
    tpu.wait_dma2 semaphore(%arg11 : memref<!tpu.dma_semaphore, #tpu.memory_space<semaphore_mem>>) src(%dma_wait3A_602 : memref<16x2048xf32, #tpu.memory_space<vmem>>) dst(%dma_wait3A_598 : memref<16x2048xf32, #tpu.memory_space<hbm>>)
    %dma_start3A_603 = arith.constant 1 : i32
    %dma_start3A_604 = arith.constant 0 : i32
    %dma_start3A_605 = arith.constant 0 : i32
    %dma_start3A_606 = tpu.memref_slice %arg6[%dma_start3A_603, %dma_start3A_604, %dma_start3A_605] : memref<3x16x2048xf32, #tpu.memory_space<vmem>> -> memref<1x16x2048xf32, #tpu.memory_space<vmem>>
    %dma_start3A_607 = tpu.memref_squeeze %dma_start3A_606 : memref<1x16x2048xf32, #tpu.memory_space<vmem>> -> memref<16x2048xf32, #tpu.memory_space<vmem>>
    %dma_start3A_608 = arith.constant 208 : i32
    %dma_start3A_609 = tpu.memref_slice %arg5[%dma_start3A_608] : memref<256xi32, #tpu.memory_space<vmem>> -> memref<16xi32, #tpu.memory_space<vmem>>
    %dma_start3A_610 = arith.constant 0 : i32
    %dma_start3A_611 = arith.constant 0 : i32
    %dma_start3A_612 = tpu.memref_slice %arg3[%dma_start3A_610, %dma_start3A_611] : memref<128000x2048xf32, #tpu.memory_space<hbm>> -> memref<128000x2048xf32, #tpu.memory_space<hbm>>
    tpu.enqueue_indirect_dma source(%dma_start3A_612 : memref<128000x2048xf32, #tpu.memory_space<hbm>>) target(%dma_start3A_607 : memref<16x2048xf32, #tpu.memory_space<vmem>>) offsets(%dma_start3A_609 : memref<16xi32, #tpu.memory_space<vmem>>) semaphore(%arg8 : memref<!tpu.dma_semaphore, #tpu.memory_space<semaphore_mem>>)
    %dma_wait3A_613 = arith.constant 2 : i32
    %dma_wait3A_614 = arith.constant 0 : i32
    %dma_wait3A_615 = arith.constant 0 : i32
    %dma_wait3A_616 = tpu.memref_slice %arg6[%dma_wait3A_613, %dma_wait3A_614, %dma_wait3A_615] : memref<3x16x2048xf32, #tpu.memory_space<vmem>> -> memref<1x16x2048xf32, #tpu.memory_space<vmem>>
    %dma_wait3A_617 = tpu.memref_squeeze %dma_wait3A_616 : memref<1x16x2048xf32, #tpu.memory_space<vmem>> -> memref<16x2048xf32, #tpu.memory_space<vmem>>
    %dma_wait3A_618 = arith.constant 176 : i32
    %dma_wait3A_619 = tpu.memref_slice %arg5[%dma_wait3A_618] : memref<256xi32, #tpu.memory_space<vmem>> -> memref<16xi32, #tpu.memory_space<vmem>>
    %dma_wait3A_620 = arith.constant 0 : i32
    %dma_wait3A_621 = arith.constant 0 : i32
    %dma_wait3A_622 = tpu.memref_slice %arg3[%dma_wait3A_620, %dma_wait3A_621] : memref<128000x2048xf32, #tpu.memory_space<hbm>> -> memref<128000x2048xf32, #tpu.memory_space<hbm>>
    tpu.wait_indirect_dma semaphore(%arg9 : memref<!tpu.dma_semaphore, #tpu.memory_space<semaphore_mem>>) src(%dma_wait3A_622 : memref<128000x2048xf32, #tpu.memory_space<hbm>>) dst(%dma_wait3A_617 : memref<16x2048xf32, #tpu.memory_space<vmem>>)
    %parallel_loop3A_623 = arith.constant 0 : i32
    %parallel_loop3A_624 = arith.constant 16 : i32
    %parallel_loop3A_625 = arith.constant 1 : i32
    scf.for %parallel_loop3A_848 = %parallel_loop3A_623 to %parallel_loop3A_624 step %parallel_loop3A_625  : i32 {
      %parallel_loop3A_849 = arith.constant 0 : i32
      %parallel_loop3A_850 = arith.constant 128 : i32
      %parallel_loop3A_851 = arith.constant 1 : i32
      scf.for %parallel_loop3A_852 = %parallel_loop3A_849 to %parallel_loop3A_850 step %parallel_loop3A_851  : i32 {
        %parallel_loop3A_853 = arith.constant 16 : i32
        %parallel_loop3A_854 = arith.muli %parallel_loop3A_852, %parallel_loop3A_853 : i32
        %parallel_loop3A_855 = arith.constant 2 : i32
        %parallel_loop3A_856 = arith.index_cast %parallel_loop3A_855 : i32 to index
        %parallel_loop3A_857 = arith.index_cast %parallel_loop3A_848 : i32 to index
        %parallel_loop3A_858 = arith.index_cast %parallel_loop3A_854 : i32 to index
        %parallel_loop3A_859 = tpu.vector_load %arg6[%parallel_loop3A_856, %parallel_loop3A_857, %parallel_loop3A_858] {strides = array<i32>} : memref<3x16x2048xf32, #tpu.memory_space<vmem>>, vector<1x1x16xf32>,
        %parallel_loop3A_860 = vector.shape_cast %parallel_loop3A_859 : vector<1x1x16xf32> to vector<16xf32>
        %parallel_loop3A_861 = arith.constant 45.2548332 : f32
        %parallel_loop3A_862 = vector.broadcast %parallel_loop3A_861 : f32 to vector<16xf32>
        %parallel_loop3A_863 = arith.mulf %parallel_loop3A_860, %parallel_loop3A_862 : vector<16xf32>
        %parallel_loop3A_864 = arith.constant 2 : i32
        %parallel_loop3A_865 = arith.index_cast %parallel_loop3A_864 : i32 to index
        %parallel_loop3A_866 = arith.index_cast %parallel_loop3A_848 : i32 to index
        %parallel_loop3A_867 = arith.index_cast %parallel_loop3A_854 : i32 to index
        %parallel_loop3A_868 = tpu.vector_load %arg6[%parallel_loop3A_865, %parallel_loop3A_866, %parallel_loop3A_867] {strides = array<i32>} : memref<3x16x2048xf32, #tpu.memory_space<vmem>>, vector<1x1x16xf32>,
        %parallel_loop3A_869 = vector.shape_cast %parallel_loop3A_868 : vector<1x1x16xf32> to vector<16xf32>
        %parallel_loop3A_870 = vector.shape_cast %parallel_loop3A_863 : vector<16xf32> to vector<1x1x16xf32>
        tpu.vector_store %arg6[%parallel_loop3A_865, %parallel_loop3A_866, %parallel_loop3A_867], %parallel_loop3A_870 {strides = array<i32>} : memref<3x16x2048xf32, #tpu.memory_space<vmem>>, vector<1x1x16xf32>,
      } {sc.loop_unroll_factor = 16 : i64, sc.parallel_access}
    } {sc.loop_unroll_factor = 1 : i64, sc.parallel_access}
    %add3A_626 = arith.constant 176 : i32
    %add3A_627 = arith.addi %mul3A_2, %add3A_626 : i32
    %dma_start3A_628 = arith.constant 2 : i32
    %dma_start3A_629 = arith.constant 0 : i32
    %dma_start3A_630 = arith.constant 0 : i32
    %dma_start3A_631 = tpu.memref_slice %arg6[%dma_start3A_628, %dma_start3A_629, %dma_start3A_630] : memref<3x16x2048xf32, #tpu.memory_space<vmem>> -> memref<1x16x2048xf32, #tpu.memory_space<vmem>>
    %dma_start3A_632 = tpu.memref_squeeze %dma_start3A_631 : memref<1x16x2048xf32, #tpu.memory_space<vmem>> -> memref<16x2048xf32, #tpu.memory_space<vmem>>
    %dma_start3A_633 = arith.constant 0 : i32
    %dma_start3A_634 = tpu.memref_slice %arg4[%add3A_627, %dma_start3A_633] : memref<8192x2048xf32, #tpu.memory_space<hbm>> -> memref<16x2048xf32, #tpu.memory_space<hbm>>
    %dma_start3A_635 = arith.constant 0 : i32
    %dma_start3A_636 = tpu.memref_slice %arg4[%add3A_627, %dma_start3A_635] : memref<8192x2048xf32, #tpu.memory_space<hbm>> -> memref<16x2048xf32, #tpu.memory_space<hbm>>
    %dma_start3A_637 = arith.constant 0 : i32
    %dma_start3A_638 = arith.constant 0 : i32
    %dma_start3A_639 = tpu.memref_slice %arg6[%dma_start3A_628, %dma_start3A_637, %dma_start3A_638] : memref<3x16x2048xf32, #tpu.memory_space<vmem>> -> memref<1x16x2048xf32, #tpu.memory_space<vmem>>
    %dma_start3A_640 = tpu.memref_squeeze %dma_start3A_639 : memref<1x16x2048xf32, #tpu.memory_space<vmem>> -> memref<16x2048xf32, #tpu.memory_space<vmem>>
    tpu.enqueue_dma source(%dma_start3A_640 : memref<16x2048xf32, #tpu.memory_space<vmem>>) target(%dma_start3A_636 : memref<16x2048xf32, #tpu.memory_space<hbm>>) target_semaphore(%arg12 : memref<!tpu.dma_semaphore, #tpu.memory_space<semaphore_mem>>)
    %add3A_641 = arith.constant 176 : i32
    %add3A_642 = arith.addi %mul3A_2, %add3A_641 : i32
    %dma_wait3A_643 = arith.constant 2 : i32
    %dma_wait3A_644 = arith.constant 0 : i32
    %dma_wait3A_645 = arith.constant 0 : i32
    %dma_wait3A_646 = tpu.memref_slice %arg6[%dma_wait3A_643, %dma_wait3A_644, %dma_wait3A_645] : memref<3x16x2048xf32, #tpu.memory_space<vmem>> -> memref<1x16x2048xf32, #tpu.memory_space<vmem>>
    %dma_wait3A_647 = tpu.memref_squeeze %dma_wait3A_646 : memref<1x16x2048xf32, #tpu.memory_space<vmem>> -> memref<16x2048xf32, #tpu.memory_space<vmem>>
    %dma_wait3A_648 = arith.constant 0 : i32
    %dma_wait3A_649 = tpu.memref_slice %arg4[%add3A_642, %dma_wait3A_648] : memref<8192x2048xf32, #tpu.memory_space<hbm>> -> memref<16x2048xf32, #tpu.memory_space<hbm>>
    %dma_wait3A_650 = arith.constant 0 : i32
    %dma_wait3A_651 = tpu.memref_slice %arg4[%add3A_642, %dma_wait3A_650] : memref<8192x2048xf32, #tpu.memory_space<hbm>> -> memref<16x2048xf32, #tpu.memory_space<hbm>>
    %dma_wait3A_652 = arith.constant 0 : i32
    %dma_wait3A_653 = arith.constant 0 : i32
    %dma_wait3A_654 = tpu.memref_slice %arg6[%dma_wait3A_643, %dma_wait3A_652, %dma_wait3A_653] : memref<3x16x2048xf32, #tpu.memory_space<vmem>> -> memref<1x16x2048xf32, #tpu.memory_space<vmem>>
    %dma_wait3A_655 = tpu.memref_squeeze %dma_wait3A_654 : memref<1x16x2048xf32, #tpu.memory_space<vmem>> -> memref<16x2048xf32, #tpu.memory_space<vmem>>
    tpu.wait_dma2 semaphore(%arg12 : memref<!tpu.dma_semaphore, #tpu.memory_space<semaphore_mem>>) src(%dma_wait3A_655 : memref<16x2048xf32, #tpu.memory_space<vmem>>) dst(%dma_wait3A_651 : memref<16x2048xf32, #tpu.memory_space<hbm>>)
    %dma_start3A_656 = arith.constant 2 : i32
    %dma_start3A_657 = arith.constant 0 : i32
    %dma_start3A_658 = arith.constant 0 : i32
    %dma_start3A_659 = tpu.memref_slice %arg6[%dma_start3A_656, %dma_start3A_657, %dma_start3A_658] : memref<3x16x2048xf32, #tpu.memory_space<vmem>> -> memref<1x16x2048xf32, #tpu.memory_space<vmem>>
    %dma_start3A_660 = tpu.memref_squeeze %dma_start3A_659 : memref<1x16x2048xf32, #tpu.memory_space<vmem>> -> memref<16x2048xf32, #tpu.memory_space<vmem>>
    %dma_start3A_661 = arith.constant 224 : i32
    %dma_start3A_662 = tpu.memref_slice %arg5[%dma_start3A_661] : memref<256xi32, #tpu.memory_space<vmem>> -> memref<16xi32, #tpu.memory_space<vmem>>
    %dma_start3A_663 = arith.constant 0 : i32
    %dma_start3A_664 = arith.constant 0 : i32
    %dma_start3A_665 = tpu.memref_slice %arg3[%dma_start3A_663, %dma_start3A_664] : memref<128000x2048xf32, #tpu.memory_space<hbm>> -> memref<128000x2048xf32, #tpu.memory_space<hbm>>
    tpu.enqueue_indirect_dma source(%dma_start3A_665 : memref<128000x2048xf32, #tpu.memory_space<hbm>>) target(%dma_start3A_660 : memref<16x2048xf32, #tpu.memory_space<vmem>>) offsets(%dma_start3A_662 : memref<16xi32, #tpu.memory_space<vmem>>) semaphore(%arg9 : memref<!tpu.dma_semaphore, #tpu.memory_space<semaphore_mem>>)
    %dma_wait3A_666 = arith.constant 0 : i32
    %dma_wait3A_667 = arith.constant 0 : i32
    %dma_wait3A_668 = arith.constant 0 : i32
    %dma_wait3A_669 = tpu.memref_slice %arg6[%dma_wait3A_666, %dma_wait3A_667, %dma_wait3A_668] : memref<3x16x2048xf32, #tpu.memory_space<vmem>> -> memref<1x16x2048xf32, #tpu.memory_space<vmem>>
    %dma_wait3A_670 = tpu.memref_squeeze %dma_wait3A_669 : memref<1x16x2048xf32, #tpu.memory_space<vmem>> -> memref<16x2048xf32, #tpu.memory_space<vmem>>
    %dma_wait3A_671 = arith.constant 192 : i32
    %dma_wait3A_672 = tpu.memref_slice %arg5[%dma_wait3A_671] : memref<256xi32, #tpu.memory_space<vmem>> -> memref<16xi32, #tpu.memory_space<vmem>>
    %dma_wait3A_673 = arith.constant 0 : i32
    %dma_wait3A_674 = arith.constant 0 : i32
    %dma_wait3A_675 = tpu.memref_slice %arg3[%dma_wait3A_673, %dma_wait3A_674] : memref<128000x2048xf32, #tpu.memory_space<hbm>> -> memref<128000x2048xf32, #tpu.memory_space<hbm>>
    tpu.wait_indirect_dma semaphore(%arg7 : memref<!tpu.dma_semaphore, #tpu.memory_space<semaphore_mem>>) src(%dma_wait3A_675 : memref<128000x2048xf32, #tpu.memory_space<hbm>>) dst(%dma_wait3A_670 : memref<16x2048xf32, #tpu.memory_space<vmem>>)
    %parallel_loop3A_676 = arith.constant 0 : i32
    %parallel_loop3A_677 = arith.constant 16 : i32
    %parallel_loop3A_678 = arith.constant 1 : i32
    scf.for %parallel_loop3A_848 = %parallel_loop3A_676 to %parallel_loop3A_677 step %parallel_loop3A_678  : i32 {
      %parallel_loop3A_849 = arith.constant 0 : i32
      %parallel_loop3A_850 = arith.constant 128 : i32
      %parallel_loop3A_851 = arith.constant 1 : i32
      scf.for %parallel_loop3A_852 = %parallel_loop3A_849 to %parallel_loop3A_850 step %parallel_loop3A_851  : i32 {
        %parallel_loop3A_853 = arith.constant 16 : i32
        %parallel_loop3A_854 = arith.muli %parallel_loop3A_852, %parallel_loop3A_853 : i32
        %parallel_loop3A_855 = arith.constant 0 : i32
        %parallel_loop3A_856 = arith.index_cast %parallel_loop3A_855 : i32 to index
        %parallel_loop3A_857 = arith.index_cast %parallel_loop3A_848 : i32 to index
        %parallel_loop3A_858 = arith.index_cast %parallel_loop3A_854 : i32 to index
        %parallel_loop3A_859 = tpu.vector_load %arg6[%parallel_loop3A_856, %parallel_loop3A_857, %parallel_loop3A_858] {strides = array<i32>} : memref<3x16x2048xf32, #tpu.memory_space<vmem>>, vector<1x1x16xf32>,
        %parallel_loop3A_860 = vector.shape_cast %parallel_loop3A_859 : vector<1x1x16xf32> to vector<16xf32>
        %parallel_loop3A_861 = arith.constant 45.2548332 : f32
        %parallel_loop3A_862 = vector.broadcast %parallel_loop3A_861 : f32 to vector<16xf32>
        %parallel_loop3A_863 = arith.mulf %parallel_loop3A_860, %parallel_loop3A_862 : vector<16xf32>
        %parallel_loop3A_864 = arith.constant 0 : i32
        %parallel_loop3A_865 = arith.index_cast %parallel_loop3A_864 : i32 to index
        %parallel_loop3A_866 = arith.index_cast %parallel_loop3A_848 : i32 to index
        %parallel_loop3A_867 = arith.index_cast %parallel_loop3A_854 : i32 to index
        %parallel_loop3A_868 = tpu.vector_load %arg6[%parallel_loop3A_865, %parallel_loop3A_866, %parallel_loop3A_867] {strides = array<i32>} : memref<3x16x2048xf32, #tpu.memory_space<vmem>>, vector<1x1x16xf32>,
        %parallel_loop3A_869 = vector.shape_cast %parallel_loop3A_868 : vector<1x1x16xf32> to vector<16xf32>
        %parallel_loop3A_870 = vector.shape_cast %parallel_loop3A_863 : vector<16xf32> to vector<1x1x16xf32>
        tpu.vector_store %arg6[%parallel_loop3A_865, %parallel_loop3A_866, %parallel_loop3A_867], %parallel_loop3A_870 {strides = array<i32>} : memref<3x16x2048xf32, #tpu.memory_space<vmem>>, vector<1x1x16xf32>,
      } {sc.loop_unroll_factor = 16 : i64, sc.parallel_access}
    } {sc.loop_unroll_factor = 1 : i64, sc.parallel_access}
    %add3A_679 = arith.constant 192 : i32
    %add3A_680 = arith.addi %mul3A_2, %add3A_679 : i32
    %dma_start3A_681 = arith.constant 0 : i32
    %dma_start3A_682 = arith.constant 0 : i32
    %dma_start3A_683 = arith.constant 0 : i32
    %dma_start3A_684 = tpu.memref_slice %arg6[%dma_start3A_681, %dma_start3A_682, %dma_start3A_683] : memref<3x16x2048xf32, #tpu.memory_space<vmem>> -> memref<1x16x2048xf32, #tpu.memory_space<vmem>>
    %dma_start3A_685 = tpu.memref_squeeze %dma_start3A_684 : memref<1x16x2048xf32, #tpu.memory_space<vmem>> -> memref<16x2048xf32, #tpu.memory_space<vmem>>
    %dma_start3A_686 = arith.constant 0 : i32
    %dma_start3A_687 = tpu.memref_slice %arg4[%add3A_680, %dma_start3A_686] : memref<8192x2048xf32, #tpu.memory_space<hbm>> -> memref<16x2048xf32, #tpu.memory_space<hbm>>
    %dma_start3A_688 = arith.constant 0 : i32
    %dma_start3A_689 = tpu.memref_slice %arg4[%add3A_680, %dma_start3A_688] : memref<8192x2048xf32, #tpu.memory_space<hbm>> -> memref<16x2048xf32, #tpu.memory_space<hbm>>
    %dma_start3A_690 = arith.constant 0 : i32
    %dma_start3A_691 = arith.constant 0 : i32
    %dma_start3A_692 = tpu.memref_slice %arg6[%dma_start3A_681, %dma_start3A_690, %dma_start3A_691] : memref<3x16x2048xf32, #tpu.memory_space<vmem>> -> memref<1x16x2048xf32, #tpu.memory_space<vmem>>
    %dma_start3A_693 = tpu.memref_squeeze %dma_start3A_692 : memref<1x16x2048xf32, #tpu.memory_space<vmem>> -> memref<16x2048xf32, #tpu.memory_space<vmem>>
    tpu.enqueue_dma source(%dma_start3A_693 : memref<16x2048xf32, #tpu.memory_space<vmem>>) target(%dma_start3A_689 : memref<16x2048xf32, #tpu.memory_space<hbm>>) target_semaphore(%arg10 : memref<!tpu.dma_semaphore, #tpu.memory_space<semaphore_mem>>)
    %add3A_694 = arith.constant 192 : i32
    %add3A_695 = arith.addi %mul3A_2, %add3A_694 : i32
    %dma_wait3A_696 = arith.constant 0 : i32
    %dma_wait3A_697 = arith.constant 0 : i32
    %dma_wait3A_698 = arith.constant 0 : i32
    %dma_wait3A_699 = tpu.memref_slice %arg6[%dma_wait3A_696, %dma_wait3A_697, %dma_wait3A_698] : memref<3x16x2048xf32, #tpu.memory_space<vmem>> -> memref<1x16x2048xf32, #tpu.memory_space<vmem>>
    %dma_wait3A_700 = tpu.memref_squeeze %dma_wait3A_699 : memref<1x16x2048xf32, #tpu.memory_space<vmem>> -> memref<16x2048xf32, #tpu.memory_space<vmem>>
    %dma_wait3A_701 = arith.constant 0 : i32
    %dma_wait3A_702 = tpu.memref_slice %arg4[%add3A_695, %dma_wait3A_701] : memref<8192x2048xf32, #tpu.memory_space<hbm>> -> memref<16x2048xf32, #tpu.memory_space<hbm>>
    %dma_wait3A_703 = arith.constant 0 : i32
    %dma_wait3A_704 = tpu.memref_slice %arg4[%add3A_695, %dma_wait3A_703] : memref<8192x2048xf32, #tpu.memory_space<hbm>> -> memref<16x2048xf32, #tpu.memory_space<hbm>>
    %dma_wait3A_705 = arith.constant 0 : i32
    %dma_wait3A_706 = arith.constant 0 : i32
    %dma_wait3A_707 = tpu.memref_slice %arg6[%dma_wait3A_696, %dma_wait3A_705, %dma_wait3A_706] : memref<3x16x2048xf32, #tpu.memory_space<vmem>> -> memref<1x16x2048xf32, #tpu.memory_space<vmem>>
    %dma_wait3A_708 = tpu.memref_squeeze %dma_wait3A_707 : memref<1x16x2048xf32, #tpu.memory_space<vmem>> -> memref<16x2048xf32, #tpu.memory_space<vmem>>
    tpu.wait_dma2 semaphore(%arg10 : memref<!tpu.dma_semaphore, #tpu.memory_space<semaphore_mem>>) src(%dma_wait3A_708 : memref<16x2048xf32, #tpu.memory_space<vmem>>) dst(%dma_wait3A_704 : memref<16x2048xf32, #tpu.memory_space<hbm>>)
    %dma_start3A_709 = arith.constant 0 : i32
    %dma_start3A_710 = arith.constant 0 : i32
    %dma_start3A_711 = arith.constant 0 : i32
    %dma_start3A_712 = tpu.memref_slice %arg6[%dma_start3A_709, %dma_start3A_710, %dma_start3A_711] : memref<3x16x2048xf32, #tpu.memory_space<vmem>> -> memref<1x16x2048xf32, #tpu.memory_space<vmem>>
    %dma_start3A_713 = tpu.memref_squeeze %dma_start3A_712 : memref<1x16x2048xf32, #tpu.memory_space<vmem>> -> memref<16x2048xf32, #tpu.memory_space<vmem>>
    %dma_start3A_714 = arith.constant 240 : i32
    %dma_start3A_715 = tpu.memref_slice %arg5[%dma_start3A_714] : memref<256xi32, #tpu.memory_space<vmem>> -> memref<16xi32, #tpu.memory_space<vmem>>
    %dma_start3A_716 = arith.constant 0 : i32
    %dma_start3A_717 = arith.constant 0 : i32
    %dma_start3A_718 = tpu.memref_slice %arg3[%dma_start3A_716, %dma_start3A_717] : memref<128000x2048xf32, #tpu.memory_space<hbm>> -> memref<128000x2048xf32, #tpu.memory_space<hbm>>
    tpu.enqueue_indirect_dma source(%dma_start3A_718 : memref<128000x2048xf32, #tpu.memory_space<hbm>>) target(%dma_start3A_713 : memref<16x2048xf32, #tpu.memory_space<vmem>>) offsets(%dma_start3A_715 : memref<16xi32, #tpu.memory_space<vmem>>) semaphore(%arg7 : memref<!tpu.dma_semaphore, #tpu.memory_space<semaphore_mem>>)
    %dma_wait3A_719 = arith.constant 1 : i32
    %dma_wait3A_720 = arith.constant 0 : i32
    %dma_wait3A_721 = arith.constant 0 : i32
    %dma_wait3A_722 = tpu.memref_slice %arg6[%dma_wait3A_719, %dma_wait3A_720, %dma_wait3A_721] : memref<3x16x2048xf32, #tpu.memory_space<vmem>> -> memref<1x16x2048xf32, #tpu.memory_space<vmem>>
    %dma_wait3A_723 = tpu.memref_squeeze %dma_wait3A_722 : memref<1x16x2048xf32, #tpu.memory_space<vmem>> -> memref<16x2048xf32, #tpu.memory_space<vmem>>
    %dma_wait3A_724 = arith.constant 208 : i32
    %dma_wait3A_725 = tpu.memref_slice %arg5[%dma_wait3A_724] : memref<256xi32, #tpu.memory_space<vmem>> -> memref<16xi32, #tpu.memory_space<vmem>>
    %dma_wait3A_726 = arith.constant 0 : i32
    %dma_wait3A_727 = arith.constant 0 : i32
    %dma_wait3A_728 = tpu.memref_slice %arg3[%dma_wait3A_726, %dma_wait3A_727] : memref<128000x2048xf32, #tpu.memory_space<hbm>> -> memref<128000x2048xf32, #tpu.memory_space<hbm>>
    tpu.wait_indirect_dma semaphore(%arg8 : memref<!tpu.dma_semaphore, #tpu.memory_space<semaphore_mem>>) src(%dma_wait3A_728 : memref<128000x2048xf32, #tpu.memory_space<hbm>>) dst(%dma_wait3A_723 : memref<16x2048xf32, #tpu.memory_space<vmem>>)
    %parallel_loop3A_729 = arith.constant 0 : i32
    %parallel_loop3A_730 = arith.constant 16 : i32
    %parallel_loop3A_731 = arith.constant 1 : i32
    scf.for %parallel_loop3A_848 = %parallel_loop3A_729 to %parallel_loop3A_730 step %parallel_loop3A_731  : i32 {
      %parallel_loop3A_849 = arith.constant 0 : i32
      %parallel_loop3A_850 = arith.constant 128 : i32
      %parallel_loop3A_851 = arith.constant 1 : i32
      scf.for %parallel_loop3A_852 = %parallel_loop3A_849 to %parallel_loop3A_850 step %parallel_loop3A_851  : i32 {
        %parallel_loop3A_853 = arith.constant 16 : i32
        %parallel_loop3A_854 = arith.muli %parallel_loop3A_852, %parallel_loop3A_853 : i32
        %parallel_loop3A_855 = arith.constant 1 : i32
        %parallel_loop3A_856 = arith.index_cast %parallel_loop3A_855 : i32 to index
        %parallel_loop3A_857 = arith.index_cast %parallel_loop3A_848 : i32 to index
        %parallel_loop3A_858 = arith.index_cast %parallel_loop3A_854 : i32 to index
        %parallel_loop3A_859 = tpu.vector_load %arg6[%parallel_loop3A_856, %parallel_loop3A_857, %parallel_loop3A_858] {strides = array<i32>} : memref<3x16x2048xf32, #tpu.memory_space<vmem>>, vector<1x1x16xf32>,
        %parallel_loop3A_860 = vector.shape_cast %parallel_loop3A_859 : vector<1x1x16xf32> to vector<16xf32>
        %parallel_loop3A_861 = arith.constant 45.2548332 : f32
        %parallel_loop3A_862 = vector.broadcast %parallel_loop3A_861 : f32 to vector<16xf32>
        %parallel_loop3A_863 = arith.mulf %parallel_loop3A_860, %parallel_loop3A_862 : vector<16xf32>
        %parallel_loop3A_864 = arith.constant 1 : i32
        %parallel_loop3A_865 = arith.index_cast %parallel_loop3A_864 : i32 to index
        %parallel_loop3A_866 = arith.index_cast %parallel_loop3A_848 : i32 to index
        %parallel_loop3A_867 = arith.index_cast %parallel_loop3A_854 : i32 to index
        %parallel_loop3A_868 = tpu.vector_load %arg6[%parallel_loop3A_865, %parallel_loop3A_866, %parallel_loop3A_867] {strides = array<i32>} : memref<3x16x2048xf32, #tpu.memory_space<vmem>>, vector<1x1x16xf32>,
        %parallel_loop3A_869 = vector.shape_cast %parallel_loop3A_868 : vector<1x1x16xf32> to vector<16xf32>
        %parallel_loop3A_870 = vector.shape_cast %parallel_loop3A_863 : vector<16xf32> to vector<1x1x16xf32>
        tpu.vector_store %arg6[%parallel_loop3A_865, %parallel_loop3A_866, %parallel_loop3A_867], %parallel_loop3A_870 {strides = array<i32>} : memref<3x16x2048xf32, #tpu.memory_space<vmem>>, vector<1x1x16xf32>,
      } {sc.loop_unroll_factor = 16 : i64, sc.parallel_access}
    } {sc.loop_unroll_factor = 1 : i64, sc.parallel_access}
    %add3A_732 = arith.constant 208 : i32
    %add3A_733 = arith.addi %mul3A_2, %add3A_732 : i32
    %dma_start3A_734 = arith.constant 1 : i32
    %dma_start3A_735 = arith.constant 0 : i32
    %dma_start3A_736 = arith.constant 0 : i32
    %dma_start3A_737 = tpu.memref_slice %arg6[%dma_start3A_734, %dma_start3A_735, %dma_start3A_736] : memref<3x16x2048xf32, #tpu.memory_space<vmem>> -> memref<1x16x2048xf32, #tpu.memory_space<vmem>>
    %dma_start3A_738 = tpu.memref_squeeze %dma_start3A_737 : memref<1x16x2048xf32, #tpu.memory_space<vmem>> -> memref<16x2048xf32, #tpu.memory_space<vmem>>
    %dma_start3A_739 = arith.constant 0 : i32
    %dma_start3A_740 = tpu.memref_slice %arg4[%add3A_733, %dma_start3A_739] : memref<8192x2048xf32, #tpu.memory_space<hbm>> -> memref<16x2048xf32, #tpu.memory_space<hbm>>
    %dma_start3A_741 = arith.constant 0 : i32
    %dma_start3A_742 = tpu.memref_slice %arg4[%add3A_733, %dma_start3A_741] : memref<8192x2048xf32, #tpu.memory_space<hbm>> -> memref<16x2048xf32, #tpu.memory_space<hbm>>
    %dma_start3A_743 = arith.constant 0 : i32
    %dma_start3A_744 = arith.constant 0 : i32
    %dma_start3A_745 = tpu.memref_slice %arg6[%dma_start3A_734, %dma_start3A_743, %dma_start3A_744] : memref<3x16x2048xf32, #tpu.memory_space<vmem>> -> memref<1x16x2048xf32, #tpu.memory_space<vmem>>
    %dma_start3A_746 = tpu.memref_squeeze %dma_start3A_745 : memref<1x16x2048xf32, #tpu.memory_space<vmem>> -> memref<16x2048xf32, #tpu.memory_space<vmem>>
    tpu.enqueue_dma source(%dma_start3A_746 : memref<16x2048xf32, #tpu.memory_space<vmem>>) target(%dma_start3A_742 : memref<16x2048xf32, #tpu.memory_space<hbm>>) target_semaphore(%arg11 : memref<!tpu.dma_semaphore, #tpu.memory_space<semaphore_mem>>)
    %dma_wait3A_747 = arith.constant 2 : i32
    %dma_wait3A_748 = arith.constant 0 : i32
    %dma_wait3A_749 = arith.constant 0 : i32
    %dma_wait3A_750 = tpu.memref_slice %arg6[%dma_wait3A_747, %dma_wait3A_748, %dma_wait3A_749] : memref<3x16x2048xf32, #tpu.memory_space<vmem>> -> memref<1x16x2048xf32, #tpu.memory_space<vmem>>
    %dma_wait3A_751 = tpu.memref_squeeze %dma_wait3A_750 : memref<1x16x2048xf32, #tpu.memory_space<vmem>> -> memref<16x2048xf32, #tpu.memory_space<vmem>>
    %dma_wait3A_752 = arith.constant 224 : i32
    %dma_wait3A_753 = tpu.memref_slice %arg5[%dma_wait3A_752] : memref<256xi32, #tpu.memory_space<vmem>> -> memref<16xi32, #tpu.memory_space<vmem>>
    %dma_wait3A_754 = arith.constant 0 : i32
    %dma_wait3A_755 = arith.constant 0 : i32
    %dma_wait3A_756 = tpu.memref_slice %arg3[%dma_wait3A_754, %dma_wait3A_755] : memref<128000x2048xf32, #tpu.memory_space<hbm>> -> memref<128000x2048xf32, #tpu.memory_space<hbm>>
    tpu.wait_indirect_dma semaphore(%arg9 : memref<!tpu.dma_semaphore, #tpu.memory_space<semaphore_mem>>) src(%dma_wait3A_756 : memref<128000x2048xf32, #tpu.memory_space<hbm>>) dst(%dma_wait3A_751 : memref<16x2048xf32, #tpu.memory_space<vmem>>)
    %parallel_loop3A_757 = arith.constant 0 : i32
    %parallel_loop3A_758 = arith.constant 16 : i32
    %parallel_loop3A_759 = arith.constant 1 : i32
    scf.for %parallel_loop3A_848 = %parallel_loop3A_757 to %parallel_loop3A_758 step %parallel_loop3A_759  : i32 {
      %parallel_loop3A_849 = arith.constant 0 : i32
      %parallel_loop3A_850 = arith.constant 128 : i32
      %parallel_loop3A_851 = arith.constant 1 : i32
      scf.for %parallel_loop3A_852 = %parallel_loop3A_849 to %parallel_loop3A_850 step %parallel_loop3A_851  : i32 {
        %parallel_loop3A_853 = arith.constant 16 : i32
        %parallel_loop3A_854 = arith.muli %parallel_loop3A_852, %parallel_loop3A_853 : i32
        %parallel_loop3A_855 = arith.constant 2 : i32
        %parallel_loop3A_856 = arith.index_cast %parallel_loop3A_855 : i32 to index
        %parallel_loop3A_857 = arith.index_cast %parallel_loop3A_848 : i32 to index
        %parallel_loop3A_858 = arith.index_cast %parallel_loop3A_854 : i32 to index
        %parallel_loop3A_859 = tpu.vector_load %arg6[%parallel_loop3A_856, %parallel_loop3A_857, %parallel_loop3A_858] {strides = array<i32>} : memref<3x16x2048xf32, #tpu.memory_space<vmem>>, vector<1x1x16xf32>,
        %parallel_loop3A_860 = vector.shape_cast %parallel_loop3A_859 : vector<1x1x16xf32> to vector<16xf32>
        %parallel_loop3A_861 = arith.constant 45.2548332 : f32
        %parallel_loop3A_862 = vector.broadcast %parallel_loop3A_861 : f32 to vector<16xf32>
        %parallel_loop3A_863 = arith.mulf %parallel_loop3A_860, %parallel_loop3A_862 : vector<16xf32>
        %parallel_loop3A_864 = arith.constant 2 : i32
        %parallel_loop3A_865 = arith.index_cast %parallel_loop3A_864 : i32 to index
        %parallel_loop3A_866 = arith.index_cast %parallel_loop3A_848 : i32 to index
        %parallel_loop3A_867 = arith.index_cast %parallel_loop3A_854 : i32 to index
        %parallel_loop3A_868 = tpu.vector_load %arg6[%parallel_loop3A_865, %parallel_loop3A_866, %parallel_loop3A_867] {strides = array<i32>} : memref<3x16x2048xf32, #tpu.memory_space<vmem>>, vector<1x1x16xf32>,
        %parallel_loop3A_869 = vector.shape_cast %parallel_loop3A_868 : vector<1x1x16xf32> to vector<16xf32>
        %parallel_loop3A_870 = vector.shape_cast %parallel_loop3A_863 : vector<16xf32> to vector<1x1x16xf32>
        tpu.vector_store %arg6[%parallel_loop3A_865, %parallel_loop3A_866, %parallel_loop3A_867], %parallel_loop3A_870 {strides = array<i32>} : memref<3x16x2048xf32, #tpu.memory_space<vmem>>, vector<1x1x16xf32>,
      } {sc.loop_unroll_factor = 16 : i64, sc.parallel_access}
    } {sc.loop_unroll_factor = 1 : i64, sc.parallel_access}
    %add3A_760 = arith.constant 224 : i32
    %add3A_761 = arith.addi %mul3A_2, %add3A_760 : i32
    %dma_start3A_762 = arith.constant 2 : i32
    %dma_start3A_763 = arith.constant 0 : i32
    %dma_start3A_764 = arith.constant 0 : i32
    %dma_start3A_765 = tpu.memref_slice %arg6[%dma_start3A_762, %dma_start3A_763, %dma_start3A_764] : memref<3x16x2048xf32, #tpu.memory_space<vmem>> -> memref<1x16x2048xf32, #tpu.memory_space<vmem>>
    %dma_start3A_766 = tpu.memref_squeeze %dma_start3A_765 : memref<1x16x2048xf32, #tpu.memory_space<vmem>> -> memref<16x2048xf32, #tpu.memory_space<vmem>>
    %dma_start3A_767 = arith.constant 0 : i32
    %dma_start3A_768 = tpu.memref_slice %arg4[%add3A_761, %dma_start3A_767] : memref<8192x2048xf32, #tpu.memory_space<hbm>> -> memref<16x2048xf32, #tpu.memory_space<hbm>>
    %dma_start3A_769 = arith.constant 0 : i32
    %dma_start3A_770 = tpu.memref_slice %arg4[%add3A_761, %dma_start3A_769] : memref<8192x2048xf32, #tpu.memory_space<hbm>> -> memref<16x2048xf32, #tpu.memory_space<hbm>>
    %dma_start3A_771 = arith.constant 0 : i32
    %dma_start3A_772 = arith.constant 0 : i32
    %dma_start3A_773 = tpu.memref_slice %arg6[%dma_start3A_762, %dma_start3A_771, %dma_start3A_772] : memref<3x16x2048xf32, #tpu.memory_space<vmem>> -> memref<1x16x2048xf32, #tpu.memory_space<vmem>>
    %dma_start3A_774 = tpu.memref_squeeze %dma_start3A_773 : memref<1x16x2048xf32, #tpu.memory_space<vmem>> -> memref<16x2048xf32, #tpu.memory_space<vmem>>
    tpu.enqueue_dma source(%dma_start3A_774 : memref<16x2048xf32, #tpu.memory_space<vmem>>) target(%dma_start3A_770 : memref<16x2048xf32, #tpu.memory_space<hbm>>) target_semaphore(%arg12 : memref<!tpu.dma_semaphore, #tpu.memory_space<semaphore_mem>>)
    %dma_wait3A_775 = arith.constant 0 : i32
    %dma_wait3A_776 = arith.constant 0 : i32
    %dma_wait3A_777 = arith.constant 0 : i32
    %dma_wait3A_778 = tpu.memref_slice %arg6[%dma_wait3A_775, %dma_wait3A_776, %dma_wait3A_777] : memref<3x16x2048xf32, #tpu.memory_space<vmem>> -> memref<1x16x2048xf32, #tpu.memory_space<vmem>>
    %dma_wait3A_779 = tpu.memref_squeeze %dma_wait3A_778 : memref<1x16x2048xf32, #tpu.memory_space<vmem>> -> memref<16x2048xf32, #tpu.memory_space<vmem>>
    %dma_wait3A_780 = arith.constant 240 : i32
    %dma_wait3A_781 = tpu.memref_slice %arg5[%dma_wait3A_780] : memref<256xi32, #tpu.memory_space<vmem>> -> memref<16xi32, #tpu.memory_space<vmem>>
    %dma_wait3A_782 = arith.constant 0 : i32
    %dma_wait3A_783 = arith.constant 0 : i32
    %dma_wait3A_784 = tpu.memref_slice %arg3[%dma_wait3A_782, %dma_wait3A_783] : memref<128000x2048xf32, #tpu.memory_space<hbm>> -> memref<128000x2048xf32, #tpu.memory_space<hbm>>
    tpu.wait_indirect_dma semaphore(%arg7 : memref<!tpu.dma_semaphore, #tpu.memory_space<semaphore_mem>>) src(%dma_wait3A_784 : memref<128000x2048xf32, #tpu.memory_space<hbm>>) dst(%dma_wait3A_779 : memref<16x2048xf32, #tpu.memory_space<vmem>>)
    %parallel_loop3A_785 = arith.constant 0 : i32
    %parallel_loop3A_786 = arith.constant 16 : i32
    %parallel_loop3A_787 = arith.constant 1 : i32
    scf.for %parallel_loop3A_848 = %parallel_loop3A_785 to %parallel_loop3A_786 step %parallel_loop3A_787  : i32 {
      %parallel_loop3A_849 = arith.constant 0 : i32
      %parallel_loop3A_850 = arith.constant 128 : i32
      %parallel_loop3A_851 = arith.constant 1 : i32
      scf.for %parallel_loop3A_852 = %parallel_loop3A_849 to %parallel_loop3A_850 step %parallel_loop3A_851  : i32 {
        %parallel_loop3A_853 = arith.constant 16 : i32
        %parallel_loop3A_854 = arith.muli %parallel_loop3A_852, %parallel_loop3A_853 : i32
        %parallel_loop3A_855 = arith.constant 0 : i32
        %parallel_loop3A_856 = arith.index_cast %parallel_loop3A_855 : i32 to index
        %parallel_loop3A_857 = arith.index_cast %parallel_loop3A_848 : i32 to index
        %parallel_loop3A_858 = arith.index_cast %parallel_loop3A_854 : i32 to index
        %parallel_loop3A_859 = tpu.vector_load %arg6[%parallel_loop3A_856, %parallel_loop3A_857, %parallel_loop3A_858] {strides = array<i32>} : memref<3x16x2048xf32, #tpu.memory_space<vmem>>, vector<1x1x16xf32>,
        %parallel_loop3A_860 = vector.shape_cast %parallel_loop3A_859 : vector<1x1x16xf32> to vector<16xf32>
        %parallel_loop3A_861 = arith.constant 45.2548332 : f32
        %parallel_loop3A_862 = vector.broadcast %parallel_loop3A_861 : f32 to vector<16xf32>
        %parallel_loop3A_863 = arith.mulf %parallel_loop3A_860, %parallel_loop3A_862 : vector<16xf32>
        %parallel_loop3A_864 = arith.constant 0 : i32
        %parallel_loop3A_865 = arith.index_cast %parallel_loop3A_864 : i32 to index
        %parallel_loop3A_866 = arith.index_cast %parallel_loop3A_848 : i32 to index
        %parallel_loop3A_867 = arith.index_cast %parallel_loop3A_854 : i32 to index
        %parallel_loop3A_868 = tpu.vector_load %arg6[%parallel_loop3A_865, %parallel_loop3A_866, %parallel_loop3A_867] {strides = array<i32>} : memref<3x16x2048xf32, #tpu.memory_space<vmem>>, vector<1x1x16xf32>,
        %parallel_loop3A_869 = vector.shape_cast %parallel_loop3A_868 : vector<1x1x16xf32> to vector<16xf32>
        %parallel_loop3A_870 = vector.shape_cast %parallel_loop3A_863 : vector<16xf32> to vector<1x1x16xf32>
        tpu.vector_store %arg6[%parallel_loop3A_865, %parallel_loop3A_866, %parallel_loop3A_867], %parallel_loop3A_870 {strides = array<i32>} : memref<3x16x2048xf32, #tpu.memory_space<vmem>>, vector<1x1x16xf32>,
      } {sc.loop_unroll_factor = 16 : i64, sc.parallel_access}
    } {sc.loop_unroll_factor = 1 : i64, sc.parallel_access}
    %add3A_788 = arith.constant 240 : i32
    %add3A_789 = arith.addi %mul3A_2, %add3A_788 : i32
    %dma_start3A_790 = arith.constant 0 : i32
    %dma_start3A_791 = arith.constant 0 : i32
    %dma_start3A_792 = arith.constant 0 : i32
    %dma_start3A_793 = tpu.memref_slice %arg6[%dma_start3A_790, %dma_start3A_791, %dma_start3A_792] : memref<3x16x2048xf32, #tpu.memory_space<vmem>> -> memref<1x16x2048xf32, #tpu.memory_space<vmem>>
    %dma_start3A_794 = tpu.memref_squeeze %dma_start3A_793 : memref<1x16x2048xf32, #tpu.memory_space<vmem>> -> memref<16x2048xf32, #tpu.memory_space<vmem>>
    %dma_start3A_795 = arith.constant 0 : i32
    %dma_start3A_796 = tpu.memref_slice %arg4[%add3A_789, %dma_start3A_795] : memref<8192x2048xf32, #tpu.memory_space<hbm>> -> memref<16x2048xf32, #tpu.memory_space<hbm>>
    %dma_start3A_797 = arith.constant 0 : i32
    %dma_start3A_798 = tpu.memref_slice %arg4[%add3A_789, %dma_start3A_797] : memref<8192x2048xf32, #tpu.memory_space<hbm>> -> memref<16x2048xf32, #tpu.memory_space<hbm>>
    %dma_start3A_799 = arith.constant 0 : i32
    %dma_start3A_800 = arith.constant 0 : i32
    %dma_start3A_801 = tpu.memref_slice %arg6[%dma_start3A_790, %dma_start3A_799, %dma_start3A_800] : memref<3x16x2048xf32, #tpu.memory_space<vmem>> -> memref<1x16x2048xf32, #tpu.memory_space<vmem>>
    %dma_start3A_802 = tpu.memref_squeeze %dma_start3A_801 : memref<1x16x2048xf32, #tpu.memory_space<vmem>> -> memref<16x2048xf32, #tpu.memory_space<vmem>>
    tpu.enqueue_dma source(%dma_start3A_802 : memref<16x2048xf32, #tpu.memory_space<vmem>>) target(%dma_start3A_798 : memref<16x2048xf32, #tpu.memory_space<hbm>>) target_semaphore(%arg10 : memref<!tpu.dma_semaphore, #tpu.memory_space<semaphore_mem>>)
    %add3A_803 = arith.constant 208 : i32
    %add3A_804 = arith.addi %mul3A_2, %add3A_803 : i32
    %dma_wait3A_805 = arith.constant 1 : i32
    %dma_wait3A_806 = arith.constant 0 : i32
    %dma_wait3A_807 = arith.constant 0 : i32
    %dma_wait3A_808 = tpu.memref_slice %arg6[%dma_wait3A_805, %dma_wait3A_806, %dma_wait3A_807] : memref<3x16x2048xf32, #tpu.memory_space<vmem>> -> memref<1x16x2048xf32, #tpu.memory_space<vmem>>
    %dma_wait3A_809 = tpu.memref_squeeze %dma_wait3A_808 : memref<1x16x2048xf32, #tpu.memory_space<vmem>> -> memref<16x2048xf32, #tpu.memory_space<vmem>>
    %dma_wait3A_810 = arith.constant 0 : i32
    %dma_wait3A_811 = tpu.memref_slice %arg4[%add3A_804, %dma_wait3A_810] : memref<8192x2048xf32, #tpu.memory_space<hbm>> -> memref<16x2048xf32, #tpu.memory_space<hbm>>
    %dma_wait3A_812 = arith.constant 0 : i32
    %dma_wait3A_813 = tpu.memref_slice %arg4[%add3A_804, %dma_wait3A_812] : memref<8192x2048xf32, #tpu.memory_space<hbm>> -> memref<16x2048xf32, #tpu.memory_space<hbm>>
    %dma_wait3A_814 = arith.constant 0 : i32
    %dma_wait3A_815 = arith.constant 0 : i32
    %dma_wait3A_816 = tpu.memref_slice %arg6[%dma_wait3A_805, %dma_wait3A_814, %dma_wait3A_815] : memref<3x16x2048xf32, #tpu.memory_space<vmem>> -> memref<1x16x2048xf32, #tpu.memory_space<vmem>>
    %dma_wait3A_817 = tpu.memref_squeeze %dma_wait3A_816 : memref<1x16x2048xf32, #tpu.memory_space<vmem>> -> memref<16x2048xf32, #tpu.memory_space<vmem>>
    tpu.wait_dma2 semaphore(%arg11 : memref<!tpu.dma_semaphore, #tpu.memory_space<semaphore_mem>>) src(%dma_wait3A_817 : memref<16x2048xf32, #tpu.memory_space<vmem>>) dst(%dma_wait3A_813 : memref<16x2048xf32, #tpu.memory_space<hbm>>)
    %add3A_818 = arith.constant 224 : i32
    %add3A_819 = arith.addi %mul3A_2, %add3A_818 : i32
    %dma_wait3A_820 = arith.constant 2 : i32
    %dma_wait3A_821 = arith.constant 0 : i32
    %dma_wait3A_822 = arith.constant 0 : i32
    %dma_wait3A_823 = tpu.memref_slice %arg6[%dma_wait3A_820, %dma_wait3A_821, %dma_wait3A_822] : memref<3x16x2048xf32, #tpu.memory_space<vmem>> -> memref<1x16x2048xf32, #tpu.memory_space<vmem>>
    %dma_wait3A_824 = tpu.memref_squeeze %dma_wait3A_823 : memref<1x16x2048xf32, #tpu.memory_space<vmem>> -> memref<16x2048xf32, #tpu.memory_space<vmem>>
    %dma_wait3A_825 = arith.constant 0 : i32
    %dma_wait3A_826 = tpu.memref_slice %arg4[%add3A_819, %dma_wait3A_825] : memref<8192x2048xf32, #tpu.memory_space<hbm>> -> memref<16x2048xf32, #tpu.memory_space<hbm>>
    %dma_wait3A_827 = arith.constant 0 : i32
    %dma_wait3A_828 = tpu.memref_slice %arg4[%add3A_819, %dma_wait3A_827] : memref<8192x2048xf32, #tpu.memory_space<hbm>> -> memref<16x2048xf32, #tpu.memory_space<hbm>>
    %dma_wait3A_829 = arith.constant 0 : i32
    %dma_wait3A_830 = arith.constant 0 : i32
    %dma_wait3A_831 = tpu.memref_slice %arg6[%dma_wait3A_820, %dma_wait3A_829, %dma_wait3A_830] : memref<3x16x2048xf32, #tpu.memory_space<vmem>> -> memref<1x16x2048xf32, #tpu.memory_space<vmem>>
    %dma_wait3A_832 = tpu.memref_squeeze %dma_wait3A_831 : memref<1x16x2048xf32, #tpu.memory_space<vmem>> -> memref<16x2048xf32, #tpu.memory_space<vmem>>
    tpu.wait_dma2 semaphore(%arg12 : memref<!tpu.dma_semaphore, #tpu.memory_space<semaphore_mem>>) src(%dma_wait3A_832 : memref<16x2048xf32, #tpu.memory_space<vmem>>) dst(%dma_wait3A_828 : memref<16x2048xf32, #tpu.memory_space<hbm>>)
    %add3A_833 = arith.constant 240 : i32
    %add3A_834 = arith.addi %mul3A_2, %add3A_833 : i32
    %dma_wait3A_835 = arith.constant 0 : i32
    %dma_wait3A_836 = arith.constant 0 : i32
    %dma_wait3A_837 = arith.constant 0 : i32
    %dma_wait3A_838 = tpu.memref_slice %arg6[%dma_wait3A_835, %dma_wait3A_836, %dma_wait3A_837] : memref<3x16x2048xf32, #tpu.memory_space<vmem>> -> memref<1x16x2048xf32, #tpu.memory_space<vmem>>
    %dma_wait3A_839 = tpu.memref_squeeze %dma_wait3A_838 : memref<1x16x2048xf32, #tpu.memory_space<vmem>> -> memref<16x2048xf32, #tpu.memory_space<vmem>>
    %dma_wait3A_840 = arith.constant 0 : i32
    %dma_wait3A_841 = tpu.memref_slice %arg4[%add3A_834, %dma_wait3A_840] : memref<8192x2048xf32, #tpu.memory_space<hbm>> -> memref<16x2048xf32, #tpu.memory_space<hbm>>
    %dma_wait3A_842 = arith.constant 0 : i32
    %dma_wait3A_843 = tpu.memref_slice %arg4[%add3A_834, %dma_wait3A_842] : memref<8192x2048xf32, #tpu.memory_space<hbm>> -> memref<16x2048xf32, #tpu.memory_space<hbm>>
    %dma_wait3A_844 = arith.constant 0 : i32
    %dma_wait3A_845 = arith.constant 0 : i32
    %dma_wait3A_846 = tpu.memref_slice %arg6[%dma_wait3A_835, %dma_wait3A_844, %dma_wait3A_845] : memref<3x16x2048xf32, #tpu.memory_space<vmem>> -> memref<1x16x2048xf32, #tpu.memory_space<vmem>>
    %dma_wait3A_847 = tpu.memref_squeeze %dma_wait3A_846 : memref<1x16x2048xf32, #tpu.memory_space<vmem>> -> memref<16x2048xf32, #tpu.memory_space<vmem>>
    tpu.wait_dma2 semaphore(%arg10 : memref<!tpu.dma_semaphore, #tpu.memory_space<semaphore_mem>>) src(%dma_wait3A_847 : memref<16x2048xf32, #tpu.memory_space<vmem>>) dst(%dma_wait3A_843 : memref<16x2048xf32, #tpu.memory_space<hbm>>)
    return
  }
}

</mosaic_0001>

<sc_bundles>
// kernel: kernel.3.cloned.1.call-start
scs
__scs_entry_jumppad:
0x0: {  	(pc) =	sbr.rel $0x88, $3  }
0x1: {  	(tag) =	ssettag $0x0;
	lr =	simm.s32 $0x1  }
0x2: {  	[smem:$0x3F9F] =	sst lr;
	_ =	strace $0xD0000000  }
0x3: {  	_ = 	snop  }
0x4: {  	_ = 	snop  }
0x5: {  	_ = 	snop  }
0x6: {  	_ = 	snop  }
0x7: {  	_ = 	snop  }
__scs_overlays_trampoline_lowered:
0x8: {  	[smem:$0x3FAE] =	sst s0  }
0x9: {  	[smem:$0x3FAF] =	sst s1  }
0xa: {  	[smem:$0x3FB0] =	sst s2  }
0xb: {  	[smem:$0x3FB1] =	sst s3  }
0xc: {  	[smem:$0x3FB2] =	sst s4  }
0xd: {  	[smem:$0x3FB3] =	sst s5  }
0xe: {  	[smem:$0x3FB4] =	sst s6  }
0xf: {  	[smem:$0x3FB5] =	sst s7  }
0x10: {  	[smem:$0x3FB6] =	sst s8  }
0x11: {  	[smem:$0x3FB7] =	sst s9;
	s0 =	simm.s32 @!p0 $0x0  }
0x12: {  	s1 =	sld [smem:$0x3F9D];
	s0 =	simm.s32 @p0 $0x1  }
0x13: {  	[smem:$0x3FB8] =	sst s0;
	s0 =	simm.s32 @!p1 $0x0  }
0x14: {  	s2 =	sld [smem:$0x3F9C];
	s0 =	simm.s32 @p1 $0x1  }
0x15: {  	[smem:$0x3FB9] =	sst s0;
	s0 =	simm.s32 @!p2 $0x0  }
0x16: {  	s3 =	sld [smem:$0x3FDB];
	s0 =	simm.s32 @p2 $0x1  }
0x17: {  	s4 =	simm.s32 $0x1BF5;
	[smem:$0x3FBB] =	sst s0  }
0x18: {  	s0 =	sld [smem:$0x3F9E];
	_ =	swait.ge [sflag:s4], $0x0  }
0x19: {  	s7 =	sld [smem:$0x3F9F]  }
0x1a: {  	s8 =	sadd.s32 $0xFFFFE003, lr  }
0x1b: {  	s9 =	sadd.s32 $0xFFFFFEF7, lr;
	s5 =	simm.s32 $0xFFFFFFFF;
	p2 =	slt.u32 s8, $0xFFFFF086  }
0x1c: {  	p1 =	slt.u32 s9, $0xF7A;
	s5 =	simm.s32 @!p2 $0x0  }
0x1d: {  	s5 =	simm.s32 @p1 $0x1;
	p0 =	seq.s32 s7, s2  }
0x1e: {  	s7 =	smul.u32 @!p0 $0xF7A, s2;
	p2 =	seq.s32 @!p0 s5, $0x0  }
0x1f: {  	s9 =	smul.u32 $0xF7A, s1;
	s8 =	simm.s32 @!p0 $0x1BF5;
	p2 =	por !p2, p0  }
0x20: {  	[sflag:s8] =	ssyncset.s32 @!p0 $0xFFFFF086;
	s6 =	sadd.s32 @!p0 s3, s7;
	s7 =	simm.s32 @!p0 $0x108  }
0x21: {  	s3 =	sadd.s32 s3, s9;
	s6 =	sadd.s32 @!p0 $0x88, s6;
	s7 =	simm.s32 @p2 $0x1082  }
0x22: {  	[simem:s7], [sflag:s8] =	dma.local @!p0 [hbm:s6], $0xF7A  }
0x23: {  	s9 =	sor.u32 $0xD0000000, s2;
	s6 =	simm.s32 $0x108;
	_ =	swait.ge @!p0 [sflag:s8], $0x0  }
0x24: {  	s3 =	sadd.s32 $0x88, s3;
	s6 =	simm.s32 @!p1 $0x1082;
	[sflag:s4] =	ssyncset.s32 $0xFFFFF086  }
0x25: {  	[simem:s6], [sflag:s4] =	dma.local [hbm:s3], $0xF7A  }
0x26: {  	[smem:$0x3F9F] =	sst s1;
	(tag) =	ssettag s2;
	_ =	strace s9  }
0x27: {  	s1 =	sld [smem:$0x3FAF]  }
0x28: {  	s2 =	sld [smem:$0x3FB0]  }
0x29: {  	s4 =	sld [smem:$0x3FB2]  }
0x2a: {  	p0 =	seq.s32 s5, $0x0;
	s5 =	sld [smem:$0x3FB3]  }
0x2b: {  	s6 =	sld [smem:$0x3FB4]  }
0x2c: {  	s7 =	sld [smem:$0x3FB5]  }
0x2d: {  	s3 =	simm.s32 $0x108;
	s8 =	sld [smem:$0x3FB6]  }
0x2e: {  	s3 =	simm.s32 @!p0 $0x1082;
	s9 =	sld [smem:$0x3FB7]  }
0x2f: {  	lr =	sadd.s32 s0, s3;
	s0 =	sld [smem:$0x3FAE]  }
0x30: {  	s3 =	sld [smem:$0x3FB1]  }
0x31: {  	[smem:$0x3FBA] =	sst s10  }
0x32: {  	s10 =	sld [smem:$0x3FB8];
	_ =	sdelay $0x3  }
0x33: {  	p0 =	seq.s32 s10, $0x1;
	s10 =	sld [smem:$0x3FBA];
	_ =	sdelay $0x3  }
0x34: {  	[smem:$0x3FBA] =	sst s10  }
0x35: {  	s10 =	sld [smem:$0x3FB9];
	_ =	sdelay $0x3  }
0x36: {  	p1 =	seq.s32 s10, $0x1;
	s10 =	sld [smem:$0x3FBA];
	_ =	sdelay $0x3  }
0x37: {  	[smem:$0x3FBA] =	sst s10  }
0x38: {  	s10 =	sld [smem:$0x3FBB]  }
0x39: {  	_ = 	snop;
	(pc) =	sbr.ind lr, $3  }
0x3a: {  	_ = 	snop  }
0x3b: {  	_ = 	snop  }
0x3c: {  	p2 =	seq.s32 s10, $0x1;
	s10 =	sld [smem:$0x3FBA]  }
0x3d: {  	_ =	shalt  }
0x3e: {  	_ =	shalt  }
0x3f: {  	_ =	shalt  }
0x40: {  	_ =	shalt  }
0x41: {  	_ =	shalt  }
0x42: {  	_ =	shalt  }
0x43: {  	_ =	shalt  }
0x44: {  	_ =	shalt  }
0x45: {  	_ =	shalt  }
0x46: {  	_ =	shalt  }
0x47: {  	_ =	shalt  }
0x48: {  	_ =	shalt  }
0x49: {  	_ =	shalt  }
0x4a: {  	_ =	shalt  }
0x4b: {  	_ =	shalt  }
0x4c: {  	_ =	shalt  }
0x4d: {  	_ =	shalt  }
0x4e: {  	_ =	shalt  }
0x4f: {  	_ =	shalt  }
0x50: {  	_ =	shalt  }
0x51: {  	_ =	shalt  }
0x52: {  	_ =	shalt  }
0x53: {  	_ =	shalt  }
0x54: {  	_ =	shalt  }
0x55: {  	_ =	shalt  }
0x56: {  	_ =	shalt  }
0x57: {  	_ =	shalt  }
0x58: {  	_ =	shalt  }
0x59: {  	_ =	shalt  }
0x5a: {  	_ =	shalt  }
0x5b: {  	_ =	shalt  }
0x5c: {  	_ =	shalt  }
0x5d: {  	_ =	shalt  }
0x5e: {  	_ =	shalt  }
0x5f: {  	_ =	shalt  }
0x60: {  	_ =	shalt  }
0x61: {  	_ =	shalt  }
0x62: {  	_ =	shalt  }
0x63: {  	_ =	shalt  }
0x64: {  	_ =	shalt  }
0x65: {  	_ =	shalt  }
0x66: {  	_ =	shalt  }
0x67: {  	_ =	shalt  }
0x68: {  	_ =	shalt  }
0x69: {  	_ =	shalt  }
0x6a: {  	_ =	shalt  }
0x6b: {  	_ =	shalt  }
0x6c: {  	_ =	shalt  }
0x6d: {  	_ =	shalt  }
0x6e: {  	_ =	shalt  }
0x6f: {  	_ =	shalt  }
0x70: {  	_ =	shalt  }
0x71: {  	_ =	shalt  }
0x72: {  	_ =	shalt  }
0x73: {  	_ =	shalt  }
0x74: {  	_ =	shalt  }
0x75: {  	_ =	shalt  }
0x76: {  	_ =	shalt  }
0x77: {  	_ =	shalt  }
0x78: {  	_ =	shalt  }
0x79: {  	_ =	shalt  }
0x7a: {  	_ =	shalt  }
0x7b: {  	_ =	shalt  }
0x7c: {  	_ =	shalt  }
0x7d: {  	_ =	shalt  }
0x7e: {  	_ =	shalt  }
0x7f: {  	_ =	shalt  }
0x80: {  	_ =	shalt  }
0x81: {  	_ =	shalt  }
0x82: {  	_ =	shalt  }
0x83: {  	_ =	shalt  }
0x84: {  	_ =	shalt  }
0x85: {  	_ =	shalt  }
0x86: {  	_ =	shalt  }
0x87: {  	_ =	shalt  }
.Lfunc_end0:
.L_simem_size_0:
called_computation_lowered:
.L_overlay_start_0:
0x88: {  	s2 =	sld [smem:$0x3FD9]  }
0x89: {  	s3 =	sld [smem:$0x3FFE];
	_ =	sdelay $0x1  }
0x8a: {  	s1 =	srdreg.scid  }
0x8b: {  	s0 =	sand.u32 $0x1, s1  }
0x8c: {  	s17 =	sshll.u32 s0, $0xA;
	s2 =	sadd.s32 s3, s2  }
0x8d: {  	s2 =	sadd.s32 s2, s17  }
0x8e: {  	[smem:$0x3FC6] =	sst s2  }
0x8f: {  	_ = 	snop  }
0x90: {  	s2 =	sld [smem:$0x3FC8]  }
0x91: {  	s18 =	sld [smem:$0x3FD0];
	(tm) =	ssettm $0x1  }
0x92: {  	s4 =	sld [smem:$0x3FFB];
	_ =	sdelay $0x3  }
0x93: {  	_ =	strace s4  }
0x94: {  	s4 =	sld [smem:$0x3FFC];
	_ =	sdelay $0x3  }
0x95: {  	_ =	strace s4  }
0x96: {  	s4 =	sld [smem:$0x3FFD];
	_ =	sdelay $0x3  }
0x97: {  	_ =	strace s4  }
0x98: {  	_ =	strace $0x8FFFFFFF  }
0x99: {  	s19 =	sld [smem:$0x3FDB];
	_ =	sdelay $0x1  }
0x9a: {  	s5 =	simm.s32 $_scs_section_size  }
0x9b: {  	s6 =	simm.s32 $_size__tile_overlayer_lowered;
	s7 =	simm.s32 $_tile_overlayer_lowered  }
0x9c: {  	s22 =	simm.s32 $0x1BFF;
	s21 =	sshll.u32 s7, $0x1;
	s4 =	sadd.s32 s5, s19  }
0x9d: {  	s8 =	simm.s32 $0x0;
	s20 =	sshll.u32 s6, $0x1;
	s6 =	sadd.s32 s21, s4  }
0x9e: {  	[timem:s8], [sflag:s22] =	dma.local [hbm:s6], s20  }
0x9f: {  	_ =	swait.ge [sflag:s22], s20  }
0xa0: {  	s5 =	ssub.s32 $0x0, s20;
	[sflag:s22] =	ssyncset.done $0x0  }
0xa1: {  	[sflag:s22] =	ssyncadd.s32 s5;
	_ =	sdelay $0x1  }
0xa2: {  	s23 =	simm.s32 $0x1B8B  }
0xa3: {  	_ =	swait.ge [sflag:s23], $0x1  }
0xa4: {  	[sflag:s23] =	ssyncset.done $0x0  }
0xa5: {  	s25 =	simm.s32 $0x1B8E;
	s24 =	sld [smem:$0x3FFE];
	[sflag:s23] =	ssyncadd.s32 $0xFFFFFFFF  }
0xa6: {  	s26 =	simm.s32 $execute0_lowered;
	[smem:$0x3FD2] =	sst s25  }
0xa7: {  	s6 =	sshll.u32 s26, $0x1;
	_ =	strace $0x80000046;
	[dreg:$0x1] =	wrdreg $0xFFFFFFFF  }
0xa8: {  	s28 =	simm.s32 $_size_execute0_lowered;
	s4 =	sadd.s32 s4, s6;
	[dreg:$0x0] =	wrdreg $0x0  }
0xa9: {  	s6 =	sshll.u32 s28, $0x1;
	[dreg:$0x2] =	wrdreg s4  }
0xaa: {  	[dreg:$0x3] =	wrdreg s6  }
0xab: {  	[dreg:$0x4] =	wrdreg $0xC0  }
0xac: {  	_ =	task [dreg:s8], $0x5FFFF  }
0xad: {  	[dreg:$0x1] =	wrdreg $0xFFFFFFFF  }
0xae: {  	[dreg:$0x0] =	wrdreg $0x60  }
0xaf: {  	[dreg:$0x2] =	wrdreg s24  }
0xb0: {  	[dreg:$0x3] =	wrdreg s2  }
0xb1: {  	[dreg:$0x4] =	wrdreg s18  }
0xb2: {  	[dreg:$0x5] =	wrdreg $0x9  }
0xb3: {  	_ =	task.clear_ibuf [dreg:s8], $0x6FFFF;
	_ =	strace $0x90000046  }
0xb4: {  	s29 =	simm.s32 $0x9;
	_ =	strace $0x80000048  }
0xb5: {  	_ =	swait.ge [sflag:s29], $0x1  }
0xb6: {  	[sflag:s29] =	ssyncadd.s32 $0xFFFFFFFF  }
0xb7: {  	_ =	strace $0x90000048  }
0xb8: {  	_ =	sfence  }
0xb9: {  	s30 =	sld [smem:$0x0];
	_ =	sdelay $0x2  }
0xba: {  	s31 =	sshll.u32 s1, $0xD;
	s1 =	sshrl.u32 s1, $0x2  }
0xbb: {  	s3 =	sand.u32 $0x4000, s31;
	s1 =	sadd.s32 s1, s30  }
0xbc: {  	s0 =	sor.u32 s3, s0;
	s1 =	sshll.u32 s1, $0x11  }
0xbd: {  	s0 =	sor.u32 s1, s0  }
0xbe: {  	s0 =	sadd.s32 $0x8F2B, s0  }
0xbf: {  	[sflag:s0] =	ssyncadd.remote.s32 $0x1  }
0xc0: {  	_ =	sfence.sel $0xFFFF  }
0xc1: {  	[dreg:$0x0] =	wrdreg $0xFFFFFFFF;
	(pc) =	sbr.abs _section_cstart, $3  }
0xc2: {  	[dreg:$0x1] =	wrdreg $0xFFFFFFFF  }
0xc3: {  	_ =	task.clear_ibuf [dreg:s8], $0x2FFFF;
	_ =	strace $0x9FFFFFFF  }
0xc4: {  	(tm) =	ssettm $0x7FFFFFFF  }
0xc5: {  	_ =	shalt  }
tec
execute0_lowered:
.L_overlay_start_1:
0x0: {  	(tag) =	ssettag $0x1  }
0x1: {  	s0 =	rddreg [dreg:$0x0]  }
0x2: {  	s1 =	srdreg.scid;
	s2 =	rddreg [dreg:$0x1]  }
0x3: {  	s3 =	stileid.u32;
	s4 =	rddreg [dreg:$0x2];
	s1 =	sand.u32 $0x1, s1  }
0x4: {  	s3 =	sshll.u32 s3, $0x9;
	s5 =	sshll.u32 s1, $0x8;
	s1 =	ssub.s32 $0x2, s1  }
0x5: {  	s10 =	sor.u32 s5, s3;
	s3 =	simm.s32 $0x0;
	s12 =	sshrl.u32 s1, $0x1  }
0x6: {  	s5 =	sshrl.u32 s10, $0x3;
	[smem:$0x7FF] =	sst s3;
	s1 =	ssub.s32 s1, s12  }
0x7: {  	s13 =	sshll.u32 s10, $0x8;
	s0 =	sadd.s32 s5, s0;
	s1 =	smax.u32 s1, $0x1  }
0x8: {  	_ =	strace $0x80000047;
	s0 =	sadd.s32 $0x400, s0;
	[dreg:$0x12] =	wrdreg s1  }
0x9: {  	[dreg:$0x4] =	wrdreg s0;
	s0 =	sadd.s32 s4, s13  }
0xa: {  	s4 =	sadd.s32 $0x1000, s0;
	[dreg:$0x5] =	wrdreg s0  }
0xb: {  	s14 =	sadd.s32 $0x2000, s0;
	[dreg:$0x6] =	wrdreg s4  }
0xc: {  	s15 =	sadd.s32 $0x3000, s0;
	[dreg:$0x7] =	wrdreg s14  }
0xd: {  	s31 =	simm.s32 $0x100;
	s16 =	sadd.s32 $0x4000, s0;
	[dreg:$0x8] =	wrdreg s15  }
0xe: {  	s30 =	simm.s32 $0x1;
	s17 =	sadd.s32 $0x5000, s0;
	[dreg:$0x9] =	wrdreg s16  }
0xf: {  	s28 =	simm.s32 $0x4;
	s18 =	sadd.s32 $0x6000, s0;
	[dreg:$0xa] =	wrdreg s17  }
0x10: {  	s29 =	simm.s32 $0x2;
	s19 =	sadd.s32 $0x7000, s0;
	[dreg:$0xb] =	wrdreg s18  }
0x11: {  	s6 =	sadd.s32 $0x200, s2;
	s20 =	sadd.s32 $0x8000, s0;
	[dreg:$0xc] =	wrdreg s19  }
0x12: {  	s7 =	sadd.s32 $0x300, s2;
	s21 =	sadd.s32 $0x9000, s0;
	[dreg:$0xd] =	wrdreg s20  }
0x13: {  	s8 =	sadd.s32 $0x400, s2;
	s22 =	sadd.s32 $0xA000, s0;
	[dreg:$0xe] =	wrdreg s21  }
0x14: {  	s9 =	sadd.s32 $0x500, s2;
	s23 =	sadd.s32 $0xB000, s0;
	[dreg:$0xf] =	wrdreg s22  }
0x15: {  	s11 =	sadd.s32 $0x700, s2;
	s24 =	sadd.s32 $0xC000, s0;
	[dreg:$0x10] =	wrdreg s23  }
0x16: {  	s10 =	sadd.s32 $0x600, s2;
	s25 =	sadd.s32 $0xD000, s0;
	[dreg:$0x11] =	wrdreg s24  }
0x17: {  	s12 =	simm.s32 $0x5;
	s26 =	sadd.s32 $0xE000, s0;
	[dreg:$0x13] =	wrdreg s25  }
0x18: {  	s5 =	sadd.s32 $0x100, s2;
	s0 =	sadd.s32 $0xF000, s0;
	[dreg:$0x14] =	wrdreg s26  }
0x19: {  	s1 =	simm.s32 $0x3;
	[dreg:$0x15] =	wrdreg s0;
	s19 =	simm.s32 $0x5100  }
0x1a: {  	v2 =	vlaneseq.u32;
	s20 =	simm.s32 $0x5900;
	s21 =	simm.s32 $0x6100;
	s22 =	simm.s32 $0x6900  }
0x1b: {  	vm0 =	vmmov $0xffff;
	v1 =	vshrl.u32 v2, $0x3;
	s23 =	simm.s32 $0x7100;
	s24 =	simm.s32 $0x7900;
	s25 =	simm.s32 $0x8100  }
0x1c: {  	v0 =	vand.u32 $0x7, v2;
	v2 =	vor.u32 $0x8, v2;
	v1 =	vmul.u32 $0x8, v1;
	s26 =	simm.s32 $0x10100;
	s0 =	simm.s32 $0x6;
	s4 =	simm.s32 $0x0  }
.LBB2_1:
0x1d: {  	s13 =	rddreg [dreg:$0x4];
	s14 =	simm.s32 $0x7  }
0x1e: {  	[tilespmem:s3], [sflag:$0x7] =	stream.linear.gather [hbm4b:s13+s3], $0x100, $0x38;
	[tilespmem:$0x18100] =	vst v63  }
0x1f: {  	_ =	swait.ge [sflag:s14], $0x100  }
0x20: {  	[sflag:s14] =	ssyncset.done $0x0  }
0x21: {  	[sflag:s14] =	ssyncadd.s32 $0xFFFFFF00  }
0x22: {  	v3 =	vld [tilespmem:$0x0];
	_ =	sdelay $0x4  }
0x23: {  	v4 =	vshll.u32 v3, $0x4  }
0x24: {  	v3 =	vand.u32 $0x7, v3;
	v4 =	vand.u32 $0xFFFFFF80, v4  }
0x25: {  	v3 =	vor.u32 v3, v4  }
0x26: {  	v4 =	vperm.xlane v3, v0;
	_ =	sdelay $0x1  }
0x27: {  	v4 =	vadd.s32 v1, v4;
	_ =	sdelay $0x4  }
0x28: {  	[tilespmem:s31], [sflag:$0x1] =	stream.indirect_vreg.gather [hbm4b:s2+s3], $0x80, v4, vm0, $0xb8;
	[tilespmem:$0x18100] =	vst v63  }
0x29: {  	s15 =	simm.s32 $0x900  }
0x2a: {  	[tilespmem:s15], [sflag:$0x1] =	stream.indirect_vreg.gather [hbm4b:s5+s3], $0x80, v4, vm0, $0xb8;
	[tilespmem:$0x18100] =	vst v63  }
0x2b: {  	s16 =	simm.s32 $0x1100  }
0x2c: {  	[tilespmem:s16], [sflag:$0x1] =	stream.indirect_vreg.gather [hbm4b:s6+s3], $0x80, v4, vm0, $0xb8;
	[tilespmem:$0x18100] =	vst v63  }
0x2d: {  	s17 =	simm.s32 $0x1900  }
0x2e: {  	[tilespmem:s17], [sflag:$0x1] =	stream.indirect_vreg.gather [hbm4b:s7+s3], $0x80, v4, vm0, $0xb8;
	[tilespmem:$0x18100] =	vst v63  }
0x2f: {  	s18 =	simm.s32 $0x2100  }
0x30: {  	[tilespmem:s18], [sflag:$0x1] =	stream.indirect_vreg.gather [hbm4b:s8+s3], $0x80, v4, vm0, $0xb8;
	[tilespmem:$0x18100] =	vst v63  }
0x31: {  	s14 =	simm.s32 $0x2900;
	v3 =	vperm.xlane v3, v2  }
0x32: {  	[tilespmem:s14], [sflag:$0x1] =	stream.indirect_vreg.gather [hbm4b:s9+s3], $0x80, v4, vm0, $0xb8;
	[tilespmem:$0x18100] =	vst v63  }
0x33: {  	v3 =	vadd.s32 v1, v3;
	s15 =	simm.s32 $0x3100  }
0x34: {  	[tilespmem:s15], [sflag:$0x1] =	stream.indirect_vreg.gather [hbm4b:s10+s3], $0x80, v4, vm0, $0xb8;
	[tilespmem:$0x18100] =	vst v63  }
0x35: {  	s16 =	simm.s32 $0x3900  }
0x36: {  	[tilespmem:s16], [sflag:$0x1] =	stream.indirect_vreg.gather [hbm4b:s11+s3], $0x80, v4, vm0, $0xb8;
	[tilespmem:$0x18100] =	vst v63  }
0x37: {  	s17 =	simm.s32 $0x4100  }
0x38: {  	[tilespmem:s17], [sflag:$0x1] =	stream.indirect_vreg.gather [hbm4b:s2+s3], $0x80, v3, vm0, $0xb8;
	[tilespmem:$0x18100] =	vst v63  }
0x39: {  	s18 =	simm.s32 $0x4900  }
0x3a: {  	[tilespmem:s18], [sflag:$0x1] =	stream.indirect_vreg.gather [hbm4b:s5+s3], $0x80, v3, vm0, $0xb8;
	[tilespmem:$0x18100] =	vst v63  }
0x3b: {  	_ = 	snop  }
0x3c: {  	[tilespmem:s19], [sflag:$0x1] =	stream.indirect_vreg.gather [hbm4b:s6+s3], $0x80, v3, vm0, $0xb8;
	[tilespmem:$0x18100] =	vst v63  }
0x3d: {  	_ = 	snop  }
0x3e: {  	[tilespmem:s20], [sflag:$0x1] =	stream.indirect_vreg.gather [hbm4b:s7+s3], $0x80, v3, vm0, $0xb8;
	[tilespmem:$0x18100] =	vst v63  }
0x3f: {  	_ = 	snop  }
0x40: {  	[tilespmem:s21], [sflag:$0x1] =	stream.indirect_vreg.gather [hbm4b:s8+s3], $0x80, v3, vm0, $0xb8;
	[tilespmem:$0x18100] =	vst v63  }
0x41: {  	_ = 	snop  }
0x42: {  	[tilespmem:s22], [sflag:$0x1] =	stream.indirect_vreg.gather [hbm4b:s9+s3], $0x80, v3, vm0, $0xb8;
	[tilespmem:$0x18100] =	vst v63  }
0x43: {  	_ = 	snop  }
0x44: {  	[tilespmem:s23], [sflag:$0x1] =	stream.indirect_vreg.gather [hbm4b:s10+s3], $0x80, v3, vm0, $0xb8;
	[tilespmem:$0x18100] =	vst v63  }
0x45: {  	_ = 	snop  }
0x46: {  	[tilespmem:s24], [sflag:$0x1] =	stream.indirect_vreg.gather [hbm4b:s11+s3], $0x80, v3, vm0, $0xb8;
	[tilespmem:$0x18100] =	vst v63  }
0x47: {  	v3 =	vld [tilespmem:$0x10];
	_ =	sdelay $0x4  }
0x48: {  	v62 =	vshll.u32 v3, $0x4  }
0x49: {  	v3 =	vand.u32 $0x7, v3;
	v4 =	vand.u32 $0xFFFFFF80, v62  }
0x4a: {  	v3 =	vor.u32 v3, v4  }
0x4b: {  	v4 =	vperm.xlane v3, v0;
	_ =	sdelay $0x1  }
0x4c: {  	v4 =	vadd.s32 v1, v4;
	_ =	sdelay $0x4  }
0x4d: {  	[tilespmem:s25], [sflag:$0x2] =	stream.indirect_vreg.gather [hbm4b:s2+s3], $0x80, v4, vm0, $0xb8;
	[tilespmem:$0x18100] =	vst v63  }
0x4e: {  	s14 =	simm.s32 $0x8900  }
0x4f: {  	[tilespmem:s14], [sflag:$0x2] =	stream.indirect_vreg.gather [hbm4b:s5+s3], $0x80, v4, vm0, $0xb8;
	[tilespmem:$0x18100] =	vst v63  }
0x50: {  	s15 =	simm.s32 $0x9100  }
0x51: {  	[tilespmem:s15], [sflag:$0x2] =	stream.indirect_vreg.gather [hbm4b:s6+s3], $0x80, v4, vm0, $0xb8;
	[tilespmem:$0x18100] =	vst v63  }
0x52: {  	s16 =	simm.s32 $0x9900  }
0x53: {  	[tilespmem:s16], [sflag:$0x2] =	stream.indirect_vreg.gather [hbm4b:s7+s3], $0x80, v4, vm0, $0xb8;
	[tilespmem:$0x18100] =	vst v63  }
0x54: {  	s17 =	simm.s32 $0xA100  }
0x55: {  	[tilespmem:s17], [sflag:$0x2] =	stream.indirect_vreg.gather [hbm4b:s8+s3], $0x80, v4, vm0, $0xb8;
	[tilespmem:$0x18100] =	vst v63  }
0x56: {  	s18 =	simm.s32 $0xA900;
	v3 =	vperm.xlane v3, v2  }
0x57: {  	[tilespmem:s18], [sflag:$0x2] =	stream.indirect_vreg.gather [hbm4b:s9+s3], $0x80, v4, vm0, $0xb8;
	[tilespmem:$0x18100] =	vst v63  }
0x58: {  	v3 =	vadd.s32 v1, v3;
	s14 =	simm.s32 $0xB100  }
0x59: {  	[tilespmem:s14], [sflag:$0x2] =	stream.indirect_vreg.gather [hbm4b:s10+s3], $0x80, v4, vm0, $0xb8;
	[tilespmem:$0x18100] =	vst v63  }
0x5a: {  	s15 =	simm.s32 $0xB900  }
0x5b: {  	[tilespmem:s15], [sflag:$0x2] =	stream.indirect_vreg.gather [hbm4b:s11+s3], $0x80, v4, vm0, $0xb8;
	[tilespmem:$0x18100] =	vst v63  }
0x5c: {  	s16 =	simm.s32 $0xC100  }
0x5d: {  	[tilespmem:s16], [sflag:$0x2] =	stream.indirect_vreg.gather [hbm4b:s2+s3], $0x80, v3, vm0, $0xb8;
	[tilespmem:$0x18100] =	vst v63  }
0x5e: {  	s17 =	simm.s32 $0xC900  }
0x5f: {  	[tilespmem:s17], [sflag:$0x2] =	stream.indirect_vreg.gather [hbm4b:s5+s3], $0x80, v3, vm0, $0xb8;
	[tilespmem:$0x18100] =	vst v63  }
0x60: {  	s18 =	simm.s32 $0xD100  }
0x61: {  	[tilespmem:s18], [sflag:$0x2] =	stream.indirect_vreg.gather [hbm4b:s6+s3], $0x80, v3, vm0, $0xb8;
	[tilespmem:$0x18100] =	vst v63  }
0x62: {  	s14 =	simm.s32 $0xD900  }
0x63: {  	[tilespmem:s14], [sflag:$0x2] =	stream.indirect_vreg.gather [hbm4b:s7+s3], $0x80, v3, vm0, $0xb8;
	[tilespmem:$0x18100] =	vst v63  }
0x64: {  	s15 =	simm.s32 $0xE100  }
0x65: {  	[tilespmem:s15], [sflag:$0x2] =	stream.indirect_vreg.gather [hbm4b:s8+s3], $0x80, v3, vm0, $0xb8;
	[tilespmem:$0x18100] =	vst v63  }
0x66: {  	s16 =	simm.s32 $0xE900  }
0x67: {  	[tilespmem:s16], [sflag:$0x2] =	stream.indirect_vreg.gather [hbm4b:s9+s3], $0x80, v3, vm0, $0xb8;
	[tilespmem:$0x18100] =	vst v63  }
0x68: {  	s17 =	simm.s32 $0xF100  }
0x69: {  	[tilespmem:s17], [sflag:$0x2] =	stream.indirect_vreg.gather [hbm4b:s10+s3], $0x80, v3, vm0, $0xb8;
	[tilespmem:$0x18100] =	vst v63  }
0x6a: {  	s18 =	simm.s32 $0xF900  }
0x6b: {  	[tilespmem:s18], [sflag:$0x2] =	stream.indirect_vreg.gather [hbm4b:s11+s3], $0x80, v3, vm0, $0xb8;
	[tilespmem:$0x18100] =	vst v63  }
0x6c: {  	v3 =	vld [tilespmem:$0x20];
	_ =	sdelay $0x4  }
0x6d: {  	v63 =	vshll.u32 v3, $0x4  }
0x6e: {  	v3 =	vand.u32 $0x7, v3;
	v4 =	vand.u32 $0xFFFFFF80, v63  }
0x6f: {  	v3 =	vor.u32 v3, v4  }
0x70: {  	v4 =	vperm.xlane v3, v0;
	_ =	sdelay $0x1  }
0x71: {  	v4 =	vadd.s32 v1, v4;
	_ =	sdelay $0x4  }
0x72: {  	[tilespmem:s26], [sflag:$0x3] =	stream.indirect_vreg.gather [hbm4b:s2+s3], $0x80, v4, vm0, $0xb8;
	[tilespmem:$0x18100] =	vst v63  }
0x73: {  	s14 =	simm.s32 $0x10900  }
0x74: {  	[tilespmem:s14], [sflag:$0x3] =	stream.indirect_vreg.gather [hbm4b:s5+s3], $0x80, v4, vm0, $0xb8;
	[tilespmem:$0x18100] =	vst v63  }
0x75: {  	s15 =	simm.s32 $0x11100  }
0x76: {  	[tilespmem:s15], [sflag:$0x3] =	stream.indirect_vreg.gather [hbm4b:s6+s3], $0x80, v4, vm0, $0xb8;
	[tilespmem:$0x18100] =	vst v63  }
0x77: {  	s16 =	simm.s32 $0x11900  }
0x78: {  	[tilespmem:s16], [sflag:$0x3] =	stream.indirect_vreg.gather [hbm4b:s7+s3], $0x80, v4, vm0, $0xb8;
	[tilespmem:$0x18100] =	vst v63  }
0x79: {  	s17 =	simm.s32 $0x12100  }
0x7a: {  	[tilespmem:s17], [sflag:$0x3] =	stream.indirect_vreg.gather [hbm4b:s8+s3], $0x80, v4, vm0, $0xb8;
	[tilespmem:$0x18100] =	vst v63  }
0x7b: {  	s18 =	simm.s32 $0x12900;
	v3 =	vperm.xlane v3, v2  }
0x7c: {  	[tilespmem:s18], [sflag:$0x3] =	stream.indirect_vreg.gather [hbm4b:s9+s3], $0x80, v4, vm0, $0xb8;
	[tilespmem:$0x18100] =	vst v63  }
0x7d: {  	v3 =	vadd.s32 v1, v3;
	s14 =	simm.s32 $0x13100  }
0x7e: {  	[tilespmem:s14], [sflag:$0x3] =	stream.indirect_vreg.gather [hbm4b:s10+s3], $0x80, v4, vm0, $0xb8;
	[tilespmem:$0x18100] =	vst v63  }
0x7f: {  	s15 =	simm.s32 $0x13900  }
0x80: {  	[tilespmem:s15], [sflag:$0x3] =	stream.indirect_vreg.gather [hbm4b:s11+s3], $0x80, v4, vm0, $0xb8;
	[tilespmem:$0x18100] =	vst v63  }
0x81: {  	s16 =	simm.s32 $0x14100  }
0x82: {  	[tilespmem:s16], [sflag:$0x3] =	stream.indirect_vreg.gather [hbm4b:s2+s3], $0x80, v3, vm0, $0xb8;
	[tilespmem:$0x18100] =	vst v63  }
0x83: {  	s17 =	simm.s32 $0x14900  }
0x84: {  	[tilespmem:s17], [sflag:$0x3] =	stream.indirect_vreg.gather [hbm4b:s5+s3], $0x80, v3, vm0, $0xb8;
	[tilespmem:$0x18100] =	vst v63  }
0x85: {  	s18 =	simm.s32 $0x15100  }
0x86: {  	[tilespmem:s18], [sflag:$0x3] =	stream.indirect_vreg.gather [hbm4b:s6+s3], $0x80, v3, vm0, $0xb8;
	[tilespmem:$0x18100] =	vst v63  }
0x87: {  	s14 =	simm.s32 $0x15900  }
0x88: {  	[tilespmem:s14], [sflag:$0x3] =	stream.indirect_vreg.gather [hbm4b:s7+s3], $0x80, v3, vm0, $0xb8;
	[tilespmem:$0x18100] =	vst v63  }
0x89: {  	s15 =	simm.s32 $0x16100  }
0x8a: {  	[tilespmem:s15], [sflag:$0x3] =	stream.indirect_vreg.gather [hbm4b:s8+s3], $0x80, v3, vm0, $0xb8;
	[tilespmem:$0x18100] =	vst v63  }
0x8b: {  	s16 =	simm.s32 $0x16900  }
0x8c: {  	[tilespmem:s16], [sflag:$0x3] =	stream.indirect_vreg.gather [hbm4b:s9+s3], $0x80, v3, vm0, $0xb8;
	[tilespmem:$0x18100] =	vst v63  }
0x8d: {  	s17 =	simm.s32 $0x17100  }
0x8e: {  	[tilespmem:s17], [sflag:$0x3] =	stream.indirect_vreg.gather [hbm4b:s10+s3], $0x80, v3, vm0, $0xb8;
	[tilespmem:$0x18100] =	vst v63  }
0x8f: {  	s18 =	simm.s32 $0x17900  }
0x90: {  	[tilespmem:s18], [sflag:$0x3] =	stream.indirect_vreg.gather [hbm4b:s11+s3], $0x80, v3, vm0, $0xb8;
	[tilespmem:$0x18100] =	vst v63  }
0x91: {  	_ =	swait.ge [sflag:s30], $0x8000  }
0x92: {  	s13 =	simm.s32 $0x0;
	[sflag:s30] =	ssyncset.done $0x0  }
0x93: {  	s14 =	simm.s32 $0x0;
	s15 =	simm.s32 $0x0;
	[sflag:s30] =	ssyncadd.s32 $0xFFFF8000  }
.LBB2_2:
0x94: {  	s16 =	sshll.u32 s14, $0x2;
	s17 =	sand.u32 $0x7, s13  }
0x95: {  	s16 =	sand.u32 $0xFFFF0000, s16;
	s17 =	sshll.u32 s17, $0x9  }
0x96: {  	s16 =	sor.u32 s17, s16  }
0x97: {  	s16 =	sshrl.u32 s16, $0x2  }
0x98: {  	s16 =	sadd.s32 $0x500, s16  }
0x99: {  	v3 =	vld [tilespmem:s16+$0x70]  }
0x9a: {  	v4 =	vld [tilespmem:s16+$0xFFFFFC10]  }
0x9b: {  	v5 =	vld [tilespmem:s16+$0xFFFFFC20]  }
0x9c: {  	v6 =	vld [tilespmem:s16+$0xFFFFFC30]  }
0x9d: {  	v7 =	vld [tilespmem:s16+$0xFFFFFC40]  }
0x9e: {  	v8 =	vld [tilespmem:s16+$0xFFFFFC50];
	v3 =	vmul.f32 $4.525483320e+01, v3  }
0x9f: {  	v9 =	vld [tilespmem:s16+$0xFFFFFC60];
	v4 =	vmul.f32 $4.525483320e+01, v4  }
0xa0: {  	v10 =	vld [tilespmem:s16+$0xFFFFFC70];
	v5 =	vmul.f32 $4.525483320e+01, v5;
	[tilespmem:s16+$0x70] =	vst v3  }
0xa1: {  	[tilespmem:s16+$0xFFFFFC10] =	vst v4;
	v3 =	vmul.f32 $4.525483320e+01, v6;
	v6 =	vld [tilespmem:s16+$0x0]  }
0xa2: {  	[tilespmem:s16+$0xFFFFFC20] =	vst v5;
	v4 =	vmul.f32 $4.525483320e+01, v7;
	v7 =	vld [tilespmem:s16+$0x10]  }
0xa3: {  	v11 =	vld [tilespmem:s16+$0x20];
	v5 =	vmul.f32 $4.525483320e+01, v8;
	[tilespmem:s16+$0xFFFFFC30] =	vst v3  }
0xa4: {  	v8 =	vmul.f32 $4.525483320e+01, v9;
	[tilespmem:s16+$0xFFFFFC40] =	vst v4;
	v3 =	vld [tilespmem:s16+$0x30]  }
0xa5: {  	v9 =	vmul.f32 $4.525483320e+01, v10;
	[tilespmem:s16+$0xFFFFFC50] =	vst v5;
	v4 =	vld [tilespmem:s16+$0x40]  }
0xa6: {  	[tilespmem:s16+$0xFFFFFC60] =	vst v8;
	v5 =	vld [tilespmem:s16+$0x50];
	v10 =	vmul.f32 $4.525483320e+01, v6  }
0xa7: {  	[tilespmem:s16+$0xFFFFFC70] =	vst v9;
	v6 =	vld [tilespmem:s16+$0x60];
	v8 =	vmul.f32 $4.525483320e+01, v7  }
0xa8: {  	s17 =	simm.s32 $0x0;
	s18 =	sadd.s32 $0x800, s16;
	v9 =	vmul.f32 $4.525483320e+01, v11;
	v7 =	vld [tilespmem:s16+$0xFFFFFC00];
	[tilespmem:s16+$0x0] =	vst v10  }
.LBB2_3:
0xa9: {  	v10 =	vld [tilespmem:s18+$0x70];
	s17 =	sadd.s32 $0x10, s17;
	[tilespmem:s16+$0x10] =	vst v8;
	v3 =	vmul.f32 $4.525483320e+01, v3  }
0xaa: {  	v8 =	vld [tilespmem:s18+$0xFFFFFC10];
	p0 =	slt.u32 s17, $0x70;
	[tilespmem:s16+$0x20] =	vst v9;
	v4 =	vmul.f32 $4.525483320e+01, v4  }
0xab: {  	v9 =	vld [tilespmem:s18+$0xFFFFFC20];
	[tilespmem:s16+$0x30] =	vst v3;
	v3 =	vmul.f32 $4.525483320e+01, v5  }
0xac: {  	v5 =	vld [tilespmem:s18+$0xFFFFFC30];
	[tilespmem:s16+$0x40] =	vst v4;
	v4 =	vmul.f32 $4.525483320e+01, v6  }
0xad: {  	v6 =	vld [tilespmem:s18+$0xFFFFFC40];
	v7 =	vmul.f32 $4.525483320e+01, v7;
	[tilespmem:s16+$0x50] =	vst v3  }
0xae: {  	v3 =	vld [tilespmem:s18+$0xFFFFFC50];
	v10 =	vmul.f32 $4.525483320e+01, v10;
	[tilespmem:s16+$0x60] =	vst v4  }
0xaf: {  	v4 =	vmul.f32 $4.525483320e+01, v8;
	v8 =	vld [tilespmem:s18+$0xFFFFFC60];
	[tilespmem:s16+$0xFFFFFC00] =	vst v7;
	s16 =	smov.u32 s18  }
0xb0: {  	v7 =	vmul.f32 $4.525483320e+01, v9;
	v9 =	vld [tilespmem:s18+$0xFFFFFC70];
	[tilespmem:s18+$0x70] =	vst v10  }
0xb1: {  	[tilespmem:s18+$0xFFFFFC10] =	vst v4;
	v4 =	vmul.f32 $4.525483320e+01, v5;
	v5 =	vld [tilespmem:s18+$0x0]  }
0xb2: {  	[tilespmem:s18+$0xFFFFFC20] =	vst v7;
	v6 =	vmul.f32 $4.525483320e+01, v6;
	v7 =	vld [tilespmem:s18+$0x10]  }
0xb3: {  	[tilespmem:s18+$0xFFFFFC30] =	vst v4;
	v4 =	vmul.f32 $4.525483320e+01, v3;
	v10 =	vld [tilespmem:s18+$0x20]  }
.Ltmp0:
0xb4: {  	[tilespmem:s18+$0xFFFFFC40] =	vst v6;
	v6 =	vmul.f32 $4.525483320e+01, v8;
	v3 =	vld [tilespmem:s18+$0x30];
	(pc) =	sbr.rel @p0 .LBB2_3-.Ltmp0, $4  }
0xb5: {  	[tilespmem:s18+$0xFFFFFC50] =	vst v4;
	v8 =	vmul.f32 $4.525483320e+01, v9;
	v4 =	vld [tilespmem:s18+$0x40]  }
0xb6: {  	[tilespmem:s18+$0xFFFFFC60] =	vst v6;
	v9 =	vmul.f32 $4.525483320e+01, v5;
	v5 =	vld [tilespmem:s18+$0x50]  }
0xb7: {  	[tilespmem:s18+$0xFFFFFC70] =	vst v8;
	v8 =	vmul.f32 $4.525483320e+01, v7;
	v6 =	vld [tilespmem:s18+$0x60]  }
0xb8: {  	s18 =	sadd.s32 $0x800, s18;
	v7 =	vld [tilespmem:s16+$0xFFFFFC00];
	[tilespmem:s16+$0x0] =	vst v9;
	v9 =	vmul.f32 $4.525483320e+01, v10  }
0xb9: {  	[tilespmem:s16+$0x10] =	vst v8;
	v3 =	vmul.f32 $4.525483320e+01, v3;
	s15 =	sadd.s32 $0x1, s15  }
0xba: {  	[tilespmem:s16+$0x20] =	vst v9;
	v4 =	vmul.f32 $4.525483320e+01, v4;
	p0 =	sne.s32 s15, $0x10  }
.Ltmp1:
0xbb: {  	[tilespmem:s16+$0x30] =	vst v3;
	v3 =	vmul.f32 $4.525483320e+01, v5;
	(pc) =	sbr.rel @p0 .LBB2_2-.Ltmp1, $4  }
0xbc: {  	[tilespmem:s16+$0x40] =	vst v4;
	v62 =	vmul.f32 $4.525483320e+01, v6  }
0xbd: {  	v63 =	vmul.f32 $4.525483320e+01, v7;
	[tilespmem:s16+$0x50] =	vst v3  }
0xbe: {  	[tilespmem:s16+$0x60] =	vst v62  }
0xbf: {  	s14 =	sadd.s32 $0x800, s14;
	s13 =	sadd.s32 $0x1, s13;
	[tilespmem:s16+$0xFFFFFC00] =	vst v63  }
0xc0: {  	s13 =	simm.s32 $0x0;
	s14 =	rddreg [dreg:$0x5]  }
0xc1: {  	[hbm4b:s14+s13] =	stream.linear.scatter [tilespmem:s31], [sflag:$0x4], $0x8000, $0x38;
	[tilespmem:$0x18100] =	vst v63  }
0xc2: {  	_ =	swait.ge [sflag:s28], $0x8000  }
0xc3: {  	[sflag:s28] =	ssyncset.done $0x0  }
0xc4: {  	[sflag:s28] =	ssyncadd.s32 $0xFFFF8000  }
0xc5: {  	v3 =	vld [tilespmem:$0x30];
	_ =	sdelay $0x4  }
0xc6: {  	v4 =	vshll.u32 v3, $0x4  }
0xc7: {  	v3 =	vand.u32 $0x7, v3;
	v4 =	vand.u32 $0xFFFFFF80, v4  }
0xc8: {  	v3 =	vor.u32 v3, v4  }
0xc9: {  	v4 =	vperm.xlane v3, v0;
	_ =	sdelay $0x1  }
0xca: {  	v4 =	vadd.s32 v1, v4;
	_ =	sdelay $0x4  }
0xcb: {  	[tilespmem:s31], [sflag:$0x1] =	stream.indirect_vreg.gather [hbm4b:s2+s13], $0x80, v4, vm0, $0xb8;
	[tilespmem:$0x18100] =	vst v63  }
0xcc: {  	s18 =	simm.s32 $0x900  }
0xcd: {  	[tilespmem:s18], [sflag:$0x1] =	stream.indirect_vreg.gather [hbm4b:s5+s13], $0x80, v4, vm0, $0xb8;
	[tilespmem:$0x18100] =	vst v63  }
0xce: {  	s15 =	simm.s32 $0x1100  }
0xcf: {  	[tilespmem:s15], [sflag:$0x1] =	stream.indirect_vreg.gather [hbm4b:s6+s13], $0x80, v4, vm0, $0xb8;
	[tilespmem:$0x18100] =	vst v63  }
0xd0: {  	s16 =	simm.s32 $0x1900  }
0xd1: {  	[tilespmem:s16], [sflag:$0x1] =	stream.indirect_vreg.gather [hbm4b:s7+s13], $0x80, v4, vm0, $0xb8;
	[tilespmem:$0x18100] =	vst v63  }
0xd2: {  	s17 =	simm.s32 $0x2100  }
0xd3: {  	[tilespmem:s17], [sflag:$0x1] =	stream.indirect_vreg.gather [hbm4b:s8+s13], $0x80, v4, vm0, $0xb8;
	[tilespmem:$0x18100] =	vst v63  }
0xd4: {  	v3 =	vperm.xlane v3, v2;
	s18 =	simm.s32 $0x2900  }
0xd5: {  	[tilespmem:s18], [sflag:$0x1] =	stream.indirect_vreg.gather [hbm4b:s9+s13], $0x80, v4, vm0, $0xb8;
	[tilespmem:$0x18100] =	vst v63  }
0xd6: {  	v3 =	vadd.s32 v1, v3;
	s15 =	simm.s32 $0x3100  }
0xd7: {  	[tilespmem:s15], [sflag:$0x1] =	stream.indirect_vreg.gather [hbm4b:s10+s13], $0x80, v4, vm0, $0xb8;
	[tilespmem:$0x18100] =	vst v63  }
0xd8: {  	s16 =	simm.s32 $0x3900  }
0xd9: {  	[tilespmem:s16], [sflag:$0x1] =	stream.indirect_vreg.gather [hbm4b:s11+s13], $0x80, v4, vm0, $0xb8;
	[tilespmem:$0x18100] =	vst v63  }
0xda: {  	s17 =	simm.s32 $0x4100  }
0xdb: {  	[tilespmem:s17], [sflag:$0x1] =	stream.indirect_vreg.gather [hbm4b:s2+s13], $0x80, v3, vm0, $0xb8;
	[tilespmem:$0x18100] =	vst v63  }
0xdc: {  	s18 =	simm.s32 $0x4900  }
0xdd: {  	[tilespmem:s18], [sflag:$0x1] =	stream.indirect_vreg.gather [hbm4b:s5+s13], $0x80, v3, vm0, $0xb8;
	[tilespmem:$0x18100] =	vst v63  }
0xde: {  	_ = 	snop  }
0xdf: {  	[tilespmem:s19], [sflag:$0x1] =	stream.indirect_vreg.gather [hbm4b:s6+s13], $0x80, v3, vm0, $0xb8;
	[tilespmem:$0x18100] =	vst v63  }
0xe0: {  	_ = 	snop  }
0xe1: {  	[tilespmem:s20], [sflag:$0x1] =	stream.indirect_vreg.gather [hbm4b:s7+s13], $0x80, v3, vm0, $0xb8;
	[tilespmem:$0x18100] =	vst v63  }
0xe2: {  	_ = 	snop  }
0xe3: {  	[tilespmem:s21], [sflag:$0x1] =	stream.indirect_vreg.gather [hbm4b:s8+s13], $0x80, v3, vm0, $0xb8;
	[tilespmem:$0x18100] =	vst v63  }
0xe4: {  	_ = 	snop  }
0xe5: {  	[tilespmem:s22], [sflag:$0x1] =	stream.indirect_vreg.gather [hbm4b:s9+s13], $0x80, v3, vm0, $0xb8;
	[tilespmem:$0x18100] =	vst v63  }
0xe6: {  	_ = 	snop  }
0xe7: {  	[tilespmem:s23], [sflag:$0x1] =	stream.indirect_vreg.gather [hbm4b:s10+s13], $0x80, v3, vm0, $0xb8;
	[tilespmem:$0x18100] =	vst v63  }
0xe8: {  	_ = 	snop  }
0xe9: {  	[tilespmem:s24], [sflag:$0x1] =	stream.indirect_vreg.gather [hbm4b:s11+s13], $0x80, v3, vm0, $0xb8;
	[tilespmem:$0x18100] =	vst v63  }
0xea: {  	_ =	swait.ge [sflag:s29], $0x8000  }
0xeb: {  	[sflag:s29] =	ssyncset.done $0x0  }
0xec: {  	s14 =	simm.s32 $0x0;
	s15 =	simm.s32 $0x0;
	[sflag:s29] =	ssyncadd.s32 $0xFFFF8000  }
.LBB2_6:
0xed: {  	s16 =	sshll.u32 s14, $0x2;
	s17 =	sand.u32 $0x7, s13  }
0xee: {  	s16 =	sand.u32 $0xFFFF0000, s16;
	s17 =	sshll.u32 s17, $0x9  }
0xef: {  	s16 =	sor.u32 s17, s16  }
0xf0: {  	s16 =	sshrl.u32 s16, $0x2  }
0xf1: {  	s16 =	sadd.s32 $0x8570, s16  }
0xf2: {  	v3 =	vld [tilespmem:s16+$0x0]  }
0xf3: {  	v4 =	vld [tilespmem:s16+$0xFFFFFBA0]  }
0xf4: {  	v5 =	vld [tilespmem:s16+$0xFFFFFBB0]  }
0xf5: {  	v6 =	vld [tilespmem:s16+$0xFFFFFBC0]  }
0xf6: {  	v7 =	vld [tilespmem:s16+$0xFFFFFBD0]  }
0xf7: {  	v8 =	vld [tilespmem:s16+$0xFFFFFBE0];
	v3 =	vmul.f32 $4.525483320e+01, v3  }
0xf8: {  	v9 =	vld [tilespmem:s16+$0xFFFFFBF0];
	v4 =	vmul.f32 $4.525483320e+01, v4  }
0xf9: {  	v10 =	vld [tilespmem:s16+$0xFFFFFC00];
	v5 =	vmul.f32 $4.525483320e+01, v5;
	[tilespmem:s16+$0x0] =	vst v3  }
0xfa: {  	[tilespmem:s16+$0xFFFFFBA0] =	vst v4;
	v3 =	vmul.f32 $4.525483320e+01, v6;
	v6 =	vld [tilespmem:s16+$0xFFFFFF90]  }
0xfb: {  	[tilespmem:s16+$0xFFFFFBB0] =	vst v5;
	v4 =	vmul.f32 $4.525483320e+01, v7;
	v7 =	vld [tilespmem:s16+$0xFFFFFFA0]  }
0xfc: {  	v11 =	vld [tilespmem:s16+$0xFFFFFFB0];
	v5 =	vmul.f32 $4.525483320e+01, v8;
	[tilespmem:s16+$0xFFFFFBC0] =	vst v3  }
0xfd: {  	v8 =	vmul.f32 $4.525483320e+01, v9;
	[tilespmem:s16+$0xFFFFFBD0] =	vst v4;
	v3 =	vld [tilespmem:s16+$0xFFFFFFC0]  }
0xfe: {  	v9 =	vmul.f32 $4.525483320e+01, v10;
	[tilespmem:s16+$0xFFFFFBE0] =	vst v5;
	v4 =	vld [tilespmem:s16+$0xFFFFFFD0]  }
0xff: {  	[tilespmem:s16+$0xFFFFFBF0] =	vst v8;
	v5 =	vld [tilespmem:s16+$0xFFFFFFE0];
	v10 =	vmul.f32 $4.525483320e+01, v6  }
0x100: {  	[tilespmem:s16+$0xFFFFFC00] =	vst v9;
	v6 =	vld [tilespmem:s16+$0xFFFFFFF0];
	v8 =	vmul.f32 $4.525483320e+01, v7  }
0x101: {  	s17 =	simm.s32 $0x0;
	s18 =	sadd.s32 $0x800, s16;
	v9 =	vmul.f32 $4.525483320e+01, v11;
	v7 =	vld [tilespmem:s16+$0xFFFFFB90];
	[tilespmem:s16+$0xFFFFFF90] =	vst v10  }
.LBB2_7:
0x102: {  	v10 =	vld [tilespmem:s18+$0x0];
	s17 =	sadd.s32 $0x10, s17;
	[tilespmem:s16+$0xFFFFFFA0] =	vst v8;
	v3 =	vmul.f32 $4.525483320e+01, v3  }
0x103: {  	v8 =	vld [tilespmem:s18+$0xFFFFFBA0];
	p0 =	slt.u32 s17, $0x70;
	[tilespmem:s16+$0xFFFFFFB0] =	vst v9;
	v4 =	vmul.f32 $4.525483320e+01, v4  }
0x104: {  	v9 =	vld [tilespmem:s18+$0xFFFFFBB0];
	[tilespmem:s16+$0xFFFFFFC0] =	vst v3;
	v3 =	vmul.f32 $4.525483320e+01, v5  }
0x105: {  	v5 =	vld [tilespmem:s18+$0xFFFFFBC0];
	[tilespmem:s16+$0xFFFFFFD0] =	vst v4;
	v4 =	vmul.f32 $4.525483320e+01, v6  }
0x106: {  	v6 =	vld [tilespmem:s18+$0xFFFFFBD0];
	v7 =	vmul.f32 $4.525483320e+01, v7;
	[tilespmem:s16+$0xFFFFFFE0] =	vst v3  }
0x107: {  	v3 =	vld [tilespmem:s18+$0xFFFFFBE0];
	v10 =	vmul.f32 $4.525483320e+01, v10;
	[tilespmem:s16+$0xFFFFFFF0] =	vst v4  }
0x108: {  	v4 =	vmul.f32 $4.525483320e+01, v8;
	v8 =	vld [tilespmem:s18+$0xFFFFFBF0];
	[tilespmem:s16+$0xFFFFFB90] =	vst v7;
	s16 =	smov.u32 s18  }
0x109: {  	v7 =	vmul.f32 $4.525483320e+01, v9;
	v9 =	vld [tilespmem:s18+$0xFFFFFC00];
	[tilespmem:s18+$0x0] =	vst v10  }
0x10a: {  	[tilespmem:s18+$0xFFFFFBA0] =	vst v4;
	v4 =	vmul.f32 $4.525483320e+01, v5;
	v5 =	vld [tilespmem:s18+$0xFFFFFF90]  }
0x10b: {  	[tilespmem:s18+$0xFFFFFBB0] =	vst v7;
	v6 =	vmul.f32 $4.525483320e+01, v6;
	v7 =	vld [tilespmem:s18+$0xFFFFFFA0]  }
0x10c: {  	[tilespmem:s18+$0xFFFFFBC0] =	vst v4;
	v4 =	vmul.f32 $4.525483320e+01, v3;
	v10 =	vld [tilespmem:s18+$0xFFFFFFB0]  }
.Ltmp2:
0x10d: {  	[tilespmem:s18+$0xFFFFFBD0] =	vst v6;
	v6 =	vmul.f32 $4.525483320e+01, v8;
	v3 =	vld [tilespmem:s18+$0xFFFFFFC0];
	(pc) =	sbr.rel @p0 .LBB2_7-.Ltmp2, $4  }
0x10e: {  	[tilespmem:s18+$0xFFFFFBE0] =	vst v4;
	v8 =	vmul.f32 $4.525483320e+01, v9;
	v4 =	vld [tilespmem:s18+$0xFFFFFFD0]  }
0x10f: {  	[tilespmem:s18+$0xFFFFFBF0] =	vst v6;
	v9 =	vmul.f32 $4.525483320e+01, v5;
	v5 =	vld [tilespmem:s18+$0xFFFFFFE0]  }
0x110: {  	[tilespmem:s18+$0xFFFFFC00] =	vst v8;
	v8 =	vmul.f32 $4.525483320e+01, v7;
	v6 =	vld [tilespmem:s18+$0xFFFFFFF0]  }
0x111: {  	s18 =	sadd.s32 $0x800, s18;
	v7 =	vld [tilespmem:s16+$0xFFFFFB90];
	[tilespmem:s16+$0xFFFFFF90] =	vst v9;
	v9 =	vmul.f32 $4.525483320e+01, v10  }
0x112: {  	[tilespmem:s16+$0xFFFFFFA0] =	vst v8;
	v3 =	vmul.f32 $4.525483320e+01, v3;
	s15 =	sadd.s32 $0x1, s15  }
0x113: {  	[tilespmem:s16+$0xFFFFFFB0] =	vst v9;
	v4 =	vmul.f32 $4.525483320e+01, v4;
	p0 =	sne.s32 s15, $0x10  }
.Ltmp3:
0x114: {  	[tilespmem:s16+$0xFFFFFFC0] =	vst v3;
	v3 =	vmul.f32 $4.525483320e+01, v5;
	(pc) =	sbr.rel @p0 .LBB2_6-.Ltmp3, $4  }
0x115: {  	[tilespmem:s16+$0xFFFFFFD0] =	vst v4;
	v62 =	vmul.f32 $4.525483320e+01, v6  }
0x116: {  	v63 =	vmul.f32 $4.525483320e+01, v7;
	[tilespmem:s16+$0xFFFFFFE0] =	vst v3  }
0x117: {  	[tilespmem:s16+$0xFFFFFFF0] =	vst v62  }
0x118: {  	s14 =	sadd.s32 $0x800, s14;
	s13 =	sadd.s32 $0x1, s13;
	[tilespmem:s16+$0xFFFFFB90] =	vst v63  }
0x119: {  	s13 =	simm.s32 $0x0;
	s14 =	rddreg [dreg:$0x6]  }
0x11a: {  	[hbm4b:s14+s13] =	stream.linear.scatter [tilespmem:s25], [sflag:$0x5], $0x8000, $0x38;
	[tilespmem:$0x18100] =	vst v63  }
0x11b: {  	_ =	swait.ge [sflag:s12], $0x8000  }
0x11c: {  	[sflag:s12] =	ssyncset.done $0x0  }
0x11d: {  	[sflag:s12] =	ssyncadd.s32 $0xFFFF8000  }
0x11e: {  	v3 =	vld [tilespmem:$0x40];
	_ =	sdelay $0x4  }
0x11f: {  	v4 =	vshll.u32 v3, $0x4  }
0x120: {  	v3 =	vand.u32 $0x7, v3;
	v4 =	vand.u32 $0xFFFFFF80, v4  }
0x121: {  	v3 =	vor.u32 v3, v4  }
0x122: {  	v4 =	vperm.xlane v3, v0;
	_ =	sdelay $0x1  }
0x123: {  	v4 =	vadd.s32 v1, v4;
	_ =	sdelay $0x4  }
0x124: {  	[tilespmem:s25], [sflag:$0x2] =	stream.indirect_vreg.gather [hbm4b:s2+s13], $0x80, v4, vm0, $0xb8;
	[tilespmem:$0x18100] =	vst v63  }
0x125: {  	s16 =	simm.s32 $0x8900  }
0x126: {  	[tilespmem:s16], [sflag:$0x2] =	stream.indirect_vreg.gather [hbm4b:s5+s13], $0x80, v4, vm0, $0xb8;
	[tilespmem:$0x18100] =	vst v63  }
0x127: {  	s17 =	simm.s32 $0x9100  }
0x128: {  	[tilespmem:s17], [sflag:$0x2] =	stream.indirect_vreg.gather [hbm4b:s6+s13], $0x80, v4, vm0, $0xb8;
	[tilespmem:$0x18100] =	vst v63  }
0x129: {  	s18 =	simm.s32 $0x9900  }
0x12a: {  	[tilespmem:s18], [sflag:$0x2] =	stream.indirect_vreg.gather [hbm4b:s7+s13], $0x80, v4, vm0, $0xb8;
	[tilespmem:$0x18100] =	vst v63  }
0x12b: {  	s15 =	simm.s32 $0xA100  }
0x12c: {  	[tilespmem:s15], [sflag:$0x2] =	stream.indirect_vreg.gather [hbm4b:s8+s13], $0x80, v4, vm0, $0xb8;
	[tilespmem:$0x18100] =	vst v63  }
0x12d: {  	v3 =	vperm.xlane v3, v2;
	s16 =	simm.s32 $0xA900  }
0x12e: {  	[tilespmem:s16], [sflag:$0x2] =	stream.indirect_vreg.gather [hbm4b:s9+s13], $0x80, v4, vm0, $0xb8;
	[tilespmem:$0x18100] =	vst v63  }
0x12f: {  	v3 =	vadd.s32 v1, v3;
	s17 =	simm.s32 $0xB100  }
0x130: {  	[tilespmem:s17], [sflag:$0x2] =	stream.indirect_vreg.gather [hbm4b:s10+s13], $0x80, v4, vm0, $0xb8;
	[tilespmem:$0x18100] =	vst v63  }
0x131: {  	s18 =	simm.s32 $0xB900  }
0x132: {  	[tilespmem:s18], [sflag:$0x2] =	stream.indirect_vreg.gather [hbm4b:s11+s13], $0x80, v4, vm0, $0xb8;
	[tilespmem:$0x18100] =	vst v63  }
0x133: {  	s15 =	simm.s32 $0xC100  }
0x134: {  	[tilespmem:s15], [sflag:$0x2] =	stream.indirect_vreg.gather [hbm4b:s2+s13], $0x80, v3, vm0, $0xb8;
	[tilespmem:$0x18100] =	vst v63  }
0x135: {  	s16 =	simm.s32 $0xC900  }
0x136: {  	[tilespmem:s16], [sflag:$0x2] =	stream.indirect_vreg.gather [hbm4b:s5+s13], $0x80, v3, vm0, $0xb8;
	[tilespmem:$0x18100] =	vst v63  }
0x137: {  	s17 =	simm.s32 $0xD100  }
0x138: {  	[tilespmem:s17], [sflag:$0x2] =	stream.indirect_vreg.gather [hbm4b:s6+s13], $0x80, v3, vm0, $0xb8;
	[tilespmem:$0x18100] =	vst v63  }
0x139: {  	s18 =	simm.s32 $0xD900  }
0x13a: {  	[tilespmem:s18], [sflag:$0x2] =	stream.indirect_vreg.gather [hbm4b:s7+s13], $0x80, v3, vm0, $0xb8;
	[tilespmem:$0x18100] =	vst v63  }
0x13b: {  	s15 =	simm.s32 $0xE100  }
0x13c: {  	[tilespmem:s15], [sflag:$0x2] =	stream.indirect_vreg.gather [hbm4b:s8+s13], $0x80, v3, vm0, $0xb8;
	[tilespmem:$0x18100] =	vst v63  }
0x13d: {  	s16 =	simm.s32 $0xE900  }
0x13e: {  	[tilespmem:s16], [sflag:$0x2] =	stream.indirect_vreg.gather [hbm4b:s9+s13], $0x80, v3, vm0, $0xb8;
	[tilespmem:$0x18100] =	vst v63  }
0x13f: {  	s17 =	simm.s32 $0xF100  }
0x140: {  	[tilespmem:s17], [sflag:$0x2] =	stream.indirect_vreg.gather [hbm4b:s10+s13], $0x80, v3, vm0, $0xb8;
	[tilespmem:$0x18100] =	vst v63  }
0x141: {  	s18 =	simm.s32 $0xF900  }
0x142: {  	[tilespmem:s18], [sflag:$0x2] =	stream.indirect_vreg.gather [hbm4b:s11+s13], $0x80, v3, vm0, $0xb8;
	[tilespmem:$0x18100] =	vst v63  }
0x143: {  	_ =	swait.ge [sflag:s1], $0x8000  }
0x144: {  	[sflag:s1] =	ssyncset.done $0x0  }
0x145: {  	s14 =	simm.s32 $0x0;
	s15 =	simm.s32 $0x0;
	[sflag:s1] =	ssyncadd.s32 $0xFFFF8000  }
.LBB2_10:
0x146: {  	s16 =	sshll.u32 s14, $0x2;
	s17 =	sand.u32 $0x7, s13  }
0x147: {  	s16 =	sand.u32 $0xFFFF0000, s16;
	s17 =	sshll.u32 s17, $0x9  }
0x148: {  	s16 =	sor.u32 s17, s16  }
0x149: {  	s16 =	sshrl.u32 s16, $0x2  }
0x14a: {  	s16 =	sadd.s32 $0x10570, s16  }
0x14b: {  	v3 =	vld [tilespmem:s16+$0x0]  }
0x14c: {  	v4 =	vld [tilespmem:s16+$0xFFFFFBA0]  }
0x14d: {  	v5 =	vld [tilespmem:s16+$0xFFFFFBB0]  }
0x14e: {  	v6 =	vld [tilespmem:s16+$0xFFFFFBC0]  }
0x14f: {  	v7 =	vld [tilespmem:s16+$0xFFFFFBD0]  }
0x150: {  	v8 =	vld [tilespmem:s16+$0xFFFFFBE0];
	v3 =	vmul.f32 $4.525483320e+01, v3  }
0x151: {  	v9 =	vld [tilespmem:s16+$0xFFFFFBF0];
	v4 =	vmul.f32 $4.525483320e+01, v4  }
0x152: {  	v10 =	vld [tilespmem:s16+$0xFFFFFC00];
	v5 =	vmul.f32 $4.525483320e+01, v5;
	[tilespmem:s16+$0x0] =	vst v3  }
0x153: {  	[tilespmem:s16+$0xFFFFFBA0] =	vst v4;
	v3 =	vmul.f32 $4.525483320e+01, v6;
	v6 =	vld [tilespmem:s16+$0xFFFFFF90]  }
0x154: {  	[tilespmem:s16+$0xFFFFFBB0] =	vst v5;
	v4 =	vmul.f32 $4.525483320e+01, v7;
	v7 =	vld [tilespmem:s16+$0xFFFFFFA0]  }
0x155: {  	v11 =	vld [tilespmem:s16+$0xFFFFFFB0];
	v5 =	vmul.f32 $4.525483320e+01, v8;
	[tilespmem:s16+$0xFFFFFBC0] =	vst v3  }
0x156: {  	v8 =	vmul.f32 $4.525483320e+01, v9;
	[tilespmem:s16+$0xFFFFFBD0] =	vst v4;
	v3 =	vld [tilespmem:s16+$0xFFFFFFC0]  }
0x157: {  	v9 =	vmul.f32 $4.525483320e+01, v10;
	[tilespmem:s16+$0xFFFFFBE0] =	vst v5;
	v4 =	vld [tilespmem:s16+$0xFFFFFFD0]  }
0x158: {  	[tilespmem:s16+$0xFFFFFBF0] =	vst v8;
	v5 =	vld [tilespmem:s16+$0xFFFFFFE0];
	v10 =	vmul.f32 $4.525483320e+01, v6  }
0x159: {  	[tilespmem:s16+$0xFFFFFC00] =	vst v9;
	v6 =	vld [tilespmem:s16+$0xFFFFFFF0];
	v8 =	vmul.f32 $4.525483320e+01, v7  }
0x15a: {  	s17 =	simm.s32 $0x0;
	s18 =	sadd.s32 $0x800, s16;
	v9 =	vmul.f32 $4.525483320e+01, v11;
	v7 =	vld [tilespmem:s16+$0xFFFFFB90];
	[tilespmem:s16+$0xFFFFFF90] =	vst v10  }
.LBB2_11:
0x15b: {  	v10 =	vld [tilespmem:s18+$0x0];
	s17 =	sadd.s32 $0x10, s17;
	[tilespmem:s16+$0xFFFFFFA0] =	vst v8;
	v3 =	vmul.f32 $4.525483320e+01, v3  }
0x15c: {  	v8 =	vld [tilespmem:s18+$0xFFFFFBA0];
	p0 =	slt.u32 s17, $0x70;
	[tilespmem:s16+$0xFFFFFFB0] =	vst v9;
	v4 =	vmul.f32 $4.525483320e+01, v4  }
0x15d: {  	v9 =	vld [tilespmem:s18+$0xFFFFFBB0];
	[tilespmem:s16+$0xFFFFFFC0] =	vst v3;
	v3 =	vmul.f32 $4.525483320e+01, v5  }
0x15e: {  	v5 =	vld [tilespmem:s18+$0xFFFFFBC0];
	[tilespmem:s16+$0xFFFFFFD0] =	vst v4;
	v4 =	vmul.f32 $4.525483320e+01, v6  }
0x15f: {  	v6 =	vld [tilespmem:s18+$0xFFFFFBD0];
	v7 =	vmul.f32 $4.525483320e+01, v7;
	[tilespmem:s16+$0xFFFFFFE0] =	vst v3  }
0x160: {  	v3 =	vld [tilespmem:s18+$0xFFFFFBE0];
	v10 =	vmul.f32 $4.525483320e+01, v10;
	[tilespmem:s16+$0xFFFFFFF0] =	vst v4  }
0x161: {  	v4 =	vmul.f32 $4.525483320e+01, v8;
	v8 =	vld [tilespmem:s18+$0xFFFFFBF0];
	[tilespmem:s16+$0xFFFFFB90] =	vst v7;
	s16 =	smov.u32 s18  }
0x162: {  	v7 =	vmul.f32 $4.525483320e+01, v9;
	v9 =	vld [tilespmem:s18+$0xFFFFFC00];
	[tilespmem:s18+$0x0] =	vst v10  }
0x163: {  	[tilespmem:s18+$0xFFFFFBA0] =	vst v4;
	v4 =	vmul.f32 $4.525483320e+01, v5;
	v5 =	vld [tilespmem:s18+$0xFFFFFF90]  }
0x164: {  	[tilespmem:s18+$0xFFFFFBB0] =	vst v7;
	v6 =	vmul.f32 $4.525483320e+01, v6;
	v7 =	vld [tilespmem:s18+$0xFFFFFFA0]  }
0x165: {  	[tilespmem:s18+$0xFFFFFBC0] =	vst v4;
	v4 =	vmul.f32 $4.525483320e+01, v3;
	v10 =	vld [tilespmem:s18+$0xFFFFFFB0]  }
.Ltmp4:
0x166: {  	[tilespmem:s18+$0xFFFFFBD0] =	vst v6;
	v6 =	vmul.f32 $4.525483320e+01, v8;
	v3 =	vld [tilespmem:s18+$0xFFFFFFC0];
	(pc) =	sbr.rel @p0 .LBB2_11-.Ltmp4, $4  }
0x167: {  	[tilespmem:s18+$0xFFFFFBE0] =	vst v4;
	v8 =	vmul.f32 $4.525483320e+01, v9;
	v4 =	vld [tilespmem:s18+$0xFFFFFFD0]  }
0x168: {  	[tilespmem:s18+$0xFFFFFBF0] =	vst v6;
	v9 =	vmul.f32 $4.525483320e+01, v5;
	v5 =	vld [tilespmem:s18+$0xFFFFFFE0]  }
0x169: {  	[tilespmem:s18+$0xFFFFFC00] =	vst v8;
	v8 =	vmul.f32 $4.525483320e+01, v7;
	v6 =	vld [tilespmem:s18+$0xFFFFFFF0]  }
0x16a: {  	s18 =	sadd.s32 $0x800, s18;
	v7 =	vld [tilespmem:s16+$0xFFFFFB90];
	[tilespmem:s16+$0xFFFFFF90] =	vst v9;
	v9 =	vmul.f32 $4.525483320e+01, v10  }
0x16b: {  	[tilespmem:s16+$0xFFFFFFA0] =	vst v8;
	v3 =	vmul.f32 $4.525483320e+01, v3;
	s15 =	sadd.s32 $0x1, s15  }
0x16c: {  	[tilespmem:s16+$0xFFFFFFB0] =	vst v9;
	v4 =	vmul.f32 $4.525483320e+01, v4;
	p0 =	sne.s32 s15, $0x10  }
.Ltmp5:
0x16d: {  	[tilespmem:s16+$0xFFFFFFC0] =	vst v3;
	v3 =	vmul.f32 $4.525483320e+01, v5;
	(pc) =	sbr.rel @p0 .LBB2_10-.Ltmp5, $4  }
0x16e: {  	[tilespmem:s16+$0xFFFFFFD0] =	vst v4;
	v62 =	vmul.f32 $4.525483320e+01, v6  }
0x16f: {  	v63 =	vmul.f32 $4.525483320e+01, v7;
	[tilespmem:s16+$0xFFFFFFE0] =	vst v3  }
0x170: {  	[tilespmem:s16+$0xFFFFFFF0] =	vst v62  }
0x171: {  	s14 =	sadd.s32 $0x800, s14;
	s13 =	sadd.s32 $0x1, s13;
	[tilespmem:s16+$0xFFFFFB90] =	vst v63  }
0x172: {  	s13 =	simm.s32 $0x0;
	s14 =	rddreg [dreg:$0x7]  }
0x173: {  	[hbm4b:s14+s13] =	stream.linear.scatter [tilespmem:s26], [sflag:$0x6], $0x8000, $0x38;
	[tilespmem:$0x18100] =	vst v63  }
0x174: {  	_ =	swait.ge [sflag:s0], $0x8000  }
0x175: {  	[sflag:s0] =	ssyncset.done $0x0  }
0x176: {  	[sflag:s0] =	ssyncadd.s32 $0xFFFF8000  }
0x177: {  	v3 =	vld [tilespmem:$0x50];
	_ =	sdelay $0x4  }
0x178: {  	v4 =	vshll.u32 v3, $0x4  }
0x179: {  	v3 =	vand.u32 $0x7, v3;
	v4 =	vand.u32 $0xFFFFFF80, v4  }
0x17a: {  	v3 =	vor.u32 v3, v4  }
0x17b: {  	v4 =	vperm.xlane v3, v0;
	_ =	sdelay $0x1  }
0x17c: {  	v4 =	vadd.s32 v1, v4;
	_ =	sdelay $0x4  }
0x17d: {  	[tilespmem:s26], [sflag:$0x3] =	stream.indirect_vreg.gather [hbm4b:s2+s13], $0x80, v4, vm0, $0xb8;
	[tilespmem:$0x18100] =	vst v63  }
0x17e: {  	s16 =	simm.s32 $0x10900  }
0x17f: {  	[tilespmem:s16], [sflag:$0x3] =	stream.indirect_vreg.gather [hbm4b:s5+s13], $0x80, v4, vm0, $0xb8;
	[tilespmem:$0x18100] =	vst v63  }
0x180: {  	s17 =	simm.s32 $0x11100  }
0x181: {  	[tilespmem:s17], [sflag:$0x3] =	stream.indirect_vreg.gather [hbm4b:s6+s13], $0x80, v4, vm0, $0xb8;
	[tilespmem:$0x18100] =	vst v63  }
0x182: {  	s18 =	simm.s32 $0x11900  }
0x183: {  	[tilespmem:s18], [sflag:$0x3] =	stream.indirect_vreg.gather [hbm4b:s7+s13], $0x80, v4, vm0, $0xb8;
	[tilespmem:$0x18100] =	vst v63  }
0x184: {  	s15 =	simm.s32 $0x12100  }
0x185: {  	[tilespmem:s15], [sflag:$0x3] =	stream.indirect_vreg.gather [hbm4b:s8+s13], $0x80, v4, vm0, $0xb8;
	[tilespmem:$0x18100] =	vst v63  }
0x186: {  	v3 =	vperm.xlane v3, v2;
	s16 =	simm.s32 $0x12900  }
0x187: {  	[tilespmem:s16], [sflag:$0x3] =	stream.indirect_vreg.gather [hbm4b:s9+s13], $0x80, v4, vm0, $0xb8;
	[tilespmem:$0x18100] =	vst v63  }
0x188: {  	v3 =	vadd.s32 v1, v3;
	s17 =	simm.s32 $0x13100  }
0x189: {  	[tilespmem:s17], [sflag:$0x3] =	stream.indirect_vreg.gather [hbm4b:s10+s13], $0x80, v4, vm0, $0xb8;
	[tilespmem:$0x18100] =	vst v63  }
0x18a: {  	s18 =	simm.s32 $0x13900  }
0x18b: {  	[tilespmem:s18], [sflag:$0x3] =	stream.indirect_vreg.gather [hbm4b:s11+s13], $0x80, v4, vm0, $0xb8;
	[tilespmem:$0x18100] =	vst v63  }
0x18c: {  	s15 =	simm.s32 $0x14100  }
0x18d: {  	[tilespmem:s15], [sflag:$0x3] =	stream.indirect_vreg.gather [hbm4b:s2+s13], $0x80, v3, vm0, $0xb8;
	[tilespmem:$0x18100] =	vst v63  }
0x18e: {  	s16 =	simm.s32 $0x14900  }
0x18f: {  	[tilespmem:s16], [sflag:$0x3] =	stream.indirect_vreg.gather [hbm4b:s5+s13], $0x80, v3, vm0, $0xb8;
	[tilespmem:$0x18100] =	vst v63  }
0x190: {  	s17 =	simm.s32 $0x15100  }
0x191: {  	[tilespmem:s17], [sflag:$0x3] =	stream.indirect_vreg.gather [hbm4b:s6+s13], $0x80, v3, vm0, $0xb8;
	[tilespmem:$0x18100] =	vst v63  }
0x192: {  	s18 =	simm.s32 $0x15900  }
0x193: {  	[tilespmem:s18], [sflag:$0x3] =	stream.indirect_vreg.gather [hbm4b:s7+s13], $0x80, v3, vm0, $0xb8;
	[tilespmem:$0x18100] =	vst v63  }
0x194: {  	s15 =	simm.s32 $0x16100  }
0x195: {  	[tilespmem:s15], [sflag:$0x3] =	stream.indirect_vreg.gather [hbm4b:s8+s13], $0x80, v3, vm0, $0xb8;
	[tilespmem:$0x18100] =	vst v63  }
0x196: {  	s16 =	simm.s32 $0x16900  }
0x197: {  	[tilespmem:s16], [sflag:$0x3] =	stream.indirect_vreg.gather [hbm4b:s9+s13], $0x80, v3, vm0, $0xb8;
	[tilespmem:$0x18100] =	vst v63  }
0x198: {  	s17 =	simm.s32 $0x17100  }
0x199: {  	[tilespmem:s17], [sflag:$0x3] =	stream.indirect_vreg.gather [hbm4b:s10+s13], $0x80, v3, vm0, $0xb8;
	[tilespmem:$0x18100] =	vst v63  }
0x19a: {  	s18 =	simm.s32 $0x17900  }
0x19b: {  	[tilespmem:s18], [sflag:$0x3] =	stream.indirect_vreg.gather [hbm4b:s11+s13], $0x80, v3, vm0, $0xb8;
	[tilespmem:$0x18100] =	vst v63  }
0x19c: {  	_ =	swait.ge [sflag:s30], $0x8000  }
0x19d: {  	[sflag:s30] =	ssyncset.done $0x0  }
0x19e: {  	s14 =	simm.s32 $0x0;
	s15 =	simm.s32 $0x0;
	[sflag:s30] =	ssyncadd.s32 $0xFFFF8000  }
.LBB2_14:
0x19f: {  	s16 =	sshll.u32 s14, $0x2;
	s17 =	sand.u32 $0x7, s13  }
0x1a0: {  	s16 =	sand.u32 $0xFFFF0000, s16;
	s17 =	sshll.u32 s17, $0x9  }
0x1a1: {  	s16 =	sor.u32 s17, s16  }
0x1a2: {  	s16 =	sshrl.u32 s16, $0x2  }
0x1a3: {  	s16 =	sadd.s32 $0x500, s16  }
0x1a4: {  	v3 =	vld [tilespmem:s16+$0x70]  }
0x1a5: {  	v4 =	vld [tilespmem:s16+$0xFFFFFC10]  }
0x1a6: {  	v5 =	vld [tilespmem:s16+$0xFFFFFC20]  }
0x1a7: {  	v6 =	vld [tilespmem:s16+$0xFFFFFC30]  }
0x1a8: {  	v7 =	vld [tilespmem:s16+$0xFFFFFC40]  }
0x1a9: {  	v8 =	vld [tilespmem:s16+$0xFFFFFC50];
	v3 =	vmul.f32 $4.525483320e+01, v3  }
0x1aa: {  	v9 =	vld [tilespmem:s16+$0xFFFFFC60];
	v4 =	vmul.f32 $4.525483320e+01, v4  }
0x1ab: {  	v10 =	vld [tilespmem:s16+$0xFFFFFC70];
	v5 =	vmul.f32 $4.525483320e+01, v5;
	[tilespmem:s16+$0x70] =	vst v3  }
0x1ac: {  	[tilespmem:s16+$0xFFFFFC10] =	vst v4;
	v3 =	vmul.f32 $4.525483320e+01, v6;
	v6 =	vld [tilespmem:s16+$0x0]  }
0x1ad: {  	[tilespmem:s16+$0xFFFFFC20] =	vst v5;
	v4 =	vmul.f32 $4.525483320e+01, v7;
	v7 =	vld [tilespmem:s16+$0x10]  }
0x1ae: {  	v11 =	vld [tilespmem:s16+$0x20];
	v5 =	vmul.f32 $4.525483320e+01, v8;
	[tilespmem:s16+$0xFFFFFC30] =	vst v3  }
0x1af: {  	v8 =	vmul.f32 $4.525483320e+01, v9;
	[tilespmem:s16+$0xFFFFFC40] =	vst v4;
	v3 =	vld [tilespmem:s16+$0x30]  }
0x1b0: {  	v9 =	vmul.f32 $4.525483320e+01, v10;
	[tilespmem:s16+$0xFFFFFC50] =	vst v5;
	v4 =	vld [tilespmem:s16+$0x40]  }
0x1b1: {  	[tilespmem:s16+$0xFFFFFC60] =	vst v8;
	v5 =	vld [tilespmem:s16+$0x50];
	v10 =	vmul.f32 $4.525483320e+01, v6  }
0x1b2: {  	[tilespmem:s16+$0xFFFFFC70] =	vst v9;
	v6 =	vld [tilespmem:s16+$0x60];
	v8 =	vmul.f32 $4.525483320e+01, v7  }
0x1b3: {  	s17 =	simm.s32 $0x0;
	s18 =	sadd.s32 $0x800, s16;
	v9 =	vmul.f32 $4.525483320e+01, v11;
	v7 =	vld [tilespmem:s16+$0xFFFFFC00];
	[tilespmem:s16+$0x0] =	vst v10  }
.LBB2_15:
0x1b4: {  	v10 =	vld [tilespmem:s18+$0x70];
	s17 =	sadd.s32 $0x10, s17;
	[tilespmem:s16+$0x10] =	vst v8;
	v3 =	vmul.f32 $4.525483320e+01, v3  }
0x1b5: {  	v8 =	vld [tilespmem:s18+$0xFFFFFC10];
	p0 =	slt.u32 s17, $0x70;
	[tilespmem:s16+$0x20] =	vst v9;
	v4 =	vmul.f32 $4.525483320e+01, v4  }
0x1b6: {  	v9 =	vld [tilespmem:s18+$0xFFFFFC20];
	[tilespmem:s16+$0x30] =	vst v3;
	v3 =	vmul.f32 $4.525483320e+01, v5  }
0x1b7: {  	v5 =	vld [tilespmem:s18+$0xFFFFFC30];
	[tilespmem:s16+$0x40] =	vst v4;
	v4 =	vmul.f32 $4.525483320e+01, v6  }
0x1b8: {  	v6 =	vld [tilespmem:s18+$0xFFFFFC40];
	v7 =	vmul.f32 $4.525483320e+01, v7;
	[tilespmem:s16+$0x50] =	vst v3  }
0x1b9: {  	v3 =	vld [tilespmem:s18+$0xFFFFFC50];
	v10 =	vmul.f32 $4.525483320e+01, v10;
	[tilespmem:s16+$0x60] =	vst v4  }
0x1ba: {  	v4 =	vmul.f32 $4.525483320e+01, v8;
	v8 =	vld [tilespmem:s18+$0xFFFFFC60];
	[tilespmem:s16+$0xFFFFFC00] =	vst v7;
	s16 =	smov.u32 s18  }
0x1bb: {  	v7 =	vmul.f32 $4.525483320e+01, v9;
	v9 =	vld [tilespmem:s18+$0xFFFFFC70];
	[tilespmem:s18+$0x70] =	vst v10  }
0x1bc: {  	[tilespmem:s18+$0xFFFFFC10] =	vst v4;
	v4 =	vmul.f32 $4.525483320e+01, v5;
	v5 =	vld [tilespmem:s18+$0x0]  }
0x1bd: {  	[tilespmem:s18+$0xFFFFFC20] =	vst v7;
	v6 =	vmul.f32 $4.525483320e+01, v6;
	v7 =	vld [tilespmem:s18+$0x10]  }
0x1be: {  	[tilespmem:s18+$0xFFFFFC30] =	vst v4;
	v4 =	vmul.f32 $4.525483320e+01, v3;
	v10 =	vld [tilespmem:s18+$0x20]  }
.Ltmp6:
0x1bf: {  	[tilespmem:s18+$0xFFFFFC40] =	vst v6;
	v6 =	vmul.f32 $4.525483320e+01, v8;
	v3 =	vld [tilespmem:s18+$0x30];
	(pc) =	sbr.rel @p0 .LBB2_15-.Ltmp6, $4  }
0x1c0: {  	[tilespmem:s18+$0xFFFFFC50] =	vst v4;
	v8 =	vmul.f32 $4.525483320e+01, v9;
	v4 =	vld [tilespmem:s18+$0x40]  }
0x1c1: {  	[tilespmem:s18+$0xFFFFFC60] =	vst v6;
	v9 =	vmul.f32 $4.525483320e+01, v5;
	v5 =	vld [tilespmem:s18+$0x50]  }
0x1c2: {  	[tilespmem:s18+$0xFFFFFC70] =	vst v8;
	v8 =	vmul.f32 $4.525483320e+01, v7;
	v6 =	vld [tilespmem:s18+$0x60]  }
0x1c3: {  	s18 =	sadd.s32 $0x800, s18;
	v7 =	vld [tilespmem:s16+$0xFFFFFC00];
	[tilespmem:s16+$0x0] =	vst v9;
	v9 =	vmul.f32 $4.525483320e+01, v10  }
0x1c4: {  	[tilespmem:s16+$0x10] =	vst v8;
	v3 =	vmul.f32 $4.525483320e+01, v3;
	s15 =	sadd.s32 $0x1, s15  }
0x1c5: {  	[tilespmem:s16+$0x20] =	vst v9;
	v4 =	vmul.f32 $4.525483320e+01, v4;
	p0 =	sne.s32 s15, $0x10  }
.Ltmp7:
0x1c6: {  	[tilespmem:s16+$0x30] =	vst v3;
	v3 =	vmul.f32 $4.525483320e+01, v5;
	(pc) =	sbr.rel @p0 .LBB2_14-.Ltmp7, $4  }
0x1c7: {  	[tilespmem:s16+$0x40] =	vst v4;
	v62 =	vmul.f32 $4.525483320e+01, v6  }
0x1c8: {  	v63 =	vmul.f32 $4.525483320e+01, v7;
	[tilespmem:s16+$0x50] =	vst v3  }
0x1c9: {  	[tilespmem:s16+$0x60] =	vst v62  }
0x1ca: {  	s14 =	sadd.s32 $0x800, s14;
	s13 =	sadd.s32 $0x1, s13;
	[tilespmem:s16+$0xFFFFFC00] =	vst v63  }
0x1cb: {  	s13 =	simm.s32 $0x0;
	s14 =	rddreg [dreg:$0x8]  }
0x1cc: {  	[hbm4b:s14+s13] =	stream.linear.scatter [tilespmem:s31], [sflag:$0x4], $0x8000, $0x38;
	[tilespmem:$0x18100] =	vst v63  }
0x1cd: {  	_ =	swait.ge [sflag:s28], $0x8000  }
0x1ce: {  	[sflag:s28] =	ssyncset.done $0x0  }
0x1cf: {  	[sflag:s28] =	ssyncadd.s32 $0xFFFF8000  }
0x1d0: {  	v3 =	vld [tilespmem:$0x60];
	_ =	sdelay $0x4  }
0x1d1: {  	v4 =	vshll.u32 v3, $0x4  }
0x1d2: {  	v3 =	vand.u32 $0x7, v3;
	v4 =	vand.u32 $0xFFFFFF80, v4  }
0x1d3: {  	v3 =	vor.u32 v3, v4  }
0x1d4: {  	v4 =	vperm.xlane v3, v0;
	_ =	sdelay $0x1  }
0x1d5: {  	v4 =	vadd.s32 v1, v4;
	_ =	sdelay $0x4  }
0x1d6: {  	[tilespmem:s31], [sflag:$0x1] =	stream.indirect_vreg.gather [hbm4b:s2+s13], $0x80, v4, vm0, $0xb8;
	[tilespmem:$0x18100] =	vst v63  }
0x1d7: {  	s18 =	simm.s32 $0x900  }
0x1d8: {  	[tilespmem:s18], [sflag:$0x1] =	stream.indirect_vreg.gather [hbm4b:s5+s13], $0x80, v4, vm0, $0xb8;
	[tilespmem:$0x18100] =	vst v63  }
0x1d9: {  	s15 =	simm.s32 $0x1100  }
0x1da: {  	[tilespmem:s15], [sflag:$0x1] =	stream.indirect_vreg.gather [hbm4b:s6+s13], $0x80, v4, vm0, $0xb8;
	[tilespmem:$0x18100] =	vst v63  }
0x1db: {  	s16 =	simm.s32 $0x1900  }
0x1dc: {  	[tilespmem:s16], [sflag:$0x1] =	stream.indirect_vreg.gather [hbm4b:s7+s13], $0x80, v4, vm0, $0xb8;
	[tilespmem:$0x18100] =	vst v63  }
0x1dd: {  	s17 =	simm.s32 $0x2100  }
0x1de: {  	[tilespmem:s17], [sflag:$0x1] =	stream.indirect_vreg.gather [hbm4b:s8+s13], $0x80, v4, vm0, $0xb8;
	[tilespmem:$0x18100] =	vst v63  }
0x1df: {  	v3 =	vperm.xlane v3, v2;
	s18 =	simm.s32 $0x2900  }
0x1e0: {  	[tilespmem:s18], [sflag:$0x1] =	stream.indirect_vreg.gather [hbm4b:s9+s13], $0x80, v4, vm0, $0xb8;
	[tilespmem:$0x18100] =	vst v63  }
0x1e1: {  	v3 =	vadd.s32 v1, v3;
	s15 =	simm.s32 $0x3100  }
0x1e2: {  	[tilespmem:s15], [sflag:$0x1] =	stream.indirect_vreg.gather [hbm4b:s10+s13], $0x80, v4, vm0, $0xb8;
	[tilespmem:$0x18100] =	vst v63  }
0x1e3: {  	s16 =	simm.s32 $0x3900  }
0x1e4: {  	[tilespmem:s16], [sflag:$0x1] =	stream.indirect_vreg.gather [hbm4b:s11+s13], $0x80, v4, vm0, $0xb8;
	[tilespmem:$0x18100] =	vst v63  }
0x1e5: {  	s17 =	simm.s32 $0x4100  }
0x1e6: {  	[tilespmem:s17], [sflag:$0x1] =	stream.indirect_vreg.gather [hbm4b:s2+s13], $0x80, v3, vm0, $0xb8;
	[tilespmem:$0x18100] =	vst v63  }
0x1e7: {  	s18 =	simm.s32 $0x4900  }
0x1e8: {  	[tilespmem:s18], [sflag:$0x1] =	stream.indirect_vreg.gather [hbm4b:s5+s13], $0x80, v3, vm0, $0xb8;
	[tilespmem:$0x18100] =	vst v63  }
0x1e9: {  	_ = 	snop  }
0x1ea: {  	[tilespmem:s19], [sflag:$0x1] =	stream.indirect_vreg.gather [hbm4b:s6+s13], $0x80, v3, vm0, $0xb8;
	[tilespmem:$0x18100] =	vst v63  }
0x1eb: {  	_ = 	snop  }
0x1ec: {  	[tilespmem:s20], [sflag:$0x1] =	stream.indirect_vreg.gather [hbm4b:s7+s13], $0x80, v3, vm0, $0xb8;
	[tilespmem:$0x18100] =	vst v63  }
0x1ed: {  	_ = 	snop  }
0x1ee: {  	[tilespmem:s21], [sflag:$0x1] =	stream.indirect_vreg.gather [hbm4b:s8+s13], $0x80, v3, vm0, $0xb8;
	[tilespmem:$0x18100] =	vst v63  }
0x1ef: {  	_ = 	snop  }
0x1f0: {  	[tilespmem:s22], [sflag:$0x1] =	stream.indirect_vreg.gather [hbm4b:s9+s13], $0x80, v3, vm0, $0xb8;
	[tilespmem:$0x18100] =	vst v63  }
0x1f1: {  	_ = 	snop  }
0x1f2: {  	[tilespmem:s23], [sflag:$0x1] =	stream.indirect_vreg.gather [hbm4b:s10+s13], $0x80, v3, vm0, $0xb8;
	[tilespmem:$0x18100] =	vst v63  }
0x1f3: {  	_ = 	snop  }
0x1f4: {  	[tilespmem:s24], [sflag:$0x1] =	stream.indirect_vreg.gather [hbm4b:s11+s13], $0x80, v3, vm0, $0xb8;
	[tilespmem:$0x18100] =	vst v63  }
0x1f5: {  	_ =	swait.ge [sflag:s29], $0x8000  }
0x1f6: {  	[sflag:s29] =	ssyncset.done $0x0  }
0x1f7: {  	s14 =	simm.s32 $0x0;
	s15 =	simm.s32 $0x0;
	[sflag:s29] =	ssyncadd.s32 $0xFFFF8000  }
.LBB2_18:
0x1f8: {  	s16 =	sshll.u32 s14, $0x2;
	s17 =	sand.u32 $0x7, s13  }
0x1f9: {  	s16 =	sand.u32 $0xFFFF0000, s16;
	s17 =	sshll.u32 s17, $0x9  }
0x1fa: {  	s16 =	sor.u32 s17, s16  }
0x1fb: {  	s16 =	sshrl.u32 s16, $0x2  }
0x1fc: {  	s16 =	sadd.s32 $0x8570, s16  }
0x1fd: {  	v3 =	vld [tilespmem:s16+$0x0]  }
0x1fe: {  	v4 =	vld [tilespmem:s16+$0xFFFFFBA0]  }
0x1ff: {  	v5 =	vld [tilespmem:s16+$0xFFFFFBB0]  }
0x200: {  	v6 =	vld [tilespmem:s16+$0xFFFFFBC0]  }
0x201: {  	v7 =	vld [tilespmem:s16+$0xFFFFFBD0]  }
0x202: {  	v8 =	vld [tilespmem:s16+$0xFFFFFBE0];
	v3 =	vmul.f32 $4.525483320e+01, v3  }
0x203: {  	v9 =	vld [tilespmem:s16+$0xFFFFFBF0];
	v4 =	vmul.f32 $4.525483320e+01, v4  }
0x204: {  	v10 =	vld [tilespmem:s16+$0xFFFFFC00];
	v5 =	vmul.f32 $4.525483320e+01, v5;
	[tilespmem:s16+$0x0] =	vst v3  }
0x205: {  	[tilespmem:s16+$0xFFFFFBA0] =	vst v4;
	v3 =	vmul.f32 $4.525483320e+01, v6;
	v6 =	vld [tilespmem:s16+$0xFFFFFF90]  }
0x206: {  	[tilespmem:s16+$0xFFFFFBB0] =	vst v5;
	v4 =	vmul.f32 $4.525483320e+01, v7;
	v7 =	vld [tilespmem:s16+$0xFFFFFFA0]  }
0x207: {  	v11 =	vld [tilespmem:s16+$0xFFFFFFB0];
	v5 =	vmul.f32 $4.525483320e+01, v8;
	[tilespmem:s16+$0xFFFFFBC0] =	vst v3  }
0x208: {  	v8 =	vmul.f32 $4.525483320e+01, v9;
	[tilespmem:s16+$0xFFFFFBD0] =	vst v4;
	v3 =	vld [tilespmem:s16+$0xFFFFFFC0]  }
0x209: {  	v9 =	vmul.f32 $4.525483320e+01, v10;
	[tilespmem:s16+$0xFFFFFBE0] =	vst v5;
	v4 =	vld [tilespmem:s16+$0xFFFFFFD0]  }
0x20a: {  	[tilespmem:s16+$0xFFFFFBF0] =	vst v8;
	v5 =	vld [tilespmem:s16+$0xFFFFFFE0];
	v10 =	vmul.f32 $4.525483320e+01, v6  }
0x20b: {  	[tilespmem:s16+$0xFFFFFC00] =	vst v9;
	v6 =	vld [tilespmem:s16+$0xFFFFFFF0];
	v8 =	vmul.f32 $4.525483320e+01, v7  }
0x20c: {  	s17 =	simm.s32 $0x0;
	s18 =	sadd.s32 $0x800, s16;
	v9 =	vmul.f32 $4.525483320e+01, v11;
	v7 =	vld [tilespmem:s16+$0xFFFFFB90];
	[tilespmem:s16+$0xFFFFFF90] =	vst v10  }
.LBB2_19:
0x20d: {  	v10 =	vld [tilespmem:s18+$0x0];
	s17 =	sadd.s32 $0x10, s17;
	[tilespmem:s16+$0xFFFFFFA0] =	vst v8;
	v3 =	vmul.f32 $4.525483320e+01, v3  }
0x20e: {  	v8 =	vld [tilespmem:s18+$0xFFFFFBA0];
	p0 =	slt.u32 s17, $0x70;
	[tilespmem:s16+$0xFFFFFFB0] =	vst v9;
	v4 =	vmul.f32 $4.525483320e+01, v4  }
0x20f: {  	v9 =	vld [tilespmem:s18+$0xFFFFFBB0];
	[tilespmem:s16+$0xFFFFFFC0] =	vst v3;
	v3 =	vmul.f32 $4.525483320e+01, v5  }
0x210: {  	v5 =	vld [tilespmem:s18+$0xFFFFFBC0];
	[tilespmem:s16+$0xFFFFFFD0] =	vst v4;
	v4 =	vmul.f32 $4.525483320e+01, v6  }
0x211: {  	v6 =	vld [tilespmem:s18+$0xFFFFFBD0];
	v7 =	vmul.f32 $4.525483320e+01, v7;
	[tilespmem:s16+$0xFFFFFFE0] =	vst v3  }
0x212: {  	v3 =	vld [tilespmem:s18+$0xFFFFFBE0];
	v10 =	vmul.f32 $4.525483320e+01, v10;
	[tilespmem:s16+$0xFFFFFFF0] =	vst v4  }
0x213: {  	v4 =	vmul.f32 $4.525483320e+01, v8;
	v8 =	vld [tilespmem:s18+$0xFFFFFBF0];
	[tilespmem:s16+$0xFFFFFB90] =	vst v7;
	s16 =	smov.u32 s18  }
0x214: {  	v7 =	vmul.f32 $4.525483320e+01, v9;
	v9 =	vld [tilespmem:s18+$0xFFFFFC00];
	[tilespmem:s18+$0x0] =	vst v10  }
0x215: {  	[tilespmem:s18+$0xFFFFFBA0] =	vst v4;
	v4 =	vmul.f32 $4.525483320e+01, v5;
	v5 =	vld [tilespmem:s18+$0xFFFFFF90]  }
0x216: {  	[tilespmem:s18+$0xFFFFFBB0] =	vst v7;
	v6 =	vmul.f32 $4.525483320e+01, v6;
	v7 =	vld [tilespmem:s18+$0xFFFFFFA0]  }
0x217: {  	[tilespmem:s18+$0xFFFFFBC0] =	vst v4;
	v4 =	vmul.f32 $4.525483320e+01, v3;
	v10 =	vld [tilespmem:s18+$0xFFFFFFB0]  }
.Ltmp8:
0x218: {  	[tilespmem:s18+$0xFFFFFBD0] =	vst v6;
	v6 =	vmul.f32 $4.525483320e+01, v8;
	v3 =	vld [tilespmem:s18+$0xFFFFFFC0];
	(pc) =	sbr.rel @p0 .LBB2_19-.Ltmp8, $4  }
0x219: {  	[tilespmem:s18+$0xFFFFFBE0] =	vst v4;
	v8 =	vmul.f32 $4.525483320e+01, v9;
	v4 =	vld [tilespmem:s18+$0xFFFFFFD0]  }
0x21a: {  	[tilespmem:s18+$0xFFFFFBF0] =	vst v6;
	v9 =	vmul.f32 $4.525483320e+01, v5;
	v5 =	vld [tilespmem:s18+$0xFFFFFFE0]  }
0x21b: {  	[tilespmem:s18+$0xFFFFFC00] =	vst v8;
	v8 =	vmul.f32 $4.525483320e+01, v7;
	v6 =	vld [tilespmem:s18+$0xFFFFFFF0]  }
0x21c: {  	s18 =	sadd.s32 $0x800, s18;
	v7 =	vld [tilespmem:s16+$0xFFFFFB90];
	[tilespmem:s16+$0xFFFFFF90] =	vst v9;
	v9 =	vmul.f32 $4.525483320e+01, v10  }
0x21d: {  	[tilespmem:s16+$0xFFFFFFA0] =	vst v8;
	v3 =	vmul.f32 $4.525483320e+01, v3;
	s15 =	sadd.s32 $0x1, s15  }
0x21e: {  	[tilespmem:s16+$0xFFFFFFB0] =	vst v9;
	v4 =	vmul.f32 $4.525483320e+01, v4;
	p0 =	sne.s32 s15, $0x10  }
.Ltmp9:
0x21f: {  	[tilespmem:s16+$0xFFFFFFC0] =	vst v3;
	v3 =	vmul.f32 $4.525483320e+01, v5;
	(pc) =	sbr.rel @p0 .LBB2_18-.Ltmp9, $4  }
0x220: {  	[tilespmem:s16+$0xFFFFFFD0] =	vst v4;
	v62 =	vmul.f32 $4.525483320e+01, v6  }
0x221: {  	v63 =	vmul.f32 $4.525483320e+01, v7;
	[tilespmem:s16+$0xFFFFFFE0] =	vst v3  }
0x222: {  	[tilespmem:s16+$0xFFFFFFF0] =	vst v62  }
0x223: {  	s14 =	sadd.s32 $0x800, s14;
	s13 =	sadd.s32 $0x1, s13;
	[tilespmem:s16+$0xFFFFFB90] =	vst v63  }
0x224: {  	s13 =	simm.s32 $0x0;
	s14 =	rddreg [dreg:$0x9]  }
0x225: {  	[hbm4b:s14+s13] =	stream.linear.scatter [tilespmem:s25], [sflag:$0x5], $0x8000, $0x38;
	[tilespmem:$0x18100] =	vst v63  }
0x226: {  	_ =	swait.ge [sflag:s12], $0x8000  }
0x227: {  	[sflag:s12] =	ssyncset.done $0x0  }
0x228: {  	[sflag:s12] =	ssyncadd.s32 $0xFFFF8000  }
0x229: {  	v3 =	vld [tilespmem:$0x70];
	_ =	sdelay $0x4  }
0x22a: {  	v4 =	vshll.u32 v3, $0x4  }
0x22b: {  	v3 =	vand.u32 $0x7, v3;
	v4 =	vand.u32 $0xFFFFFF80, v4  }
0x22c: {  	v3 =	vor.u32 v3, v4  }
0x22d: {  	v4 =	vperm.xlane v3, v0;
	_ =	sdelay $0x1  }
0x22e: {  	v4 =	vadd.s32 v1, v4;
	_ =	sdelay $0x4  }
0x22f: {  	[tilespmem:s25], [sflag:$0x2] =	stream.indirect_vreg.gather [hbm4b:s2+s13], $0x80, v4, vm0, $0xb8;
	[tilespmem:$0x18100] =	vst v63  }
0x230: {  	s16 =	simm.s32 $0x8900  }
0x231: {  	[tilespmem:s16], [sflag:$0x2] =	stream.indirect_vreg.gather [hbm4b:s5+s13], $0x80, v4, vm0, $0xb8;
	[tilespmem:$0x18100] =	vst v63  }
0x232: {  	s17 =	simm.s32 $0x9100  }
0x233: {  	[tilespmem:s17], [sflag:$0x2] =	stream.indirect_vreg.gather [hbm4b:s6+s13], $0x80, v4, vm0, $0xb8;
	[tilespmem:$0x18100] =	vst v63  }
0x234: {  	s18 =	simm.s32 $0x9900  }
0x235: {  	[tilespmem:s18], [sflag:$0x2] =	stream.indirect_vreg.gather [hbm4b:s7+s13], $0x80, v4, vm0, $0xb8;
	[tilespmem:$0x18100] =	vst v63  }
0x236: {  	s15 =	simm.s32 $0xA100  }
0x237: {  	[tilespmem:s15], [sflag:$0x2] =	stream.indirect_vreg.gather [hbm4b:s8+s13], $0x80, v4, vm0, $0xb8;
	[tilespmem:$0x18100] =	vst v63  }
0x238: {  	v3 =	vperm.xlane v3, v2;
	s16 =	simm.s32 $0xA900  }
0x239: {  	[tilespmem:s16], [sflag:$0x2] =	stream.indirect_vreg.gather [hbm4b:s9+s13], $0x80, v4, vm0, $0xb8;
	[tilespmem:$0x18100] =	vst v63  }
0x23a: {  	v3 =	vadd.s32 v1, v3;
	s17 =	simm.s32 $0xB100  }
0x23b: {  	[tilespmem:s17], [sflag:$0x2] =	stream.indirect_vreg.gather [hbm4b:s10+s13], $0x80, v4, vm0, $0xb8;
	[tilespmem:$0x18100] =	vst v63  }
0x23c: {  	s18 =	simm.s32 $0xB900  }
0x23d: {  	[tilespmem:s18], [sflag:$0x2] =	stream.indirect_vreg.gather [hbm4b:s11+s13], $0x80, v4, vm0, $0xb8;
	[tilespmem:$0x18100] =	vst v63  }
0x23e: {  	s15 =	simm.s32 $0xC100  }
0x23f: {  	[tilespmem:s15], [sflag:$0x2] =	stream.indirect_vreg.gather [hbm4b:s2+s13], $0x80, v3, vm0, $0xb8;
	[tilespmem:$0x18100] =	vst v63  }
0x240: {  	s16 =	simm.s32 $0xC900  }
0x241: {  	[tilespmem:s16], [sflag:$0x2] =	stream.indirect_vreg.gather [hbm4b:s5+s13], $0x80, v3, vm0, $0xb8;
	[tilespmem:$0x18100] =	vst v63  }
0x242: {  	s17 =	simm.s32 $0xD100  }
0x243: {  	[tilespmem:s17], [sflag:$0x2] =	stream.indirect_vreg.gather [hbm4b:s6+s13], $0x80, v3, vm0, $0xb8;
	[tilespmem:$0x18100] =	vst v63  }
0x244: {  	s18 =	simm.s32 $0xD900  }
0x245: {  	[tilespmem:s18], [sflag:$0x2] =	stream.indirect_vreg.gather [hbm4b:s7+s13], $0x80, v3, vm0, $0xb8;
	[tilespmem:$0x18100] =	vst v63  }
0x246: {  	s15 =	simm.s32 $0xE100  }
0x247: {  	[tilespmem:s15], [sflag:$0x2] =	stream.indirect_vreg.gather [hbm4b:s8+s13], $0x80, v3, vm0, $0xb8;
	[tilespmem:$0x18100] =	vst v63  }
0x248: {  	s16 =	simm.s32 $0xE900  }
0x249: {  	[tilespmem:s16], [sflag:$0x2] =	stream.indirect_vreg.gather [hbm4b:s9+s13], $0x80, v3, vm0, $0xb8;
	[tilespmem:$0x18100] =	vst v63  }
0x24a: {  	s17 =	simm.s32 $0xF100  }
0x24b: {  	[tilespmem:s17], [sflag:$0x2] =	stream.indirect_vreg.gather [hbm4b:s10+s13], $0x80, v3, vm0, $0xb8;
	[tilespmem:$0x18100] =	vst v63  }
0x24c: {  	s18 =	simm.s32 $0xF900  }
0x24d: {  	[tilespmem:s18], [sflag:$0x2] =	stream.indirect_vreg.gather [hbm4b:s11+s13], $0x80, v3, vm0, $0xb8;
	[tilespmem:$0x18100] =	vst v63  }
0x24e: {  	_ =	swait.ge [sflag:s1], $0x8000  }
0x24f: {  	[sflag:s1] =	ssyncset.done $0x0  }
0x250: {  	s14 =	simm.s32 $0x0;
	s15 =	simm.s32 $0x0;
	[sflag:s1] =	ssyncadd.s32 $0xFFFF8000  }
.LBB2_22:
0x251: {  	s16 =	sshll.u32 s14, $0x2;
	s17 =	sand.u32 $0x7, s13  }
0x252: {  	s16 =	sand.u32 $0xFFFF0000, s16;
	s17 =	sshll.u32 s17, $0x9  }
0x253: {  	s16 =	sor.u32 s17, s16  }
0x254: {  	s16 =	sshrl.u32 s16, $0x2  }
0x255: {  	s16 =	sadd.s32 $0x10570, s16  }
0x256: {  	v3 =	vld [tilespmem:s16+$0x0]  }
0x257: {  	v4 =	vld [tilespmem:s16+$0xFFFFFBA0]  }
0x258: {  	v5 =	vld [tilespmem:s16+$0xFFFFFBB0]  }
0x259: {  	v6 =	vld [tilespmem:s16+$0xFFFFFBC0]  }
0x25a: {  	v7 =	vld [tilespmem:s16+$0xFFFFFBD0]  }
0x25b: {  	v8 =	vld [tilespmem:s16+$0xFFFFFBE0];
	v3 =	vmul.f32 $4.525483320e+01, v3  }
0x25c: {  	v9 =	vld [tilespmem:s16+$0xFFFFFBF0];
	v4 =	vmul.f32 $4.525483320e+01, v4  }
0x25d: {  	v10 =	vld [tilespmem:s16+$0xFFFFFC00];
	v5 =	vmul.f32 $4.525483320e+01, v5;
	[tilespmem:s16+$0x0] =	vst v3  }
0x25e: {  	[tilespmem:s16+$0xFFFFFBA0] =	vst v4;
	v3 =	vmul.f32 $4.525483320e+01, v6;
	v6 =	vld [tilespmem:s16+$0xFFFFFF90]  }
0x25f: {  	[tilespmem:s16+$0xFFFFFBB0] =	vst v5;
	v4 =	vmul.f32 $4.525483320e+01, v7;
	v7 =	vld [tilespmem:s16+$0xFFFFFFA0]  }
0x260: {  	v11 =	vld [tilespmem:s16+$0xFFFFFFB0];
	v5 =	vmul.f32 $4.525483320e+01, v8;
	[tilespmem:s16+$0xFFFFFBC0] =	vst v3  }
0x261: {  	v8 =	vmul.f32 $4.525483320e+01, v9;
	[tilespmem:s16+$0xFFFFFBD0] =	vst v4;
	v3 =	vld [tilespmem:s16+$0xFFFFFFC0]  }
0x262: {  	v9 =	vmul.f32 $4.525483320e+01, v10;
	[tilespmem:s16+$0xFFFFFBE0] =	vst v5;
	v4 =	vld [tilespmem:s16+$0xFFFFFFD0]  }
0x263: {  	[tilespmem:s16+$0xFFFFFBF0] =	vst v8;
	v5 =	vld [tilespmem:s16+$0xFFFFFFE0];
	v10 =	vmul.f32 $4.525483320e+01, v6  }
0x264: {  	[tilespmem:s16+$0xFFFFFC00] =	vst v9;
	v6 =	vld [tilespmem:s16+$0xFFFFFFF0];
	v8 =	vmul.f32 $4.525483320e+01, v7  }
0x265: {  	s17 =	simm.s32 $0x0;
	s18 =	sadd.s32 $0x800, s16;
	v9 =	vmul.f32 $4.525483320e+01, v11;
	v7 =	vld [tilespmem:s16+$0xFFFFFB90];
	[tilespmem:s16+$0xFFFFFF90] =	vst v10  }
.LBB2_23:
0x266: {  	v10 =	vld [tilespmem:s18+$0x0];
	s17 =	sadd.s32 $0x10, s17;
	[tilespmem:s16+$0xFFFFFFA0] =	vst v8;
	v3 =	vmul.f32 $4.525483320e+01, v3  }
0x267: {  	v8 =	vld [tilespmem:s18+$0xFFFFFBA0];
	p0 =	slt.u32 s17, $0x70;
	[tilespmem:s16+$0xFFFFFFB0] =	vst v9;
	v4 =	vmul.f32 $4.525483320e+01, v4  }
0x268: {  	v9 =	vld [tilespmem:s18+$0xFFFFFBB0];
	[tilespmem:s16+$0xFFFFFFC0] =	vst v3;
	v3 =	vmul.f32 $4.525483320e+01, v5  }
0x269: {  	v5 =	vld [tilespmem:s18+$0xFFFFFBC0];
	[tilespmem:s16+$0xFFFFFFD0] =	vst v4;
	v4 =	vmul.f32 $4.525483320e+01, v6  }
0x26a: {  	v6 =	vld [tilespmem:s18+$0xFFFFFBD0];
	v7 =	vmul.f32 $4.525483320e+01, v7;
	[tilespmem:s16+$0xFFFFFFE0] =	vst v3  }
0x26b: {  	v3 =	vld [tilespmem:s18+$0xFFFFFBE0];
	v10 =	vmul.f32 $4.525483320e+01, v10;
	[tilespmem:s16+$0xFFFFFFF0] =	vst v4  }
0x26c: {  	v4 =	vmul.f32 $4.525483320e+01, v8;
	v8 =	vld [tilespmem:s18+$0xFFFFFBF0];
	[tilespmem:s16+$0xFFFFFB90] =	vst v7;
	s16 =	smov.u32 s18  }
0x26d: {  	v7 =	vmul.f32 $4.525483320e+01, v9;
	v9 =	vld [tilespmem:s18+$0xFFFFFC00];
	[tilespmem:s18+$0x0] =	vst v10  }
0x26e: {  	[tilespmem:s18+$0xFFFFFBA0] =	vst v4;
	v4 =	vmul.f32 $4.525483320e+01, v5;
	v5 =	vld [tilespmem:s18+$0xFFFFFF90]  }
0x26f: {  	[tilespmem:s18+$0xFFFFFBB0] =	vst v7;
	v6 =	vmul.f32 $4.525483320e+01, v6;
	v7 =	vld [tilespmem:s18+$0xFFFFFFA0]  }
0x270: {  	[tilespmem:s18+$0xFFFFFBC0] =	vst v4;
	v4 =	vmul.f32 $4.525483320e+01, v3;
	v10 =	vld [tilespmem:s18+$0xFFFFFFB0]  }
.Ltmp10:
0x271: {  	[tilespmem:s18+$0xFFFFFBD0] =	vst v6;
	v6 =	vmul.f32 $4.525483320e+01, v8;
	v3 =	vld [tilespmem:s18+$0xFFFFFFC0];
	(pc) =	sbr.rel @p0 .LBB2_23-.Ltmp10, $4  }
0x272: {  	[tilespmem:s18+$0xFFFFFBE0] =	vst v4;
	v8 =	vmul.f32 $4.525483320e+01, v9;
	v4 =	vld [tilespmem:s18+$0xFFFFFFD0]  }
0x273: {  	[tilespmem:s18+$0xFFFFFBF0] =	vst v6;
	v9 =	vmul.f32 $4.525483320e+01, v5;
	v5 =	vld [tilespmem:s18+$0xFFFFFFE0]  }
0x274: {  	[tilespmem:s18+$0xFFFFFC00] =	vst v8;
	v8 =	vmul.f32 $4.525483320e+01, v7;
	v6 =	vld [tilespmem:s18+$0xFFFFFFF0]  }
0x275: {  	s18 =	sadd.s32 $0x800, s18;
	v7 =	vld [tilespmem:s16+$0xFFFFFB90];
	[tilespmem:s16+$0xFFFFFF90] =	vst v9;
	v9 =	vmul.f32 $4.525483320e+01, v10  }
0x276: {  	[tilespmem:s16+$0xFFFFFFA0] =	vst v8;
	v3 =	vmul.f32 $4.525483320e+01, v3;
	s15 =	sadd.s32 $0x1, s15  }
0x277: {  	[tilespmem:s16+$0xFFFFFFB0] =	vst v9;
	v4 =	vmul.f32 $4.525483320e+01, v4;
	p0 =	sne.s32 s15, $0x10  }
.Ltmp11:
0x278: {  	[tilespmem:s16+$0xFFFFFFC0] =	vst v3;
	v3 =	vmul.f32 $4.525483320e+01, v5;
	(pc) =	sbr.rel @p0 .LBB2_22-.Ltmp11, $4  }
0x279: {  	[tilespmem:s16+$0xFFFFFFD0] =	vst v4;
	v62 =	vmul.f32 $4.525483320e+01, v6  }
0x27a: {  	v63 =	vmul.f32 $4.525483320e+01, v7;
	[tilespmem:s16+$0xFFFFFFE0] =	vst v3  }
0x27b: {  	[tilespmem:s16+$0xFFFFFFF0] =	vst v62  }
0x27c: {  	s14 =	sadd.s32 $0x800, s14;
	s13 =	sadd.s32 $0x1, s13;
	[tilespmem:s16+$0xFFFFFB90] =	vst v63  }
0x27d: {  	s13 =	simm.s32 $0x0;
	s14 =	rddreg [dreg:$0xa]  }
0x27e: {  	[hbm4b:s14+s13] =	stream.linear.scatter [tilespmem:s26], [sflag:$0x6], $0x8000, $0x38;
	[tilespmem:$0x18100] =	vst v63  }
0x27f: {  	_ =	swait.ge [sflag:s0], $0x8000  }
0x280: {  	[sflag:s0] =	ssyncset.done $0x0  }
0x281: {  	[sflag:s0] =	ssyncadd.s32 $0xFFFF8000  }
0x282: {  	v3 =	vld [tilespmem:$0x80];
	_ =	sdelay $0x4  }
0x283: {  	v4 =	vshll.u32 v3, $0x4  }
0x284: {  	v3 =	vand.u32 $0x7, v3;
	v4 =	vand.u32 $0xFFFFFF80, v4  }
0x285: {  	v3 =	vor.u32 v3, v4  }
0x286: {  	v4 =	vperm.xlane v3, v0;
	_ =	sdelay $0x1  }
0x287: {  	v4 =	vadd.s32 v1, v4;
	_ =	sdelay $0x4  }
0x288: {  	[tilespmem:s26], [sflag:$0x3] =	stream.indirect_vreg.gather [hbm4b:s2+s13], $0x80, v4, vm0, $0xb8;
	[tilespmem:$0x18100] =	vst v63  }
0x289: {  	s16 =	simm.s32 $0x10900  }
0x28a: {  	[tilespmem:s16], [sflag:$0x3] =	stream.indirect_vreg.gather [hbm4b:s5+s13], $0x80, v4, vm0, $0xb8;
	[tilespmem:$0x18100] =	vst v63  }
0x28b: {  	s17 =	simm.s32 $0x11100  }
0x28c: {  	[tilespmem:s17], [sflag:$0x3] =	stream.indirect_vreg.gather [hbm4b:s6+s13], $0x80, v4, vm0, $0xb8;
	[tilespmem:$0x18100] =	vst v63  }
0x28d: {  	s18 =	simm.s32 $0x11900  }
0x28e: {  	[tilespmem:s18], [sflag:$0x3] =	stream.indirect_vreg.gather [hbm4b:s7+s13], $0x80, v4, vm0, $0xb8;
	[tilespmem:$0x18100] =	vst v63  }
0x28f: {  	s15 =	simm.s32 $0x12100  }
0x290: {  	[tilespmem:s15], [sflag:$0x3] =	stream.indirect_vreg.gather [hbm4b:s8+s13], $0x80, v4, vm0, $0xb8;
	[tilespmem:$0x18100] =	vst v63  }
0x291: {  	v3 =	vperm.xlane v3, v2;
	s16 =	simm.s32 $0x12900  }
0x292: {  	[tilespmem:s16], [sflag:$0x3] =	stream.indirect_vreg.gather [hbm4b:s9+s13], $0x80, v4, vm0, $0xb8;
	[tilespmem:$0x18100] =	vst v63  }
0x293: {  	v3 =	vadd.s32 v1, v3;
	s17 =	simm.s32 $0x13100  }
0x294: {  	[tilespmem:s17], [sflag:$0x3] =	stream.indirect_vreg.gather [hbm4b:s10+s13], $0x80, v4, vm0, $0xb8;
	[tilespmem:$0x18100] =	vst v63  }
0x295: {  	s18 =	simm.s32 $0x13900  }
0x296: {  	[tilespmem:s18], [sflag:$0x3] =	stream.indirect_vreg.gather [hbm4b:s11+s13], $0x80, v4, vm0, $0xb8;
	[tilespmem:$0x18100] =	vst v63  }
0x297: {  	s15 =	simm.s32 $0x14100  }
0x298: {  	[tilespmem:s15], [sflag:$0x3] =	stream.indirect_vreg.gather [hbm4b:s2+s13], $0x80, v3, vm0, $0xb8;
	[tilespmem:$0x18100] =	vst v63  }
0x299: {  	s16 =	simm.s32 $0x14900  }
0x29a: {  	[tilespmem:s16], [sflag:$0x3] =	stream.indirect_vreg.gather [hbm4b:s5+s13], $0x80, v3, vm0, $0xb8;
	[tilespmem:$0x18100] =	vst v63  }
0x29b: {  	s17 =	simm.s32 $0x15100  }
0x29c: {  	[tilespmem:s17], [sflag:$0x3] =	stream.indirect_vreg.gather [hbm4b:s6+s13], $0x80, v3, vm0, $0xb8;
	[tilespmem:$0x18100] =	vst v63  }
0x29d: {  	s18 =	simm.s32 $0x15900  }
0x29e: {  	[tilespmem:s18], [sflag:$0x3] =	stream.indirect_vreg.gather [hbm4b:s7+s13], $0x80, v3, vm0, $0xb8;
	[tilespmem:$0x18100] =	vst v63  }
0x29f: {  	s15 =	simm.s32 $0x16100  }
0x2a0: {  	[tilespmem:s15], [sflag:$0x3] =	stream.indirect_vreg.gather [hbm4b:s8+s13], $0x80, v3, vm0, $0xb8;
	[tilespmem:$0x18100] =	vst v63  }
0x2a1: {  	s16 =	simm.s32 $0x16900  }
0x2a2: {  	[tilespmem:s16], [sflag:$0x3] =	stream.indirect_vreg.gather [hbm4b:s9+s13], $0x80, v3, vm0, $0xb8;
	[tilespmem:$0x18100] =	vst v63  }
0x2a3: {  	s17 =	simm.s32 $0x17100  }
0x2a4: {  	[tilespmem:s17], [sflag:$0x3] =	stream.indirect_vreg.gather [hbm4b:s10+s13], $0x80, v3, vm0, $0xb8;
	[tilespmem:$0x18100] =	vst v63  }
0x2a5: {  	s18 =	simm.s32 $0x17900  }
0x2a6: {  	[tilespmem:s18], [sflag:$0x3] =	stream.indirect_vreg.gather [hbm4b:s11+s13], $0x80, v3, vm0, $0xb8;
	[tilespmem:$0x18100] =	vst v63  }
0x2a7: {  	_ =	swait.ge [sflag:s30], $0x8000  }
0x2a8: {  	[sflag:s30] =	ssyncset.done $0x0  }
0x2a9: {  	s14 =	simm.s32 $0x0;
	s15 =	simm.s32 $0x0;
	[sflag:s30] =	ssyncadd.s32 $0xFFFF8000  }
.LBB2_26:
0x2aa: {  	s16 =	sshll.u32 s14, $0x2;
	s17 =	sand.u32 $0x7, s13  }
0x2ab: {  	s16 =	sand.u32 $0xFFFF0000, s16;
	s17 =	sshll.u32 s17, $0x9  }
0x2ac: {  	s16 =	sor.u32 s17, s16  }
0x2ad: {  	s16 =	sshrl.u32 s16, $0x2  }
0x2ae: {  	s16 =	sadd.s32 $0x500, s16  }
0x2af: {  	v3 =	vld [tilespmem:s16+$0x70]  }
0x2b0: {  	v4 =	vld [tilespmem:s16+$0xFFFFFC10]  }
0x2b1: {  	v5 =	vld [tilespmem:s16+$0xFFFFFC20]  }
0x2b2: {  	v6 =	vld [tilespmem:s16+$0xFFFFFC30]  }
0x2b3: {  	v7 =	vld [tilespmem:s16+$0xFFFFFC40]  }
0x2b4: {  	v8 =	vld [tilespmem:s16+$0xFFFFFC50];
	v3 =	vmul.f32 $4.525483320e+01, v3  }
0x2b5: {  	v9 =	vld [tilespmem:s16+$0xFFFFFC60];
	v4 =	vmul.f32 $4.525483320e+01, v4  }
0x2b6: {  	v10 =	vld [tilespmem:s16+$0xFFFFFC70];
	v5 =	vmul.f32 $4.525483320e+01, v5;
	[tilespmem:s16+$0x70] =	vst v3  }
0x2b7: {  	[tilespmem:s16+$0xFFFFFC10] =	vst v4;
	v3 =	vmul.f32 $4.525483320e+01, v6;
	v6 =	vld [tilespmem:s16+$0x0]  }
0x2b8: {  	[tilespmem:s16+$0xFFFFFC20] =	vst v5;
	v4 =	vmul.f32 $4.525483320e+01, v7;
	v7 =	vld [tilespmem:s16+$0x10]  }
0x2b9: {  	v11 =	vld [tilespmem:s16+$0x20];
	v5 =	vmul.f32 $4.525483320e+01, v8;
	[tilespmem:s16+$0xFFFFFC30] =	vst v3  }
0x2ba: {  	v8 =	vmul.f32 $4.525483320e+01, v9;
	[tilespmem:s16+$0xFFFFFC40] =	vst v4;
	v3 =	vld [tilespmem:s16+$0x30]  }
0x2bb: {  	v9 =	vmul.f32 $4.525483320e+01, v10;
	[tilespmem:s16+$0xFFFFFC50] =	vst v5;
	v4 =	vld [tilespmem:s16+$0x40]  }
0x2bc: {  	[tilespmem:s16+$0xFFFFFC60] =	vst v8;
	v5 =	vld [tilespmem:s16+$0x50];
	v10 =	vmul.f32 $4.525483320e+01, v6  }
0x2bd: {  	[tilespmem:s16+$0xFFFFFC70] =	vst v9;
	v6 =	vld [tilespmem:s16+$0x60];
	v8 =	vmul.f32 $4.525483320e+01, v7  }
0x2be: {  	s17 =	simm.s32 $0x0;
	s18 =	sadd.s32 $0x800, s16;
	v9 =	vmul.f32 $4.525483320e+01, v11;
	v7 =	vld [tilespmem:s16+$0xFFFFFC00];
	[tilespmem:s16+$0x0] =	vst v10  }
.LBB2_27:
0x2bf: {  	v10 =	vld [tilespmem:s18+$0x70];
	s17 =	sadd.s32 $0x10, s17;
	[tilespmem:s16+$0x10] =	vst v8;
	v3 =	vmul.f32 $4.525483320e+01, v3  }
0x2c0: {  	v8 =	vld [tilespmem:s18+$0xFFFFFC10];
	p0 =	slt.u32 s17, $0x70;
	[tilespmem:s16+$0x20] =	vst v9;
	v4 =	vmul.f32 $4.525483320e+01, v4  }
0x2c1: {  	v9 =	vld [tilespmem:s18+$0xFFFFFC20];
	[tilespmem:s16+$0x30] =	vst v3;
	v3 =	vmul.f32 $4.525483320e+01, v5  }
0x2c2: {  	v5 =	vld [tilespmem:s18+$0xFFFFFC30];
	[tilespmem:s16+$0x40] =	vst v4;
	v4 =	vmul.f32 $4.525483320e+01, v6  }
0x2c3: {  	v6 =	vld [tilespmem:s18+$0xFFFFFC40];
	v7 =	vmul.f32 $4.525483320e+01, v7;
	[tilespmem:s16+$0x50] =	vst v3  }
0x2c4: {  	v3 =	vld [tilespmem:s18+$0xFFFFFC50];
	v10 =	vmul.f32 $4.525483320e+01, v10;
	[tilespmem:s16+$0x60] =	vst v4  }
0x2c5: {  	v4 =	vmul.f32 $4.525483320e+01, v8;
	v8 =	vld [tilespmem:s18+$0xFFFFFC60];
	[tilespmem:s16+$0xFFFFFC00] =	vst v7;
	s16 =	smov.u32 s18  }
0x2c6: {  	v7 =	vmul.f32 $4.525483320e+01, v9;
	v9 =	vld [tilespmem:s18+$0xFFFFFC70];
	[tilespmem:s18+$0x70] =	vst v10  }
0x2c7: {  	[tilespmem:s18+$0xFFFFFC10] =	vst v4;
	v4 =	vmul.f32 $4.525483320e+01, v5;
	v5 =	vld [tilespmem:s18+$0x0]  }
0x2c8: {  	[tilespmem:s18+$0xFFFFFC20] =	vst v7;
	v6 =	vmul.f32 $4.525483320e+01, v6;
	v7 =	vld [tilespmem:s18+$0x10]  }
0x2c9: {  	[tilespmem:s18+$0xFFFFFC30] =	vst v4;
	v4 =	vmul.f32 $4.525483320e+01, v3;
	v10 =	vld [tilespmem:s18+$0x20]  }
.Ltmp12:
0x2ca: {  	[tilespmem:s18+$0xFFFFFC40] =	vst v6;
	v6 =	vmul.f32 $4.525483320e+01, v8;
	v3 =	vld [tilespmem:s18+$0x30];
	(pc) =	sbr.rel @p0 .LBB2_27-.Ltmp12, $4  }
0x2cb: {  	[tilespmem:s18+$0xFFFFFC50] =	vst v4;
	v8 =	vmul.f32 $4.525483320e+01, v9;
	v4 =	vld [tilespmem:s18+$0x40]  }
0x2cc: {  	[tilespmem:s18+$0xFFFFFC60] =	vst v6;
	v9 =	vmul.f32 $4.525483320e+01, v5;
	v5 =	vld [tilespmem:s18+$0x50]  }
0x2cd: {  	[tilespmem:s18+$0xFFFFFC70] =	vst v8;
	v8 =	vmul.f32 $4.525483320e+01, v7;
	v6 =	vld [tilespmem:s18+$0x60]  }
0x2ce: {  	s18 =	sadd.s32 $0x800, s18;
	v7 =	vld [tilespmem:s16+$0xFFFFFC00];
	[tilespmem:s16+$0x0] =	vst v9;
	v9 =	vmul.f32 $4.525483320e+01, v10  }
0x2cf: {  	[tilespmem:s16+$0x10] =	vst v8;
	v3 =	vmul.f32 $4.525483320e+01, v3;
	s15 =	sadd.s32 $0x1, s15  }
0x2d0: {  	[tilespmem:s16+$0x20] =	vst v9;
	v4 =	vmul.f32 $4.525483320e+01, v4;
	p0 =	sne.s32 s15, $0x10  }
.Ltmp13:
0x2d1: {  	[tilespmem:s16+$0x30] =	vst v3;
	v3 =	vmul.f32 $4.525483320e+01, v5;
	(pc) =	sbr.rel @p0 .LBB2_26-.Ltmp13, $4  }
0x2d2: {  	[tilespmem:s16+$0x40] =	vst v4;
	v62 =	vmul.f32 $4.525483320e+01, v6  }
0x2d3: {  	v63 =	vmul.f32 $4.525483320e+01, v7;
	[tilespmem:s16+$0x50] =	vst v3  }
0x2d4: {  	[tilespmem:s16+$0x60] =	vst v62  }
0x2d5: {  	s14 =	sadd.s32 $0x800, s14;
	s13 =	sadd.s32 $0x1, s13;
	[tilespmem:s16+$0xFFFFFC00] =	vst v63  }
0x2d6: {  	s13 =	simm.s32 $0x0;
	s14 =	rddreg [dreg:$0xb]  }
0x2d7: {  	[hbm4b:s14+s13] =	stream.linear.scatter [tilespmem:s31], [sflag:$0x4], $0x8000, $0x38;
	[tilespmem:$0x18100] =	vst v63  }
0x2d8: {  	_ =	swait.ge [sflag:s28], $0x8000  }
0x2d9: {  	[sflag:s28] =	ssyncset.done $0x0  }
0x2da: {  	[sflag:s28] =	ssyncadd.s32 $0xFFFF8000  }
0x2db: {  	v3 =	vld [tilespmem:$0x90];
	_ =	sdelay $0x4  }
0x2dc: {  	v4 =	vshll.u32 v3, $0x4  }
0x2dd: {  	v3 =	vand.u32 $0x7, v3;
	v4 =	vand.u32 $0xFFFFFF80, v4  }
0x2de: {  	v3 =	vor.u32 v3, v4  }
0x2df: {  	v4 =	vperm.xlane v3, v0;
	_ =	sdelay $0x1  }
0x2e0: {  	v4 =	vadd.s32 v1, v4;
	_ =	sdelay $0x4  }
0x2e1: {  	[tilespmem:s31], [sflag:$0x1] =	stream.indirect_vreg.gather [hbm4b:s2+s13], $0x80, v4, vm0, $0xb8;
	[tilespmem:$0x18100] =	vst v63  }
0x2e2: {  	s18 =	simm.s32 $0x900  }
0x2e3: {  	[tilespmem:s18], [sflag:$0x1] =	stream.indirect_vreg.gather [hbm4b:s5+s13], $0x80, v4, vm0, $0xb8;
	[tilespmem:$0x18100] =	vst v63  }
0x2e4: {  	s15 =	simm.s32 $0x1100  }
0x2e5: {  	[tilespmem:s15], [sflag:$0x1] =	stream.indirect_vreg.gather [hbm4b:s6+s13], $0x80, v4, vm0, $0xb8;
	[tilespmem:$0x18100] =	vst v63  }
0x2e6: {  	s16 =	simm.s32 $0x1900  }
0x2e7: {  	[tilespmem:s16], [sflag:$0x1] =	stream.indirect_vreg.gather [hbm4b:s7+s13], $0x80, v4, vm0, $0xb8;
	[tilespmem:$0x18100] =	vst v63  }
0x2e8: {  	s17 =	simm.s32 $0x2100  }
0x2e9: {  	[tilespmem:s17], [sflag:$0x1] =	stream.indirect_vreg.gather [hbm4b:s8+s13], $0x80, v4, vm0, $0xb8;
	[tilespmem:$0x18100] =	vst v63  }
0x2ea: {  	v3 =	vperm.xlane v3, v2;
	s18 =	simm.s32 $0x2900  }
0x2eb: {  	[tilespmem:s18], [sflag:$0x1] =	stream.indirect_vreg.gather [hbm4b:s9+s13], $0x80, v4, vm0, $0xb8;
	[tilespmem:$0x18100] =	vst v63  }
0x2ec: {  	v3 =	vadd.s32 v1, v3;
	s15 =	simm.s32 $0x3100  }
0x2ed: {  	[tilespmem:s15], [sflag:$0x1] =	stream.indirect_vreg.gather [hbm4b:s10+s13], $0x80, v4, vm0, $0xb8;
	[tilespmem:$0x18100] =	vst v63  }
0x2ee: {  	s16 =	simm.s32 $0x3900  }
0x2ef: {  	[tilespmem:s16], [sflag:$0x1] =	stream.indirect_vreg.gather [hbm4b:s11+s13], $0x80, v4, vm0, $0xb8;
	[tilespmem:$0x18100] =	vst v63  }
0x2f0: {  	s17 =	simm.s32 $0x4100  }
0x2f1: {  	[tilespmem:s17], [sflag:$0x1] =	stream.indirect_vreg.gather [hbm4b:s2+s13], $0x80, v3, vm0, $0xb8;
	[tilespmem:$0x18100] =	vst v63  }
0x2f2: {  	s18 =	simm.s32 $0x4900  }
0x2f3: {  	[tilespmem:s18], [sflag:$0x1] =	stream.indirect_vreg.gather [hbm4b:s5+s13], $0x80, v3, vm0, $0xb8;
	[tilespmem:$0x18100] =	vst v63  }
0x2f4: {  	_ = 	snop  }
0x2f5: {  	[tilespmem:s19], [sflag:$0x1] =	stream.indirect_vreg.gather [hbm4b:s6+s13], $0x80, v3, vm0, $0xb8;
	[tilespmem:$0x18100] =	vst v63  }
0x2f6: {  	_ = 	snop  }
0x2f7: {  	[tilespmem:s20], [sflag:$0x1] =	stream.indirect_vreg.gather [hbm4b:s7+s13], $0x80, v3, vm0, $0xb8;
	[tilespmem:$0x18100] =	vst v63  }
0x2f8: {  	_ = 	snop  }
0x2f9: {  	[tilespmem:s21], [sflag:$0x1] =	stream.indirect_vreg.gather [hbm4b:s8+s13], $0x80, v3, vm0, $0xb8;
	[tilespmem:$0x18100] =	vst v63  }
0x2fa: {  	_ = 	snop  }
0x2fb: {  	[tilespmem:s22], [sflag:$0x1] =	stream.indirect_vreg.gather [hbm4b:s9+s13], $0x80, v3, vm0, $0xb8;
	[tilespmem:$0x18100] =	vst v63  }
0x2fc: {  	_ = 	snop  }
0x2fd: {  	[tilespmem:s23], [sflag:$0x1] =	stream.indirect_vreg.gather [hbm4b:s10+s13], $0x80, v3, vm0, $0xb8;
	[tilespmem:$0x18100] =	vst v63  }
0x2fe: {  	_ = 	snop  }
0x2ff: {  	[tilespmem:s24], [sflag:$0x1] =	stream.indirect_vreg.gather [hbm4b:s11+s13], $0x80, v3, vm0, $0xb8;
	[tilespmem:$0x18100] =	vst v63  }
0x300: {  	_ =	swait.ge [sflag:s29], $0x8000  }
0x301: {  	[sflag:s29] =	ssyncset.done $0x0  }
0x302: {  	s14 =	simm.s32 $0x0;
	s15 =	simm.s32 $0x0;
	[sflag:s29] =	ssyncadd.s32 $0xFFFF8000  }
.LBB2_30:
0x303: {  	s16 =	sshll.u32 s14, $0x2;
	s17 =	sand.u32 $0x7, s13  }
0x304: {  	s16 =	sand.u32 $0xFFFF0000, s16;
	s17 =	sshll.u32 s17, $0x9  }
0x305: {  	s16 =	sor.u32 s17, s16  }
0x306: {  	s16 =	sshrl.u32 s16, $0x2  }
0x307: {  	s16 =	sadd.s32 $0x8570, s16  }
0x308: {  	v3 =	vld [tilespmem:s16+$0x0]  }
0x309: {  	v4 =	vld [tilespmem:s16+$0xFFFFFBA0]  }
0x30a: {  	v5 =	vld [tilespmem:s16+$0xFFFFFBB0]  }
0x30b: {  	v6 =	vld [tilespmem:s16+$0xFFFFFBC0]  }
0x30c: {  	v7 =	vld [tilespmem:s16+$0xFFFFFBD0]  }
0x30d: {  	v8 =	vld [tilespmem:s16+$0xFFFFFBE0];
	v3 =	vmul.f32 $4.525483320e+01, v3  }
0x30e: {  	v9 =	vld [tilespmem:s16+$0xFFFFFBF0];
	v4 =	vmul.f32 $4.525483320e+01, v4  }
0x30f: {  	v10 =	vld [tilespmem:s16+$0xFFFFFC00];
	v5 =	vmul.f32 $4.525483320e+01, v5;
	[tilespmem:s16+$0x0] =	vst v3  }
0x310: {  	[tilespmem:s16+$0xFFFFFBA0] =	vst v4;
	v3 =	vmul.f32 $4.525483320e+01, v6;
	v6 =	vld [tilespmem:s16+$0xFFFFFF90]  }
0x311: {  	[tilespmem:s16+$0xFFFFFBB0] =	vst v5;
	v4 =	vmul.f32 $4.525483320e+01, v7;
	v7 =	vld [tilespmem:s16+$0xFFFFFFA0]  }
0x312: {  	v11 =	vld [tilespmem:s16+$0xFFFFFFB0];
	v5 =	vmul.f32 $4.525483320e+01, v8;
	[tilespmem:s16+$0xFFFFFBC0] =	vst v3  }
0x313: {  	v8 =	vmul.f32 $4.525483320e+01, v9;
	[tilespmem:s16+$0xFFFFFBD0] =	vst v4;
	v3 =	vld [tilespmem:s16+$0xFFFFFFC0]  }
0x314: {  	v9 =	vmul.f32 $4.525483320e+01, v10;
	[tilespmem:s16+$0xFFFFFBE0] =	vst v5;
	v4 =	vld [tilespmem:s16+$0xFFFFFFD0]  }
0x315: {  	[tilespmem:s16+$0xFFFFFBF0] =	vst v8;
	v5 =	vld [tilespmem:s16+$0xFFFFFFE0];
	v10 =	vmul.f32 $4.525483320e+01, v6  }
0x316: {  	[tilespmem:s16+$0xFFFFFC00] =	vst v9;
	v6 =	vld [tilespmem:s16+$0xFFFFFFF0];
	v8 =	vmul.f32 $4.525483320e+01, v7  }
0x317: {  	s17 =	simm.s32 $0x0;
	s18 =	sadd.s32 $0x800, s16;
	v9 =	vmul.f32 $4.525483320e+01, v11;
	v7 =	vld [tilespmem:s16+$0xFFFFFB90];
	[tilespmem:s16+$0xFFFFFF90] =	vst v10  }
.LBB2_31:
0x318: {  	v10 =	vld [tilespmem:s18+$0x0];
	s17 =	sadd.s32 $0x10, s17;
	[tilespmem:s16+$0xFFFFFFA0] =	vst v8;
	v3 =	vmul.f32 $4.525483320e+01, v3  }
0x319: {  	v8 =	vld [tilespmem:s18+$0xFFFFFBA0];
	p0 =	slt.u32 s17, $0x70;
	[tilespmem:s16+$0xFFFFFFB0] =	vst v9;
	v4 =	vmul.f32 $4.525483320e+01, v4  }
0x31a: {  	v9 =	vld [tilespmem:s18+$0xFFFFFBB0];
	[tilespmem:s16+$0xFFFFFFC0] =	vst v3;
	v3 =	vmul.f32 $4.525483320e+01, v5  }
0x31b: {  	v5 =	vld [tilespmem:s18+$0xFFFFFBC0];
	[tilespmem:s16+$0xFFFFFFD0] =	vst v4;
	v4 =	vmul.f32 $4.525483320e+01, v6  }
0x31c: {  	v6 =	vld [tilespmem:s18+$0xFFFFFBD0];
	v7 =	vmul.f32 $4.525483320e+01, v7;
	[tilespmem:s16+$0xFFFFFFE0] =	vst v3  }
0x31d: {  	v3 =	vld [tilespmem:s18+$0xFFFFFBE0];
	v10 =	vmul.f32 $4.525483320e+01, v10;
	[tilespmem:s16+$0xFFFFFFF0] =	vst v4  }
0x31e: {  	v4 =	vmul.f32 $4.525483320e+01, v8;
	v8 =	vld [tilespmem:s18+$0xFFFFFBF0];
	[tilespmem:s16+$0xFFFFFB90] =	vst v7;
	s16 =	smov.u32 s18  }
0x31f: {  	v7 =	vmul.f32 $4.525483320e+01, v9;
	v9 =	vld [tilespmem:s18+$0xFFFFFC00];
	[tilespmem:s18+$0x0] =	vst v10  }
0x320: {  	[tilespmem:s18+$0xFFFFFBA0] =	vst v4;
	v4 =	vmul.f32 $4.525483320e+01, v5;
	v5 =	vld [tilespmem:s18+$0xFFFFFF90]  }
0x321: {  	[tilespmem:s18+$0xFFFFFBB0] =	vst v7;
	v6 =	vmul.f32 $4.525483320e+01, v6;
	v7 =	vld [tilespmem:s18+$0xFFFFFFA0]  }
0x322: {  	[tilespmem:s18+$0xFFFFFBC0] =	vst v4;
	v4 =	vmul.f32 $4.525483320e+01, v3;
	v10 =	vld [tilespmem:s18+$0xFFFFFFB0]  }
.Ltmp14:
0x323: {  	[tilespmem:s18+$0xFFFFFBD0] =	vst v6;
	v6 =	vmul.f32 $4.525483320e+01, v8;
	v3 =	vld [tilespmem:s18+$0xFFFFFFC0];
	(pc) =	sbr.rel @p0 .LBB2_31-.Ltmp14, $4  }
0x324: {  	[tilespmem:s18+$0xFFFFFBE0] =	vst v4;
	v8 =	vmul.f32 $4.525483320e+01, v9;
	v4 =	vld [tilespmem:s18+$0xFFFFFFD0]  }
0x325: {  	[tilespmem:s18+$0xFFFFFBF0] =	vst v6;
	v9 =	vmul.f32 $4.525483320e+01, v5;
	v5 =	vld [tilespmem:s18+$0xFFFFFFE0]  }
0x326: {  	[tilespmem:s18+$0xFFFFFC00] =	vst v8;
	v8 =	vmul.f32 $4.525483320e+01, v7;
	v6 =	vld [tilespmem:s18+$0xFFFFFFF0]  }
0x327: {  	s18 =	sadd.s32 $0x800, s18;
	v7 =	vld [tilespmem:s16+$0xFFFFFB90];
	[tilespmem:s16+$0xFFFFFF90] =	vst v9;
	v9 =	vmul.f32 $4.525483320e+01, v10  }
0x328: {  	[tilespmem:s16+$0xFFFFFFA0] =	vst v8;
	v3 =	vmul.f32 $4.525483320e+01, v3;
	s15 =	sadd.s32 $0x1, s15  }
0x329: {  	[tilespmem:s16+$0xFFFFFFB0] =	vst v9;
	v4 =	vmul.f32 $4.525483320e+01, v4;
	p0 =	sne.s32 s15, $0x10  }
.Ltmp15:
0x32a: {  	[tilespmem:s16+$0xFFFFFFC0] =	vst v3;
	v3 =	vmul.f32 $4.525483320e+01, v5;
	(pc) =	sbr.rel @p0 .LBB2_30-.Ltmp15, $4  }
0x32b: {  	[tilespmem:s16+$0xFFFFFFD0] =	vst v4;
	v62 =	vmul.f32 $4.525483320e+01, v6  }
0x32c: {  	v63 =	vmul.f32 $4.525483320e+01, v7;
	[tilespmem:s16+$0xFFFFFFE0] =	vst v3  }
0x32d: {  	[tilespmem:s16+$0xFFFFFFF0] =	vst v62  }
0x32e: {  	s14 =	sadd.s32 $0x800, s14;
	s13 =	sadd.s32 $0x1, s13;
	[tilespmem:s16+$0xFFFFFB90] =	vst v63  }
0x32f: {  	s13 =	simm.s32 $0x0;
	s14 =	rddreg [dreg:$0xc]  }
0x330: {  	[hbm4b:s14+s13] =	stream.linear.scatter [tilespmem:s25], [sflag:$0x5], $0x8000, $0x38;
	[tilespmem:$0x18100] =	vst v63  }
0x331: {  	_ =	swait.ge [sflag:s12], $0x8000  }
0x332: {  	[sflag:s12] =	ssyncset.done $0x0  }
0x333: {  	[sflag:s12] =	ssyncadd.s32 $0xFFFF8000  }
0x334: {  	v3 =	vld [tilespmem:$0xA0];
	_ =	sdelay $0x4  }
0x335: {  	v4 =	vshll.u32 v3, $0x4  }
0x336: {  	v3 =	vand.u32 $0x7, v3;
	v4 =	vand.u32 $0xFFFFFF80, v4  }
0x337: {  	v3 =	vor.u32 v3, v4  }
0x338: {  	v4 =	vperm.xlane v3, v0;
	_ =	sdelay $0x1  }
0x339: {  	v4 =	vadd.s32 v1, v4;
	_ =	sdelay $0x4  }
0x33a: {  	[tilespmem:s25], [sflag:$0x2] =	stream.indirect_vreg.gather [hbm4b:s2+s13], $0x80, v4, vm0, $0xb8;
	[tilespmem:$0x18100] =	vst v63  }
0x33b: {  	s16 =	simm.s32 $0x8900  }
0x33c: {  	[tilespmem:s16], [sflag:$0x2] =	stream.indirect_vreg.gather [hbm4b:s5+s13], $0x80, v4, vm0, $0xb8;
	[tilespmem:$0x18100] =	vst v63  }
0x33d: {  	s17 =	simm.s32 $0x9100  }
0x33e: {  	[tilespmem:s17], [sflag:$0x2] =	stream.indirect_vreg.gather [hbm4b:s6+s13], $0x80, v4, vm0, $0xb8;
	[tilespmem:$0x18100] =	vst v63  }
0x33f: {  	s18 =	simm.s32 $0x9900  }
0x340: {  	[tilespmem:s18], [sflag:$0x2] =	stream.indirect_vreg.gather [hbm4b:s7+s13], $0x80, v4, vm0, $0xb8;
	[tilespmem:$0x18100] =	vst v63  }
0x341: {  	s15 =	simm.s32 $0xA100  }
0x342: {  	[tilespmem:s15], [sflag:$0x2] =	stream.indirect_vreg.gather [hbm4b:s8+s13], $0x80, v4, vm0, $0xb8;
	[tilespmem:$0x18100] =	vst v63  }
0x343: {  	v3 =	vperm.xlane v3, v2;
	s16 =	simm.s32 $0xA900  }
0x344: {  	[tilespmem:s16], [sflag:$0x2] =	stream.indirect_vreg.gather [hbm4b:s9+s13], $0x80, v4, vm0, $0xb8;
	[tilespmem:$0x18100] =	vst v63  }
0x345: {  	v3 =	vadd.s32 v1, v3;
	s17 =	simm.s32 $0xB100  }
0x346: {  	[tilespmem:s17], [sflag:$0x2] =	stream.indirect_vreg.gather [hbm4b:s10+s13], $0x80, v4, vm0, $0xb8;
	[tilespmem:$0x18100] =	vst v63  }
0x347: {  	s18 =	simm.s32 $0xB900  }
0x348: {  	[tilespmem:s18], [sflag:$0x2] =	stream.indirect_vreg.gather [hbm4b:s11+s13], $0x80, v4, vm0, $0xb8;
	[tilespmem:$0x18100] =	vst v63  }
0x349: {  	s15 =	simm.s32 $0xC100  }
0x34a: {  	[tilespmem:s15], [sflag:$0x2] =	stream.indirect_vreg.gather [hbm4b:s2+s13], $0x80, v3, vm0, $0xb8;
	[tilespmem:$0x18100] =	vst v63  }
0x34b: {  	s16 =	simm.s32 $0xC900  }
0x34c: {  	[tilespmem:s16], [sflag:$0x2] =	stream.indirect_vreg.gather [hbm4b:s5+s13], $0x80, v3, vm0, $0xb8;
	[tilespmem:$0x18100] =	vst v63  }
0x34d: {  	s17 =	simm.s32 $0xD100  }
0x34e: {  	[tilespmem:s17], [sflag:$0x2] =	stream.indirect_vreg.gather [hbm4b:s6+s13], $0x80, v3, vm0, $0xb8;
	[tilespmem:$0x18100] =	vst v63  }
0x34f: {  	s18 =	simm.s32 $0xD900  }
0x350: {  	[tilespmem:s18], [sflag:$0x2] =	stream.indirect_vreg.gather [hbm4b:s7+s13], $0x80, v3, vm0, $0xb8;
	[tilespmem:$0x18100] =	vst v63  }
0x351: {  	s15 =	simm.s32 $0xE100  }
0x352: {  	[tilespmem:s15], [sflag:$0x2] =	stream.indirect_vreg.gather [hbm4b:s8+s13], $0x80, v3, vm0, $0xb8;
	[tilespmem:$0x18100] =	vst v63  }
0x353: {  	s16 =	simm.s32 $0xE900  }
0x354: {  	[tilespmem:s16], [sflag:$0x2] =	stream.indirect_vreg.gather [hbm4b:s9+s13], $0x80, v3, vm0, $0xb8;
	[tilespmem:$0x18100] =	vst v63  }
0x355: {  	s17 =	simm.s32 $0xF100  }
0x356: {  	[tilespmem:s17], [sflag:$0x2] =	stream.indirect_vreg.gather [hbm4b:s10+s13], $0x80, v3, vm0, $0xb8;
	[tilespmem:$0x18100] =	vst v63  }
0x357: {  	s18 =	simm.s32 $0xF900  }
0x358: {  	[tilespmem:s18], [sflag:$0x2] =	stream.indirect_vreg.gather [hbm4b:s11+s13], $0x80, v3, vm0, $0xb8;
	[tilespmem:$0x18100] =	vst v63  }
0x359: {  	_ =	swait.ge [sflag:s1], $0x8000  }
0x35a: {  	[sflag:s1] =	ssyncset.done $0x0  }
0x35b: {  	s14 =	simm.s32 $0x0;
	s15 =	simm.s32 $0x0;
	[sflag:s1] =	ssyncadd.s32 $0xFFFF8000  }
.LBB2_34:
0x35c: {  	s16 =	sshll.u32 s14, $0x2;
	s17 =	sand.u32 $0x7, s13  }
0x35d: {  	s16 =	sand.u32 $0xFFFF0000, s16;
	s17 =	sshll.u32 s17, $0x9  }
0x35e: {  	s16 =	sor.u32 s17, s16  }
0x35f: {  	s16 =	sshrl.u32 s16, $0x2  }
0x360: {  	s16 =	sadd.s32 $0x10570, s16  }
0x361: {  	v3 =	vld [tilespmem:s16+$0x0]  }
0x362: {  	v4 =	vld [tilespmem:s16+$0xFFFFFBA0]  }
0x363: {  	v5 =	vld [tilespmem:s16+$0xFFFFFBB0]  }
0x364: {  	v6 =	vld [tilespmem:s16+$0xFFFFFBC0]  }
0x365: {  	v7 =	vld [tilespmem:s16+$0xFFFFFBD0]  }
0x366: {  	v8 =	vld [tilespmem:s16+$0xFFFFFBE0];
	v3 =	vmul.f32 $4.525483320e+01, v3  }
0x367: {  	v9 =	vld [tilespmem:s16+$0xFFFFFBF0];
	v4 =	vmul.f32 $4.525483320e+01, v4  }
0x368: {  	v10 =	vld [tilespmem:s16+$0xFFFFFC00];
	v5 =	vmul.f32 $4.525483320e+01, v5;
	[tilespmem:s16+$0x0] =	vst v3  }
0x369: {  	[tilespmem:s16+$0xFFFFFBA0] =	vst v4;
	v3 =	vmul.f32 $4.525483320e+01, v6;
	v6 =	vld [tilespmem:s16+$0xFFFFFF90]  }
0x36a: {  	[tilespmem:s16+$0xFFFFFBB0] =	vst v5;
	v4 =	vmul.f32 $4.525483320e+01, v7;
	v7 =	vld [tilespmem:s16+$0xFFFFFFA0]  }
0x36b: {  	v11 =	vld [tilespmem:s16+$0xFFFFFFB0];
	v5 =	vmul.f32 $4.525483320e+01, v8;
	[tilespmem:s16+$0xFFFFFBC0] =	vst v3  }
0x36c: {  	v8 =	vmul.f32 $4.525483320e+01, v9;
	[tilespmem:s16+$0xFFFFFBD0] =	vst v4;
	v3 =	vld [tilespmem:s16+$0xFFFFFFC0]  }
0x36d: {  	v9 =	vmul.f32 $4.525483320e+01, v10;
	[tilespmem:s16+$0xFFFFFBE0] =	vst v5;
	v4 =	vld [tilespmem:s16+$0xFFFFFFD0]  }
0x36e: {  	[tilespmem:s16+$0xFFFFFBF0] =	vst v8;
	v5 =	vld [tilespmem:s16+$0xFFFFFFE0];
	v10 =	vmul.f32 $4.525483320e+01, v6  }
0x36f: {  	[tilespmem:s16+$0xFFFFFC00] =	vst v9;
	v6 =	vld [tilespmem:s16+$0xFFFFFFF0];
	v8 =	vmul.f32 $4.525483320e+01, v7  }
0x370: {  	s17 =	simm.s32 $0x0;
	s18 =	sadd.s32 $0x800, s16;
	v9 =	vmul.f32 $4.525483320e+01, v11;
	v7 =	vld [tilespmem:s16+$0xFFFFFB90];
	[tilespmem:s16+$0xFFFFFF90] =	vst v10  }
.LBB2_35:
0x371: {  	v10 =	vld [tilespmem:s18+$0x0];
	s17 =	sadd.s32 $0x10, s17;
	[tilespmem:s16+$0xFFFFFFA0] =	vst v8;
	v3 =	vmul.f32 $4.525483320e+01, v3  }
0x372: {  	v8 =	vld [tilespmem:s18+$0xFFFFFBA0];
	p0 =	slt.u32 s17, $0x70;
	[tilespmem:s16+$0xFFFFFFB0] =	vst v9;
	v4 =	vmul.f32 $4.525483320e+01, v4  }
0x373: {  	v9 =	vld [tilespmem:s18+$0xFFFFFBB0];
	[tilespmem:s16+$0xFFFFFFC0] =	vst v3;
	v3 =	vmul.f32 $4.525483320e+01, v5  }
0x374: {  	v5 =	vld [tilespmem:s18+$0xFFFFFBC0];
	[tilespmem:s16+$0xFFFFFFD0] =	vst v4;
	v4 =	vmul.f32 $4.525483320e+01, v6  }
0x375: {  	v6 =	vld [tilespmem:s18+$0xFFFFFBD0];
	v7 =	vmul.f32 $4.525483320e+01, v7;
	[tilespmem:s16+$0xFFFFFFE0] =	vst v3  }
0x376: {  	v3 =	vld [tilespmem:s18+$0xFFFFFBE0];
	v10 =	vmul.f32 $4.525483320e+01, v10;
	[tilespmem:s16+$0xFFFFFFF0] =	vst v4  }
0x377: {  	v4 =	vmul.f32 $4.525483320e+01, v8;
	v8 =	vld [tilespmem:s18+$0xFFFFFBF0];
	[tilespmem:s16+$0xFFFFFB90] =	vst v7;
	s16 =	smov.u32 s18  }
0x378: {  	v7 =	vmul.f32 $4.525483320e+01, v9;
	v9 =	vld [tilespmem:s18+$0xFFFFFC00];
	[tilespmem:s18+$0x0] =	vst v10  }
0x379: {  	[tilespmem:s18+$0xFFFFFBA0] =	vst v4;
	v4 =	vmul.f32 $4.525483320e+01, v5;
	v5 =	vld [tilespmem:s18+$0xFFFFFF90]  }
0x37a: {  	[tilespmem:s18+$0xFFFFFBB0] =	vst v7;
	v6 =	vmul.f32 $4.525483320e+01, v6;
	v7 =	vld [tilespmem:s18+$0xFFFFFFA0]  }
0x37b: {  	[tilespmem:s18+$0xFFFFFBC0] =	vst v4;
	v4 =	vmul.f32 $4.525483320e+01, v3;
	v10 =	vld [tilespmem:s18+$0xFFFFFFB0]  }
.Ltmp16:
0x37c: {  	[tilespmem:s18+$0xFFFFFBD0] =	vst v6;
	v6 =	vmul.f32 $4.525483320e+01, v8;
	v3 =	vld [tilespmem:s18+$0xFFFFFFC0];
	(pc) =	sbr.rel @p0 .LBB2_35-.Ltmp16, $4  }
0x37d: {  	[tilespmem:s18+$0xFFFFFBE0] =	vst v4;
	v8 =	vmul.f32 $4.525483320e+01, v9;
	v4 =	vld [tilespmem:s18+$0xFFFFFFD0]  }
0x37e: {  	[tilespmem:s18+$0xFFFFFBF0] =	vst v6;
	v9 =	vmul.f32 $4.525483320e+01, v5;
	v5 =	vld [tilespmem:s18+$0xFFFFFFE0]  }
0x37f: {  	[tilespmem:s18+$0xFFFFFC00] =	vst v8;
	v8 =	vmul.f32 $4.525483320e+01, v7;
	v6 =	vld [tilespmem:s18+$0xFFFFFFF0]  }
0x380: {  	s18 =	sadd.s32 $0x800, s18;
	v7 =	vld [tilespmem:s16+$0xFFFFFB90];
	[tilespmem:s16+$0xFFFFFF90] =	vst v9;
	v9 =	vmul.f32 $4.525483320e+01, v10  }
0x381: {  	[tilespmem:s16+$0xFFFFFFA0] =	vst v8;
	v3 =	vmul.f32 $4.525483320e+01, v3;
	s15 =	sadd.s32 $0x1, s15  }
0x382: {  	[tilespmem:s16+$0xFFFFFFB0] =	vst v9;
	v4 =	vmul.f32 $4.525483320e+01, v4;
	p0 =	sne.s32 s15, $0x10  }
.Ltmp17:
0x383: {  	[tilespmem:s16+$0xFFFFFFC0] =	vst v3;
	v3 =	vmul.f32 $4.525483320e+01, v5;
	(pc) =	sbr.rel @p0 .LBB2_34-.Ltmp17, $4  }
0x384: {  	[tilespmem:s16+$0xFFFFFFD0] =	vst v4;
	v62 =	vmul.f32 $4.525483320e+01, v6  }
0x385: {  	v63 =	vmul.f32 $4.525483320e+01, v7;
	[tilespmem:s16+$0xFFFFFFE0] =	vst v3  }
0x386: {  	[tilespmem:s16+$0xFFFFFFF0] =	vst v62  }
0x387: {  	s14 =	sadd.s32 $0x800, s14;
	s13 =	sadd.s32 $0x1, s13;
	[tilespmem:s16+$0xFFFFFB90] =	vst v63  }
0x388: {  	s13 =	simm.s32 $0x0;
	s14 =	rddreg [dreg:$0xd]  }
0x389: {  	[hbm4b:s14+s13] =	stream.linear.scatter [tilespmem:s26], [sflag:$0x6], $0x8000, $0x38;
	[tilespmem:$0x18100] =	vst v63  }
0x38a: {  	_ =	swait.ge [sflag:s0], $0x8000  }
0x38b: {  	[sflag:s0] =	ssyncset.done $0x0  }
0x38c: {  	[sflag:s0] =	ssyncadd.s32 $0xFFFF8000  }
0x38d: {  	v3 =	vld [tilespmem:$0xB0];
	_ =	sdelay $0x4  }
0x38e: {  	v4 =	vshll.u32 v3, $0x4  }
0x38f: {  	v3 =	vand.u32 $0x7, v3;
	v4 =	vand.u32 $0xFFFFFF80, v4  }
0x390: {  	v3 =	vor.u32 v3, v4  }
0x391: {  	v4 =	vperm.xlane v3, v0;
	_ =	sdelay $0x1  }
0x392: {  	v4 =	vadd.s32 v1, v4;
	_ =	sdelay $0x4  }
0x393: {  	[tilespmem:s26], [sflag:$0x3] =	stream.indirect_vreg.gather [hbm4b:s2+s13], $0x80, v4, vm0, $0xb8;
	[tilespmem:$0x18100] =	vst v63  }
0x394: {  	s16 =	simm.s32 $0x10900  }
0x395: {  	[tilespmem:s16], [sflag:$0x3] =	stream.indirect_vreg.gather [hbm4b:s5+s13], $0x80, v4, vm0, $0xb8;
	[tilespmem:$0x18100] =	vst v63  }
0x396: {  	s17 =	simm.s32 $0x11100  }
0x397: {  	[tilespmem:s17], [sflag:$0x3] =	stream.indirect_vreg.gather [hbm4b:s6+s13], $0x80, v4, vm0, $0xb8;
	[tilespmem:$0x18100] =	vst v63  }
0x398: {  	s18 =	simm.s32 $0x11900  }
0x399: {  	[tilespmem:s18], [sflag:$0x3] =	stream.indirect_vreg.gather [hbm4b:s7+s13], $0x80, v4, vm0, $0xb8;
	[tilespmem:$0x18100] =	vst v63  }
0x39a: {  	s15 =	simm.s32 $0x12100  }
0x39b: {  	[tilespmem:s15], [sflag:$0x3] =	stream.indirect_vreg.gather [hbm4b:s8+s13], $0x80, v4, vm0, $0xb8;
	[tilespmem:$0x18100] =	vst v63  }
0x39c: {  	v3 =	vperm.xlane v3, v2;
	s16 =	simm.s32 $0x12900  }
0x39d: {  	[tilespmem:s16], [sflag:$0x3] =	stream.indirect_vreg.gather [hbm4b:s9+s13], $0x80, v4, vm0, $0xb8;
	[tilespmem:$0x18100] =	vst v63  }
0x39e: {  	v3 =	vadd.s32 v1, v3;
	s17 =	simm.s32 $0x13100  }
0x39f: {  	[tilespmem:s17], [sflag:$0x3] =	stream.indirect_vreg.gather [hbm4b:s10+s13], $0x80, v4, vm0, $0xb8;
	[tilespmem:$0x18100] =	vst v63  }
0x3a0: {  	s18 =	simm.s32 $0x13900  }
0x3a1: {  	[tilespmem:s18], [sflag:$0x3] =	stream.indirect_vreg.gather [hbm4b:s11+s13], $0x80, v4, vm0, $0xb8;
	[tilespmem:$0x18100] =	vst v63  }
0x3a2: {  	s15 =	simm.s32 $0x14100  }
0x3a3: {  	[tilespmem:s15], [sflag:$0x3] =	stream.indirect_vreg.gather [hbm4b:s2+s13], $0x80, v3, vm0, $0xb8;
	[tilespmem:$0x18100] =	vst v63  }
0x3a4: {  	s16 =	simm.s32 $0x14900  }
0x3a5: {  	[tilespmem:s16], [sflag:$0x3] =	stream.indirect_vreg.gather [hbm4b:s5+s13], $0x80, v3, vm0, $0xb8;
	[tilespmem:$0x18100] =	vst v63  }
0x3a6: {  	s17 =	simm.s32 $0x15100  }
0x3a7: {  	[tilespmem:s17], [sflag:$0x3] =	stream.indirect_vreg.gather [hbm4b:s6+s13], $0x80, v3, vm0, $0xb8;
	[tilespmem:$0x18100] =	vst v63  }
0x3a8: {  	s18 =	simm.s32 $0x15900  }
0x3a9: {  	[tilespmem:s18], [sflag:$0x3] =	stream.indirect_vreg.gather [hbm4b:s7+s13], $0x80, v3, vm0, $0xb8;
	[tilespmem:$0x18100] =	vst v63  }
0x3aa: {  	s15 =	simm.s32 $0x16100  }
0x3ab: {  	[tilespmem:s15], [sflag:$0x3] =	stream.indirect_vreg.gather [hbm4b:s8+s13], $0x80, v3, vm0, $0xb8;
	[tilespmem:$0x18100] =	vst v63  }
0x3ac: {  	s16 =	simm.s32 $0x16900  }
0x3ad: {  	[tilespmem:s16], [sflag:$0x3] =	stream.indirect_vreg.gather [hbm4b:s9+s13], $0x80, v3, vm0, $0xb8;
	[tilespmem:$0x18100] =	vst v63  }
0x3ae: {  	s17 =	simm.s32 $0x17100  }
0x3af: {  	[tilespmem:s17], [sflag:$0x3] =	stream.indirect_vreg.gather [hbm4b:s10+s13], $0x80, v3, vm0, $0xb8;
	[tilespmem:$0x18100] =	vst v63  }
0x3b0: {  	s18 =	simm.s32 $0x17900  }
0x3b1: {  	[tilespmem:s18], [sflag:$0x3] =	stream.indirect_vreg.gather [hbm4b:s11+s13], $0x80, v3, vm0, $0xb8;
	[tilespmem:$0x18100] =	vst v63  }
0x3b2: {  	_ =	swait.ge [sflag:s30], $0x8000  }
0x3b3: {  	[sflag:s30] =	ssyncset.done $0x0  }
0x3b4: {  	s14 =	simm.s32 $0x0;
	s15 =	simm.s32 $0x0;
	[sflag:s30] =	ssyncadd.s32 $0xFFFF8000  }
.LBB2_38:
0x3b5: {  	s16 =	sshll.u32 s14, $0x2;
	s17 =	sand.u32 $0x7, s13  }
0x3b6: {  	s16 =	sand.u32 $0xFFFF0000, s16;
	s17 =	sshll.u32 s17, $0x9  }
0x3b7: {  	s16 =	sor.u32 s17, s16  }
0x3b8: {  	s16 =	sshrl.u32 s16, $0x2  }
0x3b9: {  	s16 =	sadd.s32 $0x500, s16  }
0x3ba: {  	v3 =	vld [tilespmem:s16+$0x70]  }
0x3bb: {  	v4 =	vld [tilespmem:s16+$0xFFFFFC10]  }
0x3bc: {  	v5 =	vld [tilespmem:s16+$0xFFFFFC20]  }
0x3bd: {  	v6 =	vld [tilespmem:s16+$0xFFFFFC30]  }
0x3be: {  	v7 =	vld [tilespmem:s16+$0xFFFFFC40]  }
0x3bf: {  	v8 =	vld [tilespmem:s16+$0xFFFFFC50];
	v3 =	vmul.f32 $4.525483320e+01, v3  }
0x3c0: {  	v9 =	vld [tilespmem:s16+$0xFFFFFC60];
	v4 =	vmul.f32 $4.525483320e+01, v4  }
0x3c1: {  	v10 =	vld [tilespmem:s16+$0xFFFFFC70];
	v5 =	vmul.f32 $4.525483320e+01, v5;
	[tilespmem:s16+$0x70] =	vst v3  }
0x3c2: {  	[tilespmem:s16+$0xFFFFFC10] =	vst v4;
	v3 =	vmul.f32 $4.525483320e+01, v6;
	v6 =	vld [tilespmem:s16+$0x0]  }
0x3c3: {  	[tilespmem:s16+$0xFFFFFC20] =	vst v5;
	v4 =	vmul.f32 $4.525483320e+01, v7;
	v7 =	vld [tilespmem:s16+$0x10]  }
0x3c4: {  	v11 =	vld [tilespmem:s16+$0x20];
	v5 =	vmul.f32 $4.525483320e+01, v8;
	[tilespmem:s16+$0xFFFFFC30] =	vst v3  }
0x3c5: {  	v8 =	vmul.f32 $4.525483320e+01, v9;
	[tilespmem:s16+$0xFFFFFC40] =	vst v4;
	v3 =	vld [tilespmem:s16+$0x30]  }
0x3c6: {  	v9 =	vmul.f32 $4.525483320e+01, v10;
	[tilespmem:s16+$0xFFFFFC50] =	vst v5;
	v4 =	vld [tilespmem:s16+$0x40]  }
0x3c7: {  	[tilespmem:s16+$0xFFFFFC60] =	vst v8;
	v5 =	vld [tilespmem:s16+$0x50];
	v10 =	vmul.f32 $4.525483320e+01, v6  }
0x3c8: {  	[tilespmem:s16+$0xFFFFFC70] =	vst v9;
	v6 =	vld [tilespmem:s16+$0x60];
	v8 =	vmul.f32 $4.525483320e+01, v7  }
0x3c9: {  	s17 =	simm.s32 $0x0;
	s18 =	sadd.s32 $0x800, s16;
	v9 =	vmul.f32 $4.525483320e+01, v11;
	v7 =	vld [tilespmem:s16+$0xFFFFFC00];
	[tilespmem:s16+$0x0] =	vst v10  }
.LBB2_39:
0x3ca: {  	v10 =	vld [tilespmem:s18+$0x70];
	s17 =	sadd.s32 $0x10, s17;
	[tilespmem:s16+$0x10] =	vst v8;
	v3 =	vmul.f32 $4.525483320e+01, v3  }
0x3cb: {  	v8 =	vld [tilespmem:s18+$0xFFFFFC10];
	p0 =	slt.u32 s17, $0x70;
	[tilespmem:s16+$0x20] =	vst v9;
	v4 =	vmul.f32 $4.525483320e+01, v4  }
0x3cc: {  	v9 =	vld [tilespmem:s18+$0xFFFFFC20];
	[tilespmem:s16+$0x30] =	vst v3;
	v3 =	vmul.f32 $4.525483320e+01, v5  }
0x3cd: {  	v5 =	vld [tilespmem:s18+$0xFFFFFC30];
	[tilespmem:s16+$0x40] =	vst v4;
	v4 =	vmul.f32 $4.525483320e+01, v6  }
0x3ce: {  	v6 =	vld [tilespmem:s18+$0xFFFFFC40];
	v7 =	vmul.f32 $4.525483320e+01, v7;
	[tilespmem:s16+$0x50] =	vst v3  }
0x3cf: {  	v3 =	vld [tilespmem:s18+$0xFFFFFC50];
	v10 =	vmul.f32 $4.525483320e+01, v10;
	[tilespmem:s16+$0x60] =	vst v4  }
0x3d0: {  	v4 =	vmul.f32 $4.525483320e+01, v8;
	v8 =	vld [tilespmem:s18+$0xFFFFFC60];
	[tilespmem:s16+$0xFFFFFC00] =	vst v7;
	s16 =	smov.u32 s18  }
0x3d1: {  	v7 =	vmul.f32 $4.525483320e+01, v9;
	v9 =	vld [tilespmem:s18+$0xFFFFFC70];
	[tilespmem:s18+$0x70] =	vst v10  }
0x3d2: {  	[tilespmem:s18+$0xFFFFFC10] =	vst v4;
	v4 =	vmul.f32 $4.525483320e+01, v5;
	v5 =	vld [tilespmem:s18+$0x0]  }
0x3d3: {  	[tilespmem:s18+$0xFFFFFC20] =	vst v7;
	v6 =	vmul.f32 $4.525483320e+01, v6;
	v7 =	vld [tilespmem:s18+$0x10]  }
0x3d4: {  	[tilespmem:s18+$0xFFFFFC30] =	vst v4;
	v4 =	vmul.f32 $4.525483320e+01, v3;
	v10 =	vld [tilespmem:s18+$0x20]  }
.Ltmp18:
0x3d5: {  	[tilespmem:s18+$0xFFFFFC40] =	vst v6;
	v6 =	vmul.f32 $4.525483320e+01, v8;
	v3 =	vld [tilespmem:s18+$0x30];
	(pc) =	sbr.rel @p0 .LBB2_39-.Ltmp18, $4  }
0x3d6: {  	[tilespmem:s18+$0xFFFFFC50] =	vst v4;
	v8 =	vmul.f32 $4.525483320e+01, v9;
	v4 =	vld [tilespmem:s18+$0x40]  }
0x3d7: {  	[tilespmem:s18+$0xFFFFFC60] =	vst v6;
	v9 =	vmul.f32 $4.525483320e+01, v5;
	v5 =	vld [tilespmem:s18+$0x50]  }
0x3d8: {  	[tilespmem:s18+$0xFFFFFC70] =	vst v8;
	v8 =	vmul.f32 $4.525483320e+01, v7;
	v6 =	vld [tilespmem:s18+$0x60]  }
0x3d9: {  	s18 =	sadd.s32 $0x800, s18;
	v7 =	vld [tilespmem:s16+$0xFFFFFC00];
	[tilespmem:s16+$0x0] =	vst v9;
	v9 =	vmul.f32 $4.525483320e+01, v10  }
0x3da: {  	[tilespmem:s16+$0x10] =	vst v8;
	v3 =	vmul.f32 $4.525483320e+01, v3;
	s15 =	sadd.s32 $0x1, s15  }
0x3db: {  	[tilespmem:s16+$0x20] =	vst v9;
	v4 =	vmul.f32 $4.525483320e+01, v4;
	p0 =	sne.s32 s15, $0x10  }
.Ltmp19:
0x3dc: {  	[tilespmem:s16+$0x30] =	vst v3;
	v3 =	vmul.f32 $4.525483320e+01, v5;
	(pc) =	sbr.rel @p0 .LBB2_38-.Ltmp19, $4  }
0x3dd: {  	[tilespmem:s16+$0x40] =	vst v4;
	v62 =	vmul.f32 $4.525483320e+01, v6  }
0x3de: {  	v63 =	vmul.f32 $4.525483320e+01, v7;
	[tilespmem:s16+$0x50] =	vst v3  }
0x3df: {  	[tilespmem:s16+$0x60] =	vst v62  }
0x3e0: {  	s14 =	sadd.s32 $0x800, s14;
	s13 =	sadd.s32 $0x1, s13;
	[tilespmem:s16+$0xFFFFFC00] =	vst v63  }
0x3e1: {  	s13 =	simm.s32 $0x0;
	s14 =	rddreg [dreg:$0xe]  }
0x3e2: {  	[hbm4b:s14+s13] =	stream.linear.scatter [tilespmem:s31], [sflag:$0x4], $0x8000, $0x38;
	[tilespmem:$0x18100] =	vst v63  }
0x3e3: {  	_ =	swait.ge [sflag:s28], $0x8000  }
0x3e4: {  	[sflag:s28] =	ssyncset.done $0x0  }
0x3e5: {  	[sflag:s28] =	ssyncadd.s32 $0xFFFF8000  }
0x3e6: {  	v3 =	vld [tilespmem:$0xC0];
	_ =	sdelay $0x4  }
0x3e7: {  	v4 =	vshll.u32 v3, $0x4  }
0x3e8: {  	v3 =	vand.u32 $0x7, v3;
	v4 =	vand.u32 $0xFFFFFF80, v4  }
0x3e9: {  	v3 =	vor.u32 v3, v4  }
0x3ea: {  	v4 =	vperm.xlane v3, v0;
	_ =	sdelay $0x1  }
0x3eb: {  	v4 =	vadd.s32 v1, v4;
	_ =	sdelay $0x4  }
0x3ec: {  	[tilespmem:s31], [sflag:$0x1] =	stream.indirect_vreg.gather [hbm4b:s2+s13], $0x80, v4, vm0, $0xb8;
	[tilespmem:$0x18100] =	vst v63  }
0x3ed: {  	s18 =	simm.s32 $0x900  }
0x3ee: {  	[tilespmem:s18], [sflag:$0x1] =	stream.indirect_vreg.gather [hbm4b:s5+s13], $0x80, v4, vm0, $0xb8;
	[tilespmem:$0x18100] =	vst v63  }
0x3ef: {  	s15 =	simm.s32 $0x1100  }
0x3f0: {  	[tilespmem:s15], [sflag:$0x1] =	stream.indirect_vreg.gather [hbm4b:s6+s13], $0x80, v4, vm0, $0xb8;
	[tilespmem:$0x18100] =	vst v63  }
0x3f1: {  	s16 =	simm.s32 $0x1900  }
0x3f2: {  	[tilespmem:s16], [sflag:$0x1] =	stream.indirect_vreg.gather [hbm4b:s7+s13], $0x80, v4, vm0, $0xb8;
	[tilespmem:$0x18100] =	vst v63  }
0x3f3: {  	s17 =	simm.s32 $0x2100  }
0x3f4: {  	[tilespmem:s17], [sflag:$0x1] =	stream.indirect_vreg.gather [hbm4b:s8+s13], $0x80, v4, vm0, $0xb8;
	[tilespmem:$0x18100] =	vst v63  }
0x3f5: {  	v3 =	vperm.xlane v3, v2;
	s18 =	simm.s32 $0x2900  }
0x3f6: {  	[tilespmem:s18], [sflag:$0x1] =	stream.indirect_vreg.gather [hbm4b:s9+s13], $0x80, v4, vm0, $0xb8;
	[tilespmem:$0x18100] =	vst v63  }
0x3f7: {  	v3 =	vadd.s32 v1, v3;
	s15 =	simm.s32 $0x3100  }
0x3f8: {  	[tilespmem:s15], [sflag:$0x1] =	stream.indirect_vreg.gather [hbm4b:s10+s13], $0x80, v4, vm0, $0xb8;
	[tilespmem:$0x18100] =	vst v63  }
0x3f9: {  	s16 =	simm.s32 $0x3900  }
0x3fa: {  	[tilespmem:s16], [sflag:$0x1] =	stream.indirect_vreg.gather [hbm4b:s11+s13], $0x80, v4, vm0, $0xb8;
	[tilespmem:$0x18100] =	vst v63  }
0x3fb: {  	s17 =	simm.s32 $0x4100  }
0x3fc: {  	[tilespmem:s17], [sflag:$0x1] =	stream.indirect_vreg.gather [hbm4b:s2+s13], $0x80, v3, vm0, $0xb8;
	[tilespmem:$0x18100] =	vst v63  }
0x3fd: {  	s18 =	simm.s32 $0x4900  }
0x3fe: {  	[tilespmem:s18], [sflag:$0x1] =	stream.indirect_vreg.gather [hbm4b:s5+s13], $0x80, v3, vm0, $0xb8;
	[tilespmem:$0x18100] =	vst v63  }
0x3ff: {  	_ = 	snop  }
0x400: {  	[tilespmem:s19], [sflag:$0x1] =	stream.indirect_vreg.gather [hbm4b:s6+s13], $0x80, v3, vm0, $0xb8;
	[tilespmem:$0x18100] =	vst v63  }
0x401: {  	_ = 	snop  }
0x402: {  	[tilespmem:s20], [sflag:$0x1] =	stream.indirect_vreg.gather [hbm4b:s7+s13], $0x80, v3, vm0, $0xb8;
	[tilespmem:$0x18100] =	vst v63  }
0x403: {  	_ = 	snop  }
0x404: {  	[tilespmem:s21], [sflag:$0x1] =	stream.indirect_vreg.gather [hbm4b:s8+s13], $0x80, v3, vm0, $0xb8;
	[tilespmem:$0x18100] =	vst v63  }
0x405: {  	_ = 	snop  }
0x406: {  	[tilespmem:s22], [sflag:$0x1] =	stream.indirect_vreg.gather [hbm4b:s9+s13], $0x80, v3, vm0, $0xb8;
	[tilespmem:$0x18100] =	vst v63  }
0x407: {  	_ = 	snop  }
0x408: {  	[tilespmem:s23], [sflag:$0x1] =	stream.indirect_vreg.gather [hbm4b:s10+s13], $0x80, v3, vm0, $0xb8;
	[tilespmem:$0x18100] =	vst v63  }
0x409: {  	_ = 	snop  }
0x40a: {  	[tilespmem:s24], [sflag:$0x1] =	stream.indirect_vreg.gather [hbm4b:s11+s13], $0x80, v3, vm0, $0xb8;
	[tilespmem:$0x18100] =	vst v63  }
0x40b: {  	_ =	swait.ge [sflag:s29], $0x8000  }
0x40c: {  	[sflag:s29] =	ssyncset.done $0x0  }
0x40d: {  	s14 =	simm.s32 $0x0;
	s15 =	simm.s32 $0x0;
	[sflag:s29] =	ssyncadd.s32 $0xFFFF8000  }
.LBB2_42:
0x40e: {  	s16 =	sshll.u32 s14, $0x2;
	s17 =	sand.u32 $0x7, s13  }
0x40f: {  	s16 =	sand.u32 $0xFFFF0000, s16;
	s17 =	sshll.u32 s17, $0x9  }
0x410: {  	s16 =	sor.u32 s17, s16  }
0x411: {  	s16 =	sshrl.u32 s16, $0x2  }
0x412: {  	s16 =	sadd.s32 $0x8570, s16  }
0x413: {  	v3 =	vld [tilespmem:s16+$0x0]  }
0x414: {  	v4 =	vld [tilespmem:s16+$0xFFFFFBA0]  }
0x415: {  	v5 =	vld [tilespmem:s16+$0xFFFFFBB0]  }
0x416: {  	v6 =	vld [tilespmem:s16+$0xFFFFFBC0]  }
0x417: {  	v7 =	vld [tilespmem:s16+$0xFFFFFBD0]  }
0x418: {  	v8 =	vld [tilespmem:s16+$0xFFFFFBE0];
	v3 =	vmul.f32 $4.525483320e+01, v3  }
0x419: {  	v9 =	vld [tilespmem:s16+$0xFFFFFBF0];
	v4 =	vmul.f32 $4.525483320e+01, v4  }
0x41a: {  	v10 =	vld [tilespmem:s16+$0xFFFFFC00];
	v5 =	vmul.f32 $4.525483320e+01, v5;
	[tilespmem:s16+$0x0] =	vst v3  }
0x41b: {  	[tilespmem:s16+$0xFFFFFBA0] =	vst v4;
	v3 =	vmul.f32 $4.525483320e+01, v6;
	v6 =	vld [tilespmem:s16+$0xFFFFFF90]  }
0x41c: {  	[tilespmem:s16+$0xFFFFFBB0] =	vst v5;
	v4 =	vmul.f32 $4.525483320e+01, v7;
	v7 =	vld [tilespmem:s16+$0xFFFFFFA0]  }
0x41d: {  	v11 =	vld [tilespmem:s16+$0xFFFFFFB0];
	v5 =	vmul.f32 $4.525483320e+01, v8;
	[tilespmem:s16+$0xFFFFFBC0] =	vst v3  }
0x41e: {  	v8 =	vmul.f32 $4.525483320e+01, v9;
	[tilespmem:s16+$0xFFFFFBD0] =	vst v4;
	v3 =	vld [tilespmem:s16+$0xFFFFFFC0]  }
0x41f: {  	v9 =	vmul.f32 $4.525483320e+01, v10;
	[tilespmem:s16+$0xFFFFFBE0] =	vst v5;
	v4 =	vld [tilespmem:s16+$0xFFFFFFD0]  }
0x420: {  	[tilespmem:s16+$0xFFFFFBF0] =	vst v8;
	v5 =	vld [tilespmem:s16+$0xFFFFFFE0];
	v10 =	vmul.f32 $4.525483320e+01, v6  }
0x421: {  	[tilespmem:s16+$0xFFFFFC00] =	vst v9;
	v6 =	vld [tilespmem:s16+$0xFFFFFFF0];
	v8 =	vmul.f32 $4.525483320e+01, v7  }
0x422: {  	s17 =	simm.s32 $0x0;
	s18 =	sadd.s32 $0x800, s16;
	v9 =	vmul.f32 $4.525483320e+01, v11;
	v7 =	vld [tilespmem:s16+$0xFFFFFB90];
	[tilespmem:s16+$0xFFFFFF90] =	vst v10  }
.LBB2_43:
0x423: {  	v10 =	vld [tilespmem:s18+$0x0];
	s17 =	sadd.s32 $0x10, s17;
	[tilespmem:s16+$0xFFFFFFA0] =	vst v8;
	v3 =	vmul.f32 $4.525483320e+01, v3  }
0x424: {  	v8 =	vld [tilespmem:s18+$0xFFFFFBA0];
	p0 =	slt.u32 s17, $0x70;
	[tilespmem:s16+$0xFFFFFFB0] =	vst v9;
	v4 =	vmul.f32 $4.525483320e+01, v4  }
0x425: {  	v9 =	vld [tilespmem:s18+$0xFFFFFBB0];
	[tilespmem:s16+$0xFFFFFFC0] =	vst v3;
	v3 =	vmul.f32 $4.525483320e+01, v5  }
0x426: {  	v5 =	vld [tilespmem:s18+$0xFFFFFBC0];
	[tilespmem:s16+$0xFFFFFFD0] =	vst v4;
	v4 =	vmul.f32 $4.525483320e+01, v6  }
0x427: {  	v6 =	vld [tilespmem:s18+$0xFFFFFBD0];
	v7 =	vmul.f32 $4.525483320e+01, v7;
	[tilespmem:s16+$0xFFFFFFE0] =	vst v3  }
0x428: {  	v3 =	vld [tilespmem:s18+$0xFFFFFBE0];
	v10 =	vmul.f32 $4.525483320e+01, v10;
	[tilespmem:s16+$0xFFFFFFF0] =	vst v4  }
0x429: {  	v4 =	vmul.f32 $4.525483320e+01, v8;
	v8 =	vld [tilespmem:s18+$0xFFFFFBF0];
	[tilespmem:s16+$0xFFFFFB90] =	vst v7;
	s16 =	smov.u32 s18  }
0x42a: {  	v7 =	vmul.f32 $4.525483320e+01, v9;
	v9 =	vld [tilespmem:s18+$0xFFFFFC00];
	[tilespmem:s18+$0x0] =	vst v10  }
0x42b: {  	[tilespmem:s18+$0xFFFFFBA0] =	vst v4;
	v4 =	vmul.f32 $4.525483320e+01, v5;
	v5 =	vld [tilespmem:s18+$0xFFFFFF90]  }
0x42c: {  	[tilespmem:s18+$0xFFFFFBB0] =	vst v7;
	v6 =	vmul.f32 $4.525483320e+01, v6;
	v7 =	vld [tilespmem:s18+$0xFFFFFFA0]  }
0x42d: {  	[tilespmem:s18+$0xFFFFFBC0] =	vst v4;
	v4 =	vmul.f32 $4.525483320e+01, v3;
	v10 =	vld [tilespmem:s18+$0xFFFFFFB0]  }
.Ltmp20:
0x42e: {  	[tilespmem:s18+$0xFFFFFBD0] =	vst v6;
	v6 =	vmul.f32 $4.525483320e+01, v8;
	v3 =	vld [tilespmem:s18+$0xFFFFFFC0];
	(pc) =	sbr.rel @p0 .LBB2_43-.Ltmp20, $4  }
0x42f: {  	[tilespmem:s18+$0xFFFFFBE0] =	vst v4;
	v8 =	vmul.f32 $4.525483320e+01, v9;
	v4 =	vld [tilespmem:s18+$0xFFFFFFD0]  }
0x430: {  	[tilespmem:s18+$0xFFFFFBF0] =	vst v6;
	v9 =	vmul.f32 $4.525483320e+01, v5;
	v5 =	vld [tilespmem:s18+$0xFFFFFFE0]  }
0x431: {  	[tilespmem:s18+$0xFFFFFC00] =	vst v8;
	v8 =	vmul.f32 $4.525483320e+01, v7;
	v6 =	vld [tilespmem:s18+$0xFFFFFFF0]  }
0x432: {  	s18 =	sadd.s32 $0x800, s18;
	v7 =	vld [tilespmem:s16+$0xFFFFFB90];
	[tilespmem:s16+$0xFFFFFF90] =	vst v9;
	v9 =	vmul.f32 $4.525483320e+01, v10  }
0x433: {  	[tilespmem:s16+$0xFFFFFFA0] =	vst v8;
	v3 =	vmul.f32 $4.525483320e+01, v3;
	s15 =	sadd.s32 $0x1, s15  }
0x434: {  	[tilespmem:s16+$0xFFFFFFB0] =	vst v9;
	v4 =	vmul.f32 $4.525483320e+01, v4;
	p0 =	sne.s32 s15, $0x10  }
.Ltmp21:
0x435: {  	[tilespmem:s16+$0xFFFFFFC0] =	vst v3;
	v3 =	vmul.f32 $4.525483320e+01, v5;
	(pc) =	sbr.rel @p0 .LBB2_42-.Ltmp21, $4  }
0x436: {  	[tilespmem:s16+$0xFFFFFFD0] =	vst v4;
	v62 =	vmul.f32 $4.525483320e+01, v6  }
0x437: {  	v63 =	vmul.f32 $4.525483320e+01, v7;
	[tilespmem:s16+$0xFFFFFFE0] =	vst v3  }
0x438: {  	[tilespmem:s16+$0xFFFFFFF0] =	vst v62  }
0x439: {  	s14 =	sadd.s32 $0x800, s14;
	s13 =	sadd.s32 $0x1, s13;
	[tilespmem:s16+$0xFFFFFB90] =	vst v63  }
0x43a: {  	s13 =	simm.s32 $0x0;
	s14 =	rddreg [dreg:$0xf]  }
0x43b: {  	[hbm4b:s14+s13] =	stream.linear.scatter [tilespmem:s25], [sflag:$0x5], $0x8000, $0x38;
	[tilespmem:$0x18100] =	vst v63  }
0x43c: {  	_ =	swait.ge [sflag:s12], $0x8000  }
0x43d: {  	[sflag:s12] =	ssyncset.done $0x0  }
0x43e: {  	[sflag:s12] =	ssyncadd.s32 $0xFFFF8000  }
0x43f: {  	v3 =	vld [tilespmem:$0xD0];
	_ =	sdelay $0x4  }
0x440: {  	v4 =	vshll.u32 v3, $0x4  }
0x441: {  	v3 =	vand.u32 $0x7, v3;
	v4 =	vand.u32 $0xFFFFFF80, v4  }
0x442: {  	v3 =	vor.u32 v3, v4  }
0x443: {  	v4 =	vperm.xlane v3, v0;
	_ =	sdelay $0x1  }
0x444: {  	v4 =	vadd.s32 v1, v4;
	_ =	sdelay $0x4  }
0x445: {  	[tilespmem:s25], [sflag:$0x2] =	stream.indirect_vreg.gather [hbm4b:s2+s13], $0x80, v4, vm0, $0xb8;
	[tilespmem:$0x18100] =	vst v63  }
0x446: {  	s16 =	simm.s32 $0x8900  }
0x447: {  	[tilespmem:s16], [sflag:$0x2] =	stream.indirect_vreg.gather [hbm4b:s5+s13], $0x80, v4, vm0, $0xb8;
	[tilespmem:$0x18100] =	vst v63  }
0x448: {  	s17 =	simm.s32 $0x9100  }
0x449: {  	[tilespmem:s17], [sflag:$0x2] =	stream.indirect_vreg.gather [hbm4b:s6+s13], $0x80, v4, vm0, $0xb8;
	[tilespmem:$0x18100] =	vst v63  }
0x44a: {  	s18 =	simm.s32 $0x9900  }
0x44b: {  	[tilespmem:s18], [sflag:$0x2] =	stream.indirect_vreg.gather [hbm4b:s7+s13], $0x80, v4, vm0, $0xb8;
	[tilespmem:$0x18100] =	vst v63  }
0x44c: {  	s15 =	simm.s32 $0xA100  }
0x44d: {  	[tilespmem:s15], [sflag:$0x2] =	stream.indirect_vreg.gather [hbm4b:s8+s13], $0x80, v4, vm0, $0xb8;
	[tilespmem:$0x18100] =	vst v63  }
0x44e: {  	v3 =	vperm.xlane v3, v2;
	s16 =	simm.s32 $0xA900  }
0x44f: {  	[tilespmem:s16], [sflag:$0x2] =	stream.indirect_vreg.gather [hbm4b:s9+s13], $0x80, v4, vm0, $0xb8;
	[tilespmem:$0x18100] =	vst v63  }
0x450: {  	v3 =	vadd.s32 v1, v3;
	s17 =	simm.s32 $0xB100  }
0x451: {  	[tilespmem:s17], [sflag:$0x2] =	stream.indirect_vreg.gather [hbm4b:s10+s13], $0x80, v4, vm0, $0xb8;
	[tilespmem:$0x18100] =	vst v63  }
0x452: {  	s18 =	simm.s32 $0xB900  }
0x453: {  	[tilespmem:s18], [sflag:$0x2] =	stream.indirect_vreg.gather [hbm4b:s11+s13], $0x80, v4, vm0, $0xb8;
	[tilespmem:$0x18100] =	vst v63  }
0x454: {  	s15 =	simm.s32 $0xC100  }
0x455: {  	[tilespmem:s15], [sflag:$0x2] =	stream.indirect_vreg.gather [hbm4b:s2+s13], $0x80, v3, vm0, $0xb8;
	[tilespmem:$0x18100] =	vst v63  }
0x456: {  	s16 =	simm.s32 $0xC900  }
0x457: {  	[tilespmem:s16], [sflag:$0x2] =	stream.indirect_vreg.gather [hbm4b:s5+s13], $0x80, v3, vm0, $0xb8;
	[tilespmem:$0x18100] =	vst v63  }
0x458: {  	s17 =	simm.s32 $0xD100  }
0x459: {  	[tilespmem:s17], [sflag:$0x2] =	stream.indirect_vreg.gather [hbm4b:s6+s13], $0x80, v3, vm0, $0xb8;
	[tilespmem:$0x18100] =	vst v63  }
0x45a: {  	s18 =	simm.s32 $0xD900  }
0x45b: {  	[tilespmem:s18], [sflag:$0x2] =	stream.indirect_vreg.gather [hbm4b:s7+s13], $0x80, v3, vm0, $0xb8;
	[tilespmem:$0x18100] =	vst v63  }
0x45c: {  	s15 =	simm.s32 $0xE100  }
0x45d: {  	[tilespmem:s15], [sflag:$0x2] =	stream.indirect_vreg.gather [hbm4b:s8+s13], $0x80, v3, vm0, $0xb8;
	[tilespmem:$0x18100] =	vst v63  }
0x45e: {  	s16 =	simm.s32 $0xE900  }
0x45f: {  	[tilespmem:s16], [sflag:$0x2] =	stream.indirect_vreg.gather [hbm4b:s9+s13], $0x80, v3, vm0, $0xb8;
	[tilespmem:$0x18100] =	vst v63  }
0x460: {  	s17 =	simm.s32 $0xF100  }
0x461: {  	[tilespmem:s17], [sflag:$0x2] =	stream.indirect_vreg.gather [hbm4b:s10+s13], $0x80, v3, vm0, $0xb8;
	[tilespmem:$0x18100] =	vst v63  }
0x462: {  	s18 =	simm.s32 $0xF900  }
0x463: {  	[tilespmem:s18], [sflag:$0x2] =	stream.indirect_vreg.gather [hbm4b:s11+s13], $0x80, v3, vm0, $0xb8;
	[tilespmem:$0x18100] =	vst v63  }
0x464: {  	_ =	swait.ge [sflag:s1], $0x8000  }
0x465: {  	[sflag:s1] =	ssyncset.done $0x0  }
0x466: {  	s14 =	simm.s32 $0x0;
	s15 =	simm.s32 $0x0;
	[sflag:s1] =	ssyncadd.s32 $0xFFFF8000  }
.LBB2_46:
0x467: {  	s16 =	sshll.u32 s14, $0x2;
	s17 =	sand.u32 $0x7, s13  }
0x468: {  	s16 =	sand.u32 $0xFFFF0000, s16;
	s17 =	sshll.u32 s17, $0x9  }
0x469: {  	s16 =	sor.u32 s17, s16  }
0x46a: {  	s16 =	sshrl.u32 s16, $0x2  }
0x46b: {  	s16 =	sadd.s32 $0x10570, s16  }
0x46c: {  	v3 =	vld [tilespmem:s16+$0x0]  }
0x46d: {  	v4 =	vld [tilespmem:s16+$0xFFFFFBA0]  }
0x46e: {  	v5 =	vld [tilespmem:s16+$0xFFFFFBB0]  }
0x46f: {  	v6 =	vld [tilespmem:s16+$0xFFFFFBC0]  }
0x470: {  	v7 =	vld [tilespmem:s16+$0xFFFFFBD0]  }
0x471: {  	v8 =	vld [tilespmem:s16+$0xFFFFFBE0];
	v3 =	vmul.f32 $4.525483320e+01, v3  }
0x472: {  	v9 =	vld [tilespmem:s16+$0xFFFFFBF0];
	v4 =	vmul.f32 $4.525483320e+01, v4  }
0x473: {  	v10 =	vld [tilespmem:s16+$0xFFFFFC00];
	v5 =	vmul.f32 $4.525483320e+01, v5;
	[tilespmem:s16+$0x0] =	vst v3  }
0x474: {  	[tilespmem:s16+$0xFFFFFBA0] =	vst v4;
	v3 =	vmul.f32 $4.525483320e+01, v6;
	v6 =	vld [tilespmem:s16+$0xFFFFFF90]  }
0x475: {  	[tilespmem:s16+$0xFFFFFBB0] =	vst v5;
	v4 =	vmul.f32 $4.525483320e+01, v7;
	v7 =	vld [tilespmem:s16+$0xFFFFFFA0]  }
0x476: {  	v11 =	vld [tilespmem:s16+$0xFFFFFFB0];
	v5 =	vmul.f32 $4.525483320e+01, v8;
	[tilespmem:s16+$0xFFFFFBC0] =	vst v3  }
0x477: {  	v8 =	vmul.f32 $4.525483320e+01, v9;
	[tilespmem:s16+$0xFFFFFBD0] =	vst v4;
	v3 =	vld [tilespmem:s16+$0xFFFFFFC0]  }
0x478: {  	v9 =	vmul.f32 $4.525483320e+01, v10;
	[tilespmem:s16+$0xFFFFFBE0] =	vst v5;
	v4 =	vld [tilespmem:s16+$0xFFFFFFD0]  }
0x479: {  	[tilespmem:s16+$0xFFFFFBF0] =	vst v8;
	v5 =	vld [tilespmem:s16+$0xFFFFFFE0];
	v10 =	vmul.f32 $4.525483320e+01, v6  }
0x47a: {  	[tilespmem:s16+$0xFFFFFC00] =	vst v9;
	v6 =	vld [tilespmem:s16+$0xFFFFFFF0];
	v8 =	vmul.f32 $4.525483320e+01, v7  }
0x47b: {  	s17 =	simm.s32 $0x0;
	s18 =	sadd.s32 $0x800, s16;
	v9 =	vmul.f32 $4.525483320e+01, v11;
	v7 =	vld [tilespmem:s16+$0xFFFFFB90];
	[tilespmem:s16+$0xFFFFFF90] =	vst v10  }
.LBB2_47:
0x47c: {  	v10 =	vld [tilespmem:s18+$0x0];
	s17 =	sadd.s32 $0x10, s17;
	[tilespmem:s16+$0xFFFFFFA0] =	vst v8;
	v3 =	vmul.f32 $4.525483320e+01, v3  }
0x47d: {  	v8 =	vld [tilespmem:s18+$0xFFFFFBA0];
	p0 =	slt.u32 s17, $0x70;
	[tilespmem:s16+$0xFFFFFFB0] =	vst v9;
	v4 =	vmul.f32 $4.525483320e+01, v4  }
0x47e: {  	v9 =	vld [tilespmem:s18+$0xFFFFFBB0];
	[tilespmem:s16+$0xFFFFFFC0] =	vst v3;
	v3 =	vmul.f32 $4.525483320e+01, v5  }
0x47f: {  	v5 =	vld [tilespmem:s18+$0xFFFFFBC0];
	[tilespmem:s16+$0xFFFFFFD0] =	vst v4;
	v4 =	vmul.f32 $4.525483320e+01, v6  }
0x480: {  	v6 =	vld [tilespmem:s18+$0xFFFFFBD0];
	v7 =	vmul.f32 $4.525483320e+01, v7;
	[tilespmem:s16+$0xFFFFFFE0] =	vst v3  }
0x481: {  	v3 =	vld [tilespmem:s18+$0xFFFFFBE0];
	v10 =	vmul.f32 $4.525483320e+01, v10;
	[tilespmem:s16+$0xFFFFFFF0] =	vst v4  }
0x482: {  	v4 =	vmul.f32 $4.525483320e+01, v8;
	v8 =	vld [tilespmem:s18+$0xFFFFFBF0];
	[tilespmem:s16+$0xFFFFFB90] =	vst v7;
	s16 =	smov.u32 s18  }
0x483: {  	v7 =	vmul.f32 $4.525483320e+01, v9;
	v9 =	vld [tilespmem:s18+$0xFFFFFC00];
	[tilespmem:s18+$0x0] =	vst v10  }
0x484: {  	[tilespmem:s18+$0xFFFFFBA0] =	vst v4;
	v4 =	vmul.f32 $4.525483320e+01, v5;
	v5 =	vld [tilespmem:s18+$0xFFFFFF90]  }
0x485: {  	[tilespmem:s18+$0xFFFFFBB0] =	vst v7;
	v6 =	vmul.f32 $4.525483320e+01, v6;
	v7 =	vld [tilespmem:s18+$0xFFFFFFA0]  }
0x486: {  	[tilespmem:s18+$0xFFFFFBC0] =	vst v4;
	v4 =	vmul.f32 $4.525483320e+01, v3;
	v10 =	vld [tilespmem:s18+$0xFFFFFFB0]  }
.Ltmp22:
0x487: {  	[tilespmem:s18+$0xFFFFFBD0] =	vst v6;
	v6 =	vmul.f32 $4.525483320e+01, v8;
	v3 =	vld [tilespmem:s18+$0xFFFFFFC0];
	(pc) =	sbr.rel @p0 .LBB2_47-.Ltmp22, $4  }
0x488: {  	[tilespmem:s18+$0xFFFFFBE0] =	vst v4;
	v8 =	vmul.f32 $4.525483320e+01, v9;
	v4 =	vld [tilespmem:s18+$0xFFFFFFD0]  }
0x489: {  	[tilespmem:s18+$0xFFFFFBF0] =	vst v6;
	v9 =	vmul.f32 $4.525483320e+01, v5;
	v5 =	vld [tilespmem:s18+$0xFFFFFFE0]  }
0x48a: {  	[tilespmem:s18+$0xFFFFFC00] =	vst v8;
	v8 =	vmul.f32 $4.525483320e+01, v7;
	v6 =	vld [tilespmem:s18+$0xFFFFFFF0]  }
0x48b: {  	s18 =	sadd.s32 $0x800, s18;
	v7 =	vld [tilespmem:s16+$0xFFFFFB90];
	[tilespmem:s16+$0xFFFFFF90] =	vst v9;
	v9 =	vmul.f32 $4.525483320e+01, v10  }
0x48c: {  	[tilespmem:s16+$0xFFFFFFA0] =	vst v8;
	v3 =	vmul.f32 $4.525483320e+01, v3;
	s15 =	sadd.s32 $0x1, s15  }
0x48d: {  	[tilespmem:s16+$0xFFFFFFB0] =	vst v9;
	v4 =	vmul.f32 $4.525483320e+01, v4;
	p0 =	sne.s32 s15, $0x10  }
.Ltmp23:
0x48e: {  	[tilespmem:s16+$0xFFFFFFC0] =	vst v3;
	v3 =	vmul.f32 $4.525483320e+01, v5;
	(pc) =	sbr.rel @p0 .LBB2_46-.Ltmp23, $4  }
0x48f: {  	[tilespmem:s16+$0xFFFFFFD0] =	vst v4;
	v62 =	vmul.f32 $4.525483320e+01, v6  }
0x490: {  	v63 =	vmul.f32 $4.525483320e+01, v7;
	[tilespmem:s16+$0xFFFFFFE0] =	vst v3  }
0x491: {  	[tilespmem:s16+$0xFFFFFFF0] =	vst v62  }
0x492: {  	s14 =	sadd.s32 $0x800, s14;
	s13 =	sadd.s32 $0x1, s13;
	[tilespmem:s16+$0xFFFFFB90] =	vst v63  }
0x493: {  	s13 =	simm.s32 $0x0;
	s14 =	rddreg [dreg:$0x10]  }
0x494: {  	[hbm4b:s14+s13] =	stream.linear.scatter [tilespmem:s26], [sflag:$0x6], $0x8000, $0x38;
	[tilespmem:$0x18100] =	vst v63  }
0x495: {  	_ =	swait.ge [sflag:s0], $0x8000  }
0x496: {  	[sflag:s0] =	ssyncset.done $0x0  }
0x497: {  	[sflag:s0] =	ssyncadd.s32 $0xFFFF8000  }
0x498: {  	v3 =	vld [tilespmem:$0xE0];
	_ =	sdelay $0x4  }
0x499: {  	v4 =	vshll.u32 v3, $0x4  }
0x49a: {  	v3 =	vand.u32 $0x7, v3;
	v4 =	vand.u32 $0xFFFFFF80, v4  }
0x49b: {  	v3 =	vor.u32 v3, v4  }
0x49c: {  	v4 =	vperm.xlane v3, v0;
	_ =	sdelay $0x1  }
0x49d: {  	v4 =	vadd.s32 v1, v4;
	_ =	sdelay $0x4  }
0x49e: {  	[tilespmem:s26], [sflag:$0x3] =	stream.indirect_vreg.gather [hbm4b:s2+s13], $0x80, v4, vm0, $0xb8;
	[tilespmem:$0x18100] =	vst v63  }
0x49f: {  	s16 =	simm.s32 $0x10900  }
0x4a0: {  	[tilespmem:s16], [sflag:$0x3] =	stream.indirect_vreg.gather [hbm4b:s5+s13], $0x80, v4, vm0, $0xb8;
	[tilespmem:$0x18100] =	vst v63  }
0x4a1: {  	s17 =	simm.s32 $0x11100  }
0x4a2: {  	[tilespmem:s17], [sflag:$0x3] =	stream.indirect_vreg.gather [hbm4b:s6+s13], $0x80, v4, vm0, $0xb8;
	[tilespmem:$0x18100] =	vst v63  }
0x4a3: {  	s18 =	simm.s32 $0x11900  }
0x4a4: {  	[tilespmem:s18], [sflag:$0x3] =	stream.indirect_vreg.gather [hbm4b:s7+s13], $0x80, v4, vm0, $0xb8;
	[tilespmem:$0x18100] =	vst v63  }
0x4a5: {  	s15 =	simm.s32 $0x12100  }
0x4a6: {  	[tilespmem:s15], [sflag:$0x3] =	stream.indirect_vreg.gather [hbm4b:s8+s13], $0x80, v4, vm0, $0xb8;
	[tilespmem:$0x18100] =	vst v63  }
0x4a7: {  	v3 =	vperm.xlane v3, v2;
	s16 =	simm.s32 $0x12900  }
0x4a8: {  	[tilespmem:s16], [sflag:$0x3] =	stream.indirect_vreg.gather [hbm4b:s9+s13], $0x80, v4, vm0, $0xb8;
	[tilespmem:$0x18100] =	vst v63  }
0x4a9: {  	v3 =	vadd.s32 v1, v3;
	s17 =	simm.s32 $0x13100  }
0x4aa: {  	[tilespmem:s17], [sflag:$0x3] =	stream.indirect_vreg.gather [hbm4b:s10+s13], $0x80, v4, vm0, $0xb8;
	[tilespmem:$0x18100] =	vst v63  }
0x4ab: {  	s18 =	simm.s32 $0x13900  }
0x4ac: {  	[tilespmem:s18], [sflag:$0x3] =	stream.indirect_vreg.gather [hbm4b:s11+s13], $0x80, v4, vm0, $0xb8;
	[tilespmem:$0x18100] =	vst v63  }
0x4ad: {  	s15 =	simm.s32 $0x14100  }
0x4ae: {  	[tilespmem:s15], [sflag:$0x3] =	stream.indirect_vreg.gather [hbm4b:s2+s13], $0x80, v3, vm0, $0xb8;
	[tilespmem:$0x18100] =	vst v63  }
0x4af: {  	s16 =	simm.s32 $0x14900  }
0x4b0: {  	[tilespmem:s16], [sflag:$0x3] =	stream.indirect_vreg.gather [hbm4b:s5+s13], $0x80, v3, vm0, $0xb8;
	[tilespmem:$0x18100] =	vst v63  }
0x4b1: {  	s17 =	simm.s32 $0x15100  }
0x4b2: {  	[tilespmem:s17], [sflag:$0x3] =	stream.indirect_vreg.gather [hbm4b:s6+s13], $0x80, v3, vm0, $0xb8;
	[tilespmem:$0x18100] =	vst v63  }
0x4b3: {  	s18 =	simm.s32 $0x15900  }
0x4b4: {  	[tilespmem:s18], [sflag:$0x3] =	stream.indirect_vreg.gather [hbm4b:s7+s13], $0x80, v3, vm0, $0xb8;
	[tilespmem:$0x18100] =	vst v63  }
0x4b5: {  	s15 =	simm.s32 $0x16100  }
0x4b6: {  	[tilespmem:s15], [sflag:$0x3] =	stream.indirect_vreg.gather [hbm4b:s8+s13], $0x80, v3, vm0, $0xb8;
	[tilespmem:$0x18100] =	vst v63  }
0x4b7: {  	s16 =	simm.s32 $0x16900  }
0x4b8: {  	[tilespmem:s16], [sflag:$0x3] =	stream.indirect_vreg.gather [hbm4b:s9+s13], $0x80, v3, vm0, $0xb8;
	[tilespmem:$0x18100] =	vst v63  }
0x4b9: {  	s17 =	simm.s32 $0x17100  }
0x4ba: {  	[tilespmem:s17], [sflag:$0x3] =	stream.indirect_vreg.gather [hbm4b:s10+s13], $0x80, v3, vm0, $0xb8;
	[tilespmem:$0x18100] =	vst v63  }
0x4bb: {  	s18 =	simm.s32 $0x17900  }
0x4bc: {  	[tilespmem:s18], [sflag:$0x3] =	stream.indirect_vreg.gather [hbm4b:s11+s13], $0x80, v3, vm0, $0xb8;
	[tilespmem:$0x18100] =	vst v63  }
0x4bd: {  	_ =	swait.ge [sflag:s30], $0x8000  }
0x4be: {  	[sflag:s30] =	ssyncset.done $0x0  }
0x4bf: {  	s14 =	simm.s32 $0x0;
	s15 =	simm.s32 $0x0;
	[sflag:s30] =	ssyncadd.s32 $0xFFFF8000  }
.LBB2_50:
0x4c0: {  	s16 =	sshll.u32 s14, $0x2;
	s17 =	sand.u32 $0x7, s13  }
0x4c1: {  	s16 =	sand.u32 $0xFFFF0000, s16;
	s17 =	sshll.u32 s17, $0x9  }
0x4c2: {  	s16 =	sor.u32 s17, s16  }
0x4c3: {  	s16 =	sshrl.u32 s16, $0x2  }
0x4c4: {  	s16 =	sadd.s32 $0x500, s16  }
0x4c5: {  	v3 =	vld [tilespmem:s16+$0x70]  }
0x4c6: {  	v4 =	vld [tilespmem:s16+$0xFFFFFC10]  }
0x4c7: {  	v5 =	vld [tilespmem:s16+$0xFFFFFC20]  }
0x4c8: {  	v6 =	vld [tilespmem:s16+$0xFFFFFC30]  }
0x4c9: {  	v7 =	vld [tilespmem:s16+$0xFFFFFC40]  }
0x4ca: {  	v8 =	vld [tilespmem:s16+$0xFFFFFC50];
	v3 =	vmul.f32 $4.525483320e+01, v3  }
0x4cb: {  	v9 =	vld [tilespmem:s16+$0xFFFFFC60];
	v4 =	vmul.f32 $4.525483320e+01, v4  }
0x4cc: {  	v10 =	vld [tilespmem:s16+$0xFFFFFC70];
	v5 =	vmul.f32 $4.525483320e+01, v5;
	[tilespmem:s16+$0x70] =	vst v3  }
0x4cd: {  	[tilespmem:s16+$0xFFFFFC10] =	vst v4;
	v3 =	vmul.f32 $4.525483320e+01, v6;
	v6 =	vld [tilespmem:s16+$0x0]  }
0x4ce: {  	[tilespmem:s16+$0xFFFFFC20] =	vst v5;
	v4 =	vmul.f32 $4.525483320e+01, v7;
	v7 =	vld [tilespmem:s16+$0x10]  }
0x4cf: {  	v11 =	vld [tilespmem:s16+$0x20];
	v5 =	vmul.f32 $4.525483320e+01, v8;
	[tilespmem:s16+$0xFFFFFC30] =	vst v3  }
0x4d0: {  	v8 =	vmul.f32 $4.525483320e+01, v9;
	[tilespmem:s16+$0xFFFFFC40] =	vst v4;
	v3 =	vld [tilespmem:s16+$0x30]  }
0x4d1: {  	v9 =	vmul.f32 $4.525483320e+01, v10;
	[tilespmem:s16+$0xFFFFFC50] =	vst v5;
	v4 =	vld [tilespmem:s16+$0x40]  }
0x4d2: {  	[tilespmem:s16+$0xFFFFFC60] =	vst v8;
	v5 =	vld [tilespmem:s16+$0x50];
	v10 =	vmul.f32 $4.525483320e+01, v6  }
0x4d3: {  	[tilespmem:s16+$0xFFFFFC70] =	vst v9;
	v6 =	vld [tilespmem:s16+$0x60];
	v8 =	vmul.f32 $4.525483320e+01, v7  }
0x4d4: {  	s17 =	simm.s32 $0x0;
	s18 =	sadd.s32 $0x800, s16;
	v9 =	vmul.f32 $4.525483320e+01, v11;
	v7 =	vld [tilespmem:s16+$0xFFFFFC00];
	[tilespmem:s16+$0x0] =	vst v10  }
.LBB2_51:
0x4d5: {  	v10 =	vld [tilespmem:s18+$0x70];
	s17 =	sadd.s32 $0x10, s17;
	[tilespmem:s16+$0x10] =	vst v8;
	v3 =	vmul.f32 $4.525483320e+01, v3  }
0x4d6: {  	v8 =	vld [tilespmem:s18+$0xFFFFFC10];
	p0 =	slt.u32 s17, $0x70;
	[tilespmem:s16+$0x20] =	vst v9;
	v4 =	vmul.f32 $4.525483320e+01, v4  }
0x4d7: {  	v9 =	vld [tilespmem:s18+$0xFFFFFC20];
	[tilespmem:s16+$0x30] =	vst v3;
	v3 =	vmul.f32 $4.525483320e+01, v5  }
0x4d8: {  	v5 =	vld [tilespmem:s18+$0xFFFFFC30];
	[tilespmem:s16+$0x40] =	vst v4;
	v4 =	vmul.f32 $4.525483320e+01, v6  }
0x4d9: {  	v6 =	vld [tilespmem:s18+$0xFFFFFC40];
	v7 =	vmul.f32 $4.525483320e+01, v7;
	[tilespmem:s16+$0x50] =	vst v3  }
0x4da: {  	v3 =	vld [tilespmem:s18+$0xFFFFFC50];
	v10 =	vmul.f32 $4.525483320e+01, v10;
	[tilespmem:s16+$0x60] =	vst v4  }
0x4db: {  	v4 =	vmul.f32 $4.525483320e+01, v8;
	v8 =	vld [tilespmem:s18+$0xFFFFFC60];
	[tilespmem:s16+$0xFFFFFC00] =	vst v7;
	s16 =	smov.u32 s18  }
0x4dc: {  	v7 =	vmul.f32 $4.525483320e+01, v9;
	v9 =	vld [tilespmem:s18+$0xFFFFFC70];
	[tilespmem:s18+$0x70] =	vst v10  }
0x4dd: {  	[tilespmem:s18+$0xFFFFFC10] =	vst v4;
	v4 =	vmul.f32 $4.525483320e+01, v5;
	v5 =	vld [tilespmem:s18+$0x0]  }
0x4de: {  	[tilespmem:s18+$0xFFFFFC20] =	vst v7;
	v6 =	vmul.f32 $4.525483320e+01, v6;
	v7 =	vld [tilespmem:s18+$0x10]  }
0x4df: {  	[tilespmem:s18+$0xFFFFFC30] =	vst v4;
	v4 =	vmul.f32 $4.525483320e+01, v3;
	v10 =	vld [tilespmem:s18+$0x20]  }
.Ltmp24:
0x4e0: {  	[tilespmem:s18+$0xFFFFFC40] =	vst v6;
	v6 =	vmul.f32 $4.525483320e+01, v8;
	v3 =	vld [tilespmem:s18+$0x30];
	(pc) =	sbr.rel @p0 .LBB2_51-.Ltmp24, $4  }
0x4e1: {  	[tilespmem:s18+$0xFFFFFC50] =	vst v4;
	v8 =	vmul.f32 $4.525483320e+01, v9;
	v4 =	vld [tilespmem:s18+$0x40]  }
0x4e2: {  	[tilespmem:s18+$0xFFFFFC60] =	vst v6;
	v9 =	vmul.f32 $4.525483320e+01, v5;
	v5 =	vld [tilespmem:s18+$0x50]  }
0x4e3: {  	[tilespmem:s18+$0xFFFFFC70] =	vst v8;
	v8 =	vmul.f32 $4.525483320e+01, v7;
	v6 =	vld [tilespmem:s18+$0x60]  }
0x4e4: {  	s18 =	sadd.s32 $0x800, s18;
	v7 =	vld [tilespmem:s16+$0xFFFFFC00];
	[tilespmem:s16+$0x0] =	vst v9;
	v9 =	vmul.f32 $4.525483320e+01, v10  }
0x4e5: {  	[tilespmem:s16+$0x10] =	vst v8;
	v3 =	vmul.f32 $4.525483320e+01, v3;
	s15 =	sadd.s32 $0x1, s15  }
0x4e6: {  	[tilespmem:s16+$0x20] =	vst v9;
	v4 =	vmul.f32 $4.525483320e+01, v4;
	p0 =	sne.s32 s15, $0x10  }
.Ltmp25:
0x4e7: {  	[tilespmem:s16+$0x30] =	vst v3;
	v3 =	vmul.f32 $4.525483320e+01, v5;
	(pc) =	sbr.rel @p0 .LBB2_50-.Ltmp25, $4  }
0x4e8: {  	[tilespmem:s16+$0x40] =	vst v4;
	v62 =	vmul.f32 $4.525483320e+01, v6  }
0x4e9: {  	v63 =	vmul.f32 $4.525483320e+01, v7;
	[tilespmem:s16+$0x50] =	vst v3  }
0x4ea: {  	[tilespmem:s16+$0x60] =	vst v62  }
0x4eb: {  	s14 =	sadd.s32 $0x800, s14;
	s13 =	sadd.s32 $0x1, s13;
	[tilespmem:s16+$0xFFFFFC00] =	vst v63  }
0x4ec: {  	s13 =	simm.s32 $0x0;
	s14 =	rddreg [dreg:$0x11]  }
0x4ed: {  	[hbm4b:s14+s13] =	stream.linear.scatter [tilespmem:s31], [sflag:$0x4], $0x8000, $0x38;
	[tilespmem:$0x18100] =	vst v63  }
0x4ee: {  	_ =	swait.ge [sflag:s28], $0x8000  }
0x4ef: {  	[sflag:s28] =	ssyncset.done $0x0  }
0x4f0: {  	[sflag:s28] =	ssyncadd.s32 $0xFFFF8000  }
0x4f1: {  	v3 =	vld [tilespmem:$0xF0];
	_ =	sdelay $0x4  }
0x4f2: {  	v4 =	vshll.u32 v3, $0x4  }
0x4f3: {  	v3 =	vand.u32 $0x7, v3;
	v4 =	vand.u32 $0xFFFFFF80, v4  }
0x4f4: {  	v3 =	vor.u32 v3, v4  }
0x4f5: {  	v4 =	vperm.xlane v3, v0;
	_ =	sdelay $0x1  }
0x4f6: {  	v4 =	vadd.s32 v1, v4;
	_ =	sdelay $0x4  }
0x4f7: {  	[tilespmem:s31], [sflag:$0x1] =	stream.indirect_vreg.gather [hbm4b:s2+s13], $0x80, v4, vm0, $0xb8;
	[tilespmem:$0x18100] =	vst v63  }
0x4f8: {  	s18 =	simm.s32 $0x900  }
0x4f9: {  	[tilespmem:s18], [sflag:$0x1] =	stream.indirect_vreg.gather [hbm4b:s5+s13], $0x80, v4, vm0, $0xb8;
	[tilespmem:$0x18100] =	vst v63  }
0x4fa: {  	s15 =	simm.s32 $0x1100  }
0x4fb: {  	[tilespmem:s15], [sflag:$0x1] =	stream.indirect_vreg.gather [hbm4b:s6+s13], $0x80, v4, vm0, $0xb8;
	[tilespmem:$0x18100] =	vst v63  }
0x4fc: {  	s16 =	simm.s32 $0x1900  }
0x4fd: {  	[tilespmem:s16], [sflag:$0x1] =	stream.indirect_vreg.gather [hbm4b:s7+s13], $0x80, v4, vm0, $0xb8;
	[tilespmem:$0x18100] =	vst v63  }
0x4fe: {  	s17 =	simm.s32 $0x2100  }
0x4ff: {  	[tilespmem:s17], [sflag:$0x1] =	stream.indirect_vreg.gather [hbm4b:s8+s13], $0x80, v4, vm0, $0xb8;
	[tilespmem:$0x18100] =	vst v63  }
0x500: {  	v3 =	vperm.xlane v3, v2;
	s18 =	simm.s32 $0x2900  }
0x501: {  	[tilespmem:s18], [sflag:$0x1] =	stream.indirect_vreg.gather [hbm4b:s9+s13], $0x80, v4, vm0, $0xb8;
	[tilespmem:$0x18100] =	vst v63  }
0x502: {  	v3 =	vadd.s32 v1, v3;
	s15 =	simm.s32 $0x3100  }
0x503: {  	[tilespmem:s15], [sflag:$0x1] =	stream.indirect_vreg.gather [hbm4b:s10+s13], $0x80, v4, vm0, $0xb8;
	[tilespmem:$0x18100] =	vst v63  }
0x504: {  	s16 =	simm.s32 $0x3900  }
0x505: {  	[tilespmem:s16], [sflag:$0x1] =	stream.indirect_vreg.gather [hbm4b:s11+s13], $0x80, v4, vm0, $0xb8;
	[tilespmem:$0x18100] =	vst v63  }
0x506: {  	s17 =	simm.s32 $0x4100  }
0x507: {  	[tilespmem:s17], [sflag:$0x1] =	stream.indirect_vreg.gather [hbm4b:s2+s13], $0x80, v3, vm0, $0xb8;
	[tilespmem:$0x18100] =	vst v63  }
0x508: {  	s18 =	simm.s32 $0x4900  }
0x509: {  	[tilespmem:s18], [sflag:$0x1] =	stream.indirect_vreg.gather [hbm4b:s5+s13], $0x80, v3, vm0, $0xb8;
	[tilespmem:$0x18100] =	vst v63  }
0x50a: {  	_ = 	snop  }
0x50b: {  	[tilespmem:s19], [sflag:$0x1] =	stream.indirect_vreg.gather [hbm4b:s6+s13], $0x80, v3, vm0, $0xb8;
	[tilespmem:$0x18100] =	vst v63  }
0x50c: {  	_ = 	snop  }
0x50d: {  	[tilespmem:s20], [sflag:$0x1] =	stream.indirect_vreg.gather [hbm4b:s7+s13], $0x80, v3, vm0, $0xb8;
	[tilespmem:$0x18100] =	vst v63  }
0x50e: {  	_ = 	snop  }
0x50f: {  	[tilespmem:s21], [sflag:$0x1] =	stream.indirect_vreg.gather [hbm4b:s8+s13], $0x80, v3, vm0, $0xb8;
	[tilespmem:$0x18100] =	vst v63  }
0x510: {  	_ = 	snop  }
0x511: {  	[tilespmem:s22], [sflag:$0x1] =	stream.indirect_vreg.gather [hbm4b:s9+s13], $0x80, v3, vm0, $0xb8;
	[tilespmem:$0x18100] =	vst v63  }
0x512: {  	_ = 	snop  }
0x513: {  	[tilespmem:s23], [sflag:$0x1] =	stream.indirect_vreg.gather [hbm4b:s10+s13], $0x80, v3, vm0, $0xb8;
	[tilespmem:$0x18100] =	vst v63  }
0x514: {  	_ = 	snop  }
0x515: {  	[tilespmem:s24], [sflag:$0x1] =	stream.indirect_vreg.gather [hbm4b:s11+s13], $0x80, v3, vm0, $0xb8;
	[tilespmem:$0x18100] =	vst v63  }
0x516: {  	_ =	swait.ge [sflag:s29], $0x8000  }
0x517: {  	[sflag:s29] =	ssyncset.done $0x0  }
0x518: {  	s14 =	simm.s32 $0x0;
	s15 =	simm.s32 $0x0;
	[sflag:s29] =	ssyncadd.s32 $0xFFFF8000  }
.LBB2_54:
0x519: {  	s16 =	sshll.u32 s14, $0x2;
	s17 =	sand.u32 $0x7, s13  }
0x51a: {  	s16 =	sand.u32 $0xFFFF0000, s16;
	s17 =	sshll.u32 s17, $0x9  }
0x51b: {  	s16 =	sor.u32 s17, s16  }
0x51c: {  	s16 =	sshrl.u32 s16, $0x2  }
0x51d: {  	s16 =	sadd.s32 $0x8570, s16  }
0x51e: {  	v3 =	vld [tilespmem:s16+$0x0]  }
0x51f: {  	v4 =	vld [tilespmem:s16+$0xFFFFFBA0]  }
0x520: {  	v5 =	vld [tilespmem:s16+$0xFFFFFBB0]  }
0x521: {  	v6 =	vld [tilespmem:s16+$0xFFFFFBC0]  }
0x522: {  	v7 =	vld [tilespmem:s16+$0xFFFFFBD0]  }
0x523: {  	v8 =	vld [tilespmem:s16+$0xFFFFFBE0];
	v3 =	vmul.f32 $4.525483320e+01, v3  }
0x524: {  	v9 =	vld [tilespmem:s16+$0xFFFFFBF0];
	v4 =	vmul.f32 $4.525483320e+01, v4  }
0x525: {  	v10 =	vld [tilespmem:s16+$0xFFFFFC00];
	v5 =	vmul.f32 $4.525483320e+01, v5;
	[tilespmem:s16+$0x0] =	vst v3  }
0x526: {  	[tilespmem:s16+$0xFFFFFBA0] =	vst v4;
	v3 =	vmul.f32 $4.525483320e+01, v6;
	v6 =	vld [tilespmem:s16+$0xFFFFFF90]  }
0x527: {  	[tilespmem:s16+$0xFFFFFBB0] =	vst v5;
	v4 =	vmul.f32 $4.525483320e+01, v7;
	v7 =	vld [tilespmem:s16+$0xFFFFFFA0]  }
0x528: {  	v11 =	vld [tilespmem:s16+$0xFFFFFFB0];
	v5 =	vmul.f32 $4.525483320e+01, v8;
	[tilespmem:s16+$0xFFFFFBC0] =	vst v3  }
0x529: {  	v8 =	vmul.f32 $4.525483320e+01, v9;
	[tilespmem:s16+$0xFFFFFBD0] =	vst v4;
	v3 =	vld [tilespmem:s16+$0xFFFFFFC0]  }
0x52a: {  	v9 =	vmul.f32 $4.525483320e+01, v10;
	[tilespmem:s16+$0xFFFFFBE0] =	vst v5;
	v4 =	vld [tilespmem:s16+$0xFFFFFFD0]  }
0x52b: {  	[tilespmem:s16+$0xFFFFFBF0] =	vst v8;
	v5 =	vld [tilespmem:s16+$0xFFFFFFE0];
	v10 =	vmul.f32 $4.525483320e+01, v6  }
0x52c: {  	[tilespmem:s16+$0xFFFFFC00] =	vst v9;
	v6 =	vld [tilespmem:s16+$0xFFFFFFF0];
	v8 =	vmul.f32 $4.525483320e+01, v7  }
0x52d: {  	s17 =	simm.s32 $0x0;
	s18 =	sadd.s32 $0x800, s16;
	v9 =	vmul.f32 $4.525483320e+01, v11;
	v7 =	vld [tilespmem:s16+$0xFFFFFB90];
	[tilespmem:s16+$0xFFFFFF90] =	vst v10  }
.LBB2_55:
0x52e: {  	v10 =	vld [tilespmem:s18+$0x0];
	s17 =	sadd.s32 $0x10, s17;
	[tilespmem:s16+$0xFFFFFFA0] =	vst v8;
	v3 =	vmul.f32 $4.525483320e+01, v3  }
0x52f: {  	v8 =	vld [tilespmem:s18+$0xFFFFFBA0];
	p0 =	slt.u32 s17, $0x70;
	[tilespmem:s16+$0xFFFFFFB0] =	vst v9;
	v4 =	vmul.f32 $4.525483320e+01, v4  }
0x530: {  	v9 =	vld [tilespmem:s18+$0xFFFFFBB0];
	[tilespmem:s16+$0xFFFFFFC0] =	vst v3;
	v3 =	vmul.f32 $4.525483320e+01, v5  }
0x531: {  	v5 =	vld [tilespmem:s18+$0xFFFFFBC0];
	[tilespmem:s16+$0xFFFFFFD0] =	vst v4;
	v4 =	vmul.f32 $4.525483320e+01, v6  }
0x532: {  	v6 =	vld [tilespmem:s18+$0xFFFFFBD0];
	v7 =	vmul.f32 $4.525483320e+01, v7;
	[tilespmem:s16+$0xFFFFFFE0] =	vst v3  }
0x533: {  	v3 =	vld [tilespmem:s18+$0xFFFFFBE0];
	v10 =	vmul.f32 $4.525483320e+01, v10;
	[tilespmem:s16+$0xFFFFFFF0] =	vst v4  }
0x534: {  	v4 =	vmul.f32 $4.525483320e+01, v8;
	v8 =	vld [tilespmem:s18+$0xFFFFFBF0];
	[tilespmem:s16+$0xFFFFFB90] =	vst v7;
	s16 =	smov.u32 s18  }
0x535: {  	v7 =	vmul.f32 $4.525483320e+01, v9;
	v9 =	vld [tilespmem:s18+$0xFFFFFC00];
	[tilespmem:s18+$0x0] =	vst v10  }
0x536: {  	[tilespmem:s18+$0xFFFFFBA0] =	vst v4;
	v4 =	vmul.f32 $4.525483320e+01, v5;
	v5 =	vld [tilespmem:s18+$0xFFFFFF90]  }
0x537: {  	[tilespmem:s18+$0xFFFFFBB0] =	vst v7;
	v6 =	vmul.f32 $4.525483320e+01, v6;
	v7 =	vld [tilespmem:s18+$0xFFFFFFA0]  }
0x538: {  	[tilespmem:s18+$0xFFFFFBC0] =	vst v4;
	v4 =	vmul.f32 $4.525483320e+01, v3;
	v10 =	vld [tilespmem:s18+$0xFFFFFFB0]  }
.Ltmp26:
0x539: {  	[tilespmem:s18+$0xFFFFFBD0] =	vst v6;
	v6 =	vmul.f32 $4.525483320e+01, v8;
	v3 =	vld [tilespmem:s18+$0xFFFFFFC0];
	(pc) =	sbr.rel @p0 .LBB2_55-.Ltmp26, $4  }
0x53a: {  	[tilespmem:s18+$0xFFFFFBE0] =	vst v4;
	v8 =	vmul.f32 $4.525483320e+01, v9;
	v4 =	vld [tilespmem:s18+$0xFFFFFFD0]  }
0x53b: {  	[tilespmem:s18+$0xFFFFFBF0] =	vst v6;
	v9 =	vmul.f32 $4.525483320e+01, v5;
	v5 =	vld [tilespmem:s18+$0xFFFFFFE0]  }
0x53c: {  	[tilespmem:s18+$0xFFFFFC00] =	vst v8;
	v8 =	vmul.f32 $4.525483320e+01, v7;
	v6 =	vld [tilespmem:s18+$0xFFFFFFF0]  }
0x53d: {  	s18 =	sadd.s32 $0x800, s18;
	v7 =	vld [tilespmem:s16+$0xFFFFFB90];
	[tilespmem:s16+$0xFFFFFF90] =	vst v9;
	v9 =	vmul.f32 $4.525483320e+01, v10  }
0x53e: {  	[tilespmem:s16+$0xFFFFFFA0] =	vst v8;
	v3 =	vmul.f32 $4.525483320e+01, v3;
	s15 =	sadd.s32 $0x1, s15  }
0x53f: {  	[tilespmem:s16+$0xFFFFFFB0] =	vst v9;
	v4 =	vmul.f32 $4.525483320e+01, v4;
	p0 =	sne.s32 s15, $0x10  }
.Ltmp27:
0x540: {  	[tilespmem:s16+$0xFFFFFFC0] =	vst v3;
	v3 =	vmul.f32 $4.525483320e+01, v5;
	(pc) =	sbr.rel @p0 .LBB2_54-.Ltmp27, $4  }
0x541: {  	[tilespmem:s16+$0xFFFFFFD0] =	vst v4;
	v62 =	vmul.f32 $4.525483320e+01, v6  }
0x542: {  	v63 =	vmul.f32 $4.525483320e+01, v7;
	[tilespmem:s16+$0xFFFFFFE0] =	vst v3  }
0x543: {  	[tilespmem:s16+$0xFFFFFFF0] =	vst v62  }
0x544: {  	s14 =	sadd.s32 $0x800, s14;
	s13 =	sadd.s32 $0x1, s13;
	[tilespmem:s16+$0xFFFFFB90] =	vst v63  }
0x545: {  	s13 =	simm.s32 $0x0;
	s14 =	rddreg [dreg:$0x13]  }
0x546: {  	[hbm4b:s14+s13] =	stream.linear.scatter [tilespmem:s25], [sflag:$0x5], $0x8000, $0x38;
	[tilespmem:$0x18100] =	vst v63  }
0x547: {  	_ =	swait.ge [sflag:s1], $0x8000  }
0x548: {  	[sflag:s1] =	ssyncset.done $0x0  }
0x549: {  	s15 =	simm.s32 $0x0;
	s14 =	simm.s32 $0x0;
	[sflag:s1] =	ssyncadd.s32 $0xFFFF8000  }
.LBB2_58:
0x54a: {  	s16 =	sshll.u32 s14, $0x2;
	s17 =	sand.u32 $0x7, s13  }
0x54b: {  	s16 =	sand.u32 $0xFFFF0000, s16;
	s17 =	sshll.u32 s17, $0x9  }
0x54c: {  	s16 =	sor.u32 s17, s16  }
0x54d: {  	s16 =	sshrl.u32 s16, $0x2  }
0x54e: {  	s16 =	sadd.s32 $0x10570, s16  }
0x54f: {  	v3 =	vld [tilespmem:s16+$0x0]  }
0x550: {  	v4 =	vld [tilespmem:s16+$0xFFFFFBA0]  }
0x551: {  	v5 =	vld [tilespmem:s16+$0xFFFFFBB0]  }
0x552: {  	v6 =	vld [tilespmem:s16+$0xFFFFFBC0]  }
0x553: {  	v7 =	vld [tilespmem:s16+$0xFFFFFBD0]  }
0x554: {  	v8 =	vld [tilespmem:s16+$0xFFFFFBE0];
	v3 =	vmul.f32 $4.525483320e+01, v3  }
0x555: {  	v9 =	vld [tilespmem:s16+$0xFFFFFBF0];
	v4 =	vmul.f32 $4.525483320e+01, v4  }
0x556: {  	v10 =	vld [tilespmem:s16+$0xFFFFFC00];
	v5 =	vmul.f32 $4.525483320e+01, v5;
	[tilespmem:s16+$0x0] =	vst v3  }
0x557: {  	[tilespmem:s16+$0xFFFFFBA0] =	vst v4;
	v3 =	vmul.f32 $4.525483320e+01, v6;
	v6 =	vld [tilespmem:s16+$0xFFFFFF90]  }
0x558: {  	[tilespmem:s16+$0xFFFFFBB0] =	vst v5;
	v4 =	vmul.f32 $4.525483320e+01, v7;
	v7 =	vld [tilespmem:s16+$0xFFFFFFA0]  }
0x559: {  	v11 =	vld [tilespmem:s16+$0xFFFFFFB0];
	v5 =	vmul.f32 $4.525483320e+01, v8;
	[tilespmem:s16+$0xFFFFFBC0] =	vst v3  }
0x55a: {  	v8 =	vmul.f32 $4.525483320e+01, v9;
	[tilespmem:s16+$0xFFFFFBD0] =	vst v4;
	v3 =	vld [tilespmem:s16+$0xFFFFFFC0]  }
0x55b: {  	v9 =	vmul.f32 $4.525483320e+01, v10;
	[tilespmem:s16+$0xFFFFFBE0] =	vst v5;
	v4 =	vld [tilespmem:s16+$0xFFFFFFD0]  }
0x55c: {  	[tilespmem:s16+$0xFFFFFBF0] =	vst v8;
	v5 =	vld [tilespmem:s16+$0xFFFFFFE0];
	v10 =	vmul.f32 $4.525483320e+01, v6  }
0x55d: {  	[tilespmem:s16+$0xFFFFFC00] =	vst v9;
	v6 =	vld [tilespmem:s16+$0xFFFFFFF0];
	v8 =	vmul.f32 $4.525483320e+01, v7  }
0x55e: {  	s17 =	simm.s32 $0x0;
	s18 =	sadd.s32 $0x800, s16;
	v9 =	vmul.f32 $4.525483320e+01, v11;
	v7 =	vld [tilespmem:s16+$0xFFFFFB90];
	[tilespmem:s16+$0xFFFFFF90] =	vst v10  }
.LBB2_59:
0x55f: {  	v10 =	vld [tilespmem:s18+$0x0];
	s17 =	sadd.s32 $0x10, s17;
	[tilespmem:s16+$0xFFFFFFA0] =	vst v8;
	v3 =	vmul.f32 $4.525483320e+01, v3  }
0x560: {  	v8 =	vld [tilespmem:s18+$0xFFFFFBA0];
	p0 =	slt.u32 s17, $0x70;
	[tilespmem:s16+$0xFFFFFFB0] =	vst v9;
	v4 =	vmul.f32 $4.525483320e+01, v4  }
0x561: {  	v9 =	vld [tilespmem:s18+$0xFFFFFBB0];
	[tilespmem:s16+$0xFFFFFFC0] =	vst v3;
	v3 =	vmul.f32 $4.525483320e+01, v5  }
0x562: {  	v5 =	vld [tilespmem:s18+$0xFFFFFBC0];
	[tilespmem:s16+$0xFFFFFFD0] =	vst v4;
	v4 =	vmul.f32 $4.525483320e+01, v6  }
0x563: {  	v6 =	vld [tilespmem:s18+$0xFFFFFBD0];
	v7 =	vmul.f32 $4.525483320e+01, v7;
	[tilespmem:s16+$0xFFFFFFE0] =	vst v3  }
0x564: {  	v3 =	vld [tilespmem:s18+$0xFFFFFBE0];
	v10 =	vmul.f32 $4.525483320e+01, v10;
	[tilespmem:s16+$0xFFFFFFF0] =	vst v4  }
0x565: {  	v4 =	vmul.f32 $4.525483320e+01, v8;
	v8 =	vld [tilespmem:s18+$0xFFFFFBF0];
	[tilespmem:s16+$0xFFFFFB90] =	vst v7;
	s16 =	smov.u32 s18  }
0x566: {  	v7 =	vmul.f32 $4.525483320e+01, v9;
	v9 =	vld [tilespmem:s18+$0xFFFFFC00];
	[tilespmem:s18+$0x0] =	vst v10  }
0x567: {  	[tilespmem:s18+$0xFFFFFBA0] =	vst v4;
	v4 =	vmul.f32 $4.525483320e+01, v5;
	v5 =	vld [tilespmem:s18+$0xFFFFFF90]  }
0x568: {  	[tilespmem:s18+$0xFFFFFBB0] =	vst v7;
	v6 =	vmul.f32 $4.525483320e+01, v6;
	v7 =	vld [tilespmem:s18+$0xFFFFFFA0]  }
0x569: {  	[tilespmem:s18+$0xFFFFFBC0] =	vst v4;
	v4 =	vmul.f32 $4.525483320e+01, v3;
	v10 =	vld [tilespmem:s18+$0xFFFFFFB0]  }
.Ltmp28:
0x56a: {  	[tilespmem:s18+$0xFFFFFBD0] =	vst v6;
	v6 =	vmul.f32 $4.525483320e+01, v8;
	v3 =	vld [tilespmem:s18+$0xFFFFFFC0];
	(pc) =	sbr.rel @p0 .LBB2_59-.Ltmp28, $4  }
0x56b: {  	[tilespmem:s18+$0xFFFFFBE0] =	vst v4;
	v8 =	vmul.f32 $4.525483320e+01, v9;
	v4 =	vld [tilespmem:s18+$0xFFFFFFD0]  }
0x56c: {  	[tilespmem:s18+$0xFFFFFBF0] =	vst v6;
	v9 =	vmul.f32 $4.525483320e+01, v5;
	v5 =	vld [tilespmem:s18+$0xFFFFFFE0]  }
0x56d: {  	[tilespmem:s18+$0xFFFFFC00] =	vst v8;
	v8 =	vmul.f32 $4.525483320e+01, v7;
	v6 =	vld [tilespmem:s18+$0xFFFFFFF0]  }
0x56e: {  	s18 =	sadd.s32 $0x800, s18;
	v7 =	vld [tilespmem:s16+$0xFFFFFB90];
	[tilespmem:s16+$0xFFFFFF90] =	vst v9;
	v9 =	vmul.f32 $4.525483320e+01, v10  }
0x56f: {  	[tilespmem:s16+$0xFFFFFFA0] =	vst v8;
	v3 =	vmul.f32 $4.525483320e+01, v3;
	s15 =	sadd.s32 $0x1, s15  }
0x570: {  	[tilespmem:s16+$0xFFFFFFB0] =	vst v9;
	v4 =	vmul.f32 $4.525483320e+01, v4;
	p0 =	sne.s32 s15, $0x10  }
.Ltmp29:
0x571: {  	[tilespmem:s16+$0xFFFFFFC0] =	vst v3;
	v3 =	vmul.f32 $4.525483320e+01, v5;
	(pc) =	sbr.rel @p0 .LBB2_58-.Ltmp29, $4  }
0x572: {  	[tilespmem:s16+$0xFFFFFFD0] =	vst v4;
	v62 =	vmul.f32 $4.525483320e+01, v6  }
0x573: {  	v63 =	vmul.f32 $4.525483320e+01, v7;
	[tilespmem:s16+$0xFFFFFFE0] =	vst v3  }
0x574: {  	[tilespmem:s16+$0xFFFFFFF0] =	vst v62  }
0x575: {  	s14 =	sadd.s32 $0x800, s14;
	s13 =	sadd.s32 $0x1, s13;
	[tilespmem:s16+$0xFFFFFB90] =	vst v63  }
0x576: {  	s13 =	simm.s32 $0x0;
	s14 =	rddreg [dreg:$0x14]  }
0x577: {  	[hbm4b:s14+s13] =	stream.linear.scatter [tilespmem:s26], [sflag:$0x6], $0x8000, $0x38;
	[tilespmem:$0x18100] =	vst v63  }
0x578: {  	_ =	swait.ge [sflag:s30], $0x8000  }
0x579: {  	[sflag:s30] =	ssyncset.done $0x0  }
0x57a: {  	s15 =	simm.s32 $0x0;
	s14 =	simm.s32 $0x0;
	[sflag:s30] =	ssyncadd.s32 $0xFFFF8000  }
.LBB2_62:
0x57b: {  	s16 =	sshll.u32 s14, $0x2;
	s17 =	sand.u32 $0x7, s13  }
0x57c: {  	s16 =	sand.u32 $0xFFFF0000, s16;
	s17 =	sshll.u32 s17, $0x9  }
0x57d: {  	s16 =	sor.u32 s17, s16  }
0x57e: {  	s16 =	sshrl.u32 s16, $0x2  }
0x57f: {  	s16 =	sadd.s32 $0x500, s16  }
0x580: {  	v3 =	vld [tilespmem:s16+$0x70]  }
0x581: {  	v4 =	vld [tilespmem:s16+$0xFFFFFC10]  }
0x582: {  	v5 =	vld [tilespmem:s16+$0xFFFFFC20]  }
0x583: {  	v6 =	vld [tilespmem:s16+$0xFFFFFC30]  }
0x584: {  	v7 =	vld [tilespmem:s16+$0xFFFFFC40]  }
0x585: {  	v8 =	vld [tilespmem:s16+$0xFFFFFC50];
	v3 =	vmul.f32 $4.525483320e+01, v3  }
0x586: {  	v9 =	vld [tilespmem:s16+$0xFFFFFC60];
	v4 =	vmul.f32 $4.525483320e+01, v4  }
0x587: {  	v10 =	vld [tilespmem:s16+$0xFFFFFC70];
	v5 =	vmul.f32 $4.525483320e+01, v5;
	[tilespmem:s16+$0x70] =	vst v3  }
0x588: {  	[tilespmem:s16+$0xFFFFFC10] =	vst v4;
	v3 =	vmul.f32 $4.525483320e+01, v6;
	v6 =	vld [tilespmem:s16+$0x0]  }
0x589: {  	[tilespmem:s16+$0xFFFFFC20] =	vst v5;
	v4 =	vmul.f32 $4.525483320e+01, v7;
	v7 =	vld [tilespmem:s16+$0x10]  }
0x58a: {  	v11 =	vld [tilespmem:s16+$0x20];
	v5 =	vmul.f32 $4.525483320e+01, v8;
	[tilespmem:s16+$0xFFFFFC30] =	vst v3  }
0x58b: {  	v8 =	vmul.f32 $4.525483320e+01, v9;
	[tilespmem:s16+$0xFFFFFC40] =	vst v4;
	v3 =	vld [tilespmem:s16+$0x30]  }
0x58c: {  	v9 =	vmul.f32 $4.525483320e+01, v10;
	[tilespmem:s16+$0xFFFFFC50] =	vst v5;
	v4 =	vld [tilespmem:s16+$0x40]  }
0x58d: {  	[tilespmem:s16+$0xFFFFFC60] =	vst v8;
	v5 =	vld [tilespmem:s16+$0x50];
	v10 =	vmul.f32 $4.525483320e+01, v6  }
0x58e: {  	[tilespmem:s16+$0xFFFFFC70] =	vst v9;
	v6 =	vld [tilespmem:s16+$0x60];
	v8 =	vmul.f32 $4.525483320e+01, v7  }
0x58f: {  	s17 =	simm.s32 $0x0;
	s18 =	sadd.s32 $0x800, s16;
	v9 =	vmul.f32 $4.525483320e+01, v11;
	v7 =	vld [tilespmem:s16+$0xFFFFFC00];
	[tilespmem:s16+$0x0] =	vst v10  }
.LBB2_63:
0x590: {  	v10 =	vld [tilespmem:s18+$0x70];
	s17 =	sadd.s32 $0x10, s17;
	[tilespmem:s16+$0x10] =	vst v8;
	v3 =	vmul.f32 $4.525483320e+01, v3  }
0x591: {  	v8 =	vld [tilespmem:s18+$0xFFFFFC10];
	p0 =	slt.u32 s17, $0x70;
	[tilespmem:s16+$0x20] =	vst v9;
	v4 =	vmul.f32 $4.525483320e+01, v4  }
0x592: {  	v9 =	vld [tilespmem:s18+$0xFFFFFC20];
	[tilespmem:s16+$0x30] =	vst v3;
	v3 =	vmul.f32 $4.525483320e+01, v5  }
0x593: {  	v5 =	vld [tilespmem:s18+$0xFFFFFC30];
	[tilespmem:s16+$0x40] =	vst v4;
	v4 =	vmul.f32 $4.525483320e+01, v6  }
0x594: {  	v6 =	vld [tilespmem:s18+$0xFFFFFC40];
	v7 =	vmul.f32 $4.525483320e+01, v7;
	[tilespmem:s16+$0x50] =	vst v3  }
0x595: {  	v3 =	vld [tilespmem:s18+$0xFFFFFC50];
	v10 =	vmul.f32 $4.525483320e+01, v10;
	[tilespmem:s16+$0x60] =	vst v4  }
0x596: {  	v4 =	vmul.f32 $4.525483320e+01, v8;
	v8 =	vld [tilespmem:s18+$0xFFFFFC60];
	[tilespmem:s16+$0xFFFFFC00] =	vst v7;
	s16 =	smov.u32 s18  }
0x597: {  	v7 =	vmul.f32 $4.525483320e+01, v9;
	v9 =	vld [tilespmem:s18+$0xFFFFFC70];
	[tilespmem:s18+$0x70] =	vst v10  }
0x598: {  	[tilespmem:s18+$0xFFFFFC10] =	vst v4;
	v4 =	vmul.f32 $4.525483320e+01, v5;
	v5 =	vld [tilespmem:s18+$0x0]  }
0x599: {  	[tilespmem:s18+$0xFFFFFC20] =	vst v7;
	v6 =	vmul.f32 $4.525483320e+01, v6;
	v7 =	vld [tilespmem:s18+$0x10]  }
0x59a: {  	[tilespmem:s18+$0xFFFFFC30] =	vst v4;
	v4 =	vmul.f32 $4.525483320e+01, v3;
	v10 =	vld [tilespmem:s18+$0x20]  }
.Ltmp30:
0x59b: {  	[tilespmem:s18+$0xFFFFFC40] =	vst v6;
	v6 =	vmul.f32 $4.525483320e+01, v8;
	v3 =	vld [tilespmem:s18+$0x30];
	(pc) =	sbr.rel @p0 .LBB2_63-.Ltmp30, $4  }
0x59c: {  	[tilespmem:s18+$0xFFFFFC50] =	vst v4;
	v8 =	vmul.f32 $4.525483320e+01, v9;
	v4 =	vld [tilespmem:s18+$0x40]  }
0x59d: {  	[tilespmem:s18+$0xFFFFFC60] =	vst v6;
	v9 =	vmul.f32 $4.525483320e+01, v5;
	v5 =	vld [tilespmem:s18+$0x50]  }
0x59e: {  	[tilespmem:s18+$0xFFFFFC70] =	vst v8;
	v8 =	vmul.f32 $4.525483320e+01, v7;
	v6 =	vld [tilespmem:s18+$0x60]  }
0x59f: {  	s18 =	sadd.s32 $0x800, s18;
	v7 =	vld [tilespmem:s16+$0xFFFFFC00];
	[tilespmem:s16+$0x0] =	vst v9;
	v9 =	vmul.f32 $4.525483320e+01, v10  }
0x5a0: {  	[tilespmem:s16+$0x10] =	vst v8;
	v3 =	vmul.f32 $4.525483320e+01, v3;
	s15 =	sadd.s32 $0x1, s15  }
0x5a1: {  	[tilespmem:s16+$0x20] =	vst v9;
	v4 =	vmul.f32 $4.525483320e+01, v4;
	p0 =	sne.s32 s15, $0x10  }
.Ltmp31:
0x5a2: {  	[tilespmem:s16+$0x30] =	vst v3;
	v3 =	vmul.f32 $4.525483320e+01, v5;
	(pc) =	sbr.rel @p0 .LBB2_62-.Ltmp31, $4  }
0x5a3: {  	[tilespmem:s16+$0x40] =	vst v4;
	v62 =	vmul.f32 $4.525483320e+01, v6  }
0x5a4: {  	v63 =	vmul.f32 $4.525483320e+01, v7;
	[tilespmem:s16+$0x50] =	vst v3  }
0x5a5: {  	[tilespmem:s16+$0x60] =	vst v62  }
0x5a6: {  	s14 =	sadd.s32 $0x800, s14;
	s13 =	sadd.s32 $0x1, s13;
	[tilespmem:s16+$0xFFFFFC00] =	vst v63  }
0x5a7: {  	s13 =	rddreg [dreg:$0x15]  }
0x5a8: {  	[hbm4b:s13+s3] =	stream.linear.scatter [tilespmem:s31], [sflag:$0x4], $0x8000, $0x38;
	[tilespmem:$0x18100] =	vst v63  }
0x5a9: {  	_ =	swait.ge [sflag:s12], $0x8000  }
0x5aa: {  	[sflag:s12] =	ssyncset.done $0x0  }
0x5ab: {  	[sflag:s12] =	ssyncadd.s32 $0xFFFF8000  }
0x5ac: {  	_ =	swait.ge [sflag:s0], $0x8000  }
0x5ad: {  	[sflag:s0] =	ssyncset.done $0x0  }
0x5ae: {  	[sflag:s0] =	ssyncadd.s32 $0xFFFF8000  }
0x5af: {  	_ =	swait.ge [sflag:s28], $0x8000  }
0x5b0: {  	s4 =	sadd.s32 $0x1, s4;
	s18 =	rddreg [dreg:$0x12]  }
0x5b1: {  	p0 =	sne.s32 s4, s18  }
.Ltmp32:
0x5b2: {  	_ = 	snop;
	(pc) =	sbr.rel @p0 .LBB2_1-.Ltmp32, $3  }
0x5b3: {  	_ =	sdelay $0x1  }
0x5b4: {  	[sflag:s28] =	ssyncset.done $0x0  }
0x5b5: {  	[sflag:s28] =	ssyncadd.s32 $0xFFFF8000  }
0x5b6: {  	_ =	sfence.sel $0x180000  }
0x5b7: {  	[bflag:$0x0] =	sbarrier.arrive $0xFFFF  }
0x5b8: {  	_ =	strace $0x90000047  }
0x5b9: {  	s0 =	stileid.u32;
	[bflag:$0x2] =	sbarrier.arrive $0xFFFF  }
0x5ba: {  	p0 =	sne.s32 s0, $0x0;
	s0 =	rddreg [dreg:$0x3]  }
0x5bb: {  	s0 =	sadd.s32 @!p0 $0x100000, s0  }
0x5bc: {  	[sflag:s0] =	ssyncadd.tile.s32 @!p0 $0x1;
	_ =	shalt  }
.Lfunc_end2:
_tile_overlayer_lowered:
.L_overlay_start_2:
0x5bd: {  	(tag) =	ssettag $0x2  }
0x5be: {  	s0 =	rddreg [dreg:$0x0];
	s2 =	stileid.u32  }
0x5bf: {  	s1 =	rddreg [dreg:$0x1];
	p0 =	sne.s32 s2, $0x0  }
0x5c0: {  	s3 =	rddreg [dreg:$0x2];
	[bflag:$0x3] =	sbarrier.arrive $0xFFFF;
	s2 =	simm.s32 @!p0 $0x1C07  }
0x5c1: {  	[timem:s3], [sflag:s2] =	dma.local @!p0 [hbm:s0], s1  }
0x5c2: {  	s0 =	simm.s32 @!p0 $0x7  }
0x5c3: {  	_ =	swait.ge @!p0 [sflag:s0], s1  }
0x5c4: {  	s1 =	ssub.s32 @!p0 $0x0, s1;
	[sflag:s0] =	ssyncset.done @!p0 $0x0  }
0x5c5: {  	[sflag:s0] =	ssyncadd.s32 @!p0 s1  }
0x5c6: {  	[bflag:$0x3] =	sbarrier.arrive $0xFFFF  }
0x5c7: {  	_ =	shalt  }

</sc_bundles>
